<compile_context>
chip_gen: v7x
topology: tpu7x:2x2x1
jax: 0.10.2.dev20260603
libtpu: 0.0.44.dev20260713+nightly
codegen_flags: <defaults>
</compile_context>

<pallas_src>
import jax
import jax.numpy as jnp
from jax import lax
from jax.experimental import pallas as pl
from jax.experimental.pallas import tpu as pltpu
from jax.experimental.pallas import tpu_sc as plsc

NUM_FIELDS = 26
NUM_LABELS = 16
VOCAB = 1000
BATCH = 16384
OUT_D = NUM_FIELDS * NUM_LABELS

L = 16
NC, NS = 2, 16
NW = NC * NS
COLS_W = BATCH // NW
CB = 128
N_CHUNKS = COLS_W // CB
HALF = OUT_D // 2
NBUF = 4


def _body(xt_hbm, out_hbm, xbuf, buf0, buf1, buf2, buf3,
          s0, s1, s2, s3, xsem):
    bufs = (buf0, buf1, buf2, buf3)
    ssem = (s0, s1, s2, s3)
    wid = lax.axis_index("s") * NC + lax.axis_index("c")
    base = wid * COLS_W

    xcopy = pltpu.async_copy(xt_hbm.at[:, pl.ds(base, COLS_W)], xbuf, xsem)

    zv = jnp.zeros((L,), jnp.float32)
    ones = jnp.ones((L,), jnp.float32)
    iota = lax.iota(jnp.int32, L)

    def zero_full(buf):
        def zero_blk(rg, carry):
            for r8 in range(8):
                for j in range(CB // L):
                    buf[rg * 8 + r8, pl.ds(j * L, L)] = zv
            return carry

        lax.fori_loop(0, HALF // 8, zero_blk, 0)

    def sweep(buf, c, h, val):
        def blk(g, carry):
            colv = iota + g * L
            for fi in range(NUM_FIELDS // 2):
                i = (NUM_FIELDS // 2) * h + fi
                xv = xbuf[i, pl.ds(c * CB + g * L, L)]
                tv = xv - i * NUM_LABELS
                mask = plsc.bitcast(tv, jnp.uint32) < NUM_LABELS
                plsc.store_scatter(buf, [xv - HALF * h, colv], val,
                                   mask=mask)
            return carry

        lax.fori_loop(0, CB // L, blk, 0)

    s = [None] * NBUF
    for u in range(2 * N_CHUNKS):
        c, h = u // 2, u % 2
        b = u % NBUF
        buf = bufs[b]
        if s[b] is not None:
            s[b].wait()
            s[b] = None
            sweep(buf, c - NBUF // 2, h, zv)
        else:
            zero_full(buf)
        if u == 0:
            xcopy.wait()
        sweep(buf, c, h, ones)
        s[b] = pltpu.async_copy(
            buf,
            out_hbm.at[pl.ds(HALF * h, HALF), pl.ds(base + c * CB, CB)],
            ssem[b],
        )
    for b in range(NBUF):
        if s[b] is not None:
            s[b].wait()


@jax.jit
def _run(xt):
    mesh = plsc.VectorSubcoreMesh(
        core_axis_name="c", subcore_axis_name="s", num_cores=NC,
        num_subcores=NS,
    )
    return pl.kernel(
        _body,
        out_type=jax.ShapeDtypeStruct((OUT_D, BATCH), jnp.float32),
        mesh=mesh,
        scratch_types=[
            pltpu.VMEM((NUM_FIELDS, COLS_W), jnp.int32),
            pltpu.VMEM((HALF, CB), jnp.float32),
            pltpu.VMEM((HALF, CB), jnp.float32),
            pltpu.VMEM((HALF, CB), jnp.float32),
            pltpu.VMEM((HALF, CB), jnp.float32),
            pltpu.SemaphoreType.DMA,
            pltpu.SemaphoreType.DMA,
            pltpu.SemaphoreType.DMA,
            pltpu.SemaphoreType.DMA,
            pltpu.SemaphoreType.DMA,
        ],
        compiler_params=pltpu.CompilerParams(
            use_tc_tiling_on_sc=True, needs_layout_passes=False
        ),
    )(xt)


def kernel(x, one_hot):
    del one_hot
    return _run(x.T).T

# --- scband reference (transcript-rebuilt; emitter-appended) ---
"""Pipeline reference for scband-one-hot-encoder-30846455120451 (READ-ONLY COPY).

The authoritative reference and input builder live on the scoring server;
editing this copy changes nothing except your own understanding.
"""

import jax, jax.numpy as jnp
import numpy as np

NUM_FIELDS = 26
NUM_LABELS = 16
VOCAB = 1000
BATCH = 16384


def _build_one_hot():
    # Mirrors OneHotEncoder.__init__: one_hot[i][train_labels[i][j], j] = 1.0
    tables = np.zeros((NUM_FIELDS, VOCAB, NUM_LABELS), dtype=np.float32)
    for i in range(NUM_FIELDS):
        labels = np.array([16 * i + j for j in range(NUM_LABELS)], dtype=np.int64)
        tables[i, labels, np.arange(NUM_LABELS)] = 1.0
    return jnp.asarray(tables)


def setup_inputs(seed: int = 0) -> dict:
    key = jax.random.key(seed)
    x = jax.random.randint(key, (BATCH, NUM_FIELDS), 0, VOCAB, dtype=jnp.int32)
    one_hot = _build_one_hot()
    return {"x": x, "one_hot": one_hot}


def reference(x, one_hot):
    # forward: torch.cat([self.one_hot[i][x[:, i]] for i in self.used_dims], dim=1)
    # all dims have len(train_labels[i]) > 1, so used_dims == range(NUM_FIELDS)
    outs = [jnp.take(one_hot[i], x[:, i], axis=0) for i in range(NUM_FIELDS)]
    return jnp.concatenate(outs, axis=1)

if __name__ == "__main__":
    import jax
    _d = setup_inputs()
    print(jax.jit(kernel)(*tuple(_d.values())))

</pallas_src>

<mosaic_0001>
#map = affine_map<(d0, d1) -> (0, 0)>
module attributes {stable_mosaic.version = 14 : i64} {
  func.func @_body(%arg0: i32, %arg1: i32, %arg2: memref<26x16384xi32, #tpu.memory_space<hbm>>, %arg3: memref<416x16384xf32, #tpu.memory_space<hbm>>, %arg4: memref<26x512xi32, #tpu.memory_space<vmem>>, %arg5: memref<208x128xf32, #tpu.memory_space<vmem>>, %arg6: memref<208x128xf32, #tpu.memory_space<vmem>>, %arg7: memref<208x128xf32, #tpu.memory_space<vmem>>, %arg8: memref<208x128xf32, #tpu.memory_space<vmem>>, %arg9: memref<!tpu.dma_semaphore, #tpu.memory_space<semaphore_mem>>, %arg10: memref<!tpu.dma_semaphore, #tpu.memory_space<semaphore_mem>>, %arg11: memref<!tpu.dma_semaphore, #tpu.memory_space<semaphore_mem>>, %arg12: memref<!tpu.dma_semaphore, #tpu.memory_space<semaphore_mem>>, %arg13: memref<!tpu.dma_semaphore, #tpu.memory_space<semaphore_mem>>) attributes {dimension_semantics = [#tpu.dimension_semantics<core_parallel>, #tpu.dimension_semantics<subcore_parallel>], iteration_bounds = array<i64: 2, 16>, scalar_prefetch = 0 : i64, scratch_operands = 10 : i64, tpu.core_type = #tpu.core_type<sc_vector_subcore>, window_params = [{transform_indices = #map}, {transform_indices = #map}]} {
    %mul3A = arith.constant 2 : i32
    %mul3A_0 = arith.muli %arg1, %mul3A : i32
    %add3A = arith.addi %mul3A_0, %arg0 : i32
    %mul3A_1 = arith.constant 512 : i32
    %mul3A_2 = arith.muli %add3A, %mul3A_1 : i32
    %dma_start3A = arith.constant 0 : i32
    %dma_start3A_3 = tpu.memref_slice %arg2[%dma_start3A, %mul3A_2] : memref<26x16384xi32, #tpu.memory_space<hbm>> -> memref<26x512xi32, #tpu.memory_space<hbm>>
    %dma_start3A_4 = arith.constant 0 : i32
    %dma_start3A_5 = tpu.memref_slice %arg2[%dma_start3A_4, %mul3A_2] : memref<26x16384xi32, #tpu.memory_space<hbm>> -> memref<26x512xi32, #tpu.memory_space<hbm>>
    tpu.enqueue_dma source(%dma_start3A_5 : memref<26x512xi32, #tpu.memory_space<hbm>>) target(%arg4 : memref<26x512xi32, #tpu.memory_space<vmem>>) target_semaphore(%arg13 : memref<!tpu.dma_semaphore, #tpu.memory_space<semaphore_mem>>)
    %broadcast_in_dim3A = arith.constant 0.000000e+00 : f32
    %broadcast_in_dim3A_6 = vector.broadcast %broadcast_in_dim3A : f32 to vector<16xf32>
    %broadcast_in_dim3A_7 = arith.constant 1.000000e+00 : f32
    %broadcast_in_dim3A_8 = vector.broadcast %broadcast_in_dim3A_7 : f32 to vector<16xf32>
    %iota3A = tpu.iota {dimensions = array<i32: 0>} : vector<16xi32>
    %scan3A = arith.constant 0 : i32
    %scan3A_9 = arith.constant 0 : i32
    %scan3A_10 = arith.constant 26 : i32
    %scan3A_11 = arith.addi %scan3A_9, %scan3A_10 : i32
    %scan3A_12 = arith.constant 1 : i32
    scf.for %scan3A_187 = %scan3A_9 to %scan3A_11 step %scan3A_12  : i32 {
      %mul3A_188 = arith.constant 8 : i32
      %mul3A_189 = arith.muli %scan3A_187, %mul3A_188 : i32
      %add3A_190 = arith.constant 0 : i32
      %add3A_191 = arith.addi %mul3A_189, %add3A_190 : i32
      %swap3A = arith.index_cast %add3A_191 : i32 to index
      %swap3A_192 = arith.constant 0 : index
      %swap3A_193 = tpu.vector_load %arg5[%swap3A, %swap3A_192] {strides = array<i32>} : memref<208x128xf32, #tpu.memory_space<vmem>>, vector<16xf32>,
      tpu.vector_store %arg5[%swap3A, %swap3A_192], %broadcast_in_dim3A_6 {strides = array<i32>} : memref<208x128xf32, #tpu.memory_space<vmem>>, vector<16xf32>,
      %mul3A_194 = arith.constant 8 : i32
      %mul3A_195 = arith.muli %scan3A_187, %mul3A_194 : i32
      %add3A_196 = arith.constant 0 : i32
      %add3A_197 = arith.addi %mul3A_195, %add3A_196 : i32
      %swap3A_198 = arith.index_cast %add3A_197 : i32 to index
      %swap3A_199 = arith.constant 16 : index
      %swap3A_200 = tpu.vector_load %arg5[%swap3A_198, %swap3A_199] {strides = array<i32>} : memref<208x128xf32, #tpu.memory_space<vmem>>, vector<16xf32>,
      tpu.vector_store %arg5[%swap3A_198, %swap3A_199], %broadcast_in_dim3A_6 {strides = array<i32>} : memref<208x128xf32, #tpu.memory_space<vmem>>, vector<16xf32>,
      %mul3A_201 = arith.constant 8 : i32
      %mul3A_202 = arith.muli %scan3A_187, %mul3A_201 : i32
      %add3A_203 = arith.constant 0 : i32
      %add3A_204 = arith.addi %mul3A_202, %add3A_203 : i32
      %swap3A_205 = arith.index_cast %add3A_204 : i32 to index
      %swap3A_206 = arith.constant 32 : index
      %swap3A_207 = tpu.vector_load %arg5[%swap3A_205, %swap3A_206] {strides = array<i32>} : memref<208x128xf32, #tpu.memory_space<vmem>>, vector<16xf32>,
      tpu.vector_store %arg5[%swap3A_205, %swap3A_206], %broadcast_in_dim3A_6 {strides = array<i32>} : memref<208x128xf32, #tpu.memory_space<vmem>>, vector<16xf32>,
      %mul3A_208 = arith.constant 8 : i32
      %mul3A_209 = arith.muli %scan3A_187, %mul3A_208 : i32
      %add3A_210 = arith.constant 0 : i32
      %add3A_211 = arith.addi %mul3A_209, %add3A_210 : i32
      %swap3A_212 = arith.index_cast %add3A_211 : i32 to index
      %swap3A_213 = arith.constant 48 : index
      %swap3A_214 = tpu.vector_load %arg5[%swap3A_212, %swap3A_213] {strides = array<i32>} : memref<208x128xf32, #tpu.memory_space<vmem>>, vector<16xf32>,
      tpu.vector_store %arg5[%swap3A_212, %swap3A_213], %broadcast_in_dim3A_6 {strides = array<i32>} : memref<208x128xf32, #tpu.memory_space<vmem>>, vector<16xf32>,
      %mul3A_215 = arith.constant 8 : i32
      %mul3A_216 = arith.muli %scan3A_187, %mul3A_215 : i32
      %add3A_217 = arith.constant 0 : i32
      %add3A_218 = arith.addi %mul3A_216, %add3A_217 : i32
      %swap3A_219 = arith.index_cast %add3A_218 : i32 to index
      %swap3A_220 = arith.constant 64 : index
      %swap3A_221 = tpu.vector_load %arg5[%swap3A_219, %swap3A_220] {strides = array<i32>} : memref<208x128xf32, #tpu.memory_space<vmem>>, vector<16xf32>,
      tpu.vector_store %arg5[%swap3A_219, %swap3A_220], %broadcast_in_dim3A_6 {strides = array<i32>} : memref<208x128xf32, #tpu.memory_space<vmem>>, vector<16xf32>,
      %mul3A_222 = arith.constant 8 : i32
      %mul3A_223 = arith.muli %scan3A_187, %mul3A_222 : i32
      %add3A_224 = arith.constant 0 : i32
      %add3A_225 = arith.addi %mul3A_223, %add3A_224 : i32
      %swap3A_226 = arith.index_cast %add3A_225 : i32 to index
      %swap3A_227 = arith.constant 80 : index
      %swap3A_228 = tpu.vector_load %arg5[%swap3A_226, %swap3A_227] {strides = array<i32>} : memref<208x128xf32, #tpu.memory_space<vmem>>, vector<16xf32>,
      tpu.vector_store %arg5[%swap3A_226, %swap3A_227], %broadcast_in_dim3A_6 {strides = array<i32>} : memref<208x128xf32, #tpu.memory_space<vmem>>, vector<16xf32>,
      %mul3A_229 = arith.constant 8 : i32
      %mul3A_230 = arith.muli %scan3A_187, %mul3A_229 : i32
      %add3A_231 = arith.constant 0 : i32
      %add3A_232 = arith.addi %mul3A_230, %add3A_231 : i32
      %swap3A_233 = arith.index_cast %add3A_232 : i32 to index
      %swap3A_234 = arith.constant 96 : index
      %swap3A_235 = tpu.vector_load %arg5[%swap3A_233, %swap3A_234] {strides = array<i32>} : memref<208x128xf32, #tpu.memory_space<vmem>>, vector<16xf32>,
      tpu.vector_store %arg5[%swap3A_233, %swap3A_234], %broadcast_in_dim3A_6 {strides = array<i32>} : memref<208x128xf32, #tpu.memory_space<vmem>>, vector<16xf32>,
      %mul3A_236 = arith.constant 8 : i32
      %mul3A_237 = arith.muli %scan3A_187, %mul3A_236 : i32
      %add3A_238 = arith.constant 0 : i32
      %add3A_239 = arith.addi %mul3A_237, %add3A_238 : i32
      %swap3A_240 = arith.index_cast %add3A_239 : i32 to index
      %swap3A_241 = arith.constant 112 : index
      %swap3A_242 = tpu.vector_load %arg5[%swap3A_240, %swap3A_241] {strides = array<i32>} : memref<208x128xf32, #tpu.memory_space<vmem>>, vector<16xf32>,
      tpu.vector_store %arg5[%swap3A_240, %swap3A_241], %broadcast_in_dim3A_6 {strides = array<i32>} : memref<208x128xf32, #tpu.memory_space<vmem>>, vector<16xf32>,
      %mul3A_243 = arith.constant 8 : i32
      %mul3A_244 = arith.muli %scan3A_187, %mul3A_243 : i32
      %add3A_245 = arith.constant 1 : i32
      %add3A_246 = arith.addi %mul3A_244, %add3A_245 : i32
      %swap3A_247 = arith.index_cast %add3A_246 : i32 to index
      %swap3A_248 = arith.constant 0 : index
      %swap3A_249 = tpu.vector_load %arg5[%swap3A_247, %swap3A_248] {strides = array<i32>} : memref<208x128xf32, #tpu.memory_space<vmem>>, vector<16xf32>,
      tpu.vector_store %arg5[%swap3A_247, %swap3A_248], %broadcast_in_dim3A_6 {strides = array<i32>} : memref<208x128xf32, #tpu.memory_space<vmem>>, vector<16xf32>,
      %mul3A_250 = arith.constant 8 : i32
      %mul3A_251 = arith.muli %scan3A_187, %mul3A_250 : i32
      %add3A_252 = arith.constant 1 : i32
      %add3A_253 = arith.addi %mul3A_251, %add3A_252 : i32
      %swap3A_254 = arith.index_cast %add3A_253 : i32 to index
      %swap3A_255 = arith.constant 16 : index
      %swap3A_256 = tpu.vector_load %arg5[%swap3A_254, %swap3A_255] {strides = array<i32>} : memref<208x128xf32, #tpu.memory_space<vmem>>, vector<16xf32>,
      tpu.vector_store %arg5[%swap3A_254, %swap3A_255], %broadcast_in_dim3A_6 {strides = array<i32>} : memref<208x128xf32, #tpu.memory_space<vmem>>, vector<16xf32>,
      %mul3A_257 = arith.constant 8 : i32
      %mul3A_258 = arith.muli %scan3A_187, %mul3A_257 : i32
      %add3A_259 = arith.constant 1 : i32
      %add3A_260 = arith.addi %mul3A_258, %add3A_259 : i32
      %swap3A_261 = arith.index_cast %add3A_260 : i32 to index
      %swap3A_262 = arith.constant 32 : index
      %swap3A_263 = tpu.vector_load %arg5[%swap3A_261, %swap3A_262] {strides = array<i32>} : memref<208x128xf32, #tpu.memory_space<vmem>>, vector<16xf32>,
      tpu.vector_store %arg5[%swap3A_261, %swap3A_262], %broadcast_in_dim3A_6 {strides = array<i32>} : memref<208x128xf32, #tpu.memory_space<vmem>>, vector<16xf32>,
      %mul3A_264 = arith.constant 8 : i32
      %mul3A_265 = arith.muli %scan3A_187, %mul3A_264 : i32
      %add3A_266 = arith.constant 1 : i32
      %add3A_267 = arith.addi %mul3A_265, %add3A_266 : i32
      %swap3A_268 = arith.index_cast %add3A_267 : i32 to index
      %swap3A_269 = arith.constant 48 : index
      %swap3A_270 = tpu.vector_load %arg5[%swap3A_268, %swap3A_269] {strides = array<i32>} : memref<208x128xf32, #tpu.memory_space<vmem>>, vector<16xf32>,
      tpu.vector_store %arg5[%swap3A_268, %swap3A_269], %broadcast_in_dim3A_6 {strides = array<i32>} : memref<208x128xf32, #tpu.memory_space<vmem>>, vector<16xf32>,
      %mul3A_271 = arith.constant 8 : i32
      %mul3A_272 = arith.muli %scan3A_187, %mul3A_271 : i32
      %add3A_273 = arith.constant 1 : i32
      %add3A_274 = arith.addi %mul3A_272, %add3A_273 : i32
      %swap3A_275 = arith.index_cast %add3A_274 : i32 to index
      %swap3A_276 = arith.constant 64 : index
      %swap3A_277 = tpu.vector_load %arg5[%swap3A_275, %swap3A_276] {strides = array<i32>} : memref<208x128xf32, #tpu.memory_space<vmem>>, vector<16xf32>,
      tpu.vector_store %arg5[%swap3A_275, %swap3A_276], %broadcast_in_dim3A_6 {strides = array<i32>} : memref<208x128xf32, #tpu.memory_space<vmem>>, vector<16xf32>,
      %mul3A_278 = arith.constant 8 : i32
      %mul3A_279 = arith.muli %scan3A_187, %mul3A_278 : i32
      %add3A_280 = arith.constant 1 : i32
      %add3A_281 = arith.addi %mul3A_279, %add3A_280 : i32
      %swap3A_282 = arith.index_cast %add3A_281 : i32 to index
      %swap3A_283 = arith.constant 80 : index
      %swap3A_284 = tpu.vector_load %arg5[%swap3A_282, %swap3A_283] {strides = array<i32>} : memref<208x128xf32, #tpu.memory_space<vmem>>, vector<16xf32>,
      tpu.vector_store %arg5[%swap3A_282, %swap3A_283], %broadcast_in_dim3A_6 {strides = array<i32>} : memref<208x128xf32, #tpu.memory_space<vmem>>, vector<16xf32>,
      %mul3A_285 = arith.constant 8 : i32
      %mul3A_286 = arith.muli %scan3A_187, %mul3A_285 : i32
      %add3A_287 = arith.constant 1 : i32
      %add3A_288 = arith.addi %mul3A_286, %add3A_287 : i32
      %swap3A_289 = arith.index_cast %add3A_288 : i32 to index
      %swap3A_290 = arith.constant 96 : index
      %swap3A_291 = tpu.vector_load %arg5[%swap3A_289, %swap3A_290] {strides = array<i32>} : memref<208x128xf32, #tpu.memory_space<vmem>>, vector<16xf32>,
      tpu.vector_store %arg5[%swap3A_289, %swap3A_290], %broadcast_in_dim3A_6 {strides = array<i32>} : memref<208x128xf32, #tpu.memory_space<vmem>>, vector<16xf32>,
      %mul3A_292 = arith.constant 8 : i32
      %mul3A_293 = arith.muli %scan3A_187, %mul3A_292 : i32
      %add3A_294 = arith.constant 1 : i32
      %add3A_295 = arith.addi %mul3A_293, %add3A_294 : i32
      %swap3A_296 = arith.index_cast %add3A_295 : i32 to index
      %swap3A_297 = arith.constant 112 : index
      %swap3A_298 = tpu.vector_load %arg5[%swap3A_296, %swap3A_297] {strides = array<i32>} : memref<208x128xf32, #tpu.memory_space<vmem>>, vector<16xf32>,
      tpu.vector_store %arg5[%swap3A_296, %swap3A_297], %broadcast_in_dim3A_6 {strides = array<i32>} : memref<208x128xf32, #tpu.memory_space<vmem>>, vector<16xf32>,
      %mul3A_299 = arith.constant 8 : i32
      %mul3A_300 = arith.muli %scan3A_187, %mul3A_299 : i32
      %add3A_301 = arith.constant 2 : i32
      %add3A_302 = arith.addi %mul3A_300, %add3A_301 : i32
      %swap3A_303 = arith.index_cast %add3A_302 : i32 to index
      %swap3A_304 = arith.constant 0 : index
      %swap3A_305 = tpu.vector_load %arg5[%swap3A_303, %swap3A_304] {strides = array<i32>} : memref<208x128xf32, #tpu.memory_space<vmem>>, vector<16xf32>,
      tpu.vector_store %arg5[%swap3A_303, %swap3A_304], %broadcast_in_dim3A_6 {strides = array<i32>} : memref<208x128xf32, #tpu.memory_space<vmem>>, vector<16xf32>,
      %mul3A_306 = arith.constant 8 : i32
      %mul3A_307 = arith.muli %scan3A_187, %mul3A_306 : i32
      %add3A_308 = arith.constant 2 : i32
      %add3A_309 = arith.addi %mul3A_307, %add3A_308 : i32
      %swap3A_310 = arith.index_cast %add3A_309 : i32 to index
      %swap3A_311 = arith.constant 16 : index
      %swap3A_312 = tpu.vector_load %arg5[%swap3A_310, %swap3A_311] {strides = array<i32>} : memref<208x128xf32, #tpu.memory_space<vmem>>, vector<16xf32>,
      tpu.vector_store %arg5[%swap3A_310, %swap3A_311], %broadcast_in_dim3A_6 {strides = array<i32>} : memref<208x128xf32, #tpu.memory_space<vmem>>, vector<16xf32>,
      %mul3A_313 = arith.constant 8 : i32
      %mul3A_314 = arith.muli %scan3A_187, %mul3A_313 : i32
      %add3A_315 = arith.constant 2 : i32
      %add3A_316 = arith.addi %mul3A_314, %add3A_315 : i32
      %swap3A_317 = arith.index_cast %add3A_316 : i32 to index
      %swap3A_318 = arith.constant 32 : index
      %swap3A_319 = tpu.vector_load %arg5[%swap3A_317, %swap3A_318] {strides = array<i32>} : memref<208x128xf32, #tpu.memory_space<vmem>>, vector<16xf32>,
      tpu.vector_store %arg5[%swap3A_317, %swap3A_318], %broadcast_in_dim3A_6 {strides = array<i32>} : memref<208x128xf32, #tpu.memory_space<vmem>>, vector<16xf32>,
      %mul3A_320 = arith.constant 8 : i32
      %mul3A_321 = arith.muli %scan3A_187, %mul3A_320 : i32
      %add3A_322 = arith.constant 2 : i32
      %add3A_323 = arith.addi %mul3A_321, %add3A_322 : i32
      %swap3A_324 = arith.index_cast %add3A_323 : i32 to index
      %swap3A_325 = arith.constant 48 : index
      %swap3A_326 = tpu.vector_load %arg5[%swap3A_324, %swap3A_325] {strides = array<i32>} : memref<208x128xf32, #tpu.memory_space<vmem>>, vector<16xf32>,
      tpu.vector_store %arg5[%swap3A_324, %swap3A_325], %broadcast_in_dim3A_6 {strides = array<i32>} : memref<208x128xf32, #tpu.memory_space<vmem>>, vector<16xf32>,
      %mul3A_327 = arith.constant 8 : i32
      %mul3A_328 = arith.muli %scan3A_187, %mul3A_327 : i32
      %add3A_329 = arith.constant 2 : i32
      %add3A_330 = arith.addi %mul3A_328, %add3A_329 : i32
      %swap3A_331 = arith.index_cast %add3A_330 : i32 to index
      %swap3A_332 = arith.constant 64 : index
      %swap3A_333 = tpu.vector_load %arg5[%swap3A_331, %swap3A_332] {strides = array<i32>} : memref<208x128xf32, #tpu.memory_space<vmem>>, vector<16xf32>,
      tpu.vector_store %arg5[%swap3A_331, %swap3A_332], %broadcast_in_dim3A_6 {strides = array<i32>} : memref<208x128xf32, #tpu.memory_space<vmem>>, vector<16xf32>,
      %mul3A_334 = arith.constant 8 : i32
      %mul3A_335 = arith.muli %scan3A_187, %mul3A_334 : i32
      %add3A_336 = arith.constant 2 : i32
      %add3A_337 = arith.addi %mul3A_335, %add3A_336 : i32
      %swap3A_338 = arith.index_cast %add3A_337 : i32 to index
      %swap3A_339 = arith.constant 80 : index
      %swap3A_340 = tpu.vector_load %arg5[%swap3A_338, %swap3A_339] {strides = array<i32>} : memref<208x128xf32, #tpu.memory_space<vmem>>, vector<16xf32>,
      tpu.vector_store %arg5[%swap3A_338, %swap3A_339], %broadcast_in_dim3A_6 {strides = array<i32>} : memref<208x128xf32, #tpu.memory_space<vmem>>, vector<16xf32>,
      %mul3A_341 = arith.constant 8 : i32
      %mul3A_342 = arith.muli %scan3A_187, %mul3A_341 : i32
      %add3A_343 = arith.constant 2 : i32
      %add3A_344 = arith.addi %mul3A_342, %add3A_343 : i32
      %swap3A_345 = arith.index_cast %add3A_344 : i32 to index
      %swap3A_346 = arith.constant 96 : index
      %swap3A_347 = tpu.vector_load %arg5[%swap3A_345, %swap3A_346] {strides = array<i32>} : memref<208x128xf32, #tpu.memory_space<vmem>>, vector<16xf32>,
      tpu.vector_store %arg5[%swap3A_345, %swap3A_346], %broadcast_in_dim3A_6 {strides = array<i32>} : memref<208x128xf32, #tpu.memory_space<vmem>>, vector<16xf32>,
      %mul3A_348 = arith.constant 8 : i32
      %mul3A_349 = arith.muli %scan3A_187, %mul3A_348 : i32
      %add3A_350 = arith.constant 2 : i32
      %add3A_351 = arith.addi %mul3A_349, %add3A_350 : i32
      %swap3A_352 = arith.index_cast %add3A_351 : i32 to index
      %swap3A_353 = arith.constant 112 : index
      %swap3A_354 = tpu.vector_load %arg5[%swap3A_352, %swap3A_353] {strides = array<i32>} : memref<208x128xf32, #tpu.memory_space<vmem>>, vector<16xf32>,
      tpu.vector_store %arg5[%swap3A_352, %swap3A_353], %broadcast_in_dim3A_6 {strides = array<i32>} : memref<208x128xf32, #tpu.memory_space<vmem>>, vector<16xf32>,
      %mul3A_355 = arith.constant 8 : i32
      %mul3A_356 = arith.muli %scan3A_187, %mul3A_355 : i32
      %add3A_357 = arith.constant 3 : i32
      %add3A_358 = arith.addi %mul3A_356, %add3A_357 : i32
      %swap3A_359 = arith.index_cast %add3A_358 : i32 to index
      %swap3A_360 = arith.constant 0 : index
      %swap3A_361 = tpu.vector_load %arg5[%swap3A_359, %swap3A_360] {strides = array<i32>} : memref<208x128xf32, #tpu.memory_space<vmem>>, vector<16xf32>,
      tpu.vector_store %arg5[%swap3A_359, %swap3A_360], %broadcast_in_dim3A_6 {strides = array<i32>} : memref<208x128xf32, #tpu.memory_space<vmem>>, vector<16xf32>,
      %mul3A_362 = arith.constant 8 : i32
      %mul3A_363 = arith.muli %scan3A_187, %mul3A_362 : i32
      %add3A_364 = arith.constant 3 : i32
      %add3A_365 = arith.addi %mul3A_363, %add3A_364 : i32
      %swap3A_366 = arith.index_cast %add3A_365 : i32 to index
      %swap3A_367 = arith.constant 16 : index
      %swap3A_368 = tpu.vector_load %arg5[%swap3A_366, %swap3A_367] {strides = array<i32>} : memref<208x128xf32, #tpu.memory_space<vmem>>, vector<16xf32>,
      tpu.vector_store %arg5[%swap3A_366, %swap3A_367], %broadcast_in_dim3A_6 {strides = array<i32>} : memref<208x128xf32, #tpu.memory_space<vmem>>, vector<16xf32>,
      %mul3A_369 = arith.constant 8 : i32
      %mul3A_370 = arith.muli %scan3A_187, %mul3A_369 : i32
      %add3A_371 = arith.constant 3 : i32
      %add3A_372 = arith.addi %mul3A_370, %add3A_371 : i32
      %swap3A_373 = arith.index_cast %add3A_372 : i32 to index
      %swap3A_374 = arith.constant 32 : index
      %swap3A_375 = tpu.vector_load %arg5[%swap3A_373, %swap3A_374] {strides = array<i32>} : memref<208x128xf32, #tpu.memory_space<vmem>>, vector<16xf32>,
      tpu.vector_store %arg5[%swap3A_373, %swap3A_374], %broadcast_in_dim3A_6 {strides = array<i32>} : memref<208x128xf32, #tpu.memory_space<vmem>>, vector<16xf32>,
      %mul3A_376 = arith.constant 8 : i32
      %mul3A_377 = arith.muli %scan3A_187, %mul3A_376 : i32
      %add3A_378 = arith.constant 3 : i32
      %add3A_379 = arith.addi %mul3A_377, %add3A_378 : i32
      %swap3A_380 = arith.index_cast %add3A_379 : i32 to index
      %swap3A_381 = arith.constant 48 : index
      %swap3A_382 = tpu.vector_load %arg5[%swap3A_380, %swap3A_381] {strides = array<i32>} : memref<208x128xf32, #tpu.memory_space<vmem>>, vector<16xf32>,
      tpu.vector_store %arg5[%swap3A_380, %swap3A_381], %broadcast_in_dim3A_6 {strides = array<i32>} : memref<208x128xf32, #tpu.memory_space<vmem>>, vector<16xf32>,
      %mul3A_383 = arith.constant 8 : i32
      %mul3A_384 = arith.muli %scan3A_187, %mul3A_383 : i32
      %add3A_385 = arith.constant 3 : i32
      %add3A_386 = arith.addi %mul3A_384, %add3A_385 : i32
      %swap3A_387 = arith.index_cast %add3A_386 : i32 to index
      %swap3A_388 = arith.constant 64 : index
      %swap3A_389 = tpu.vector_load %arg5[%swap3A_387, %swap3A_388] {strides = array<i32>} : memref<208x128xf32, #tpu.memory_space<vmem>>, vector<16xf32>,
      tpu.vector_store %arg5[%swap3A_387, %swap3A_388], %broadcast_in_dim3A_6 {strides = array<i32>} : memref<208x128xf32, #tpu.memory_space<vmem>>, vector<16xf32>,
      %mul3A_390 = arith.constant 8 : i32
      %mul3A_391 = arith.muli %scan3A_187, %mul3A_390 : i32
      %add3A_392 = arith.constant 3 : i32
      %add3A_393 = arith.addi %mul3A_391, %add3A_392 : i32
      %swap3A_394 = arith.index_cast %add3A_393 : i32 to index
      %swap3A_395 = arith.constant 80 : index
      %swap3A_396 = tpu.vector_load %arg5[%swap3A_394, %swap3A_395] {strides = array<i32>} : memref<208x128xf32, #tpu.memory_space<vmem>>, vector<16xf32>,
      tpu.vector_store %arg5[%swap3A_394, %swap3A_395], %broadcast_in_dim3A_6 {strides = array<i32>} : memref<208x128xf32, #tpu.memory_space<vmem>>, vector<16xf32>,
      %mul3A_397 = arith.constant 8 : i32
      %mul3A_398 = arith.muli %scan3A_187, %mul3A_397 : i32
      %add3A_399 = arith.constant 3 : i32
      %add3A_400 = arith.addi %mul3A_398, %add3A_399 : i32
      %swap3A_401 = arith.index_cast %add3A_400 : i32 to index
      %swap3A_402 = arith.constant 96 : index
      %swap3A_403 = tpu.vector_load %arg5[%swap3A_401, %swap3A_402] {strides = array<i32>} : memref<208x128xf32, #tpu.memory_space<vmem>>, vector<16xf32>,
      tpu.vector_store %arg5[%swap3A_401, %swap3A_402], %broadcast_in_dim3A_6 {strides = array<i32>} : memref<208x128xf32, #tpu.memory_space<vmem>>, vector<16xf32>,
      %mul3A_404 = arith.constant 8 : i32
      %mul3A_405 = arith.muli %scan3A_187, %mul3A_404 : i32
      %add3A_406 = arith.constant 3 : i32
      %add3A_407 = arith.addi %mul3A_405, %add3A_406 : i32
      %swap3A_408 = arith.index_cast %add3A_407 : i32 to index
      %swap3A_409 = arith.constant 112 : index
      %swap3A_410 = tpu.vector_load %arg5[%swap3A_408, %swap3A_409] {strides = array<i32>} : memref<208x128xf32, #tpu.memory_space<vmem>>, vector<16xf32>,
      tpu.vector_store %arg5[%swap3A_408, %swap3A_409], %broadcast_in_dim3A_6 {strides = array<i32>} : memref<208x128xf32, #tpu.memory_space<vmem>>, vector<16xf32>,
      %mul3A_411 = arith.constant 8 : i32
      %mul3A_412 = arith.muli %scan3A_187, %mul3A_411 : i32
      %add3A_413 = arith.constant 4 : i32
      %add3A_414 = arith.addi %mul3A_412, %add3A_413 : i32
      %swap3A_415 = arith.index_cast %add3A_414 : i32 to index
      %swap3A_416 = arith.constant 0 : index
      %swap3A_417 = tpu.vector_load %arg5[%swap3A_415, %swap3A_416] {strides = array<i32>} : memref<208x128xf32, #tpu.memory_space<vmem>>, vector<16xf32>,
      tpu.vector_store %arg5[%swap3A_415, %swap3A_416], %broadcast_in_dim3A_6 {strides = array<i32>} : memref<208x128xf32, #tpu.memory_space<vmem>>, vector<16xf32>,
      %mul3A_418 = arith.constant 8 : i32
      %mul3A_419 = arith.muli %scan3A_187, %mul3A_418 : i32
      %add3A_420 = arith.constant 4 : i32
      %add3A_421 = arith.addi %mul3A_419, %add3A_420 : i32
      %swap3A_422 = arith.index_cast %add3A_421 : i32 to index
      %swap3A_423 = arith.constant 16 : index
      %swap3A_424 = tpu.vector_load %arg5[%swap3A_422, %swap3A_423] {strides = array<i32>} : memref<208x128xf32, #tpu.memory_space<vmem>>, vector<16xf32>,
      tpu.vector_store %arg5[%swap3A_422, %swap3A_423], %broadcast_in_dim3A_6 {strides = array<i32>} : memref<208x128xf32, #tpu.memory_space<vmem>>, vector<16xf32>,
      %mul3A_425 = arith.constant 8 : i32
      %mul3A_426 = arith.muli %scan3A_187, %mul3A_425 : i32
      %add3A_427 = arith.constant 4 : i32
      %add3A_428 = arith.addi %mul3A_426, %add3A_427 : i32
      %swap3A_429 = arith.index_cast %add3A_428 : i32 to index
      %swap3A_430 = arith.constant 32 : index
      %swap3A_431 = tpu.vector_load %arg5[%swap3A_429, %swap3A_430] {strides = array<i32>} : memref<208x128xf32, #tpu.memory_space<vmem>>, vector<16xf32>,
      tpu.vector_store %arg5[%swap3A_429, %swap3A_430], %broadcast_in_dim3A_6 {strides = array<i32>} : memref<208x128xf32, #tpu.memory_space<vmem>>, vector<16xf32>,
      %mul3A_432 = arith.constant 8 : i32
      %mul3A_433 = arith.muli %scan3A_187, %mul3A_432 : i32
      %add3A_434 = arith.constant 4 : i32
      %add3A_435 = arith.addi %mul3A_433, %add3A_434 : i32
      %swap3A_436 = arith.index_cast %add3A_435 : i32 to index
      %swap3A_437 = arith.constant 48 : index
      %swap3A_438 = tpu.vector_load %arg5[%swap3A_436, %swap3A_437] {strides = array<i32>} : memref<208x128xf32, #tpu.memory_space<vmem>>, vector<16xf32>,
      tpu.vector_store %arg5[%swap3A_436, %swap3A_437], %broadcast_in_dim3A_6 {strides = array<i32>} : memref<208x128xf32, #tpu.memory_space<vmem>>, vector<16xf32>,
      %mul3A_439 = arith.constant 8 : i32
      %mul3A_440 = arith.muli %scan3A_187, %mul3A_439 : i32
      %add3A_441 = arith.constant 4 : i32
      %add3A_442 = arith.addi %mul3A_440, %add3A_441 : i32
      %swap3A_443 = arith.index_cast %add3A_442 : i32 to index
      %swap3A_444 = arith.constant 64 : index
      %swap3A_445 = tpu.vector_load %arg5[%swap3A_443, %swap3A_444] {strides = array<i32>} : memref<208x128xf32, #tpu.memory_space<vmem>>, vector<16xf32>,
      tpu.vector_store %arg5[%swap3A_443, %swap3A_444], %broadcast_in_dim3A_6 {strides = array<i32>} : memref<208x128xf32, #tpu.memory_space<vmem>>, vector<16xf32>,
      %mul3A_446 = arith.constant 8 : i32
      %mul3A_447 = arith.muli %scan3A_187, %mul3A_446 : i32
      %add3A_448 = arith.constant 4 : i32
      %add3A_449 = arith.addi %mul3A_447, %add3A_448 : i32
      %swap3A_450 = arith.index_cast %add3A_449 : i32 to index
      %swap3A_451 = arith.constant 80 : index
      %swap3A_452 = tpu.vector_load %arg5[%swap3A_450, %swap3A_451] {strides = array<i32>} : memref<208x128xf32, #tpu.memory_space<vmem>>, vector<16xf32>,
      tpu.vector_store %arg5[%swap3A_450, %swap3A_451], %broadcast_in_dim3A_6 {strides = array<i32>} : memref<208x128xf32, #tpu.memory_space<vmem>>, vector<16xf32>,
      %mul3A_453 = arith.constant 8 : i32
      %mul3A_454 = arith.muli %scan3A_187, %mul3A_453 : i32
      %add3A_455 = arith.constant 4 : i32
      %add3A_456 = arith.addi %mul3A_454, %add3A_455 : i32
      %swap3A_457 = arith.index_cast %add3A_456 : i32 to index
      %swap3A_458 = arith.constant 96 : index
      %swap3A_459 = tpu.vector_load %arg5[%swap3A_457, %swap3A_458] {strides = array<i32>} : memref<208x128xf32, #tpu.memory_space<vmem>>, vector<16xf32>,
      tpu.vector_store %arg5[%swap3A_457, %swap3A_458], %broadcast_in_dim3A_6 {strides = array<i32>} : memref<208x128xf32, #tpu.memory_space<vmem>>, vector<16xf32>,
      %mul3A_460 = arith.constant 8 : i32
      %mul3A_461 = arith.muli %scan3A_187, %mul3A_460 : i32
      %add3A_462 = arith.constant 4 : i32
      %add3A_463 = arith.addi %mul3A_461, %add3A_462 : i32
      %swap3A_464 = arith.index_cast %add3A_463 : i32 to index
      %swap3A_465 = arith.constant 112 : index
      %swap3A_466 = tpu.vector_load %arg5[%swap3A_464, %swap3A_465] {strides = array<i32>} : memref<208x128xf32, #tpu.memory_space<vmem>>, vector<16xf32>,
      tpu.vector_store %arg5[%swap3A_464, %swap3A_465], %broadcast_in_dim3A_6 {strides = array<i32>} : memref<208x128xf32, #tpu.memory_space<vmem>>, vector<16xf32>,
      %mul3A_467 = arith.constant 8 : i32
      %mul3A_468 = arith.muli %scan3A_187, %mul3A_467 : i32
      %add3A_469 = arith.constant 5 : i32
      %add3A_470 = arith.addi %mul3A_468, %add3A_469 : i32
      %swap3A_471 = arith.index_cast %add3A_470 : i32 to index
      %swap3A_472 = arith.constant 0 : index
      %swap3A_473 = tpu.vector_load %arg5[%swap3A_471, %swap3A_472] {strides = array<i32>} : memref<208x128xf32, #tpu.memory_space<vmem>>, vector<16xf32>,
      tpu.vector_store %arg5[%swap3A_471, %swap3A_472], %broadcast_in_dim3A_6 {strides = array<i32>} : memref<208x128xf32, #tpu.memory_space<vmem>>, vector<16xf32>,
      %mul3A_474 = arith.constant 8 : i32
      %mul3A_475 = arith.muli %scan3A_187, %mul3A_474 : i32
      %add3A_476 = arith.constant 5 : i32
      %add3A_477 = arith.addi %mul3A_475, %add3A_476 : i32
      %swap3A_478 = arith.index_cast %add3A_477 : i32 to index
      %swap3A_479 = arith.constant 16 : index
      %swap3A_480 = tpu.vector_load %arg5[%swap3A_478, %swap3A_479] {strides = array<i32>} : memref<208x128xf32, #tpu.memory_space<vmem>>, vector<16xf32>,
      tpu.vector_store %arg5[%swap3A_478, %swap3A_479], %broadcast_in_dim3A_6 {strides = array<i32>} : memref<208x128xf32, #tpu.memory_space<vmem>>, vector<16xf32>,
      %mul3A_481 = arith.constant 8 : i32
      %mul3A_482 = arith.muli %scan3A_187, %mul3A_481 : i32
      %add3A_483 = arith.constant 5 : i32
      %add3A_484 = arith.addi %mul3A_482, %add3A_483 : i32
      %swap3A_485 = arith.index_cast %add3A_484 : i32 to index
      %swap3A_486 = arith.constant 32 : index
      %swap3A_487 = tpu.vector_load %arg5[%swap3A_485, %swap3A_486] {strides = array<i32>} : memref<208x128xf32, #tpu.memory_space<vmem>>, vector<16xf32>,
      tpu.vector_store %arg5[%swap3A_485, %swap3A_486], %broadcast_in_dim3A_6 {strides = array<i32>} : memref<208x128xf32, #tpu.memory_space<vmem>>, vector<16xf32>,
      %mul3A_488 = arith.constant 8 : i32
      %mul3A_489 = arith.muli %scan3A_187, %mul3A_488 : i32
      %add3A_490 = arith.constant 5 : i32
      %add3A_491 = arith.addi %mul3A_489, %add3A_490 : i32
      %swap3A_492 = arith.index_cast %add3A_491 : i32 to index
      %swap3A_493 = arith.constant 48 : index
      %swap3A_494 = tpu.vector_load %arg5[%swap3A_492, %swap3A_493] {strides = array<i32>} : memref<208x128xf32, #tpu.memory_space<vmem>>, vector<16xf32>,
      tpu.vector_store %arg5[%swap3A_492, %swap3A_493], %broadcast_in_dim3A_6 {strides = array<i32>} : memref<208x128xf32, #tpu.memory_space<vmem>>, vector<16xf32>,
      %mul3A_495 = arith.constant 8 : i32
      %mul3A_496 = arith.muli %scan3A_187, %mul3A_495 : i32
      %add3A_497 = arith.constant 5 : i32
      %add3A_498 = arith.addi %mul3A_496, %add3A_497 : i32
      %swap3A_499 = arith.index_cast %add3A_498 : i32 to index
      %swap3A_500 = arith.constant 64 : index
      %swap3A_501 = tpu.vector_load %arg5[%swap3A_499, %swap3A_500] {strides = array<i32>} : memref<208x128xf32, #tpu.memory_space<vmem>>, vector<16xf32>,
      tpu.vector_store %arg5[%swap3A_499, %swap3A_500], %broadcast_in_dim3A_6 {strides = array<i32>} : memref<208x128xf32, #tpu.memory_space<vmem>>, vector<16xf32>,
      %mul3A_502 = arith.constant 8 : i32
      %mul3A_503 = arith.muli %scan3A_187, %mul3A_502 : i32
      %add3A_504 = arith.constant 5 : i32
      %add3A_505 = arith.addi %mul3A_503, %add3A_504 : i32
      %swap3A_506 = arith.index_cast %add3A_505 : i32 to index
      %swap3A_507 = arith.constant 80 : index
      %swap3A_508 = tpu.vector_load %arg5[%swap3A_506, %swap3A_507] {strides = array<i32>} : memref<208x128xf32, #tpu.memory_space<vmem>>, vector<16xf32>,
      tpu.vector_store %arg5[%swap3A_506, %swap3A_507], %broadcast_in_dim3A_6 {strides = array<i32>} : memref<208x128xf32, #tpu.memory_space<vmem>>, vector<16xf32>,
      %mul3A_509 = arith.constant 8 : i32
      %mul3A_510 = arith.muli %scan3A_187, %mul3A_509 : i32
      %add3A_511 = arith.constant 5 : i32
      %add3A_512 = arith.addi %mul3A_510, %add3A_511 : i32
      %swap3A_513 = arith.index_cast %add3A_512 : i32 to index
      %swap3A_514 = arith.constant 96 : index
      %swap3A_515 = tpu.vector_load %arg5[%swap3A_513, %swap3A_514] {strides = array<i32>} : memref<208x128xf32, #tpu.memory_space<vmem>>, vector<16xf32>,
      tpu.vector_store %arg5[%swap3A_513, %swap3A_514], %broadcast_in_dim3A_6 {strides = array<i32>} : memref<208x128xf32, #tpu.memory_space<vmem>>, vector<16xf32>,
      %mul3A_516 = arith.constant 8 : i32
      %mul3A_517 = arith.muli %scan3A_187, %mul3A_516 : i32
      %add3A_518 = arith.constant 5 : i32
      %add3A_519 = arith.addi %mul3A_517, %add3A_518 : i32
      %swap3A_520 = arith.index_cast %add3A_519 : i32 to index
      %swap3A_521 = arith.constant 112 : index
      %swap3A_522 = tpu.vector_load %arg5[%swap3A_520, %swap3A_521] {strides = array<i32>} : memref<208x128xf32, #tpu.memory_space<vmem>>, vector<16xf32>,
      tpu.vector_store %arg5[%swap3A_520, %swap3A_521], %broadcast_in_dim3A_6 {strides = array<i32>} : memref<208x128xf32, #tpu.memory_space<vmem>>, vector<16xf32>,
      %mul3A_523 = arith.constant 8 : i32
      %mul3A_524 = arith.muli %scan3A_187, %mul3A_523 : i32
      %add3A_525 = arith.constant 6 : i32
      %add3A_526 = arith.addi %mul3A_524, %add3A_525 : i32
      %swap3A_527 = arith.index_cast %add3A_526 : i32 to index
      %swap3A_528 = arith.constant 0 : index
      %swap3A_529 = tpu.vector_load %arg5[%swap3A_527, %swap3A_528] {strides = array<i32>} : memref<208x128xf32, #tpu.memory_space<vmem>>, vector<16xf32>,
      tpu.vector_store %arg5[%swap3A_527, %swap3A_528], %broadcast_in_dim3A_6 {strides = array<i32>} : memref<208x128xf32, #tpu.memory_space<vmem>>, vector<16xf32>,
      %mul3A_530 = arith.constant 8 : i32
      %mul3A_531 = arith.muli %scan3A_187, %mul3A_530 : i32
      %add3A_532 = arith.constant 6 : i32
      %add3A_533 = arith.addi %mul3A_531, %add3A_532 : i32
      %swap3A_534 = arith.index_cast %add3A_533 : i32 to index
      %swap3A_535 = arith.constant 16 : index
      %swap3A_536 = tpu.vector_load %arg5[%swap3A_534, %swap3A_535] {strides = array<i32>} : memref<208x128xf32, #tpu.memory_space<vmem>>, vector<16xf32>,
      tpu.vector_store %arg5[%swap3A_534, %swap3A_535], %broadcast_in_dim3A_6 {strides = array<i32>} : memref<208x128xf32, #tpu.memory_space<vmem>>, vector<16xf32>,
      %mul3A_537 = arith.constant 8 : i32
      %mul3A_538 = arith.muli %scan3A_187, %mul3A_537 : i32
      %add3A_539 = arith.constant 6 : i32
      %add3A_540 = arith.addi %mul3A_538, %add3A_539 : i32
      %swap3A_541 = arith.index_cast %add3A_540 : i32 to index
      %swap3A_542 = arith.constant 32 : index
      %swap3A_543 = tpu.vector_load %arg5[%swap3A_541, %swap3A_542] {strides = array<i32>} : memref<208x128xf32, #tpu.memory_space<vmem>>, vector<16xf32>,
      tpu.vector_store %arg5[%swap3A_541, %swap3A_542], %broadcast_in_dim3A_6 {strides = array<i32>} : memref<208x128xf32, #tpu.memory_space<vmem>>, vector<16xf32>,
      %mul3A_544 = arith.constant 8 : i32
      %mul3A_545 = arith.muli %scan3A_187, %mul3A_544 : i32
      %add3A_546 = arith.constant 6 : i32
      %add3A_547 = arith.addi %mul3A_545, %add3A_546 : i32
      %swap3A_548 = arith.index_cast %add3A_547 : i32 to index
      %swap3A_549 = arith.constant 48 : index
      %swap3A_550 = tpu.vector_load %arg5[%swap3A_548, %swap3A_549] {strides = array<i32>} : memref<208x128xf32, #tpu.memory_space<vmem>>, vector<16xf32>,
      tpu.vector_store %arg5[%swap3A_548, %swap3A_549], %broadcast_in_dim3A_6 {strides = array<i32>} : memref<208x128xf32, #tpu.memory_space<vmem>>, vector<16xf32>,
      %mul3A_551 = arith.constant 8 : i32
      %mul3A_552 = arith.muli %scan3A_187, %mul3A_551 : i32
      %add3A_553 = arith.constant 6 : i32
      %add3A_554 = arith.addi %mul3A_552, %add3A_553 : i32
      %swap3A_555 = arith.index_cast %add3A_554 : i32 to index
      %swap3A_556 = arith.constant 64 : index
      %swap3A_557 = tpu.vector_load %arg5[%swap3A_555, %swap3A_556] {strides = array<i32>} : memref<208x128xf32, #tpu.memory_space<vmem>>, vector<16xf32>,
      tpu.vector_store %arg5[%swap3A_555, %swap3A_556], %broadcast_in_dim3A_6 {strides = array<i32>} : memref<208x128xf32, #tpu.memory_space<vmem>>, vector<16xf32>,
      %mul3A_558 = arith.constant 8 : i32
      %mul3A_559 = arith.muli %scan3A_187, %mul3A_558 : i32
      %add3A_560 = arith.constant 6 : i32
      %add3A_561 = arith.addi %mul3A_559, %add3A_560 : i32
      %swap3A_562 = arith.index_cast %add3A_561 : i32 to index
      %swap3A_563 = arith.constant 80 : index
      %swap3A_564 = tpu.vector_load %arg5[%swap3A_562, %swap3A_563] {strides = array<i32>} : memref<208x128xf32, #tpu.memory_space<vmem>>, vector<16xf32>,
      tpu.vector_store %arg5[%swap3A_562, %swap3A_563], %broadcast_in_dim3A_6 {strides = array<i32>} : memref<208x128xf32, #tpu.memory_space<vmem>>, vector<16xf32>,
      %mul3A_565 = arith.constant 8 : i32
      %mul3A_566 = arith.muli %scan3A_187, %mul3A_565 : i32
      %add3A_567 = arith.constant 6 : i32
      %add3A_568 = arith.addi %mul3A_566, %add3A_567 : i32
      %swap3A_569 = arith.index_cast %add3A_568 : i32 to index
      %swap3A_570 = arith.constant 96 : index
      %swap3A_571 = tpu.vector_load %arg5[%swap3A_569, %swap3A_570] {strides = array<i32>} : memref<208x128xf32, #tpu.memory_space<vmem>>, vector<16xf32>,
      tpu.vector_store %arg5[%swap3A_569, %swap3A_570], %broadcast_in_dim3A_6 {strides = array<i32>} : memref<208x128xf32, #tpu.memory_space<vmem>>, vector<16xf32>,
      %mul3A_572 = arith.constant 8 : i32
      %mul3A_573 = arith.muli %scan3A_187, %mul3A_572 : i32
      %add3A_574 = arith.constant 6 : i32
      %add3A_575 = arith.addi %mul3A_573, %add3A_574 : i32
      %swap3A_576 = arith.index_cast %add3A_575 : i32 to index
      %swap3A_577 = arith.constant 112 : index
      %swap3A_578 = tpu.vector_load %arg5[%swap3A_576, %swap3A_577] {strides = array<i32>} : memref<208x128xf32, #tpu.memory_space<vmem>>, vector<16xf32>,
      tpu.vector_store %arg5[%swap3A_576, %swap3A_577], %broadcast_in_dim3A_6 {strides = array<i32>} : memref<208x128xf32, #tpu.memory_space<vmem>>, vector<16xf32>,
      %mul3A_579 = arith.constant 8 : i32
      %mul3A_580 = arith.muli %scan3A_187, %mul3A_579 : i32
      %add3A_581 = arith.constant 7 : i32
      %add3A_582 = arith.addi %mul3A_580, %add3A_581 : i32
      %swap3A_583 = arith.index_cast %add3A_582 : i32 to index
      %swap3A_584 = arith.constant 0 : index
      %swap3A_585 = tpu.vector_load %arg5[%swap3A_583, %swap3A_584] {strides = array<i32>} : memref<208x128xf32, #tpu.memory_space<vmem>>, vector<16xf32>,
      tpu.vector_store %arg5[%swap3A_583, %swap3A_584], %broadcast_in_dim3A_6 {strides = array<i32>} : memref<208x128xf32, #tpu.memory_space<vmem>>, vector<16xf32>,
      %mul3A_586 = arith.constant 8 : i32
      %mul3A_587 = arith.muli %scan3A_187, %mul3A_586 : i32
      %add3A_588 = arith.constant 7 : i32
      %add3A_589 = arith.addi %mul3A_587, %add3A_588 : i32
      %swap3A_590 = arith.index_cast %add3A_589 : i32 to index
      %swap3A_591 = arith.constant 16 : index
      %swap3A_592 = tpu.vector_load %arg5[%swap3A_590, %swap3A_591] {strides = array<i32>} : memref<208x128xf32, #tpu.memory_space<vmem>>, vector<16xf32>,
      tpu.vector_store %arg5[%swap3A_590, %swap3A_591], %broadcast_in_dim3A_6 {strides = array<i32>} : memref<208x128xf32, #tpu.memory_space<vmem>>, vector<16xf32>,
      %mul3A_593 = arith.constant 8 : i32
      %mul3A_594 = arith.muli %scan3A_187, %mul3A_593 : i32
      %add3A_595 = arith.constant 7 : i32
      %add3A_596 = arith.addi %mul3A_594, %add3A_595 : i32
      %swap3A_597 = arith.index_cast %add3A_596 : i32 to index
      %swap3A_598 = arith.constant 32 : index
      %swap3A_599 = tpu.vector_load %arg5[%swap3A_597, %swap3A_598] {strides = array<i32>} : memref<208x128xf32, #tpu.memory_space<vmem>>, vector<16xf32>,
      tpu.vector_store %arg5[%swap3A_597, %swap3A_598], %broadcast_in_dim3A_6 {strides = array<i32>} : memref<208x128xf32, #tpu.memory_space<vmem>>, vector<16xf32>,
      %mul3A_600 = arith.constant 8 : i32
      %mul3A_601 = arith.muli %scan3A_187, %mul3A_600 : i32
      %add3A_602 = arith.constant 7 : i32
      %add3A_603 = arith.addi %mul3A_601, %add3A_602 : i32
      %swap3A_604 = arith.index_cast %add3A_603 : i32 to index
      %swap3A_605 = arith.constant 48 : index
      %swap3A_606 = tpu.vector_load %arg5[%swap3A_604, %swap3A_605] {strides = array<i32>} : memref<208x128xf32, #tpu.memory_space<vmem>>, vector<16xf32>,
      tpu.vector_store %arg5[%swap3A_604, %swap3A_605], %broadcast_in_dim3A_6 {strides = array<i32>} : memref<208x128xf32, #tpu.memory_space<vmem>>, vector<16xf32>,
      %mul3A_607 = arith.constant 8 : i32
      %mul3A_608 = arith.muli %scan3A_187, %mul3A_607 : i32
      %add3A_609 = arith.constant 7 : i32
      %add3A_610 = arith.addi %mul3A_608, %add3A_609 : i32
      %swap3A_611 = arith.index_cast %add3A_610 : i32 to index
      %swap3A_612 = arith.constant 64 : index
      %swap3A_613 = tpu.vector_load %arg5[%swap3A_611, %swap3A_612] {strides = array<i32>} : memref<208x128xf32, #tpu.memory_space<vmem>>, vector<16xf32>,
      tpu.vector_store %arg5[%swap3A_611, %swap3A_612], %broadcast_in_dim3A_6 {strides = array<i32>} : memref<208x128xf32, #tpu.memory_space<vmem>>, vector<16xf32>,
      %mul3A_614 = arith.constant 8 : i32
      %mul3A_615 = arith.muli %scan3A_187, %mul3A_614 : i32
      %add3A_616 = arith.constant 7 : i32
      %add3A_617 = arith.addi %mul3A_615, %add3A_616 : i32
      %swap3A_618 = arith.index_cast %add3A_617 : i32 to index
      %swap3A_619 = arith.constant 80 : index
      %swap3A_620 = tpu.vector_load %arg5[%swap3A_618, %swap3A_619] {strides = array<i32>} : memref<208x128xf32, #tpu.memory_space<vmem>>, vector<16xf32>,
      tpu.vector_store %arg5[%swap3A_618, %swap3A_619], %broadcast_in_dim3A_6 {strides = array<i32>} : memref<208x128xf32, #tpu.memory_space<vmem>>, vector<16xf32>,
      %mul3A_621 = arith.constant 8 : i32
      %mul3A_622 = arith.muli %scan3A_187, %mul3A_621 : i32
      %add3A_623 = arith.constant 7 : i32
      %add3A_624 = arith.addi %mul3A_622, %add3A_623 : i32
      %swap3A_625 = arith.index_cast %add3A_624 : i32 to index
      %swap3A_626 = arith.constant 96 : index
      %swap3A_627 = tpu.vector_load %arg5[%swap3A_625, %swap3A_626] {strides = array<i32>} : memref<208x128xf32, #tpu.memory_space<vmem>>, vector<16xf32>,
      tpu.vector_store %arg5[%swap3A_625, %swap3A_626], %broadcast_in_dim3A_6 {strides = array<i32>} : memref<208x128xf32, #tpu.memory_space<vmem>>, vector<16xf32>,
      %mul3A_628 = arith.constant 8 : i32
      %mul3A_629 = arith.muli %scan3A_187, %mul3A_628 : i32
      %add3A_630 = arith.constant 7 : i32
      %add3A_631 = arith.addi %mul3A_629, %add3A_630 : i32
      %swap3A_632 = arith.index_cast %add3A_631 : i32 to index
      %swap3A_633 = arith.constant 112 : index
      %swap3A_634 = tpu.vector_load %arg5[%swap3A_632, %swap3A_633] {strides = array<i32>} : memref<208x128xf32, #tpu.memory_space<vmem>>, vector<16xf32>,
      tpu.vector_store %arg5[%swap3A_632, %swap3A_633], %broadcast_in_dim3A_6 {strides = array<i32>} : memref<208x128xf32, #tpu.memory_space<vmem>>, vector<16xf32>,
    }
    %scan3A_13 = arith.constant 26 : i32
    %dma_wait3A = arith.constant 0 : i32
    %dma_wait3A_14 = tpu.memref_slice %arg2[%dma_wait3A, %mul3A_2] : memref<26x16384xi32, #tpu.memory_space<hbm>> -> memref<26x512xi32, #tpu.memory_space<hbm>>
    %dma_wait3A_15 = arith.constant 0 : i32
    %dma_wait3A_16 = tpu.memref_slice %arg2[%dma_wait3A_15, %mul3A_2] : memref<26x16384xi32, #tpu.memory_space<hbm>> -> memref<26x512xi32, #tpu.memory_space<hbm>>
    tpu.wait_dma2 semaphore(%arg13 : memref<!tpu.dma_semaphore, #tpu.memory_space<semaphore_mem>>) src(%dma_wait3A_16 : memref<26x512xi32, #tpu.memory_space<hbm>>) dst(%arg4 : memref<26x512xi32, #tpu.memory_space<vmem>>)
    %scan3A_17 = arith.constant 0 : i32
    %scan3A_18 = arith.constant 0 : i32
    %scan3A_19 = arith.constant 8 : i32
    %scan3A_20 = arith.addi %scan3A_18, %scan3A_19 : i32
    %scan3A_21 = arith.constant 1 : i32
    scf.for %scan3A_187 = %scan3A_18 to %scan3A_20 step %scan3A_21  : i32 {
      %mul3A_188 = arith.constant 16 : i32
      %mul3A_189 = arith.muli %scan3A_187, %mul3A_188 : i32
      %add3A_190 = vector.broadcast %mul3A_189 : i32 to vector<16xi32>
      %add3A_191 = arith.addi %iota3A, %add3A_190 : vector<16xi32>
      %mul3A_192 = arith.constant 16 : i32
      %mul3A_193 = arith.muli %scan3A_187, %mul3A_192 : i32
      %add3A_194 = arith.constant 0 : i32
      %add3A_195 = arith.addi %add3A_194, %mul3A_193 : i32
      %get3A = arith.constant 0 : i32
      %get3A_196 = arith.index_cast %get3A : i32 to index
      %get3A_197 = arith.index_cast %add3A_195 : i32 to index
      %get3A_198 = tpu.vector_load %arg4[%get3A_196, %get3A_197] {strides = array<i32>} : memref<26x512xi32, #tpu.memory_space<vmem>>, vector<16xi32>,
      %sub3A = arith.constant 0 : i32
      %sub3A_199 = vector.broadcast %sub3A : i32 to vector<16xi32>
      %sub3A_200 = arith.subi %get3A_198, %sub3A_199 : vector<16xi32>
      %bitcast3A = vector.bitcast %sub3A_200 : vector<16xi32> to vector<16xi32>
      %lt3A = arith.constant 16 : i32
      %lt3A_201 = vector.broadcast %lt3A : i32 to vector<16xi32>
      %lt3A_202 = arith.cmpi ult, %bitcast3A, %lt3A_201 : vector<16xi32>
      %sub3A_203 = arith.constant 0 : i32
      %sub3A_204 = vector.broadcast %sub3A_203 : i32 to vector<16xi32>
      %sub3A_205 = arith.subi %get3A_198, %sub3A_204 : vector<16xi32>
      tpu.vector_store_idx %arg5[%sub3A_205, %add3A_191], %broadcast_in_dim3A_8 masked %lt3A_202 : memref<208x128xf32, #tpu.memory_space<vmem>>[vector<16xi32>, vector<16xi32>], vector<16xf32>, vector<16xi1>
      %mul3A_206 = arith.constant 16 : i32
      %mul3A_207 = arith.muli %scan3A_187, %mul3A_206 : i32
      %add3A_208 = arith.constant 0 : i32
      %add3A_209 = arith.addi %add3A_208, %mul3A_207 : i32
      %get3A_210 = arith.constant 1 : i32
      %get3A_211 = arith.index_cast %get3A_210 : i32 to index
      %get3A_212 = arith.index_cast %add3A_209 : i32 to index
      %get3A_213 = tpu.vector_load %arg4[%get3A_211, %get3A_212] {strides = array<i32>} : memref<26x512xi32, #tpu.memory_space<vmem>>, vector<16xi32>,
      %sub3A_214 = arith.constant 16 : i32
      %sub3A_215 = vector.broadcast %sub3A_214 : i32 to vector<16xi32>
      %sub3A_216 = arith.subi %get3A_213, %sub3A_215 : vector<16xi32>
      %bitcast3A_217 = vector.bitcast %sub3A_216 : vector<16xi32> to vector<16xi32>
      %lt3A_218 = arith.constant 16 : i32
      %lt3A_219 = vector.broadcast %lt3A_218 : i32 to vector<16xi32>
      %lt3A_220 = arith.cmpi ult, %bitcast3A_217, %lt3A_219 : vector<16xi32>
      %sub3A_221 = arith.constant 0 : i32
      %sub3A_222 = vector.broadcast %sub3A_221 : i32 to vector<16xi32>
      %sub3A_223 = arith.subi %get3A_213, %sub3A_222 : vector<16xi32>
      tpu.vector_store_idx %arg5[%sub3A_223, %add3A_191], %broadcast_in_dim3A_8 masked %lt3A_220 : memref<208x128xf32, #tpu.memory_space<vmem>>[vector<16xi32>, vector<16xi32>], vector<16xf32>, vector<16xi1>
      %mul3A_224 = arith.constant 16 : i32
      %mul3A_225 = arith.muli %scan3A_187, %mul3A_224 : i32
      %add3A_226 = arith.constant 0 : i32
      %add3A_227 = arith.addi %add3A_226, %mul3A_225 : i32
      %get3A_228 = arith.constant 2 : i32
      %get3A_229 = arith.index_cast %get3A_228 : i32 to index
      %get3A_230 = arith.index_cast %add3A_227 : i32 to index
      %get3A_231 = tpu.vector_load %arg4[%get3A_229, %get3A_230] {strides = array<i32>} : memref<26x512xi32, #tpu.memory_space<vmem>>, vector<16xi32>,
      %sub3A_232 = arith.constant 32 : i32
      %sub3A_233 = vector.broadcast %sub3A_232 : i32 to vector<16xi32>
      %sub3A_234 = arith.subi %get3A_231, %sub3A_233 : vector<16xi32>
      %bitcast3A_235 = vector.bitcast %sub3A_234 : vector<16xi32> to vector<16xi32>
      %lt3A_236 = arith.constant 16 : i32
      %lt3A_237 = vector.broadcast %lt3A_236 : i32 to vector<16xi32>
      %lt3A_238 = arith.cmpi ult, %bitcast3A_235, %lt3A_237 : vector<16xi32>
      %sub3A_239 = arith.constant 0 : i32
      %sub3A_240 = vector.broadcast %sub3A_239 : i32 to vector<16xi32>
      %sub3A_241 = arith.subi %get3A_231, %sub3A_240 : vector<16xi32>
      tpu.vector_store_idx %arg5[%sub3A_241, %add3A_191], %broadcast_in_dim3A_8 masked %lt3A_238 : memref<208x128xf32, #tpu.memory_space<vmem>>[vector<16xi32>, vector<16xi32>], vector<16xf32>, vector<16xi1>
      %mul3A_242 = arith.constant 16 : i32
      %mul3A_243 = arith.muli %scan3A_187, %mul3A_242 : i32
      %add3A_244 = arith.constant 0 : i32
      %add3A_245 = arith.addi %add3A_244, %mul3A_243 : i32
      %get3A_246 = arith.constant 3 : i32
      %get3A_247 = arith.index_cast %get3A_246 : i32 to index
      %get3A_248 = arith.index_cast %add3A_245 : i32 to index
      %get3A_249 = tpu.vector_load %arg4[%get3A_247, %get3A_248] {strides = array<i32>} : memref<26x512xi32, #tpu.memory_space<vmem>>, vector<16xi32>,
      %sub3A_250 = arith.constant 48 : i32
      %sub3A_251 = vector.broadcast %sub3A_250 : i32 to vector<16xi32>
      %sub3A_252 = arith.subi %get3A_249, %sub3A_251 : vector<16xi32>
      %bitcast3A_253 = vector.bitcast %sub3A_252 : vector<16xi32> to vector<16xi32>
      %lt3A_254 = arith.constant 16 : i32
      %lt3A_255 = vector.broadcast %lt3A_254 : i32 to vector<16xi32>
      %lt3A_256 = arith.cmpi ult, %bitcast3A_253, %lt3A_255 : vector<16xi32>
      %sub3A_257 = arith.constant 0 : i32
      %sub3A_258 = vector.broadcast %sub3A_257 : i32 to vector<16xi32>
      %sub3A_259 = arith.subi %get3A_249, %sub3A_258 : vector<16xi32>
      tpu.vector_store_idx %arg5[%sub3A_259, %add3A_191], %broadcast_in_dim3A_8 masked %lt3A_256 : memref<208x128xf32, #tpu.memory_space<vmem>>[vector<16xi32>, vector<16xi32>], vector<16xf32>, vector<16xi1>
      %mul3A_260 = arith.constant 16 : i32
      %mul3A_261 = arith.muli %scan3A_187, %mul3A_260 : i32
      %add3A_262 = arith.constant 0 : i32
      %add3A_263 = arith.addi %add3A_262, %mul3A_261 : i32
      %get3A_264 = arith.constant 4 : i32
      %get3A_265 = arith.index_cast %get3A_264 : i32 to index
      %get3A_266 = arith.index_cast %add3A_263 : i32 to index
      %get3A_267 = tpu.vector_load %arg4[%get3A_265, %get3A_266] {strides = array<i32>} : memref<26x512xi32, #tpu.memory_space<vmem>>, vector<16xi32>,
      %sub3A_268 = arith.constant 64 : i32
      %sub3A_269 = vector.broadcast %sub3A_268 : i32 to vector<16xi32>
      %sub3A_270 = arith.subi %get3A_267, %sub3A_269 : vector<16xi32>
      %bitcast3A_271 = vector.bitcast %sub3A_270 : vector<16xi32> to vector<16xi32>
      %lt3A_272 = arith.constant 16 : i32
      %lt3A_273 = vector.broadcast %lt3A_272 : i32 to vector<16xi32>
      %lt3A_274 = arith.cmpi ult, %bitcast3A_271, %lt3A_273 : vector<16xi32>
      %sub3A_275 = arith.constant 0 : i32
      %sub3A_276 = vector.broadcast %sub3A_275 : i32 to vector<16xi32>
      %sub3A_277 = arith.subi %get3A_267, %sub3A_276 : vector<16xi32>
      tpu.vector_store_idx %arg5[%sub3A_277, %add3A_191], %broadcast_in_dim3A_8 masked %lt3A_274 : memref<208x128xf32, #tpu.memory_space<vmem>>[vector<16xi32>, vector<16xi32>], vector<16xf32>, vector<16xi1>
      %mul3A_278 = arith.constant 16 : i32
      %mul3A_279 = arith.muli %scan3A_187, %mul3A_278 : i32
      %add3A_280 = arith.constant 0 : i32
      %add3A_281 = arith.addi %add3A_280, %mul3A_279 : i32
      %get3A_282 = arith.constant 5 : i32
      %get3A_283 = arith.index_cast %get3A_282 : i32 to index
      %get3A_284 = arith.index_cast %add3A_281 : i32 to index
      %get3A_285 = tpu.vector_load %arg4[%get3A_283, %get3A_284] {strides = array<i32>} : memref<26x512xi32, #tpu.memory_space<vmem>>, vector<16xi32>,
      %sub3A_286 = arith.constant 80 : i32
      %sub3A_287 = vector.broadcast %sub3A_286 : i32 to vector<16xi32>
      %sub3A_288 = arith.subi %get3A_285, %sub3A_287 : vector<16xi32>
      %bitcast3A_289 = vector.bitcast %sub3A_288 : vector<16xi32> to vector<16xi32>
      %lt3A_290 = arith.constant 16 : i32
      %lt3A_291 = vector.broadcast %lt3A_290 : i32 to vector<16xi32>
      %lt3A_292 = arith.cmpi ult, %bitcast3A_289, %lt3A_291 : vector<16xi32>
      %sub3A_293 = arith.constant 0 : i32
      %sub3A_294 = vector.broadcast %sub3A_293 : i32 to vector<16xi32>
      %sub3A_295 = arith.subi %get3A_285, %sub3A_294 : vector<16xi32>
      tpu.vector_store_idx %arg5[%sub3A_295, %add3A_191], %broadcast_in_dim3A_8 masked %lt3A_292 : memref<208x128xf32, #tpu.memory_space<vmem>>[vector<16xi32>, vector<16xi32>], vector<16xf32>, vector<16xi1>
      %mul3A_296 = arith.constant 16 : i32
      %mul3A_297 = arith.muli %scan3A_187, %mul3A_296 : i32
      %add3A_298 = arith.constant 0 : i32
      %add3A_299 = arith.addi %add3A_298, %mul3A_297 : i32
      %get3A_300 = arith.constant 6 : i32
      %get3A_301 = arith.index_cast %get3A_300 : i32 to index
      %get3A_302 = arith.index_cast %add3A_299 : i32 to index
      %get3A_303 = tpu.vector_load %arg4[%get3A_301, %get3A_302] {strides = array<i32>} : memref<26x512xi32, #tpu.memory_space<vmem>>, vector<16xi32>,
      %sub3A_304 = arith.constant 96 : i32
      %sub3A_305 = vector.broadcast %sub3A_304 : i32 to vector<16xi32>
      %sub3A_306 = arith.subi %get3A_303, %sub3A_305 : vector<16xi32>
      %bitcast3A_307 = vector.bitcast %sub3A_306 : vector<16xi32> to vector<16xi32>
      %lt3A_308 = arith.constant 16 : i32
      %lt3A_309 = vector.broadcast %lt3A_308 : i32 to vector<16xi32>
      %lt3A_310 = arith.cmpi ult, %bitcast3A_307, %lt3A_309 : vector<16xi32>
      %sub3A_311 = arith.constant 0 : i32
      %sub3A_312 = vector.broadcast %sub3A_311 : i32 to vector<16xi32>
      %sub3A_313 = arith.subi %get3A_303, %sub3A_312 : vector<16xi32>
      tpu.vector_store_idx %arg5[%sub3A_313, %add3A_191], %broadcast_in_dim3A_8 masked %lt3A_310 : memref<208x128xf32, #tpu.memory_space<vmem>>[vector<16xi32>, vector<16xi32>], vector<16xf32>, vector<16xi1>
      %mul3A_314 = arith.constant 16 : i32
      %mul3A_315 = arith.muli %scan3A_187, %mul3A_314 : i32
      %add3A_316 = arith.constant 0 : i32
      %add3A_317 = arith.addi %add3A_316, %mul3A_315 : i32
      %get3A_318 = arith.constant 7 : i32
      %get3A_319 = arith.index_cast %get3A_318 : i32 to index
      %get3A_320 = arith.index_cast %add3A_317 : i32 to index
      %get3A_321 = tpu.vector_load %arg4[%get3A_319, %get3A_320] {strides = array<i32>} : memref<26x512xi32, #tpu.memory_space<vmem>>, vector<16xi32>,
      %sub3A_322 = arith.constant 112 : i32
      %sub3A_323 = vector.broadcast %sub3A_322 : i32 to vector<16xi32>
      %sub3A_324 = arith.subi %get3A_321, %sub3A_323 : vector<16xi32>
      %bitcast3A_325 = vector.bitcast %sub3A_324 : vector<16xi32> to vector<16xi32>
      %lt3A_326 = arith.constant 16 : i32
      %lt3A_327 = vector.broadcast %lt3A_326 : i32 to vector<16xi32>
      %lt3A_328 = arith.cmpi ult, %bitcast3A_325, %lt3A_327 : vector<16xi32>
      %sub3A_329 = arith.constant 0 : i32
      %sub3A_330 = vector.broadcast %sub3A_329 : i32 to vector<16xi32>
      %sub3A_331 = arith.subi %get3A_321, %sub3A_330 : vector<16xi32>
      tpu.vector_store_idx %arg5[%sub3A_331, %add3A_191], %broadcast_in_dim3A_8 masked %lt3A_328 : memref<208x128xf32, #tpu.memory_space<vmem>>[vector<16xi32>, vector<16xi32>], vector<16xf32>, vector<16xi1>
      %mul3A_332 = arith.constant 16 : i32
      %mul3A_333 = arith.muli %scan3A_187, %mul3A_332 : i32
      %add3A_334 = arith.constant 0 : i32
      %add3A_335 = arith.addi %add3A_334, %mul3A_333 : i32
      %get3A_336 = arith.constant 8 : i32
      %get3A_337 = arith.index_cast %get3A_336 : i32 to index
      %get3A_338 = arith.index_cast %add3A_335 : i32 to index
      %get3A_339 = tpu.vector_load %arg4[%get3A_337, %get3A_338] {strides = array<i32>} : memref<26x512xi32, #tpu.memory_space<vmem>>, vector<16xi32>,
      %sub3A_340 = arith.constant 128 : i32
      %sub3A_341 = vector.broadcast %sub3A_340 : i32 to vector<16xi32>
      %sub3A_342 = arith.subi %get3A_339, %sub3A_341 : vector<16xi32>
      %bitcast3A_343 = vector.bitcast %sub3A_342 : vector<16xi32> to vector<16xi32>
      %lt3A_344 = arith.constant 16 : i32
      %lt3A_345 = vector.broadcast %lt3A_344 : i32 to vector<16xi32>
      %lt3A_346 = arith.cmpi ult, %bitcast3A_343, %lt3A_345 : vector<16xi32>
      %sub3A_347 = arith.constant 0 : i32
      %sub3A_348 = vector.broadcast %sub3A_347 : i32 to vector<16xi32>
      %sub3A_349 = arith.subi %get3A_339, %sub3A_348 : vector<16xi32>
      tpu.vector_store_idx %arg5[%sub3A_349, %add3A_191], %broadcast_in_dim3A_8 masked %lt3A_346 : memref<208x128xf32, #tpu.memory_space<vmem>>[vector<16xi32>, vector<16xi32>], vector<16xf32>, vector<16xi1>
      %mul3A_350 = arith.constant 16 : i32
      %mul3A_351 = arith.muli %scan3A_187, %mul3A_350 : i32
      %add3A_352 = arith.constant 0 : i32
      %add3A_353 = arith.addi %add3A_352, %mul3A_351 : i32
      %get3A_354 = arith.constant 9 : i32
      %get3A_355 = arith.index_cast %get3A_354 : i32 to index
      %get3A_356 = arith.index_cast %add3A_353 : i32 to index
      %get3A_357 = tpu.vector_load %arg4[%get3A_355, %get3A_356] {strides = array<i32>} : memref<26x512xi32, #tpu.memory_space<vmem>>, vector<16xi32>,
      %sub3A_358 = arith.constant 144 : i32
      %sub3A_359 = vector.broadcast %sub3A_358 : i32 to vector<16xi32>
      %sub3A_360 = arith.subi %get3A_357, %sub3A_359 : vector<16xi32>
      %bitcast3A_361 = vector.bitcast %sub3A_360 : vector<16xi32> to vector<16xi32>
      %lt3A_362 = arith.constant 16 : i32
      %lt3A_363 = vector.broadcast %lt3A_362 : i32 to vector<16xi32>
      %lt3A_364 = arith.cmpi ult, %bitcast3A_361, %lt3A_363 : vector<16xi32>
      %sub3A_365 = arith.constant 0 : i32
      %sub3A_366 = vector.broadcast %sub3A_365 : i32 to vector<16xi32>
      %sub3A_367 = arith.subi %get3A_357, %sub3A_366 : vector<16xi32>
      tpu.vector_store_idx %arg5[%sub3A_367, %add3A_191], %broadcast_in_dim3A_8 masked %lt3A_364 : memref<208x128xf32, #tpu.memory_space<vmem>>[vector<16xi32>, vector<16xi32>], vector<16xf32>, vector<16xi1>
      %mul3A_368 = arith.constant 16 : i32
      %mul3A_369 = arith.muli %scan3A_187, %mul3A_368 : i32
      %add3A_370 = arith.constant 0 : i32
      %add3A_371 = arith.addi %add3A_370, %mul3A_369 : i32
      %get3A_372 = arith.constant 10 : i32
      %get3A_373 = arith.index_cast %get3A_372 : i32 to index
      %get3A_374 = arith.index_cast %add3A_371 : i32 to index
      %get3A_375 = tpu.vector_load %arg4[%get3A_373, %get3A_374] {strides = array<i32>} : memref<26x512xi32, #tpu.memory_space<vmem>>, vector<16xi32>,
      %sub3A_376 = arith.constant 160 : i32
      %sub3A_377 = vector.broadcast %sub3A_376 : i32 to vector<16xi32>
      %sub3A_378 = arith.subi %get3A_375, %sub3A_377 : vector<16xi32>
      %bitcast3A_379 = vector.bitcast %sub3A_378 : vector<16xi32> to vector<16xi32>
      %lt3A_380 = arith.constant 16 : i32
      %lt3A_381 = vector.broadcast %lt3A_380 : i32 to vector<16xi32>
      %lt3A_382 = arith.cmpi ult, %bitcast3A_379, %lt3A_381 : vector<16xi32>
      %sub3A_383 = arith.constant 0 : i32
      %sub3A_384 = vector.broadcast %sub3A_383 : i32 to vector<16xi32>
      %sub3A_385 = arith.subi %get3A_375, %sub3A_384 : vector<16xi32>
      tpu.vector_store_idx %arg5[%sub3A_385, %add3A_191], %broadcast_in_dim3A_8 masked %lt3A_382 : memref<208x128xf32, #tpu.memory_space<vmem>>[vector<16xi32>, vector<16xi32>], vector<16xf32>, vector<16xi1>
      %mul3A_386 = arith.constant 16 : i32
      %mul3A_387 = arith.muli %scan3A_187, %mul3A_386 : i32
      %add3A_388 = arith.constant 0 : i32
      %add3A_389 = arith.addi %add3A_388, %mul3A_387 : i32
      %get3A_390 = arith.constant 11 : i32
      %get3A_391 = arith.index_cast %get3A_390 : i32 to index
      %get3A_392 = arith.index_cast %add3A_389 : i32 to index
      %get3A_393 = tpu.vector_load %arg4[%get3A_391, %get3A_392] {strides = array<i32>} : memref<26x512xi32, #tpu.memory_space<vmem>>, vector<16xi32>,
      %sub3A_394 = arith.constant 176 : i32
      %sub3A_395 = vector.broadcast %sub3A_394 : i32 to vector<16xi32>
      %sub3A_396 = arith.subi %get3A_393, %sub3A_395 : vector<16xi32>
      %bitcast3A_397 = vector.bitcast %sub3A_396 : vector<16xi32> to vector<16xi32>
      %lt3A_398 = arith.constant 16 : i32
      %lt3A_399 = vector.broadcast %lt3A_398 : i32 to vector<16xi32>
      %lt3A_400 = arith.cmpi ult, %bitcast3A_397, %lt3A_399 : vector<16xi32>
      %sub3A_401 = arith.constant 0 : i32
      %sub3A_402 = vector.broadcast %sub3A_401 : i32 to vector<16xi32>
      %sub3A_403 = arith.subi %get3A_393, %sub3A_402 : vector<16xi32>
      tpu.vector_store_idx %arg5[%sub3A_403, %add3A_191], %broadcast_in_dim3A_8 masked %lt3A_400 : memref<208x128xf32, #tpu.memory_space<vmem>>[vector<16xi32>, vector<16xi32>], vector<16xf32>, vector<16xi1>
      %mul3A_404 = arith.constant 16 : i32
      %mul3A_405 = arith.muli %scan3A_187, %mul3A_404 : i32
      %add3A_406 = arith.constant 0 : i32
      %add3A_407 = arith.addi %add3A_406, %mul3A_405 : i32
      %get3A_408 = arith.constant 12 : i32
      %get3A_409 = arith.index_cast %get3A_408 : i32 to index
      %get3A_410 = arith.index_cast %add3A_407 : i32 to index
      %get3A_411 = tpu.vector_load %arg4[%get3A_409, %get3A_410] {strides = array<i32>} : memref<26x512xi32, #tpu.memory_space<vmem>>, vector<16xi32>,
      %sub3A_412 = arith.constant 192 : i32
      %sub3A_413 = vector.broadcast %sub3A_412 : i32 to vector<16xi32>
      %sub3A_414 = arith.subi %get3A_411, %sub3A_413 : vector<16xi32>
      %bitcast3A_415 = vector.bitcast %sub3A_414 : vector<16xi32> to vector<16xi32>
      %lt3A_416 = arith.constant 16 : i32
      %lt3A_417 = vector.broadcast %lt3A_416 : i32 to vector<16xi32>
      %lt3A_418 = arith.cmpi ult, %bitcast3A_415, %lt3A_417 : vector<16xi32>
      %sub3A_419 = arith.constant 0 : i32
      %sub3A_420 = vector.broadcast %sub3A_419 : i32 to vector<16xi32>
      %sub3A_421 = arith.subi %get3A_411, %sub3A_420 : vector<16xi32>
      tpu.vector_store_idx %arg5[%sub3A_421, %add3A_191], %broadcast_in_dim3A_8 masked %lt3A_418 : memref<208x128xf32, #tpu.memory_space<vmem>>[vector<16xi32>, vector<16xi32>], vector<16xf32>, vector<16xi1>
    }
    %scan3A_22 = arith.constant 8 : i32
    %add3A_23 = arith.constant 0 : i32
    %add3A_24 = arith.addi %mul3A_2, %add3A_23 : i32
    %dma_start3A_25 = arith.constant 0 : i32
    %dma_start3A_26 = tpu.memref_slice %arg3[%dma_start3A_25, %add3A_24] : memref<416x16384xf32, #tpu.memory_space<hbm>> -> memref<208x128xf32, #tpu.memory_space<hbm>>
    %dma_start3A_27 = arith.constant 0 : i32
    %dma_start3A_28 = tpu.memref_slice %arg3[%dma_start3A_27, %add3A_24] : memref<416x16384xf32, #tpu.memory_space<hbm>> -> memref<208x128xf32, #tpu.memory_space<hbm>>
    tpu.enqueue_dma source(%arg5 : memref<208x128xf32, #tpu.memory_space<vmem>>) target(%dma_start3A_28 : memref<208x128xf32, #tpu.memory_space<hbm>>) target_semaphore(%arg9 : memref<!tpu.dma_semaphore, #tpu.memory_space<semaphore_mem>>)
    %scan3A_29 = arith.constant 0 : i32
    %scan3A_30 = arith.constant 0 : i32
    %scan3A_31 = arith.constant 26 : i32
    %scan3A_32 = arith.addi %scan3A_30, %scan3A_31 : i32
    %scan3A_33 = arith.constant 1 : i32
    scf.for %scan3A_187 = %scan3A_30 to %scan3A_32 step %scan3A_33  : i32 {
      %mul3A_188 = arith.constant 8 : i32
      %mul3A_189 = arith.muli %scan3A_187, %mul3A_188 : i32
      %add3A_190 = arith.constant 0 : i32
      %add3A_191 = arith.addi %mul3A_189, %add3A_190 : i32
      %swap3A = arith.index_cast %add3A_191 : i32 to index
      %swap3A_192 = arith.constant 0 : index
      %swap3A_193 = tpu.vector_load %arg6[%swap3A, %swap3A_192] {strides = array<i32>} : memref<208x128xf32, #tpu.memory_space<vmem>>, vector<16xf32>,
      tpu.vector_store %arg6[%swap3A, %swap3A_192], %broadcast_in_dim3A_6 {strides = array<i32>} : memref<208x128xf32, #tpu.memory_space<vmem>>, vector<16xf32>,
      %mul3A_194 = arith.constant 8 : i32
      %mul3A_195 = arith.muli %scan3A_187, %mul3A_194 : i32
      %add3A_196 = arith.constant 0 : i32
      %add3A_197 = arith.addi %mul3A_195, %add3A_196 : i32
      %swap3A_198 = arith.index_cast %add3A_197 : i32 to index
      %swap3A_199 = arith.constant 16 : index
      %swap3A_200 = tpu.vector_load %arg6[%swap3A_198, %swap3A_199] {strides = array<i32>} : memref<208x128xf32, #tpu.memory_space<vmem>>, vector<16xf32>,
      tpu.vector_store %arg6[%swap3A_198, %swap3A_199], %broadcast_in_dim3A_6 {strides = array<i32>} : memref<208x128xf32, #tpu.memory_space<vmem>>, vector<16xf32>,
      %mul3A_201 = arith.constant 8 : i32
      %mul3A_202 = arith.muli %scan3A_187, %mul3A_201 : i32
      %add3A_203 = arith.constant 0 : i32
      %add3A_204 = arith.addi %mul3A_202, %add3A_203 : i32
      %swap3A_205 = arith.index_cast %add3A_204 : i32 to index
      %swap3A_206 = arith.constant 32 : index
      %swap3A_207 = tpu.vector_load %arg6[%swap3A_205, %swap3A_206] {strides = array<i32>} : memref<208x128xf32, #tpu.memory_space<vmem>>, vector<16xf32>,
      tpu.vector_store %arg6[%swap3A_205, %swap3A_206], %broadcast_in_dim3A_6 {strides = array<i32>} : memref<208x128xf32, #tpu.memory_space<vmem>>, vector<16xf32>,
      %mul3A_208 = arith.constant 8 : i32
      %mul3A_209 = arith.muli %scan3A_187, %mul3A_208 : i32
      %add3A_210 = arith.constant 0 : i32
      %add3A_211 = arith.addi %mul3A_209, %add3A_210 : i32
      %swap3A_212 = arith.index_cast %add3A_211 : i32 to index
      %swap3A_213 = arith.constant 48 : index
      %swap3A_214 = tpu.vector_load %arg6[%swap3A_212, %swap3A_213] {strides = array<i32>} : memref<208x128xf32, #tpu.memory_space<vmem>>, vector<16xf32>,
      tpu.vector_store %arg6[%swap3A_212, %swap3A_213], %broadcast_in_dim3A_6 {strides = array<i32>} : memref<208x128xf32, #tpu.memory_space<vmem>>, vector<16xf32>,
      %mul3A_215 = arith.constant 8 : i32
      %mul3A_216 = arith.muli %scan3A_187, %mul3A_215 : i32
      %add3A_217 = arith.constant 0 : i32
      %add3A_218 = arith.addi %mul3A_216, %add3A_217 : i32
      %swap3A_219 = arith.index_cast %add3A_218 : i32 to index
      %swap3A_220 = arith.constant 64 : index
      %swap3A_221 = tpu.vector_load %arg6[%swap3A_219, %swap3A_220] {strides = array<i32>} : memref<208x128xf32, #tpu.memory_space<vmem>>, vector<16xf32>,
      tpu.vector_store %arg6[%swap3A_219, %swap3A_220], %broadcast_in_dim3A_6 {strides = array<i32>} : memref<208x128xf32, #tpu.memory_space<vmem>>, vector<16xf32>,
      %mul3A_222 = arith.constant 8 : i32
      %mul3A_223 = arith.muli %scan3A_187, %mul3A_222 : i32
      %add3A_224 = arith.constant 0 : i32
      %add3A_225 = arith.addi %mul3A_223, %add3A_224 : i32
      %swap3A_226 = arith.index_cast %add3A_225 : i32 to index
      %swap3A_227 = arith.constant 80 : index
      %swap3A_228 = tpu.vector_load %arg6[%swap3A_226, %swap3A_227] {strides = array<i32>} : memref<208x128xf32, #tpu.memory_space<vmem>>, vector<16xf32>,
      tpu.vector_store %arg6[%swap3A_226, %swap3A_227], %broadcast_in_dim3A_6 {strides = array<i32>} : memref<208x128xf32, #tpu.memory_space<vmem>>, vector<16xf32>,
      %mul3A_229 = arith.constant 8 : i32
      %mul3A_230 = arith.muli %scan3A_187, %mul3A_229 : i32
      %add3A_231 = arith.constant 0 : i32
      %add3A_232 = arith.addi %mul3A_230, %add3A_231 : i32
      %swap3A_233 = arith.index_cast %add3A_232 : i32 to index
      %swap3A_234 = arith.constant 96 : index
      %swap3A_235 = tpu.vector_load %arg6[%swap3A_233, %swap3A_234] {strides = array<i32>} : memref<208x128xf32, #tpu.memory_space<vmem>>, vector<16xf32>,
      tpu.vector_store %arg6[%swap3A_233, %swap3A_234], %broadcast_in_dim3A_6 {strides = array<i32>} : memref<208x128xf32, #tpu.memory_space<vmem>>, vector<16xf32>,
      %mul3A_236 = arith.constant 8 : i32
      %mul3A_237 = arith.muli %scan3A_187, %mul3A_236 : i32
      %add3A_238 = arith.constant 0 : i32
      %add3A_239 = arith.addi %mul3A_237, %add3A_238 : i32
      %swap3A_240 = arith.index_cast %add3A_239 : i32 to index
      %swap3A_241 = arith.constant 112 : index
      %swap3A_242 = tpu.vector_load %arg6[%swap3A_240, %swap3A_241] {strides = array<i32>} : memref<208x128xf32, #tpu.memory_space<vmem>>, vector<16xf32>,
      tpu.vector_store %arg6[%swap3A_240, %swap3A_241], %broadcast_in_dim3A_6 {strides = array<i32>} : memref<208x128xf32, #tpu.memory_space<vmem>>, vector<16xf32>,
      %mul3A_243 = arith.constant 8 : i32
      %mul3A_244 = arith.muli %scan3A_187, %mul3A_243 : i32
      %add3A_245 = arith.constant 1 : i32
      %add3A_246 = arith.addi %mul3A_244, %add3A_245 : i32
      %swap3A_247 = arith.index_cast %add3A_246 : i32 to index
      %swap3A_248 = arith.constant 0 : index
      %swap3A_249 = tpu.vector_load %arg6[%swap3A_247, %swap3A_248] {strides = array<i32>} : memref<208x128xf32, #tpu.memory_space<vmem>>, vector<16xf32>,
      tpu.vector_store %arg6[%swap3A_247, %swap3A_248], %broadcast_in_dim3A_6 {strides = array<i32>} : memref<208x128xf32, #tpu.memory_space<vmem>>, vector<16xf32>,
      %mul3A_250 = arith.constant 8 : i32
      %mul3A_251 = arith.muli %scan3A_187, %mul3A_250 : i32
      %add3A_252 = arith.constant 1 : i32
      %add3A_253 = arith.addi %mul3A_251, %add3A_252 : i32
      %swap3A_254 = arith.index_cast %add3A_253 : i32 to index
      %swap3A_255 = arith.constant 16 : index
      %swap3A_256 = tpu.vector_load %arg6[%swap3A_254, %swap3A_255] {strides = array<i32>} : memref<208x128xf32, #tpu.memory_space<vmem>>, vector<16xf32>,
      tpu.vector_store %arg6[%swap3A_254, %swap3A_255], %broadcast_in_dim3A_6 {strides = array<i32>} : memref<208x128xf32, #tpu.memory_space<vmem>>, vector<16xf32>,
      %mul3A_257 = arith.constant 8 : i32
      %mul3A_258 = arith.muli %scan3A_187, %mul3A_257 : i32
      %add3A_259 = arith.constant 1 : i32
      %add3A_260 = arith.addi %mul3A_258, %add3A_259 : i32
      %swap3A_261 = arith.index_cast %add3A_260 : i32 to index
      %swap3A_262 = arith.constant 32 : index
      %swap3A_263 = tpu.vector_load %arg6[%swap3A_261, %swap3A_262] {strides = array<i32>} : memref<208x128xf32, #tpu.memory_space<vmem>>, vector<16xf32>,
      tpu.vector_store %arg6[%swap3A_261, %swap3A_262], %broadcast_in_dim3A_6 {strides = array<i32>} : memref<208x128xf32, #tpu.memory_space<vmem>>, vector<16xf32>,
      %mul3A_264 = arith.constant 8 : i32
      %mul3A_265 = arith.muli %scan3A_187, %mul3A_264 : i32
      %add3A_266 = arith.constant 1 : i32
      %add3A_267 = arith.addi %mul3A_265, %add3A_266 : i32
      %swap3A_268 = arith.index_cast %add3A_267 : i32 to index
      %swap3A_269 = arith.constant 48 : index
      %swap3A_270 = tpu.vector_load %arg6[%swap3A_268, %swap3A_269] {strides = array<i32>} : memref<208x128xf32, #tpu.memory_space<vmem>>, vector<16xf32>,
      tpu.vector_store %arg6[%swap3A_268, %swap3A_269], %broadcast_in_dim3A_6 {strides = array<i32>} : memref<208x128xf32, #tpu.memory_space<vmem>>, vector<16xf32>,
      %mul3A_271 = arith.constant 8 : i32
      %mul3A_272 = arith.muli %scan3A_187, %mul3A_271 : i32
      %add3A_273 = arith.constant 1 : i32
      %add3A_274 = arith.addi %mul3A_272, %add3A_273 : i32
      %swap3A_275 = arith.index_cast %add3A_274 : i32 to index
      %swap3A_276 = arith.constant 64 : index
      %swap3A_277 = tpu.vector_load %arg6[%swap3A_275, %swap3A_276] {strides = array<i32>} : memref<208x128xf32, #tpu.memory_space<vmem>>, vector<16xf32>,
      tpu.vector_store %arg6[%swap3A_275, %swap3A_276], %broadcast_in_dim3A_6 {strides = array<i32>} : memref<208x128xf32, #tpu.memory_space<vmem>>, vector<16xf32>,
      %mul3A_278 = arith.constant 8 : i32
      %mul3A_279 = arith.muli %scan3A_187, %mul3A_278 : i32
      %add3A_280 = arith.constant 1 : i32
      %add3A_281 = arith.addi %mul3A_279, %add3A_280 : i32
      %swap3A_282 = arith.index_cast %add3A_281 : i32 to index
      %swap3A_283 = arith.constant 80 : index
      %swap3A_284 = tpu.vector_load %arg6[%swap3A_282, %swap3A_283] {strides = array<i32>} : memref<208x128xf32, #tpu.memory_space<vmem>>, vector<16xf32>,
      tpu.vector_store %arg6[%swap3A_282, %swap3A_283], %broadcast_in_dim3A_6 {strides = array<i32>} : memref<208x128xf32, #tpu.memory_space<vmem>>, vector<16xf32>,
      %mul3A_285 = arith.constant 8 : i32
      %mul3A_286 = arith.muli %scan3A_187, %mul3A_285 : i32
      %add3A_287 = arith.constant 1 : i32
      %add3A_288 = arith.addi %mul3A_286, %add3A_287 : i32
      %swap3A_289 = arith.index_cast %add3A_288 : i32 to index
      %swap3A_290 = arith.constant 96 : index
      %swap3A_291 = tpu.vector_load %arg6[%swap3A_289, %swap3A_290] {strides = array<i32>} : memref<208x128xf32, #tpu.memory_space<vmem>>, vector<16xf32>,
      tpu.vector_store %arg6[%swap3A_289, %swap3A_290], %broadcast_in_dim3A_6 {strides = array<i32>} : memref<208x128xf32, #tpu.memory_space<vmem>>, vector<16xf32>,
      %mul3A_292 = arith.constant 8 : i32
      %mul3A_293 = arith.muli %scan3A_187, %mul3A_292 : i32
      %add3A_294 = arith.constant 1 : i32
      %add3A_295 = arith.addi %mul3A_293, %add3A_294 : i32
      %swap3A_296 = arith.index_cast %add3A_295 : i32 to index
      %swap3A_297 = arith.constant 112 : index
      %swap3A_298 = tpu.vector_load %arg6[%swap3A_296, %swap3A_297] {strides = array<i32>} : memref<208x128xf32, #tpu.memory_space<vmem>>, vector<16xf32>,
      tpu.vector_store %arg6[%swap3A_296, %swap3A_297], %broadcast_in_dim3A_6 {strides = array<i32>} : memref<208x128xf32, #tpu.memory_space<vmem>>, vector<16xf32>,
      %mul3A_299 = arith.constant 8 : i32
      %mul3A_300 = arith.muli %scan3A_187, %mul3A_299 : i32
      %add3A_301 = arith.constant 2 : i32
      %add3A_302 = arith.addi %mul3A_300, %add3A_301 : i32
      %swap3A_303 = arith.index_cast %add3A_302 : i32 to index
      %swap3A_304 = arith.constant 0 : index
      %swap3A_305 = tpu.vector_load %arg6[%swap3A_303, %swap3A_304] {strides = array<i32>} : memref<208x128xf32, #tpu.memory_space<vmem>>, vector<16xf32>,
      tpu.vector_store %arg6[%swap3A_303, %swap3A_304], %broadcast_in_dim3A_6 {strides = array<i32>} : memref<208x128xf32, #tpu.memory_space<vmem>>, vector<16xf32>,
      %mul3A_306 = arith.constant 8 : i32
      %mul3A_307 = arith.muli %scan3A_187, %mul3A_306 : i32
      %add3A_308 = arith.constant 2 : i32
      %add3A_309 = arith.addi %mul3A_307, %add3A_308 : i32
      %swap3A_310 = arith.index_cast %add3A_309 : i32 to index
      %swap3A_311 = arith.constant 16 : index
      %swap3A_312 = tpu.vector_load %arg6[%swap3A_310, %swap3A_311] {strides = array<i32>} : memref<208x128xf32, #tpu.memory_space<vmem>>, vector<16xf32>,
      tpu.vector_store %arg6[%swap3A_310, %swap3A_311], %broadcast_in_dim3A_6 {strides = array<i32>} : memref<208x128xf32, #tpu.memory_space<vmem>>, vector<16xf32>,
      %mul3A_313 = arith.constant 8 : i32
      %mul3A_314 = arith.muli %scan3A_187, %mul3A_313 : i32
      %add3A_315 = arith.constant 2 : i32
      %add3A_316 = arith.addi %mul3A_314, %add3A_315 : i32
      %swap3A_317 = arith.index_cast %add3A_316 : i32 to index
      %swap3A_318 = arith.constant 32 : index
      %swap3A_319 = tpu.vector_load %arg6[%swap3A_317, %swap3A_318] {strides = array<i32>} : memref<208x128xf32, #tpu.memory_space<vmem>>, vector<16xf32>,
      tpu.vector_store %arg6[%swap3A_317, %swap3A_318], %broadcast_in_dim3A_6 {strides = array<i32>} : memref<208x128xf32, #tpu.memory_space<vmem>>, vector<16xf32>,
      %mul3A_320 = arith.constant 8 : i32
      %mul3A_321 = arith.muli %scan3A_187, %mul3A_320 : i32
      %add3A_322 = arith.constant 2 : i32
      %add3A_323 = arith.addi %mul3A_321, %add3A_322 : i32
      %swap3A_324 = arith.index_cast %add3A_323 : i32 to index
      %swap3A_325 = arith.constant 48 : index
      %swap3A_326 = tpu.vector_load %arg6[%swap3A_324, %swap3A_325] {strides = array<i32>} : memref<208x128xf32, #tpu.memory_space<vmem>>, vector<16xf32>,
      tpu.vector_store %arg6[%swap3A_324, %swap3A_325], %broadcast_in_dim3A_6 {strides = array<i32>} : memref<208x128xf32, #tpu.memory_space<vmem>>, vector<16xf32>,
      %mul3A_327 = arith.constant 8 : i32
      %mul3A_328 = arith.muli %scan3A_187, %mul3A_327 : i32
      %add3A_329 = arith.constant 2 : i32
      %add3A_330 = arith.addi %mul3A_328, %add3A_329 : i32
      %swap3A_331 = arith.index_cast %add3A_330 : i32 to index
      %swap3A_332 = arith.constant 64 : index
      %swap3A_333 = tpu.vector_load %arg6[%swap3A_331, %swap3A_332] {strides = array<i32>} : memref<208x128xf32, #tpu.memory_space<vmem>>, vector<16xf32>,
      tpu.vector_store %arg6[%swap3A_331, %swap3A_332], %broadcast_in_dim3A_6 {strides = array<i32>} : memref<208x128xf32, #tpu.memory_space<vmem>>, vector<16xf32>,
      %mul3A_334 = arith.constant 8 : i32
      %mul3A_335 = arith.muli %scan3A_187, %mul3A_334 : i32
      %add3A_336 = arith.constant 2 : i32
      %add3A_337 = arith.addi %mul3A_335, %add3A_336 : i32
      %swap3A_338 = arith.index_cast %add3A_337 : i32 to index
      %swap3A_339 = arith.constant 80 : index
      %swap3A_340 = tpu.vector_load %arg6[%swap3A_338, %swap3A_339] {strides = array<i32>} : memref<208x128xf32, #tpu.memory_space<vmem>>, vector<16xf32>,
      tpu.vector_store %arg6[%swap3A_338, %swap3A_339], %broadcast_in_dim3A_6 {strides = array<i32>} : memref<208x128xf32, #tpu.memory_space<vmem>>, vector<16xf32>,
      %mul3A_341 = arith.constant 8 : i32
      %mul3A_342 = arith.muli %scan3A_187, %mul3A_341 : i32
      %add3A_343 = arith.constant 2 : i32
      %add3A_344 = arith.addi %mul3A_342, %add3A_343 : i32
      %swap3A_345 = arith.index_cast %add3A_344 : i32 to index
      %swap3A_346 = arith.constant 96 : index
      %swap3A_347 = tpu.vector_load %arg6[%swap3A_345, %swap3A_346] {strides = array<i32>} : memref<208x128xf32, #tpu.memory_space<vmem>>, vector<16xf32>,
      tpu.vector_store %arg6[%swap3A_345, %swap3A_346], %broadcast_in_dim3A_6 {strides = array<i32>} : memref<208x128xf32, #tpu.memory_space<vmem>>, vector<16xf32>,
      %mul3A_348 = arith.constant 8 : i32
      %mul3A_349 = arith.muli %scan3A_187, %mul3A_348 : i32
      %add3A_350 = arith.constant 2 : i32
      %add3A_351 = arith.addi %mul3A_349, %add3A_350 : i32
      %swap3A_352 = arith.index_cast %add3A_351 : i32 to index
      %swap3A_353 = arith.constant 112 : index
      %swap3A_354 = tpu.vector_load %arg6[%swap3A_352, %swap3A_353] {strides = array<i32>} : memref<208x128xf32, #tpu.memory_space<vmem>>, vector<16xf32>,
      tpu.vector_store %arg6[%swap3A_352, %swap3A_353], %broadcast_in_dim3A_6 {strides = array<i32>} : memref<208x128xf32, #tpu.memory_space<vmem>>, vector<16xf32>,
      %mul3A_355 = arith.constant 8 : i32
      %mul3A_356 = arith.muli %scan3A_187, %mul3A_355 : i32
      %add3A_357 = arith.constant 3 : i32
      %add3A_358 = arith.addi %mul3A_356, %add3A_357 : i32
      %swap3A_359 = arith.index_cast %add3A_358 : i32 to index
      %swap3A_360 = arith.constant 0 : index
      %swap3A_361 = tpu.vector_load %arg6[%swap3A_359, %swap3A_360] {strides = array<i32>} : memref<208x128xf32, #tpu.memory_space<vmem>>, vector<16xf32>,
      tpu.vector_store %arg6[%swap3A_359, %swap3A_360], %broadcast_in_dim3A_6 {strides = array<i32>} : memref<208x128xf32, #tpu.memory_space<vmem>>, vector<16xf32>,
      %mul3A_362 = arith.constant 8 : i32
      %mul3A_363 = arith.muli %scan3A_187, %mul3A_362 : i32
      %add3A_364 = arith.constant 3 : i32
      %add3A_365 = arith.addi %mul3A_363, %add3A_364 : i32
      %swap3A_366 = arith.index_cast %add3A_365 : i32 to index
      %swap3A_367 = arith.constant 16 : index
      %swap3A_368 = tpu.vector_load %arg6[%swap3A_366, %swap3A_367] {strides = array<i32>} : memref<208x128xf32, #tpu.memory_space<vmem>>, vector<16xf32>,
      tpu.vector_store %arg6[%swap3A_366, %swap3A_367], %broadcast_in_dim3A_6 {strides = array<i32>} : memref<208x128xf32, #tpu.memory_space<vmem>>, vector<16xf32>,
      %mul3A_369 = arith.constant 8 : i32
      %mul3A_370 = arith.muli %scan3A_187, %mul3A_369 : i32
      %add3A_371 = arith.constant 3 : i32
      %add3A_372 = arith.addi %mul3A_370, %add3A_371 : i32
      %swap3A_373 = arith.index_cast %add3A_372 : i32 to index
      %swap3A_374 = arith.constant 32 : index
      %swap3A_375 = tpu.vector_load %arg6[%swap3A_373, %swap3A_374] {strides = array<i32>} : memref<208x128xf32, #tpu.memory_space<vmem>>, vector<16xf32>,
      tpu.vector_store %arg6[%swap3A_373, %swap3A_374], %broadcast_in_dim3A_6 {strides = array<i32>} : memref<208x128xf32, #tpu.memory_space<vmem>>, vector<16xf32>,
      %mul3A_376 = arith.constant 8 : i32
      %mul3A_377 = arith.muli %scan3A_187, %mul3A_376 : i32
      %add3A_378 = arith.constant 3 : i32
      %add3A_379 = arith.addi %mul3A_377, %add3A_378 : i32
      %swap3A_380 = arith.index_cast %add3A_379 : i32 to index
      %swap3A_381 = arith.constant 48 : index
      %swap3A_382 = tpu.vector_load %arg6[%swap3A_380, %swap3A_381] {strides = array<i32>} : memref<208x128xf32, #tpu.memory_space<vmem>>, vector<16xf32>,
      tpu.vector_store %arg6[%swap3A_380, %swap3A_381], %broadcast_in_dim3A_6 {strides = array<i32>} : memref<208x128xf32, #tpu.memory_space<vmem>>, vector<16xf32>,
      %mul3A_383 = arith.constant 8 : i32
      %mul3A_384 = arith.muli %scan3A_187, %mul3A_383 : i32
      %add3A_385 = arith.constant 3 : i32
      %add3A_386 = arith.addi %mul3A_384, %add3A_385 : i32
      %swap3A_387 = arith.index_cast %add3A_386 : i32 to index
      %swap3A_388 = arith.constant 64 : index
      %swap3A_389 = tpu.vector_load %arg6[%swap3A_387, %swap3A_388] {strides = array<i32>} : memref<208x128xf32, #tpu.memory_space<vmem>>, vector<16xf32>,
      tpu.vector_store %arg6[%swap3A_387, %swap3A_388], %broadcast_in_dim3A_6 {strides = array<i32>} : memref<208x128xf32, #tpu.memory_space<vmem>>, vector<16xf32>,
      %mul3A_390 = arith.constant 8 : i32
      %mul3A_391 = arith.muli %scan3A_187, %mul3A_390 : i32
      %add3A_392 = arith.constant 3 : i32
      %add3A_393 = arith.addi %mul3A_391, %add3A_392 : i32
      %swap3A_394 = arith.index_cast %add3A_393 : i32 to index
      %swap3A_395 = arith.constant 80 : index
      %swap3A_396 = tpu.vector_load %arg6[%swap3A_394, %swap3A_395] {strides = array<i32>} : memref<208x128xf32, #tpu.memory_space<vmem>>, vector<16xf32>,
      tpu.vector_store %arg6[%swap3A_394, %swap3A_395], %broadcast_in_dim3A_6 {strides = array<i32>} : memref<208x128xf32, #tpu.memory_space<vmem>>, vector<16xf32>,
      %mul3A_397 = arith.constant 8 : i32
      %mul3A_398 = arith.muli %scan3A_187, %mul3A_397 : i32
      %add3A_399 = arith.constant 3 : i32
      %add3A_400 = arith.addi %mul3A_398, %add3A_399 : i32
      %swap3A_401 = arith.index_cast %add3A_400 : i32 to index
      %swap3A_402 = arith.constant 96 : index
      %swap3A_403 = tpu.vector_load %arg6[%swap3A_401, %swap3A_402] {strides = array<i32>} : memref<208x128xf32, #tpu.memory_space<vmem>>, vector<16xf32>,
      tpu.vector_store %arg6[%swap3A_401, %swap3A_402], %broadcast_in_dim3A_6 {strides = array<i32>} : memref<208x128xf32, #tpu.memory_space<vmem>>, vector<16xf32>,
      %mul3A_404 = arith.constant 8 : i32
      %mul3A_405 = arith.muli %scan3A_187, %mul3A_404 : i32
      %add3A_406 = arith.constant 3 : i32
      %add3A_407 = arith.addi %mul3A_405, %add3A_406 : i32
      %swap3A_408 = arith.index_cast %add3A_407 : i32 to index
      %swap3A_409 = arith.constant 112 : index
      %swap3A_410 = tpu.vector_load %arg6[%swap3A_408, %swap3A_409] {strides = array<i32>} : memref<208x128xf32, #tpu.memory_space<vmem>>, vector<16xf32>,
      tpu.vector_store %arg6[%swap3A_408, %swap3A_409], %broadcast_in_dim3A_6 {strides = array<i32>} : memref<208x128xf32, #tpu.memory_space<vmem>>, vector<16xf32>,
      %mul3A_411 = arith.constant 8 : i32
      %mul3A_412 = arith.muli %scan3A_187, %mul3A_411 : i32
      %add3A_413 = arith.constant 4 : i32
      %add3A_414 = arith.addi %mul3A_412, %add3A_413 : i32
      %swap3A_415 = arith.index_cast %add3A_414 : i32 to index
      %swap3A_416 = arith.constant 0 : index
      %swap3A_417 = tpu.vector_load %arg6[%swap3A_415, %swap3A_416] {strides = array<i32>} : memref<208x128xf32, #tpu.memory_space<vmem>>, vector<16xf32>,
      tpu.vector_store %arg6[%swap3A_415, %swap3A_416], %broadcast_in_dim3A_6 {strides = array<i32>} : memref<208x128xf32, #tpu.memory_space<vmem>>, vector<16xf32>,
      %mul3A_418 = arith.constant 8 : i32
      %mul3A_419 = arith.muli %scan3A_187, %mul3A_418 : i32
      %add3A_420 = arith.constant 4 : i32
      %add3A_421 = arith.addi %mul3A_419, %add3A_420 : i32
      %swap3A_422 = arith.index_cast %add3A_421 : i32 to index
      %swap3A_423 = arith.constant 16 : index
      %swap3A_424 = tpu.vector_load %arg6[%swap3A_422, %swap3A_423] {strides = array<i32>} : memref<208x128xf32, #tpu.memory_space<vmem>>, vector<16xf32>,
      tpu.vector_store %arg6[%swap3A_422, %swap3A_423], %broadcast_in_dim3A_6 {strides = array<i32>} : memref<208x128xf32, #tpu.memory_space<vmem>>, vector<16xf32>,
      %mul3A_425 = arith.constant 8 : i32
      %mul3A_426 = arith.muli %scan3A_187, %mul3A_425 : i32
      %add3A_427 = arith.constant 4 : i32
      %add3A_428 = arith.addi %mul3A_426, %add3A_427 : i32
      %swap3A_429 = arith.index_cast %add3A_428 : i32 to index
      %swap3A_430 = arith.constant 32 : index
      %swap3A_431 = tpu.vector_load %arg6[%swap3A_429, %swap3A_430] {strides = array<i32>} : memref<208x128xf32, #tpu.memory_space<vmem>>, vector<16xf32>,
      tpu.vector_store %arg6[%swap3A_429, %swap3A_430], %broadcast_in_dim3A_6 {strides = array<i32>} : memref<208x128xf32, #tpu.memory_space<vmem>>, vector<16xf32>,
      %mul3A_432 = arith.constant 8 : i32
      %mul3A_433 = arith.muli %scan3A_187, %mul3A_432 : i32
      %add3A_434 = arith.constant 4 : i32
      %add3A_435 = arith.addi %mul3A_433, %add3A_434 : i32
      %swap3A_436 = arith.index_cast %add3A_435 : i32 to index
      %swap3A_437 = arith.constant 48 : index
      %swap3A_438 = tpu.vector_load %arg6[%swap3A_436, %swap3A_437] {strides = array<i32>} : memref<208x128xf32, #tpu.memory_space<vmem>>, vector<16xf32>,
      tpu.vector_store %arg6[%swap3A_436, %swap3A_437], %broadcast_in_dim3A_6 {strides = array<i32>} : memref<208x128xf32, #tpu.memory_space<vmem>>, vector<16xf32>,
      %mul3A_439 = arith.constant 8 : i32
      %mul3A_440 = arith.muli %scan3A_187, %mul3A_439 : i32
      %add3A_441 = arith.constant 4 : i32
      %add3A_442 = arith.addi %mul3A_440, %add3A_441 : i32
      %swap3A_443 = arith.index_cast %add3A_442 : i32 to index
      %swap3A_444 = arith.constant 64 : index
      %swap3A_445 = tpu.vector_load %arg6[%swap3A_443, %swap3A_444] {strides = array<i32>} : memref<208x128xf32, #tpu.memory_space<vmem>>, vector<16xf32>,
      tpu.vector_store %arg6[%swap3A_443, %swap3A_444], %broadcast_in_dim3A_6 {strides = array<i32>} : memref<208x128xf32, #tpu.memory_space<vmem>>, vector<16xf32>,
      %mul3A_446 = arith.constant 8 : i32
      %mul3A_447 = arith.muli %scan3A_187, %mul3A_446 : i32
      %add3A_448 = arith.constant 4 : i32
      %add3A_449 = arith.addi %mul3A_447, %add3A_448 : i32
      %swap3A_450 = arith.index_cast %add3A_449 : i32 to index
      %swap3A_451 = arith.constant 80 : index
      %swap3A_452 = tpu.vector_load %arg6[%swap3A_450, %swap3A_451] {strides = array<i32>} : memref<208x128xf32, #tpu.memory_space<vmem>>, vector<16xf32>,
      tpu.vector_store %arg6[%swap3A_450, %swap3A_451], %broadcast_in_dim3A_6 {strides = array<i32>} : memref<208x128xf32, #tpu.memory_space<vmem>>, vector<16xf32>,
      %mul3A_453 = arith.constant 8 : i32
      %mul3A_454 = arith.muli %scan3A_187, %mul3A_453 : i32
      %add3A_455 = arith.constant 4 : i32
      %add3A_456 = arith.addi %mul3A_454, %add3A_455 : i32
      %swap3A_457 = arith.index_cast %add3A_456 : i32 to index
      %swap3A_458 = arith.constant 96 : index
      %swap3A_459 = tpu.vector_load %arg6[%swap3A_457, %swap3A_458] {strides = array<i32>} : memref<208x128xf32, #tpu.memory_space<vmem>>, vector<16xf32>,
      tpu.vector_store %arg6[%swap3A_457, %swap3A_458], %broadcast_in_dim3A_6 {strides = array<i32>} : memref<208x128xf32, #tpu.memory_space<vmem>>, vector<16xf32>,
      %mul3A_460 = arith.constant 8 : i32
      %mul3A_461 = arith.muli %scan3A_187, %mul3A_460 : i32
      %add3A_462 = arith.constant 4 : i32
      %add3A_463 = arith.addi %mul3A_461, %add3A_462 : i32
      %swap3A_464 = arith.index_cast %add3A_463 : i32 to index
      %swap3A_465 = arith.constant 112 : index
      %swap3A_466 = tpu.vector_load %arg6[%swap3A_464, %swap3A_465] {strides = array<i32>} : memref<208x128xf32, #tpu.memory_space<vmem>>, vector<16xf32>,
      tpu.vector_store %arg6[%swap3A_464, %swap3A_465], %broadcast_in_dim3A_6 {strides = array<i32>} : memref<208x128xf32, #tpu.memory_space<vmem>>, vector<16xf32>,
      %mul3A_467 = arith.constant 8 : i32
      %mul3A_468 = arith.muli %scan3A_187, %mul3A_467 : i32
      %add3A_469 = arith.constant 5 : i32
      %add3A_470 = arith.addi %mul3A_468, %add3A_469 : i32
      %swap3A_471 = arith.index_cast %add3A_470 : i32 to index
      %swap3A_472 = arith.constant 0 : index
      %swap3A_473 = tpu.vector_load %arg6[%swap3A_471, %swap3A_472] {strides = array<i32>} : memref<208x128xf32, #tpu.memory_space<vmem>>, vector<16xf32>,
      tpu.vector_store %arg6[%swap3A_471, %swap3A_472], %broadcast_in_dim3A_6 {strides = array<i32>} : memref<208x128xf32, #tpu.memory_space<vmem>>, vector<16xf32>,
      %mul3A_474 = arith.constant 8 : i32
      %mul3A_475 = arith.muli %scan3A_187, %mul3A_474 : i32
      %add3A_476 = arith.constant 5 : i32
      %add3A_477 = arith.addi %mul3A_475, %add3A_476 : i32
      %swap3A_478 = arith.index_cast %add3A_477 : i32 to index
      %swap3A_479 = arith.constant 16 : index
      %swap3A_480 = tpu.vector_load %arg6[%swap3A_478, %swap3A_479] {strides = array<i32>} : memref<208x128xf32, #tpu.memory_space<vmem>>, vector<16xf32>,
      tpu.vector_store %arg6[%swap3A_478, %swap3A_479], %broadcast_in_dim3A_6 {strides = array<i32>} : memref<208x128xf32, #tpu.memory_space<vmem>>, vector<16xf32>,
      %mul3A_481 = arith.constant 8 : i32
      %mul3A_482 = arith.muli %scan3A_187, %mul3A_481 : i32
      %add3A_483 = arith.constant 5 : i32
      %add3A_484 = arith.addi %mul3A_482, %add3A_483 : i32
      %swap3A_485 = arith.index_cast %add3A_484 : i32 to index
      %swap3A_486 = arith.constant 32 : index
      %swap3A_487 = tpu.vector_load %arg6[%swap3A_485, %swap3A_486] {strides = array<i32>} : memref<208x128xf32, #tpu.memory_space<vmem>>, vector<16xf32>,
      tpu.vector_store %arg6[%swap3A_485, %swap3A_486], %broadcast_in_dim3A_6 {strides = array<i32>} : memref<208x128xf32, #tpu.memory_space<vmem>>, vector<16xf32>,
      %mul3A_488 = arith.constant 8 : i32
      %mul3A_489 = arith.muli %scan3A_187, %mul3A_488 : i32
      %add3A_490 = arith.constant 5 : i32
      %add3A_491 = arith.addi %mul3A_489, %add3A_490 : i32
      %swap3A_492 = arith.index_cast %add3A_491 : i32 to index
      %swap3A_493 = arith.constant 48 : index
      %swap3A_494 = tpu.vector_load %arg6[%swap3A_492, %swap3A_493] {strides = array<i32>} : memref<208x128xf32, #tpu.memory_space<vmem>>, vector<16xf32>,
      tpu.vector_store %arg6[%swap3A_492, %swap3A_493], %broadcast_in_dim3A_6 {strides = array<i32>} : memref<208x128xf32, #tpu.memory_space<vmem>>, vector<16xf32>,
      %mul3A_495 = arith.constant 8 : i32
      %mul3A_496 = arith.muli %scan3A_187, %mul3A_495 : i32
      %add3A_497 = arith.constant 5 : i32
      %add3A_498 = arith.addi %mul3A_496, %add3A_497 : i32
      %swap3A_499 = arith.index_cast %add3A_498 : i32 to index
      %swap3A_500 = arith.constant 64 : index
      %swap3A_501 = tpu.vector_load %arg6[%swap3A_499, %swap3A_500] {strides = array<i32>} : memref<208x128xf32, #tpu.memory_space<vmem>>, vector<16xf32>,
      tpu.vector_store %arg6[%swap3A_499, %swap3A_500], %broadcast_in_dim3A_6 {strides = array<i32>} : memref<208x128xf32, #tpu.memory_space<vmem>>, vector<16xf32>,
      %mul3A_502 = arith.constant 8 : i32
      %mul3A_503 = arith.muli %scan3A_187, %mul3A_502 : i32
      %add3A_504 = arith.constant 5 : i32
      %add3A_505 = arith.addi %mul3A_503, %add3A_504 : i32
      %swap3A_506 = arith.index_cast %add3A_505 : i32 to index
      %swap3A_507 = arith.constant 80 : index
      %swap3A_508 = tpu.vector_load %arg6[%swap3A_506, %swap3A_507] {strides = array<i32>} : memref<208x128xf32, #tpu.memory_space<vmem>>, vector<16xf32>,
      tpu.vector_store %arg6[%swap3A_506, %swap3A_507], %broadcast_in_dim3A_6 {strides = array<i32>} : memref<208x128xf32, #tpu.memory_space<vmem>>, vector<16xf32>,
      %mul3A_509 = arith.constant 8 : i32
      %mul3A_510 = arith.muli %scan3A_187, %mul3A_509 : i32
      %add3A_511 = arith.constant 5 : i32
      %add3A_512 = arith.addi %mul3A_510, %add3A_511 : i32
      %swap3A_513 = arith.index_cast %add3A_512 : i32 to index
      %swap3A_514 = arith.constant 96 : index
      %swap3A_515 = tpu.vector_load %arg6[%swap3A_513, %swap3A_514] {strides = array<i32>} : memref<208x128xf32, #tpu.memory_space<vmem>>, vector<16xf32>,
      tpu.vector_store %arg6[%swap3A_513, %swap3A_514], %broadcast_in_dim3A_6 {strides = array<i32>} : memref<208x128xf32, #tpu.memory_space<vmem>>, vector<16xf32>,
      %mul3A_516 = arith.constant 8 : i32
      %mul3A_517 = arith.muli %scan3A_187, %mul3A_516 : i32
      %add3A_518 = arith.constant 5 : i32
      %add3A_519 = arith.addi %mul3A_517, %add3A_518 : i32
      %swap3A_520 = arith.index_cast %add3A_519 : i32 to index
      %swap3A_521 = arith.constant 112 : index
      %swap3A_522 = tpu.vector_load %arg6[%swap3A_520, %swap3A_521] {strides = array<i32>} : memref<208x128xf32, #tpu.memory_space<vmem>>, vector<16xf32>,
      tpu.vector_store %arg6[%swap3A_520, %swap3A_521], %broadcast_in_dim3A_6 {strides = array<i32>} : memref<208x128xf32, #tpu.memory_space<vmem>>, vector<16xf32>,
      %mul3A_523 = arith.constant 8 : i32
      %mul3A_524 = arith.muli %scan3A_187, %mul3A_523 : i32
      %add3A_525 = arith.constant 6 : i32
      %add3A_526 = arith.addi %mul3A_524, %add3A_525 : i32
      %swap3A_527 = arith.index_cast %add3A_526 : i32 to index
      %swap3A_528 = arith.constant 0 : index
      %swap3A_529 = tpu.vector_load %arg6[%swap3A_527, %swap3A_528] {strides = array<i32>} : memref<208x128xf32, #tpu.memory_space<vmem>>, vector<16xf32>,
      tpu.vector_store %arg6[%swap3A_527, %swap3A_528], %broadcast_in_dim3A_6 {strides = array<i32>} : memref<208x128xf32, #tpu.memory_space<vmem>>, vector<16xf32>,
      %mul3A_530 = arith.constant 8 : i32
      %mul3A_531 = arith.muli %scan3A_187, %mul3A_530 : i32
      %add3A_532 = arith.constant 6 : i32
      %add3A_533 = arith.addi %mul3A_531, %add3A_532 : i32
      %swap3A_534 = arith.index_cast %add3A_533 : i32 to index
      %swap3A_535 = arith.constant 16 : index
      %swap3A_536 = tpu.vector_load %arg6[%swap3A_534, %swap3A_535] {strides = array<i32>} : memref<208x128xf32, #tpu.memory_space<vmem>>, vector<16xf32>,
      tpu.vector_store %arg6[%swap3A_534, %swap3A_535], %broadcast_in_dim3A_6 {strides = array<i32>} : memref<208x128xf32, #tpu.memory_space<vmem>>, vector<16xf32>,
      %mul3A_537 = arith.constant 8 : i32
      %mul3A_538 = arith.muli %scan3A_187, %mul3A_537 : i32
      %add3A_539 = arith.constant 6 : i32
      %add3A_540 = arith.addi %mul3A_538, %add3A_539 : i32
      %swap3A_541 = arith.index_cast %add3A_540 : i32 to index
      %swap3A_542 = arith.constant 32 : index
      %swap3A_543 = tpu.vector_load %arg6[%swap3A_541, %swap3A_542] {strides = array<i32>} : memref<208x128xf32, #tpu.memory_space<vmem>>, vector<16xf32>,
      tpu.vector_store %arg6[%swap3A_541, %swap3A_542], %broadcast_in_dim3A_6 {strides = array<i32>} : memref<208x128xf32, #tpu.memory_space<vmem>>, vector<16xf32>,
      %mul3A_544 = arith.constant 8 : i32
      %mul3A_545 = arith.muli %scan3A_187, %mul3A_544 : i32
      %add3A_546 = arith.constant 6 : i32
      %add3A_547 = arith.addi %mul3A_545, %add3A_546 : i32
      %swap3A_548 = arith.index_cast %add3A_547 : i32 to index
      %swap3A_549 = arith.constant 48 : index
      %swap3A_550 = tpu.vector_load %arg6[%swap3A_548, %swap3A_549] {strides = array<i32>} : memref<208x128xf32, #tpu.memory_space<vmem>>, vector<16xf32>,
      tpu.vector_store %arg6[%swap3A_548, %swap3A_549], %broadcast_in_dim3A_6 {strides = array<i32>} : memref<208x128xf32, #tpu.memory_space<vmem>>, vector<16xf32>,
      %mul3A_551 = arith.constant 8 : i32
      %mul3A_552 = arith.muli %scan3A_187, %mul3A_551 : i32
      %add3A_553 = arith.constant 6 : i32
      %add3A_554 = arith.addi %mul3A_552, %add3A_553 : i32
      %swap3A_555 = arith.index_cast %add3A_554 : i32 to index
      %swap3A_556 = arith.constant 64 : index
      %swap3A_557 = tpu.vector_load %arg6[%swap3A_555, %swap3A_556] {strides = array<i32>} : memref<208x128xf32, #tpu.memory_space<vmem>>, vector<16xf32>,
      tpu.vector_store %arg6[%swap3A_555, %swap3A_556], %broadcast_in_dim3A_6 {strides = array<i32>} : memref<208x128xf32, #tpu.memory_space<vmem>>, vector<16xf32>,
      %mul3A_558 = arith.constant 8 : i32
      %mul3A_559 = arith.muli %scan3A_187, %mul3A_558 : i32
      %add3A_560 = arith.constant 6 : i32
      %add3A_561 = arith.addi %mul3A_559, %add3A_560 : i32
      %swap3A_562 = arith.index_cast %add3A_561 : i32 to index
      %swap3A_563 = arith.constant 80 : index
      %swap3A_564 = tpu.vector_load %arg6[%swap3A_562, %swap3A_563] {strides = array<i32>} : memref<208x128xf32, #tpu.memory_space<vmem>>, vector<16xf32>,
      tpu.vector_store %arg6[%swap3A_562, %swap3A_563], %broadcast_in_dim3A_6 {strides = array<i32>} : memref<208x128xf32, #tpu.memory_space<vmem>>, vector<16xf32>,
      %mul3A_565 = arith.constant 8 : i32
      %mul3A_566 = arith.muli %scan3A_187, %mul3A_565 : i32
      %add3A_567 = arith.constant 6 : i32
      %add3A_568 = arith.addi %mul3A_566, %add3A_567 : i32
      %swap3A_569 = arith.index_cast %add3A_568 : i32 to index
      %swap3A_570 = arith.constant 96 : index
      %swap3A_571 = tpu.vector_load %arg6[%swap3A_569, %swap3A_570] {strides = array<i32>} : memref<208x128xf32, #tpu.memory_space<vmem>>, vector<16xf32>,
      tpu.vector_store %arg6[%swap3A_569, %swap3A_570], %broadcast_in_dim3A_6 {strides = array<i32>} : memref<208x128xf32, #tpu.memory_space<vmem>>, vector<16xf32>,
      %mul3A_572 = arith.constant 8 : i32
      %mul3A_573 = arith.muli %scan3A_187, %mul3A_572 : i32
      %add3A_574 = arith.constant 6 : i32
      %add3A_575 = arith.addi %mul3A_573, %add3A_574 : i32
      %swap3A_576 = arith.index_cast %add3A_575 : i32 to index
      %swap3A_577 = arith.constant 112 : index
      %swap3A_578 = tpu.vector_load %arg6[%swap3A_576, %swap3A_577] {strides = array<i32>} : memref<208x128xf32, #tpu.memory_space<vmem>>, vector<16xf32>,
      tpu.vector_store %arg6[%swap3A_576, %swap3A_577], %broadcast_in_dim3A_6 {strides = array<i32>} : memref<208x128xf32, #tpu.memory_space<vmem>>, vector<16xf32>,
      %mul3A_579 = arith.constant 8 : i32
      %mul3A_580 = arith.muli %scan3A_187, %mul3A_579 : i32
      %add3A_581 = arith.constant 7 : i32
      %add3A_582 = arith.addi %mul3A_580, %add3A_581 : i32
      %swap3A_583 = arith.index_cast %add3A_582 : i32 to index
      %swap3A_584 = arith.constant 0 : index
      %swap3A_585 = tpu.vector_load %arg6[%swap3A_583, %swap3A_584] {strides = array<i32>} : memref<208x128xf32, #tpu.memory_space<vmem>>, vector<16xf32>,
      tpu.vector_store %arg6[%swap3A_583, %swap3A_584], %broadcast_in_dim3A_6 {strides = array<i32>} : memref<208x128xf32, #tpu.memory_space<vmem>>, vector<16xf32>,
      %mul3A_586 = arith.constant 8 : i32
      %mul3A_587 = arith.muli %scan3A_187, %mul3A_586 : i32
      %add3A_588 = arith.constant 7 : i32
      %add3A_589 = arith.addi %mul3A_587, %add3A_588 : i32
      %swap3A_590 = arith.index_cast %add3A_589 : i32 to index
      %swap3A_591 = arith.constant 16 : index
      %swap3A_592 = tpu.vector_load %arg6[%swap3A_590, %swap3A_591] {strides = array<i32>} : memref<208x128xf32, #tpu.memory_space<vmem>>, vector<16xf32>,
      tpu.vector_store %arg6[%swap3A_590, %swap3A_591], %broadcast_in_dim3A_6 {strides = array<i32>} : memref<208x128xf32, #tpu.memory_space<vmem>>, vector<16xf32>,
      %mul3A_593 = arith.constant 8 : i32
      %mul3A_594 = arith.muli %scan3A_187, %mul3A_593 : i32
      %add3A_595 = arith.constant 7 : i32
      %add3A_596 = arith.addi %mul3A_594, %add3A_595 : i32
      %swap3A_597 = arith.index_cast %add3A_596 : i32 to index
      %swap3A_598 = arith.constant 32 : index
      %swap3A_599 = tpu.vector_load %arg6[%swap3A_597, %swap3A_598] {strides = array<i32>} : memref<208x128xf32, #tpu.memory_space<vmem>>, vector<16xf32>,
      tpu.vector_store %arg6[%swap3A_597, %swap3A_598], %broadcast_in_dim3A_6 {strides = array<i32>} : memref<208x128xf32, #tpu.memory_space<vmem>>, vector<16xf32>,
      %mul3A_600 = arith.constant 8 : i32
      %mul3A_601 = arith.muli %scan3A_187, %mul3A_600 : i32
      %add3A_602 = arith.constant 7 : i32
      %add3A_603 = arith.addi %mul3A_601, %add3A_602 : i32
      %swap3A_604 = arith.index_cast %add3A_603 : i32 to index
      %swap3A_605 = arith.constant 48 : index
      %swap3A_606 = tpu.vector_load %arg6[%swap3A_604, %swap3A_605] {strides = array<i32>} : memref<208x128xf32, #tpu.memory_space<vmem>>, vector<16xf32>,
      tpu.vector_store %arg6[%swap3A_604, %swap3A_605], %broadcast_in_dim3A_6 {strides = array<i32>} : memref<208x128xf32, #tpu.memory_space<vmem>>, vector<16xf32>,
      %mul3A_607 = arith.constant 8 : i32
      %mul3A_608 = arith.muli %scan3A_187, %mul3A_607 : i32
      %add3A_609 = arith.constant 7 : i32
      %add3A_610 = arith.addi %mul3A_608, %add3A_609 : i32
      %swap3A_611 = arith.index_cast %add3A_610 : i32 to index
      %swap3A_612 = arith.constant 64 : index
      %swap3A_613 = tpu.vector_load %arg6[%swap3A_611, %swap3A_612] {strides = array<i32>} : memref<208x128xf32, #tpu.memory_space<vmem>>, vector<16xf32>,
      tpu.vector_store %arg6[%swap3A_611, %swap3A_612], %broadcast_in_dim3A_6 {strides = array<i32>} : memref<208x128xf32, #tpu.memory_space<vmem>>, vector<16xf32>,
      %mul3A_614 = arith.constant 8 : i32
      %mul3A_615 = arith.muli %scan3A_187, %mul3A_614 : i32
      %add3A_616 = arith.constant 7 : i32
      %add3A_617 = arith.addi %mul3A_615, %add3A_616 : i32
      %swap3A_618 = arith.index_cast %add3A_617 : i32 to index
      %swap3A_619 = arith.constant 80 : index
      %swap3A_620 = tpu.vector_load %arg6[%swap3A_618, %swap3A_619] {strides = array<i32>} : memref<208x128xf32, #tpu.memory_space<vmem>>, vector<16xf32>,
      tpu.vector_store %arg6[%swap3A_618, %swap3A_619], %broadcast_in_dim3A_6 {strides = array<i32>} : memref<208x128xf32, #tpu.memory_space<vmem>>, vector<16xf32>,
      %mul3A_621 = arith.constant 8 : i32
      %mul3A_622 = arith.muli %scan3A_187, %mul3A_621 : i32
      %add3A_623 = arith.constant 7 : i32
      %add3A_624 = arith.addi %mul3A_622, %add3A_623 : i32
      %swap3A_625 = arith.index_cast %add3A_624 : i32 to index
      %swap3A_626 = arith.constant 96 : index
      %swap3A_627 = tpu.vector_load %arg6[%swap3A_625, %swap3A_626] {strides = array<i32>} : memref<208x128xf32, #tpu.memory_space<vmem>>, vector<16xf32>,
      tpu.vector_store %arg6[%swap3A_625, %swap3A_626], %broadcast_in_dim3A_6 {strides = array<i32>} : memref<208x128xf32, #tpu.memory_space<vmem>>, vector<16xf32>,
      %mul3A_628 = arith.constant 8 : i32
      %mul3A_629 = arith.muli %scan3A_187, %mul3A_628 : i32
      %add3A_630 = arith.constant 7 : i32
      %add3A_631 = arith.addi %mul3A_629, %add3A_630 : i32
      %swap3A_632 = arith.index_cast %add3A_631 : i32 to index
      %swap3A_633 = arith.constant 112 : index
      %swap3A_634 = tpu.vector_load %arg6[%swap3A_632, %swap3A_633] {strides = array<i32>} : memref<208x128xf32, #tpu.memory_space<vmem>>, vector<16xf32>,
      tpu.vector_store %arg6[%swap3A_632, %swap3A_633], %broadcast_in_dim3A_6 {strides = array<i32>} : memref<208x128xf32, #tpu.memory_space<vmem>>, vector<16xf32>,
    }
    %scan3A_34 = arith.constant 26 : i32
    %scan3A_35 = arith.constant 0 : i32
    %scan3A_36 = arith.constant 0 : i32
    %scan3A_37 = arith.constant 8 : i32
    %scan3A_38 = arith.addi %scan3A_36, %scan3A_37 : i32
    %scan3A_39 = arith.constant 1 : i32
    scf.for %scan3A_187 = %scan3A_36 to %scan3A_38 step %scan3A_39  : i32 {
      %mul3A_188 = arith.constant 16 : i32
      %mul3A_189 = arith.muli %scan3A_187, %mul3A_188 : i32
      %add3A_190 = vector.broadcast %mul3A_189 : i32 to vector<16xi32>
      %add3A_191 = arith.addi %iota3A, %add3A_190 : vector<16xi32>
      %mul3A_192 = arith.constant 16 : i32
      %mul3A_193 = arith.muli %scan3A_187, %mul3A_192 : i32
      %add3A_194 = arith.constant 0 : i32
      %add3A_195 = arith.addi %add3A_194, %mul3A_193 : i32
      %get3A = arith.constant 13 : i32
      %get3A_196 = arith.index_cast %get3A : i32 to index
      %get3A_197 = arith.index_cast %add3A_195 : i32 to index
      %get3A_198 = tpu.vector_load %arg4[%get3A_196, %get3A_197] {strides = array<i32>} : memref<26x512xi32, #tpu.memory_space<vmem>>, vector<16xi32>,
      %sub3A = arith.constant 208 : i32
      %sub3A_199 = vector.broadcast %sub3A : i32 to vector<16xi32>
      %sub3A_200 = arith.subi %get3A_198, %sub3A_199 : vector<16xi32>
      %bitcast3A = vector.bitcast %sub3A_200 : vector<16xi32> to vector<16xi32>
      %lt3A = arith.constant 16 : i32
      %lt3A_201 = vector.broadcast %lt3A : i32 to vector<16xi32>
      %lt3A_202 = arith.cmpi ult, %bitcast3A, %lt3A_201 : vector<16xi32>
      %sub3A_203 = arith.constant 208 : i32
      %sub3A_204 = vector.broadcast %sub3A_203 : i32 to vector<16xi32>
      %sub3A_205 = arith.subi %get3A_198, %sub3A_204 : vector<16xi32>
      tpu.vector_store_idx %arg6[%sub3A_205, %add3A_191], %broadcast_in_dim3A_8 masked %lt3A_202 : memref<208x128xf32, #tpu.memory_space<vmem>>[vector<16xi32>, vector<16xi32>], vector<16xf32>, vector<16xi1>
      %mul3A_206 = arith.constant 16 : i32
      %mul3A_207 = arith.muli %scan3A_187, %mul3A_206 : i32
      %add3A_208 = arith.constant 0 : i32
      %add3A_209 = arith.addi %add3A_208, %mul3A_207 : i32
      %get3A_210 = arith.constant 14 : i32
      %get3A_211 = arith.index_cast %get3A_210 : i32 to index
      %get3A_212 = arith.index_cast %add3A_209 : i32 to index
      %get3A_213 = tpu.vector_load %arg4[%get3A_211, %get3A_212] {strides = array<i32>} : memref<26x512xi32, #tpu.memory_space<vmem>>, vector<16xi32>,
      %sub3A_214 = arith.constant 224 : i32
      %sub3A_215 = vector.broadcast %sub3A_214 : i32 to vector<16xi32>
      %sub3A_216 = arith.subi %get3A_213, %sub3A_215 : vector<16xi32>
      %bitcast3A_217 = vector.bitcast %sub3A_216 : vector<16xi32> to vector<16xi32>
      %lt3A_218 = arith.constant 16 : i32
      %lt3A_219 = vector.broadcast %lt3A_218 : i32 to vector<16xi32>
      %lt3A_220 = arith.cmpi ult, %bitcast3A_217, %lt3A_219 : vector<16xi32>
      %sub3A_221 = arith.constant 208 : i32
      %sub3A_222 = vector.broadcast %sub3A_221 : i32 to vector<16xi32>
      %sub3A_223 = arith.subi %get3A_213, %sub3A_222 : vector<16xi32>
      tpu.vector_store_idx %arg6[%sub3A_223, %add3A_191], %broadcast_in_dim3A_8 masked %lt3A_220 : memref<208x128xf32, #tpu.memory_space<vmem>>[vector<16xi32>, vector<16xi32>], vector<16xf32>, vector<16xi1>
      %mul3A_224 = arith.constant 16 : i32
      %mul3A_225 = arith.muli %scan3A_187, %mul3A_224 : i32
      %add3A_226 = arith.constant 0 : i32
      %add3A_227 = arith.addi %add3A_226, %mul3A_225 : i32
      %get3A_228 = arith.constant 15 : i32
      %get3A_229 = arith.index_cast %get3A_228 : i32 to index
      %get3A_230 = arith.index_cast %add3A_227 : i32 to index
      %get3A_231 = tpu.vector_load %arg4[%get3A_229, %get3A_230] {strides = array<i32>} : memref<26x512xi32, #tpu.memory_space<vmem>>, vector<16xi32>,
      %sub3A_232 = arith.constant 240 : i32
      %sub3A_233 = vector.broadcast %sub3A_232 : i32 to vector<16xi32>
      %sub3A_234 = arith.subi %get3A_231, %sub3A_233 : vector<16xi32>
      %bitcast3A_235 = vector.bitcast %sub3A_234 : vector<16xi32> to vector<16xi32>
      %lt3A_236 = arith.constant 16 : i32
      %lt3A_237 = vector.broadcast %lt3A_236 : i32 to vector<16xi32>
      %lt3A_238 = arith.cmpi ult, %bitcast3A_235, %lt3A_237 : vector<16xi32>
      %sub3A_239 = arith.constant 208 : i32
      %sub3A_240 = vector.broadcast %sub3A_239 : i32 to vector<16xi32>
      %sub3A_241 = arith.subi %get3A_231, %sub3A_240 : vector<16xi32>
      tpu.vector_store_idx %arg6[%sub3A_241, %add3A_191], %broadcast_in_dim3A_8 masked %lt3A_238 : memref<208x128xf32, #tpu.memory_space<vmem>>[vector<16xi32>, vector<16xi32>], vector<16xf32>, vector<16xi1>
      %mul3A_242 = arith.constant 16 : i32
      %mul3A_243 = arith.muli %scan3A_187, %mul3A_242 : i32
      %add3A_244 = arith.constant 0 : i32
      %add3A_245 = arith.addi %add3A_244, %mul3A_243 : i32
      %get3A_246 = arith.constant 16 : i32
      %get3A_247 = arith.index_cast %get3A_246 : i32 to index
      %get3A_248 = arith.index_cast %add3A_245 : i32 to index
      %get3A_249 = tpu.vector_load %arg4[%get3A_247, %get3A_248] {strides = array<i32>} : memref<26x512xi32, #tpu.memory_space<vmem>>, vector<16xi32>,
      %sub3A_250 = arith.constant 256 : i32
      %sub3A_251 = vector.broadcast %sub3A_250 : i32 to vector<16xi32>
      %sub3A_252 = arith.subi %get3A_249, %sub3A_251 : vector<16xi32>
      %bitcast3A_253 = vector.bitcast %sub3A_252 : vector<16xi32> to vector<16xi32>
      %lt3A_254 = arith.constant 16 : i32
      %lt3A_255 = vector.broadcast %lt3A_254 : i32 to vector<16xi32>
      %lt3A_256 = arith.cmpi ult, %bitcast3A_253, %lt3A_255 : vector<16xi32>
      %sub3A_257 = arith.constant 208 : i32
      %sub3A_258 = vector.broadcast %sub3A_257 : i32 to vector<16xi32>
      %sub3A_259 = arith.subi %get3A_249, %sub3A_258 : vector<16xi32>
      tpu.vector_store_idx %arg6[%sub3A_259, %add3A_191], %broadcast_in_dim3A_8 masked %lt3A_256 : memref<208x128xf32, #tpu.memory_space<vmem>>[vector<16xi32>, vector<16xi32>], vector<16xf32>, vector<16xi1>
      %mul3A_260 = arith.constant 16 : i32
      %mul3A_261 = arith.muli %scan3A_187, %mul3A_260 : i32
      %add3A_262 = arith.constant 0 : i32
      %add3A_263 = arith.addi %add3A_262, %mul3A_261 : i32
      %get3A_264 = arith.constant 17 : i32
      %get3A_265 = arith.index_cast %get3A_264 : i32 to index
      %get3A_266 = arith.index_cast %add3A_263 : i32 to index
      %get3A_267 = tpu.vector_load %arg4[%get3A_265, %get3A_266] {strides = array<i32>} : memref<26x512xi32, #tpu.memory_space<vmem>>, vector<16xi32>,
      %sub3A_268 = arith.constant 272 : i32
      %sub3A_269 = vector.broadcast %sub3A_268 : i32 to vector<16xi32>
      %sub3A_270 = arith.subi %get3A_267, %sub3A_269 : vector<16xi32>
      %bitcast3A_271 = vector.bitcast %sub3A_270 : vector<16xi32> to vector<16xi32>
      %lt3A_272 = arith.constant 16 : i32
      %lt3A_273 = vector.broadcast %lt3A_272 : i32 to vector<16xi32>
      %lt3A_274 = arith.cmpi ult, %bitcast3A_271, %lt3A_273 : vector<16xi32>
      %sub3A_275 = arith.constant 208 : i32
      %sub3A_276 = vector.broadcast %sub3A_275 : i32 to vector<16xi32>
      %sub3A_277 = arith.subi %get3A_267, %sub3A_276 : vector<16xi32>
      tpu.vector_store_idx %arg6[%sub3A_277, %add3A_191], %broadcast_in_dim3A_8 masked %lt3A_274 : memref<208x128xf32, #tpu.memory_space<vmem>>[vector<16xi32>, vector<16xi32>], vector<16xf32>, vector<16xi1>
      %mul3A_278 = arith.constant 16 : i32
      %mul3A_279 = arith.muli %scan3A_187, %mul3A_278 : i32
      %add3A_280 = arith.constant 0 : i32
      %add3A_281 = arith.addi %add3A_280, %mul3A_279 : i32
      %get3A_282 = arith.constant 18 : i32
      %get3A_283 = arith.index_cast %get3A_282 : i32 to index
      %get3A_284 = arith.index_cast %add3A_281 : i32 to index
      %get3A_285 = tpu.vector_load %arg4[%get3A_283, %get3A_284] {strides = array<i32>} : memref<26x512xi32, #tpu.memory_space<vmem>>, vector<16xi32>,
      %sub3A_286 = arith.constant 288 : i32
      %sub3A_287 = vector.broadcast %sub3A_286 : i32 to vector<16xi32>
      %sub3A_288 = arith.subi %get3A_285, %sub3A_287 : vector<16xi32>
      %bitcast3A_289 = vector.bitcast %sub3A_288 : vector<16xi32> to vector<16xi32>
      %lt3A_290 = arith.constant 16 : i32
      %lt3A_291 = vector.broadcast %lt3A_290 : i32 to vector<16xi32>
      %lt3A_292 = arith.cmpi ult, %bitcast3A_289, %lt3A_291 : vector<16xi32>
      %sub3A_293 = arith.constant 208 : i32
      %sub3A_294 = vector.broadcast %sub3A_293 : i32 to vector<16xi32>
      %sub3A_295 = arith.subi %get3A_285, %sub3A_294 : vector<16xi32>
      tpu.vector_store_idx %arg6[%sub3A_295, %add3A_191], %broadcast_in_dim3A_8 masked %lt3A_292 : memref<208x128xf32, #tpu.memory_space<vmem>>[vector<16xi32>, vector<16xi32>], vector<16xf32>, vector<16xi1>
      %mul3A_296 = arith.constant 16 : i32
      %mul3A_297 = arith.muli %scan3A_187, %mul3A_296 : i32
      %add3A_298 = arith.constant 0 : i32
      %add3A_299 = arith.addi %add3A_298, %mul3A_297 : i32
      %get3A_300 = arith.constant 19 : i32
      %get3A_301 = arith.index_cast %get3A_300 : i32 to index
      %get3A_302 = arith.index_cast %add3A_299 : i32 to index
      %get3A_303 = tpu.vector_load %arg4[%get3A_301, %get3A_302] {strides = array<i32>} : memref<26x512xi32, #tpu.memory_space<vmem>>, vector<16xi32>,
      %sub3A_304 = arith.constant 304 : i32
      %sub3A_305 = vector.broadcast %sub3A_304 : i32 to vector<16xi32>
      %sub3A_306 = arith.subi %get3A_303, %sub3A_305 : vector<16xi32>
      %bitcast3A_307 = vector.bitcast %sub3A_306 : vector<16xi32> to vector<16xi32>
      %lt3A_308 = arith.constant 16 : i32
      %lt3A_309 = vector.broadcast %lt3A_308 : i32 to vector<16xi32>
      %lt3A_310 = arith.cmpi ult, %bitcast3A_307, %lt3A_309 : vector<16xi32>
      %sub3A_311 = arith.constant 208 : i32
      %sub3A_312 = vector.broadcast %sub3A_311 : i32 to vector<16xi32>
      %sub3A_313 = arith.subi %get3A_303, %sub3A_312 : vector<16xi32>
      tpu.vector_store_idx %arg6[%sub3A_313, %add3A_191], %broadcast_in_dim3A_8 masked %lt3A_310 : memref<208x128xf32, #tpu.memory_space<vmem>>[vector<16xi32>, vector<16xi32>], vector<16xf32>, vector<16xi1>
      %mul3A_314 = arith.constant 16 : i32
      %mul3A_315 = arith.muli %scan3A_187, %mul3A_314 : i32
      %add3A_316 = arith.constant 0 : i32
      %add3A_317 = arith.addi %add3A_316, %mul3A_315 : i32
      %get3A_318 = arith.constant 20 : i32
      %get3A_319 = arith.index_cast %get3A_318 : i32 to index
      %get3A_320 = arith.index_cast %add3A_317 : i32 to index
      %get3A_321 = tpu.vector_load %arg4[%get3A_319, %get3A_320] {strides = array<i32>} : memref<26x512xi32, #tpu.memory_space<vmem>>, vector<16xi32>,
      %sub3A_322 = arith.constant 320 : i32
      %sub3A_323 = vector.broadcast %sub3A_322 : i32 to vector<16xi32>
      %sub3A_324 = arith.subi %get3A_321, %sub3A_323 : vector<16xi32>
      %bitcast3A_325 = vector.bitcast %sub3A_324 : vector<16xi32> to vector<16xi32>
      %lt3A_326 = arith.constant 16 : i32
      %lt3A_327 = vector.broadcast %lt3A_326 : i32 to vector<16xi32>
      %lt3A_328 = arith.cmpi ult, %bitcast3A_325, %lt3A_327 : vector<16xi32>
      %sub3A_329 = arith.constant 208 : i32
      %sub3A_330 = vector.broadcast %sub3A_329 : i32 to vector<16xi32>
      %sub3A_331 = arith.subi %get3A_321, %sub3A_330 : vector<16xi32>
      tpu.vector_store_idx %arg6[%sub3A_331, %add3A_191], %broadcast_in_dim3A_8 masked %lt3A_328 : memref<208x128xf32, #tpu.memory_space<vmem>>[vector<16xi32>, vector<16xi32>], vector<16xf32>, vector<16xi1>
      %mul3A_332 = arith.constant 16 : i32
      %mul3A_333 = arith.muli %scan3A_187, %mul3A_332 : i32
      %add3A_334 = arith.constant 0 : i32
      %add3A_335 = arith.addi %add3A_334, %mul3A_333 : i32
      %get3A_336 = arith.constant 21 : i32
      %get3A_337 = arith.index_cast %get3A_336 : i32 to index
      %get3A_338 = arith.index_cast %add3A_335 : i32 to index
      %get3A_339 = tpu.vector_load %arg4[%get3A_337, %get3A_338] {strides = array<i32>} : memref<26x512xi32, #tpu.memory_space<vmem>>, vector<16xi32>,
      %sub3A_340 = arith.constant 336 : i32
      %sub3A_341 = vector.broadcast %sub3A_340 : i32 to vector<16xi32>
      %sub3A_342 = arith.subi %get3A_339, %sub3A_341 : vector<16xi32>
      %bitcast3A_343 = vector.bitcast %sub3A_342 : vector<16xi32> to vector<16xi32>
      %lt3A_344 = arith.constant 16 : i32
      %lt3A_345 = vector.broadcast %lt3A_344 : i32 to vector<16xi32>
      %lt3A_346 = arith.cmpi ult, %bitcast3A_343, %lt3A_345 : vector<16xi32>
      %sub3A_347 = arith.constant 208 : i32
      %sub3A_348 = vector.broadcast %sub3A_347 : i32 to vector<16xi32>
      %sub3A_349 = arith.subi %get3A_339, %sub3A_348 : vector<16xi32>
      tpu.vector_store_idx %arg6[%sub3A_349, %add3A_191], %broadcast_in_dim3A_8 masked %lt3A_346 : memref<208x128xf32, #tpu.memory_space<vmem>>[vector<16xi32>, vector<16xi32>], vector<16xf32>, vector<16xi1>
      %mul3A_350 = arith.constant 16 : i32
      %mul3A_351 = arith.muli %scan3A_187, %mul3A_350 : i32
      %add3A_352 = arith.constant 0 : i32
      %add3A_353 = arith.addi %add3A_352, %mul3A_351 : i32
      %get3A_354 = arith.constant 22 : i32
      %get3A_355 = arith.index_cast %get3A_354 : i32 to index
      %get3A_356 = arith.index_cast %add3A_353 : i32 to index
      %get3A_357 = tpu.vector_load %arg4[%get3A_355, %get3A_356] {strides = array<i32>} : memref<26x512xi32, #tpu.memory_space<vmem>>, vector<16xi32>,
      %sub3A_358 = arith.constant 352 : i32
      %sub3A_359 = vector.broadcast %sub3A_358 : i32 to vector<16xi32>
      %sub3A_360 = arith.subi %get3A_357, %sub3A_359 : vector<16xi32>
      %bitcast3A_361 = vector.bitcast %sub3A_360 : vector<16xi32> to vector<16xi32>
      %lt3A_362 = arith.constant 16 : i32
      %lt3A_363 = vector.broadcast %lt3A_362 : i32 to vector<16xi32>
      %lt3A_364 = arith.cmpi ult, %bitcast3A_361, %lt3A_363 : vector<16xi32>
      %sub3A_365 = arith.constant 208 : i32
      %sub3A_366 = vector.broadcast %sub3A_365 : i32 to vector<16xi32>
      %sub3A_367 = arith.subi %get3A_357, %sub3A_366 : vector<16xi32>
      tpu.vector_store_idx %arg6[%sub3A_367, %add3A_191], %broadcast_in_dim3A_8 masked %lt3A_364 : memref<208x128xf32, #tpu.memory_space<vmem>>[vector<16xi32>, vector<16xi32>], vector<16xf32>, vector<16xi1>
      %mul3A_368 = arith.constant 16 : i32
      %mul3A_369 = arith.muli %scan3A_187, %mul3A_368 : i32
      %add3A_370 = arith.constant 0 : i32
      %add3A_371 = arith.addi %add3A_370, %mul3A_369 : i32
      %get3A_372 = arith.constant 23 : i32
      %get3A_373 = arith.index_cast %get3A_372 : i32 to index
      %get3A_374 = arith.index_cast %add3A_371 : i32 to index
      %get3A_375 = tpu.vector_load %arg4[%get3A_373, %get3A_374] {strides = array<i32>} : memref<26x512xi32, #tpu.memory_space<vmem>>, vector<16xi32>,
      %sub3A_376 = arith.constant 368 : i32
      %sub3A_377 = vector.broadcast %sub3A_376 : i32 to vector<16xi32>
      %sub3A_378 = arith.subi %get3A_375, %sub3A_377 : vector<16xi32>
      %bitcast3A_379 = vector.bitcast %sub3A_378 : vector<16xi32> to vector<16xi32>
      %lt3A_380 = arith.constant 16 : i32
      %lt3A_381 = vector.broadcast %lt3A_380 : i32 to vector<16xi32>
      %lt3A_382 = arith.cmpi ult, %bitcast3A_379, %lt3A_381 : vector<16xi32>
      %sub3A_383 = arith.constant 208 : i32
      %sub3A_384 = vector.broadcast %sub3A_383 : i32 to vector<16xi32>
      %sub3A_385 = arith.subi %get3A_375, %sub3A_384 : vector<16xi32>
      tpu.vector_store_idx %arg6[%sub3A_385, %add3A_191], %broadcast_in_dim3A_8 masked %lt3A_382 : memref<208x128xf32, #tpu.memory_space<vmem>>[vector<16xi32>, vector<16xi32>], vector<16xf32>, vector<16xi1>
      %mul3A_386 = arith.constant 16 : i32
      %mul3A_387 = arith.muli %scan3A_187, %mul3A_386 : i32
      %add3A_388 = arith.constant 0 : i32
      %add3A_389 = arith.addi %add3A_388, %mul3A_387 : i32
      %get3A_390 = arith.constant 24 : i32
      %get3A_391 = arith.index_cast %get3A_390 : i32 to index
      %get3A_392 = arith.index_cast %add3A_389 : i32 to index
      %get3A_393 = tpu.vector_load %arg4[%get3A_391, %get3A_392] {strides = array<i32>} : memref<26x512xi32, #tpu.memory_space<vmem>>, vector<16xi32>,
      %sub3A_394 = arith.constant 384 : i32
      %sub3A_395 = vector.broadcast %sub3A_394 : i32 to vector<16xi32>
      %sub3A_396 = arith.subi %get3A_393, %sub3A_395 : vector<16xi32>
      %bitcast3A_397 = vector.bitcast %sub3A_396 : vector<16xi32> to vector<16xi32>
      %lt3A_398 = arith.constant 16 : i32
      %lt3A_399 = vector.broadcast %lt3A_398 : i32 to vector<16xi32>
      %lt3A_400 = arith.cmpi ult, %bitcast3A_397, %lt3A_399 : vector<16xi32>
      %sub3A_401 = arith.constant 208 : i32
      %sub3A_402 = vector.broadcast %sub3A_401 : i32 to vector<16xi32>
      %sub3A_403 = arith.subi %get3A_393, %sub3A_402 : vector<16xi32>
      tpu.vector_store_idx %arg6[%sub3A_403, %add3A_191], %broadcast_in_dim3A_8 masked %lt3A_400 : memref<208x128xf32, #tpu.memory_space<vmem>>[vector<16xi32>, vector<16xi32>], vector<16xf32>, vector<16xi1>
      %mul3A_404 = arith.constant 16 : i32
      %mul3A_405 = arith.muli %scan3A_187, %mul3A_404 : i32
      %add3A_406 = arith.constant 0 : i32
      %add3A_407 = arith.addi %add3A_406, %mul3A_405 : i32
      %get3A_408 = arith.constant 25 : i32
      %get3A_409 = arith.index_cast %get3A_408 : i32 to index
      %get3A_410 = arith.index_cast %add3A_407 : i32 to index
      %get3A_411 = tpu.vector_load %arg4[%get3A_409, %get3A_410] {strides = array<i32>} : memref<26x512xi32, #tpu.memory_space<vmem>>, vector<16xi32>,
      %sub3A_412 = arith.constant 400 : i32
      %sub3A_413 = vector.broadcast %sub3A_412 : i32 to vector<16xi32>
      %sub3A_414 = arith.subi %get3A_411, %sub3A_413 : vector<16xi32>
      %bitcast3A_415 = vector.bitcast %sub3A_414 : vector<16xi32> to vector<16xi32>
      %lt3A_416 = arith.constant 16 : i32
      %lt3A_417 = vector.broadcast %lt3A_416 : i32 to vector<16xi32>
      %lt3A_418 = arith.cmpi ult, %bitcast3A_415, %lt3A_417 : vector<16xi32>
      %sub3A_419 = arith.constant 208 : i32
      %sub3A_420 = vector.broadcast %sub3A_419 : i32 to vector<16xi32>
      %sub3A_421 = arith.subi %get3A_411, %sub3A_420 : vector<16xi32>
      tpu.vector_store_idx %arg6[%sub3A_421, %add3A_191], %broadcast_in_dim3A_8 masked %lt3A_418 : memref<208x128xf32, #tpu.memory_space<vmem>>[vector<16xi32>, vector<16xi32>], vector<16xf32>, vector<16xi1>
    }
    %scan3A_40 = arith.constant 8 : i32
    %add3A_41 = arith.constant 0 : i32
    %add3A_42 = arith.addi %mul3A_2, %add3A_41 : i32
    %dma_start3A_43 = arith.constant 208 : i32
    %dma_start3A_44 = tpu.memref_slice %arg3[%dma_start3A_43, %add3A_42] : memref<416x16384xf32, #tpu.memory_space<hbm>> -> memref<208x128xf32, #tpu.memory_space<hbm>>
    %dma_start3A_45 = arith.constant 208 : i32
    %dma_start3A_46 = tpu.memref_slice %arg3[%dma_start3A_45, %add3A_42] : memref<416x16384xf32, #tpu.memory_space<hbm>> -> memref<208x128xf32, #tpu.memory_space<hbm>>
    tpu.enqueue_dma source(%arg6 : memref<208x128xf32, #tpu.memory_space<vmem>>) target(%dma_start3A_46 : memref<208x128xf32, #tpu.memory_space<hbm>>) target_semaphore(%arg10 : memref<!tpu.dma_semaphore, #tpu.memory_space<semaphore_mem>>)
    %scan3A_47 = arith.constant 0 : i32
    %scan3A_48 = arith.constant 0 : i32
    %scan3A_49 = arith.constant 26 : i32
    %scan3A_50 = arith.addi %scan3A_48, %scan3A_49 : i32
    %scan3A_51 = arith.constant 1 : i32
    scf.for %scan3A_187 = %scan3A_48 to %scan3A_50 step %scan3A_51  : i32 {
      %mul3A_188 = arith.constant 8 : i32
      %mul3A_189 = arith.muli %scan3A_187, %mul3A_188 : i32
      %add3A_190 = arith.constant 0 : i32
      %add3A_191 = arith.addi %mul3A_189, %add3A_190 : i32
      %swap3A = arith.index_cast %add3A_191 : i32 to index
      %swap3A_192 = arith.constant 0 : index
      %swap3A_193 = tpu.vector_load %arg7[%swap3A, %swap3A_192] {strides = array<i32>} : memref<208x128xf32, #tpu.memory_space<vmem>>, vector<16xf32>,
      tpu.vector_store %arg7[%swap3A, %swap3A_192], %broadcast_in_dim3A_6 {strides = array<i32>} : memref<208x128xf32, #tpu.memory_space<vmem>>, vector<16xf32>,
      %mul3A_194 = arith.constant 8 : i32
      %mul3A_195 = arith.muli %scan3A_187, %mul3A_194 : i32
      %add3A_196 = arith.constant 0 : i32
      %add3A_197 = arith.addi %mul3A_195, %add3A_196 : i32
      %swap3A_198 = arith.index_cast %add3A_197 : i32 to index
      %swap3A_199 = arith.constant 16 : index
      %swap3A_200 = tpu.vector_load %arg7[%swap3A_198, %swap3A_199] {strides = array<i32>} : memref<208x128xf32, #tpu.memory_space<vmem>>, vector<16xf32>,
      tpu.vector_store %arg7[%swap3A_198, %swap3A_199], %broadcast_in_dim3A_6 {strides = array<i32>} : memref<208x128xf32, #tpu.memory_space<vmem>>, vector<16xf32>,
      %mul3A_201 = arith.constant 8 : i32
      %mul3A_202 = arith.muli %scan3A_187, %mul3A_201 : i32
      %add3A_203 = arith.constant 0 : i32
      %add3A_204 = arith.addi %mul3A_202, %add3A_203 : i32
      %swap3A_205 = arith.index_cast %add3A_204 : i32 to index
      %swap3A_206 = arith.constant 32 : index
      %swap3A_207 = tpu.vector_load %arg7[%swap3A_205, %swap3A_206] {strides = array<i32>} : memref<208x128xf32, #tpu.memory_space<vmem>>, vector<16xf32>,
      tpu.vector_store %arg7[%swap3A_205, %swap3A_206], %broadcast_in_dim3A_6 {strides = array<i32>} : memref<208x128xf32, #tpu.memory_space<vmem>>, vector<16xf32>,
      %mul3A_208 = arith.constant 8 : i32
      %mul3A_209 = arith.muli %scan3A_187, %mul3A_208 : i32
      %add3A_210 = arith.constant 0 : i32
      %add3A_211 = arith.addi %mul3A_209, %add3A_210 : i32
      %swap3A_212 = arith.index_cast %add3A_211 : i32 to index
      %swap3A_213 = arith.constant 48 : index
      %swap3A_214 = tpu.vector_load %arg7[%swap3A_212, %swap3A_213] {strides = array<i32>} : memref<208x128xf32, #tpu.memory_space<vmem>>, vector<16xf32>,
      tpu.vector_store %arg7[%swap3A_212, %swap3A_213], %broadcast_in_dim3A_6 {strides = array<i32>} : memref<208x128xf32, #tpu.memory_space<vmem>>, vector<16xf32>,
      %mul3A_215 = arith.constant 8 : i32
      %mul3A_216 = arith.muli %scan3A_187, %mul3A_215 : i32
      %add3A_217 = arith.constant 0 : i32
      %add3A_218 = arith.addi %mul3A_216, %add3A_217 : i32
      %swap3A_219 = arith.index_cast %add3A_218 : i32 to index
      %swap3A_220 = arith.constant 64 : index
      %swap3A_221 = tpu.vector_load %arg7[%swap3A_219, %swap3A_220] {strides = array<i32>} : memref<208x128xf32, #tpu.memory_space<vmem>>, vector<16xf32>,
      tpu.vector_store %arg7[%swap3A_219, %swap3A_220], %broadcast_in_dim3A_6 {strides = array<i32>} : memref<208x128xf32, #tpu.memory_space<vmem>>, vector<16xf32>,
      %mul3A_222 = arith.constant 8 : i32
      %mul3A_223 = arith.muli %scan3A_187, %mul3A_222 : i32
      %add3A_224 = arith.constant 0 : i32
      %add3A_225 = arith.addi %mul3A_223, %add3A_224 : i32
      %swap3A_226 = arith.index_cast %add3A_225 : i32 to index
      %swap3A_227 = arith.constant 80 : index
      %swap3A_228 = tpu.vector_load %arg7[%swap3A_226, %swap3A_227] {strides = array<i32>} : memref<208x128xf32, #tpu.memory_space<vmem>>, vector<16xf32>,
      tpu.vector_store %arg7[%swap3A_226, %swap3A_227], %broadcast_in_dim3A_6 {strides = array<i32>} : memref<208x128xf32, #tpu.memory_space<vmem>>, vector<16xf32>,
      %mul3A_229 = arith.constant 8 : i32
      %mul3A_230 = arith.muli %scan3A_187, %mul3A_229 : i32
      %add3A_231 = arith.constant 0 : i32
      %add3A_232 = arith.addi %mul3A_230, %add3A_231 : i32
      %swap3A_233 = arith.index_cast %add3A_232 : i32 to index
      %swap3A_234 = arith.constant 96 : index
      %swap3A_235 = tpu.vector_load %arg7[%swap3A_233, %swap3A_234] {strides = array<i32>} : memref<208x128xf32, #tpu.memory_space<vmem>>, vector<16xf32>,
      tpu.vector_store %arg7[%swap3A_233, %swap3A_234], %broadcast_in_dim3A_6 {strides = array<i32>} : memref<208x128xf32, #tpu.memory_space<vmem>>, vector<16xf32>,
      %mul3A_236 = arith.constant 8 : i32
      %mul3A_237 = arith.muli %scan3A_187, %mul3A_236 : i32
      %add3A_238 = arith.constant 0 : i32
      %add3A_239 = arith.addi %mul3A_237, %add3A_238 : i32
      %swap3A_240 = arith.index_cast %add3A_239 : i32 to index
      %swap3A_241 = arith.constant 112 : index
      %swap3A_242 = tpu.vector_load %arg7[%swap3A_240, %swap3A_241] {strides = array<i32>} : memref<208x128xf32, #tpu.memory_space<vmem>>, vector<16xf32>,
      tpu.vector_store %arg7[%swap3A_240, %swap3A_241], %broadcast_in_dim3A_6 {strides = array<i32>} : memref<208x128xf32, #tpu.memory_space<vmem>>, vector<16xf32>,
      %mul3A_243 = arith.constant 8 : i32
      %mul3A_244 = arith.muli %scan3A_187, %mul3A_243 : i32
      %add3A_245 = arith.constant 1 : i32
      %add3A_246 = arith.addi %mul3A_244, %add3A_245 : i32
      %swap3A_247 = arith.index_cast %add3A_246 : i32 to index
      %swap3A_248 = arith.constant 0 : index
      %swap3A_249 = tpu.vector_load %arg7[%swap3A_247, %swap3A_248] {strides = array<i32>} : memref<208x128xf32, #tpu.memory_space<vmem>>, vector<16xf32>,
      tpu.vector_store %arg7[%swap3A_247, %swap3A_248], %broadcast_in_dim3A_6 {strides = array<i32>} : memref<208x128xf32, #tpu.memory_space<vmem>>, vector<16xf32>,
      %mul3A_250 = arith.constant 8 : i32
      %mul3A_251 = arith.muli %scan3A_187, %mul3A_250 : i32
      %add3A_252 = arith.constant 1 : i32
      %add3A_253 = arith.addi %mul3A_251, %add3A_252 : i32
      %swap3A_254 = arith.index_cast %add3A_253 : i32 to index
      %swap3A_255 = arith.constant 16 : index
      %swap3A_256 = tpu.vector_load %arg7[%swap3A_254, %swap3A_255] {strides = array<i32>} : memref<208x128xf32, #tpu.memory_space<vmem>>, vector<16xf32>,
      tpu.vector_store %arg7[%swap3A_254, %swap3A_255], %broadcast_in_dim3A_6 {strides = array<i32>} : memref<208x128xf32, #tpu.memory_space<vmem>>, vector<16xf32>,
      %mul3A_257 = arith.constant 8 : i32
      %mul3A_258 = arith.muli %scan3A_187, %mul3A_257 : i32
      %add3A_259 = arith.constant 1 : i32
      %add3A_260 = arith.addi %mul3A_258, %add3A_259 : i32
      %swap3A_261 = arith.index_cast %add3A_260 : i32 to index
      %swap3A_262 = arith.constant 32 : index
      %swap3A_263 = tpu.vector_load %arg7[%swap3A_261, %swap3A_262] {strides = array<i32>} : memref<208x128xf32, #tpu.memory_space<vmem>>, vector<16xf32>,
      tpu.vector_store %arg7[%swap3A_261, %swap3A_262], %broadcast_in_dim3A_6 {strides = array<i32>} : memref<208x128xf32, #tpu.memory_space<vmem>>, vector<16xf32>,
      %mul3A_264 = arith.constant 8 : i32
      %mul3A_265 = arith.muli %scan3A_187, %mul3A_264 : i32
      %add3A_266 = arith.constant 1 : i32
      %add3A_267 = arith.addi %mul3A_265, %add3A_266 : i32
      %swap3A_268 = arith.index_cast %add3A_267 : i32 to index
      %swap3A_269 = arith.constant 48 : index
      %swap3A_270 = tpu.vector_load %arg7[%swap3A_268, %swap3A_269] {strides = array<i32>} : memref<208x128xf32, #tpu.memory_space<vmem>>, vector<16xf32>,
      tpu.vector_store %arg7[%swap3A_268, %swap3A_269], %broadcast_in_dim3A_6 {strides = array<i32>} : memref<208x128xf32, #tpu.memory_space<vmem>>, vector<16xf32>,
      %mul3A_271 = arith.constant 8 : i32
      %mul3A_272 = arith.muli %scan3A_187, %mul3A_271 : i32
      %add3A_273 = arith.constant 1 : i32
      %add3A_274 = arith.addi %mul3A_272, %add3A_273 : i32
      %swap3A_275 = arith.index_cast %add3A_274 : i32 to index
      %swap3A_276 = arith.constant 64 : index
      %swap3A_277 = tpu.vector_load %arg7[%swap3A_275, %swap3A_276] {strides = array<i32>} : memref<208x128xf32, #tpu.memory_space<vmem>>, vector<16xf32>,
      tpu.vector_store %arg7[%swap3A_275, %swap3A_276], %broadcast_in_dim3A_6 {strides = array<i32>} : memref<208x128xf32, #tpu.memory_space<vmem>>, vector<16xf32>,
      %mul3A_278 = arith.constant 8 : i32
      %mul3A_279 = arith.muli %scan3A_187, %mul3A_278 : i32
      %add3A_280 = arith.constant 1 : i32
      %add3A_281 = arith.addi %mul3A_279, %add3A_280 : i32
      %swap3A_282 = arith.index_cast %add3A_281 : i32 to index
      %swap3A_283 = arith.constant 80 : index
      %swap3A_284 = tpu.vector_load %arg7[%swap3A_282, %swap3A_283] {strides = array<i32>} : memref<208x128xf32, #tpu.memory_space<vmem>>, vector<16xf32>,
      tpu.vector_store %arg7[%swap3A_282, %swap3A_283], %broadcast_in_dim3A_6 {strides = array<i32>} : memref<208x128xf32, #tpu.memory_space<vmem>>, vector<16xf32>,
      %mul3A_285 = arith.constant 8 : i32
      %mul3A_286 = arith.muli %scan3A_187, %mul3A_285 : i32
      %add3A_287 = arith.constant 1 : i32
      %add3A_288 = arith.addi %mul3A_286, %add3A_287 : i32
      %swap3A_289 = arith.index_cast %add3A_288 : i32 to index
      %swap3A_290 = arith.constant 96 : index
      %swap3A_291 = tpu.vector_load %arg7[%swap3A_289, %swap3A_290] {strides = array<i32>} : memref<208x128xf32, #tpu.memory_space<vmem>>, vector<16xf32>,
      tpu.vector_store %arg7[%swap3A_289, %swap3A_290], %broadcast_in_dim3A_6 {strides = array<i32>} : memref<208x128xf32, #tpu.memory_space<vmem>>, vector<16xf32>,
      %mul3A_292 = arith.constant 8 : i32
      %mul3A_293 = arith.muli %scan3A_187, %mul3A_292 : i32
      %add3A_294 = arith.constant 1 : i32
      %add3A_295 = arith.addi %mul3A_293, %add3A_294 : i32
      %swap3A_296 = arith.index_cast %add3A_295 : i32 to index
      %swap3A_297 = arith.constant 112 : index
      %swap3A_298 = tpu.vector_load %arg7[%swap3A_296, %swap3A_297] {strides = array<i32>} : memref<208x128xf32, #tpu.memory_space<vmem>>, vector<16xf32>,
      tpu.vector_store %arg7[%swap3A_296, %swap3A_297], %broadcast_in_dim3A_6 {strides = array<i32>} : memref<208x128xf32, #tpu.memory_space<vmem>>, vector<16xf32>,
      %mul3A_299 = arith.constant 8 : i32
      %mul3A_300 = arith.muli %scan3A_187, %mul3A_299 : i32
      %add3A_301 = arith.constant 2 : i32
      %add3A_302 = arith.addi %mul3A_300, %add3A_301 : i32
      %swap3A_303 = arith.index_cast %add3A_302 : i32 to index
      %swap3A_304 = arith.constant 0 : index
      %swap3A_305 = tpu.vector_load %arg7[%swap3A_303, %swap3A_304] {strides = array<i32>} : memref<208x128xf32, #tpu.memory_space<vmem>>, vector<16xf32>,
      tpu.vector_store %arg7[%swap3A_303, %swap3A_304], %broadcast_in_dim3A_6 {strides = array<i32>} : memref<208x128xf32, #tpu.memory_space<vmem>>, vector<16xf32>,
      %mul3A_306 = arith.constant 8 : i32
      %mul3A_307 = arith.muli %scan3A_187, %mul3A_306 : i32
      %add3A_308 = arith.constant 2 : i32
      %add3A_309 = arith.addi %mul3A_307, %add3A_308 : i32
      %swap3A_310 = arith.index_cast %add3A_309 : i32 to index
      %swap3A_311 = arith.constant 16 : index
      %swap3A_312 = tpu.vector_load %arg7[%swap3A_310, %swap3A_311] {strides = array<i32>} : memref<208x128xf32, #tpu.memory_space<vmem>>, vector<16xf32>,
      tpu.vector_store %arg7[%swap3A_310, %swap3A_311], %broadcast_in_dim3A_6 {strides = array<i32>} : memref<208x128xf32, #tpu.memory_space<vmem>>, vector<16xf32>,
      %mul3A_313 = arith.constant 8 : i32
      %mul3A_314 = arith.muli %scan3A_187, %mul3A_313 : i32
      %add3A_315 = arith.constant 2 : i32
      %add3A_316 = arith.addi %mul3A_314, %add3A_315 : i32
      %swap3A_317 = arith.index_cast %add3A_316 : i32 to index
      %swap3A_318 = arith.constant 32 : index
      %swap3A_319 = tpu.vector_load %arg7[%swap3A_317, %swap3A_318] {strides = array<i32>} : memref<208x128xf32, #tpu.memory_space<vmem>>, vector<16xf32>,
      tpu.vector_store %arg7[%swap3A_317, %swap3A_318], %broadcast_in_dim3A_6 {strides = array<i32>} : memref<208x128xf32, #tpu.memory_space<vmem>>, vector<16xf32>,
      %mul3A_320 = arith.constant 8 : i32
      %mul3A_321 = arith.muli %scan3A_187, %mul3A_320 : i32
      %add3A_322 = arith.constant 2 : i32
      %add3A_323 = arith.addi %mul3A_321, %add3A_322 : i32
      %swap3A_324 = arith.index_cast %add3A_323 : i32 to index
      %swap3A_325 = arith.constant 48 : index
      %swap3A_326 = tpu.vector_load %arg7[%swap3A_324, %swap3A_325] {strides = array<i32>} : memref<208x128xf32, #tpu.memory_space<vmem>>, vector<16xf32>,
      tpu.vector_store %arg7[%swap3A_324, %swap3A_325], %broadcast_in_dim3A_6 {strides = array<i32>} : memref<208x128xf32, #tpu.memory_space<vmem>>, vector<16xf32>,
      %mul3A_327 = arith.constant 8 : i32
      %mul3A_328 = arith.muli %scan3A_187, %mul3A_327 : i32
      %add3A_329 = arith.constant 2 : i32
      %add3A_330 = arith.addi %mul3A_328, %add3A_329 : i32
      %swap3A_331 = arith.index_cast %add3A_330 : i32 to index
      %swap3A_332 = arith.constant 64 : index
      %swap3A_333 = tpu.vector_load %arg7[%swap3A_331, %swap3A_332] {strides = array<i32>} : memref<208x128xf32, #tpu.memory_space<vmem>>, vector<16xf32>,
      tpu.vector_store %arg7[%swap3A_331, %swap3A_332], %broadcast_in_dim3A_6 {strides = array<i32>} : memref<208x128xf32, #tpu.memory_space<vmem>>, vector<16xf32>,
      %mul3A_334 = arith.constant 8 : i32
      %mul3A_335 = arith.muli %scan3A_187, %mul3A_334 : i32
      %add3A_336 = arith.constant 2 : i32
      %add3A_337 = arith.addi %mul3A_335, %add3A_336 : i32
      %swap3A_338 = arith.index_cast %add3A_337 : i32 to index
      %swap3A_339 = arith.constant 80 : index
      %swap3A_340 = tpu.vector_load %arg7[%swap3A_338, %swap3A_339] {strides = array<i32>} : memref<208x128xf32, #tpu.memory_space<vmem>>, vector<16xf32>,
      tpu.vector_store %arg7[%swap3A_338, %swap3A_339], %broadcast_in_dim3A_6 {strides = array<i32>} : memref<208x128xf32, #tpu.memory_space<vmem>>, vector<16xf32>,
      %mul3A_341 = arith.constant 8 : i32
      %mul3A_342 = arith.muli %scan3A_187, %mul3A_341 : i32
      %add3A_343 = arith.constant 2 : i32
      %add3A_344 = arith.addi %mul3A_342, %add3A_343 : i32
      %swap3A_345 = arith.index_cast %add3A_344 : i32 to index
      %swap3A_346 = arith.constant 96 : index
      %swap3A_347 = tpu.vector_load %arg7[%swap3A_345, %swap3A_346] {strides = array<i32>} : memref<208x128xf32, #tpu.memory_space<vmem>>, vector<16xf32>,
      tpu.vector_store %arg7[%swap3A_345, %swap3A_346], %broadcast_in_dim3A_6 {strides = array<i32>} : memref<208x128xf32, #tpu.memory_space<vmem>>, vector<16xf32>,
      %mul3A_348 = arith.constant 8 : i32
      %mul3A_349 = arith.muli %scan3A_187, %mul3A_348 : i32
      %add3A_350 = arith.constant 2 : i32
      %add3A_351 = arith.addi %mul3A_349, %add3A_350 : i32
      %swap3A_352 = arith.index_cast %add3A_351 : i32 to index
      %swap3A_353 = arith.constant 112 : index
      %swap3A_354 = tpu.vector_load %arg7[%swap3A_352, %swap3A_353] {strides = array<i32>} : memref<208x128xf32, #tpu.memory_space<vmem>>, vector<16xf32>,
      tpu.vector_store %arg7[%swap3A_352, %swap3A_353], %broadcast_in_dim3A_6 {strides = array<i32>} : memref<208x128xf32, #tpu.memory_space<vmem>>, vector<16xf32>,
      %mul3A_355 = arith.constant 8 : i32
      %mul3A_356 = arith.muli %scan3A_187, %mul3A_355 : i32
      %add3A_357 = arith.constant 3 : i32
      %add3A_358 = arith.addi %mul3A_356, %add3A_357 : i32
      %swap3A_359 = arith.index_cast %add3A_358 : i32 to index
      %swap3A_360 = arith.constant 0 : index
      %swap3A_361 = tpu.vector_load %arg7[%swap3A_359, %swap3A_360] {strides = array<i32>} : memref<208x128xf32, #tpu.memory_space<vmem>>, vector<16xf32>,
      tpu.vector_store %arg7[%swap3A_359, %swap3A_360], %broadcast_in_dim3A_6 {strides = array<i32>} : memref<208x128xf32, #tpu.memory_space<vmem>>, vector<16xf32>,
      %mul3A_362 = arith.constant 8 : i32
      %mul3A_363 = arith.muli %scan3A_187, %mul3A_362 : i32
      %add3A_364 = arith.constant 3 : i32
      %add3A_365 = arith.addi %mul3A_363, %add3A_364 : i32
      %swap3A_366 = arith.index_cast %add3A_365 : i32 to index
      %swap3A_367 = arith.constant 16 : index
      %swap3A_368 = tpu.vector_load %arg7[%swap3A_366, %swap3A_367] {strides = array<i32>} : memref<208x128xf32, #tpu.memory_space<vmem>>, vector<16xf32>,
      tpu.vector_store %arg7[%swap3A_366, %swap3A_367], %broadcast_in_dim3A_6 {strides = array<i32>} : memref<208x128xf32, #tpu.memory_space<vmem>>, vector<16xf32>,
      %mul3A_369 = arith.constant 8 : i32
      %mul3A_370 = arith.muli %scan3A_187, %mul3A_369 : i32
      %add3A_371 = arith.constant 3 : i32
      %add3A_372 = arith.addi %mul3A_370, %add3A_371 : i32
      %swap3A_373 = arith.index_cast %add3A_372 : i32 to index
      %swap3A_374 = arith.constant 32 : index
      %swap3A_375 = tpu.vector_load %arg7[%swap3A_373, %swap3A_374] {strides = array<i32>} : memref<208x128xf32, #tpu.memory_space<vmem>>, vector<16xf32>,
      tpu.vector_store %arg7[%swap3A_373, %swap3A_374], %broadcast_in_dim3A_6 {strides = array<i32>} : memref<208x128xf32, #tpu.memory_space<vmem>>, vector<16xf32>,
      %mul3A_376 = arith.constant 8 : i32
      %mul3A_377 = arith.muli %scan3A_187, %mul3A_376 : i32
      %add3A_378 = arith.constant 3 : i32
      %add3A_379 = arith.addi %mul3A_377, %add3A_378 : i32
      %swap3A_380 = arith.index_cast %add3A_379 : i32 to index
      %swap3A_381 = arith.constant 48 : index
      %swap3A_382 = tpu.vector_load %arg7[%swap3A_380, %swap3A_381] {strides = array<i32>} : memref<208x128xf32, #tpu.memory_space<vmem>>, vector<16xf32>,
      tpu.vector_store %arg7[%swap3A_380, %swap3A_381], %broadcast_in_dim3A_6 {strides = array<i32>} : memref<208x128xf32, #tpu.memory_space<vmem>>, vector<16xf32>,
      %mul3A_383 = arith.constant 8 : i32
      %mul3A_384 = arith.muli %scan3A_187, %mul3A_383 : i32
      %add3A_385 = arith.constant 3 : i32
      %add3A_386 = arith.addi %mul3A_384, %add3A_385 : i32
      %swap3A_387 = arith.index_cast %add3A_386 : i32 to index
      %swap3A_388 = arith.constant 64 : index
      %swap3A_389 = tpu.vector_load %arg7[%swap3A_387, %swap3A_388] {strides = array<i32>} : memref<208x128xf32, #tpu.memory_space<vmem>>, vector<16xf32>,
      tpu.vector_store %arg7[%swap3A_387, %swap3A_388], %broadcast_in_dim3A_6 {strides = array<i32>} : memref<208x128xf32, #tpu.memory_space<vmem>>, vector<16xf32>,
      %mul3A_390 = arith.constant 8 : i32
      %mul3A_391 = arith.muli %scan3A_187, %mul3A_390 : i32
      %add3A_392 = arith.constant 3 : i32
      %add3A_393 = arith.addi %mul3A_391, %add3A_392 : i32
      %swap3A_394 = arith.index_cast %add3A_393 : i32 to index
      %swap3A_395 = arith.constant 80 : index
      %swap3A_396 = tpu.vector_load %arg7[%swap3A_394, %swap3A_395] {strides = array<i32>} : memref<208x128xf32, #tpu.memory_space<vmem>>, vector<16xf32>,
      tpu.vector_store %arg7[%swap3A_394, %swap3A_395], %broadcast_in_dim3A_6 {strides = array<i32>} : memref<208x128xf32, #tpu.memory_space<vmem>>, vector<16xf32>,
      %mul3A_397 = arith.constant 8 : i32
      %mul3A_398 = arith.muli %scan3A_187, %mul3A_397 : i32
      %add3A_399 = arith.constant 3 : i32
      %add3A_400 = arith.addi %mul3A_398, %add3A_399 : i32
      %swap3A_401 = arith.index_cast %add3A_400 : i32 to index
      %swap3A_402 = arith.constant 96 : index
      %swap3A_403 = tpu.vector_load %arg7[%swap3A_401, %swap3A_402] {strides = array<i32>} : memref<208x128xf32, #tpu.memory_space<vmem>>, vector<16xf32>,
      tpu.vector_store %arg7[%swap3A_401, %swap3A_402], %broadcast_in_dim3A_6 {strides = array<i32>} : memref<208x128xf32, #tpu.memory_space<vmem>>, vector<16xf32>,
      %mul3A_404 = arith.constant 8 : i32
      %mul3A_405 = arith.muli %scan3A_187, %mul3A_404 : i32
      %add3A_406 = arith.constant 3 : i32
      %add3A_407 = arith.addi %mul3A_405, %add3A_406 : i32
      %swap3A_408 = arith.index_cast %add3A_407 : i32 to index
      %swap3A_409 = arith.constant 112 : index
      %swap3A_410 = tpu.vector_load %arg7[%swap3A_408, %swap3A_409] {strides = array<i32>} : memref<208x128xf32, #tpu.memory_space<vmem>>, vector<16xf32>,
      tpu.vector_store %arg7[%swap3A_408, %swap3A_409], %broadcast_in_dim3A_6 {strides = array<i32>} : memref<208x128xf32, #tpu.memory_space<vmem>>, vector<16xf32>,
      %mul3A_411 = arith.constant 8 : i32
      %mul3A_412 = arith.muli %scan3A_187, %mul3A_411 : i32
      %add3A_413 = arith.constant 4 : i32
      %add3A_414 = arith.addi %mul3A_412, %add3A_413 : i32
      %swap3A_415 = arith.index_cast %add3A_414 : i32 to index
      %swap3A_416 = arith.constant 0 : index
      %swap3A_417 = tpu.vector_load %arg7[%swap3A_415, %swap3A_416] {strides = array<i32>} : memref<208x128xf32, #tpu.memory_space<vmem>>, vector<16xf32>,
      tpu.vector_store %arg7[%swap3A_415, %swap3A_416], %broadcast_in_dim3A_6 {strides = array<i32>} : memref<208x128xf32, #tpu.memory_space<vmem>>, vector<16xf32>,
      %mul3A_418 = arith.constant 8 : i32
      %mul3A_419 = arith.muli %scan3A_187, %mul3A_418 : i32
      %add3A_420 = arith.constant 4 : i32
      %add3A_421 = arith.addi %mul3A_419, %add3A_420 : i32
      %swap3A_422 = arith.index_cast %add3A_421 : i32 to index
      %swap3A_423 = arith.constant 16 : index
      %swap3A_424 = tpu.vector_load %arg7[%swap3A_422, %swap3A_423] {strides = array<i32>} : memref<208x128xf32, #tpu.memory_space<vmem>>, vector<16xf32>,
      tpu.vector_store %arg7[%swap3A_422, %swap3A_423], %broadcast_in_dim3A_6 {strides = array<i32>} : memref<208x128xf32, #tpu.memory_space<vmem>>, vector<16xf32>,
      %mul3A_425 = arith.constant 8 : i32
      %mul3A_426 = arith.muli %scan3A_187, %mul3A_425 : i32
      %add3A_427 = arith.constant 4 : i32
      %add3A_428 = arith.addi %mul3A_426, %add3A_427 : i32
      %swap3A_429 = arith.index_cast %add3A_428 : i32 to index
      %swap3A_430 = arith.constant 32 : index
      %swap3A_431 = tpu.vector_load %arg7[%swap3A_429, %swap3A_430] {strides = array<i32>} : memref<208x128xf32, #tpu.memory_space<vmem>>, vector<16xf32>,
      tpu.vector_store %arg7[%swap3A_429, %swap3A_430], %broadcast_in_dim3A_6 {strides = array<i32>} : memref<208x128xf32, #tpu.memory_space<vmem>>, vector<16xf32>,
      %mul3A_432 = arith.constant 8 : i32
      %mul3A_433 = arith.muli %scan3A_187, %mul3A_432 : i32
      %add3A_434 = arith.constant 4 : i32
      %add3A_435 = arith.addi %mul3A_433, %add3A_434 : i32
      %swap3A_436 = arith.index_cast %add3A_435 : i32 to index
      %swap3A_437 = arith.constant 48 : index
      %swap3A_438 = tpu.vector_load %arg7[%swap3A_436, %swap3A_437] {strides = array<i32>} : memref<208x128xf32, #tpu.memory_space<vmem>>, vector<16xf32>,
      tpu.vector_store %arg7[%swap3A_436, %swap3A_437], %broadcast_in_dim3A_6 {strides = array<i32>} : memref<208x128xf32, #tpu.memory_space<vmem>>, vector<16xf32>,
      %mul3A_439 = arith.constant 8 : i32
      %mul3A_440 = arith.muli %scan3A_187, %mul3A_439 : i32
      %add3A_441 = arith.constant 4 : i32
      %add3A_442 = arith.addi %mul3A_440, %add3A_441 : i32
      %swap3A_443 = arith.index_cast %add3A_442 : i32 to index
      %swap3A_444 = arith.constant 64 : index
      %swap3A_445 = tpu.vector_load %arg7[%swap3A_443, %swap3A_444] {strides = array<i32>} : memref<208x128xf32, #tpu.memory_space<vmem>>, vector<16xf32>,
      tpu.vector_store %arg7[%swap3A_443, %swap3A_444], %broadcast_in_dim3A_6 {strides = array<i32>} : memref<208x128xf32, #tpu.memory_space<vmem>>, vector<16xf32>,
      %mul3A_446 = arith.constant 8 : i32
      %mul3A_447 = arith.muli %scan3A_187, %mul3A_446 : i32
      %add3A_448 = arith.constant 4 : i32
      %add3A_449 = arith.addi %mul3A_447, %add3A_448 : i32
      %swap3A_450 = arith.index_cast %add3A_449 : i32 to index
      %swap3A_451 = arith.constant 80 : index
      %swap3A_452 = tpu.vector_load %arg7[%swap3A_450, %swap3A_451] {strides = array<i32>} : memref<208x128xf32, #tpu.memory_space<vmem>>, vector<16xf32>,
      tpu.vector_store %arg7[%swap3A_450, %swap3A_451], %broadcast_in_dim3A_6 {strides = array<i32>} : memref<208x128xf32, #tpu.memory_space<vmem>>, vector<16xf32>,
      %mul3A_453 = arith.constant 8 : i32
      %mul3A_454 = arith.muli %scan3A_187, %mul3A_453 : i32
      %add3A_455 = arith.constant 4 : i32
      %add3A_456 = arith.addi %mul3A_454, %add3A_455 : i32
      %swap3A_457 = arith.index_cast %add3A_456 : i32 to index
      %swap3A_458 = arith.constant 96 : index
      %swap3A_459 = tpu.vector_load %arg7[%swap3A_457, %swap3A_458] {strides = array<i32>} : memref<208x128xf32, #tpu.memory_space<vmem>>, vector<16xf32>,
      tpu.vector_store %arg7[%swap3A_457, %swap3A_458], %broadcast_in_dim3A_6 {strides = array<i32>} : memref<208x128xf32, #tpu.memory_space<vmem>>, vector<16xf32>,
      %mul3A_460 = arith.constant 8 : i32
      %mul3A_461 = arith.muli %scan3A_187, %mul3A_460 : i32
      %add3A_462 = arith.constant 4 : i32
      %add3A_463 = arith.addi %mul3A_461, %add3A_462 : i32
      %swap3A_464 = arith.index_cast %add3A_463 : i32 to index
      %swap3A_465 = arith.constant 112 : index
      %swap3A_466 = tpu.vector_load %arg7[%swap3A_464, %swap3A_465] {strides = array<i32>} : memref<208x128xf32, #tpu.memory_space<vmem>>, vector<16xf32>,
      tpu.vector_store %arg7[%swap3A_464, %swap3A_465], %broadcast_in_dim3A_6 {strides = array<i32>} : memref<208x128xf32, #tpu.memory_space<vmem>>, vector<16xf32>,
      %mul3A_467 = arith.constant 8 : i32
      %mul3A_468 = arith.muli %scan3A_187, %mul3A_467 : i32
      %add3A_469 = arith.constant 5 : i32
      %add3A_470 = arith.addi %mul3A_468, %add3A_469 : i32
      %swap3A_471 = arith.index_cast %add3A_470 : i32 to index
      %swap3A_472 = arith.constant 0 : index
      %swap3A_473 = tpu.vector_load %arg7[%swap3A_471, %swap3A_472] {strides = array<i32>} : memref<208x128xf32, #tpu.memory_space<vmem>>, vector<16xf32>,
      tpu.vector_store %arg7[%swap3A_471, %swap3A_472], %broadcast_in_dim3A_6 {strides = array<i32>} : memref<208x128xf32, #tpu.memory_space<vmem>>, vector<16xf32>,
      %mul3A_474 = arith.constant 8 : i32
      %mul3A_475 = arith.muli %scan3A_187, %mul3A_474 : i32
      %add3A_476 = arith.constant 5 : i32
      %add3A_477 = arith.addi %mul3A_475, %add3A_476 : i32
      %swap3A_478 = arith.index_cast %add3A_477 : i32 to index
      %swap3A_479 = arith.constant 16 : index
      %swap3A_480 = tpu.vector_load %arg7[%swap3A_478, %swap3A_479] {strides = array<i32>} : memref<208x128xf32, #tpu.memory_space<vmem>>, vector<16xf32>,
      tpu.vector_store %arg7[%swap3A_478, %swap3A_479], %broadcast_in_dim3A_6 {strides = array<i32>} : memref<208x128xf32, #tpu.memory_space<vmem>>, vector<16xf32>,
      %mul3A_481 = arith.constant 8 : i32
      %mul3A_482 = arith.muli %scan3A_187, %mul3A_481 : i32
      %add3A_483 = arith.constant 5 : i32
      %add3A_484 = arith.addi %mul3A_482, %add3A_483 : i32
      %swap3A_485 = arith.index_cast %add3A_484 : i32 to index
      %swap3A_486 = arith.constant 32 : index
      %swap3A_487 = tpu.vector_load %arg7[%swap3A_485, %swap3A_486] {strides = array<i32>} : memref<208x128xf32, #tpu.memory_space<vmem>>, vector<16xf32>,
      tpu.vector_store %arg7[%swap3A_485, %swap3A_486], %broadcast_in_dim3A_6 {strides = array<i32>} : memref<208x128xf32, #tpu.memory_space<vmem>>, vector<16xf32>,
      %mul3A_488 = arith.constant 8 : i32
      %mul3A_489 = arith.muli %scan3A_187, %mul3A_488 : i32
      %add3A_490 = arith.constant 5 : i32
      %add3A_491 = arith.addi %mul3A_489, %add3A_490 : i32
      %swap3A_492 = arith.index_cast %add3A_491 : i32 to index
      %swap3A_493 = arith.constant 48 : index
      %swap3A_494 = tpu.vector_load %arg7[%swap3A_492, %swap3A_493] {strides = array<i32>} : memref<208x128xf32, #tpu.memory_space<vmem>>, vector<16xf32>,
      tpu.vector_store %arg7[%swap3A_492, %swap3A_493], %broadcast_in_dim3A_6 {strides = array<i32>} : memref<208x128xf32, #tpu.memory_space<vmem>>, vector<16xf32>,
      %mul3A_495 = arith.constant 8 : i32
      %mul3A_496 = arith.muli %scan3A_187, %mul3A_495 : i32
      %add3A_497 = arith.constant 5 : i32
      %add3A_498 = arith.addi %mul3A_496, %add3A_497 : i32
      %swap3A_499 = arith.index_cast %add3A_498 : i32 to index
      %swap3A_500 = arith.constant 64 : index
      %swap3A_501 = tpu.vector_load %arg7[%swap3A_499, %swap3A_500] {strides = array<i32>} : memref<208x128xf32, #tpu.memory_space<vmem>>, vector<16xf32>,
      tpu.vector_store %arg7[%swap3A_499, %swap3A_500], %broadcast_in_dim3A_6 {strides = array<i32>} : memref<208x128xf32, #tpu.memory_space<vmem>>, vector<16xf32>,
      %mul3A_502 = arith.constant 8 : i32
      %mul3A_503 = arith.muli %scan3A_187, %mul3A_502 : i32
      %add3A_504 = arith.constant 5 : i32
      %add3A_505 = arith.addi %mul3A_503, %add3A_504 : i32
      %swap3A_506 = arith.index_cast %add3A_505 : i32 to index
      %swap3A_507 = arith.constant 80 : index
      %swap3A_508 = tpu.vector_load %arg7[%swap3A_506, %swap3A_507] {strides = array<i32>} : memref<208x128xf32, #tpu.memory_space<vmem>>, vector<16xf32>,
      tpu.vector_store %arg7[%swap3A_506, %swap3A_507], %broadcast_in_dim3A_6 {strides = array<i32>} : memref<208x128xf32, #tpu.memory_space<vmem>>, vector<16xf32>,
      %mul3A_509 = arith.constant 8 : i32
      %mul3A_510 = arith.muli %scan3A_187, %mul3A_509 : i32
      %add3A_511 = arith.constant 5 : i32
      %add3A_512 = arith.addi %mul3A_510, %add3A_511 : i32
      %swap3A_513 = arith.index_cast %add3A_512 : i32 to index
      %swap3A_514 = arith.constant 96 : index
      %swap3A_515 = tpu.vector_load %arg7[%swap3A_513, %swap3A_514] {strides = array<i32>} : memref<208x128xf32, #tpu.memory_space<vmem>>, vector<16xf32>,
      tpu.vector_store %arg7[%swap3A_513, %swap3A_514], %broadcast_in_dim3A_6 {strides = array<i32>} : memref<208x128xf32, #tpu.memory_space<vmem>>, vector<16xf32>,
      %mul3A_516 = arith.constant 8 : i32
      %mul3A_517 = arith.muli %scan3A_187, %mul3A_516 : i32
      %add3A_518 = arith.constant 5 : i32
      %add3A_519 = arith.addi %mul3A_517, %add3A_518 : i32
      %swap3A_520 = arith.index_cast %add3A_519 : i32 to index
      %swap3A_521 = arith.constant 112 : index
      %swap3A_522 = tpu.vector_load %arg7[%swap3A_520, %swap3A_521] {strides = array<i32>} : memref<208x128xf32, #tpu.memory_space<vmem>>, vector<16xf32>,
      tpu.vector_store %arg7[%swap3A_520, %swap3A_521], %broadcast_in_dim3A_6 {strides = array<i32>} : memref<208x128xf32, #tpu.memory_space<vmem>>, vector<16xf32>,
      %mul3A_523 = arith.constant 8 : i32
      %mul3A_524 = arith.muli %scan3A_187, %mul3A_523 : i32
      %add3A_525 = arith.constant 6 : i32
      %add3A_526 = arith.addi %mul3A_524, %add3A_525 : i32
      %swap3A_527 = arith.index_cast %add3A_526 : i32 to index
      %swap3A_528 = arith.constant 0 : index
      %swap3A_529 = tpu.vector_load %arg7[%swap3A_527, %swap3A_528] {strides = array<i32>} : memref<208x128xf32, #tpu.memory_space<vmem>>, vector<16xf32>,
      tpu.vector_store %arg7[%swap3A_527, %swap3A_528], %broadcast_in_dim3A_6 {strides = array<i32>} : memref<208x128xf32, #tpu.memory_space<vmem>>, vector<16xf32>,
      %mul3A_530 = arith.constant 8 : i32
      %mul3A_531 = arith.muli %scan3A_187, %mul3A_530 : i32
      %add3A_532 = arith.constant 6 : i32
      %add3A_533 = arith.addi %mul3A_531, %add3A_532 : i32
      %swap3A_534 = arith.index_cast %add3A_533 : i32 to index
      %swap3A_535 = arith.constant 16 : index
      %swap3A_536 = tpu.vector_load %arg7[%swap3A_534, %swap3A_535] {strides = array<i32>} : memref<208x128xf32, #tpu.memory_space<vmem>>, vector<16xf32>,
      tpu.vector_store %arg7[%swap3A_534, %swap3A_535], %broadcast_in_dim3A_6 {strides = array<i32>} : memref<208x128xf32, #tpu.memory_space<vmem>>, vector<16xf32>,
      %mul3A_537 = arith.constant 8 : i32
      %mul3A_538 = arith.muli %scan3A_187, %mul3A_537 : i32
      %add3A_539 = arith.constant 6 : i32
      %add3A_540 = arith.addi %mul3A_538, %add3A_539 : i32
      %swap3A_541 = arith.index_cast %add3A_540 : i32 to index
      %swap3A_542 = arith.constant 32 : index
      %swap3A_543 = tpu.vector_load %arg7[%swap3A_541, %swap3A_542] {strides = array<i32>} : memref<208x128xf32, #tpu.memory_space<vmem>>, vector<16xf32>,
      tpu.vector_store %arg7[%swap3A_541, %swap3A_542], %broadcast_in_dim3A_6 {strides = array<i32>} : memref<208x128xf32, #tpu.memory_space<vmem>>, vector<16xf32>,
      %mul3A_544 = arith.constant 8 : i32
      %mul3A_545 = arith.muli %scan3A_187, %mul3A_544 : i32
      %add3A_546 = arith.constant 6 : i32
      %add3A_547 = arith.addi %mul3A_545, %add3A_546 : i32
      %swap3A_548 = arith.index_cast %add3A_547 : i32 to index
      %swap3A_549 = arith.constant 48 : index
      %swap3A_550 = tpu.vector_load %arg7[%swap3A_548, %swap3A_549] {strides = array<i32>} : memref<208x128xf32, #tpu.memory_space<vmem>>, vector<16xf32>,
      tpu.vector_store %arg7[%swap3A_548, %swap3A_549], %broadcast_in_dim3A_6 {strides = array<i32>} : memref<208x128xf32, #tpu.memory_space<vmem>>, vector<16xf32>,
      %mul3A_551 = arith.constant 8 : i32
      %mul3A_552 = arith.muli %scan3A_187, %mul3A_551 : i32
      %add3A_553 = arith.constant 6 : i32
      %add3A_554 = arith.addi %mul3A_552, %add3A_553 : i32
      %swap3A_555 = arith.index_cast %add3A_554 : i32 to index
      %swap3A_556 = arith.constant 64 : index
      %swap3A_557 = tpu.vector_load %arg7[%swap3A_555, %swap3A_556] {strides = array<i32>} : memref<208x128xf32, #tpu.memory_space<vmem>>, vector<16xf32>,
      tpu.vector_store %arg7[%swap3A_555, %swap3A_556], %broadcast_in_dim3A_6 {strides = array<i32>} : memref<208x128xf32, #tpu.memory_space<vmem>>, vector<16xf32>,
      %mul3A_558 = arith.constant 8 : i32
      %mul3A_559 = arith.muli %scan3A_187, %mul3A_558 : i32
      %add3A_560 = arith.constant 6 : i32
      %add3A_561 = arith.addi %mul3A_559, %add3A_560 : i32
      %swap3A_562 = arith.index_cast %add3A_561 : i32 to index
      %swap3A_563 = arith.constant 80 : index
      %swap3A_564 = tpu.vector_load %arg7[%swap3A_562, %swap3A_563] {strides = array<i32>} : memref<208x128xf32, #tpu.memory_space<vmem>>, vector<16xf32>,
      tpu.vector_store %arg7[%swap3A_562, %swap3A_563], %broadcast_in_dim3A_6 {strides = array<i32>} : memref<208x128xf32, #tpu.memory_space<vmem>>, vector<16xf32>,
      %mul3A_565 = arith.constant 8 : i32
      %mul3A_566 = arith.muli %scan3A_187, %mul3A_565 : i32
      %add3A_567 = arith.constant 6 : i32
      %add3A_568 = arith.addi %mul3A_566, %add3A_567 : i32
      %swap3A_569 = arith.index_cast %add3A_568 : i32 to index
      %swap3A_570 = arith.constant 96 : index
      %swap3A_571 = tpu.vector_load %arg7[%swap3A_569, %swap3A_570] {strides = array<i32>} : memref<208x128xf32, #tpu.memory_space<vmem>>, vector<16xf32>,
      tpu.vector_store %arg7[%swap3A_569, %swap3A_570], %broadcast_in_dim3A_6 {strides = array<i32>} : memref<208x128xf32, #tpu.memory_space<vmem>>, vector<16xf32>,
      %mul3A_572 = arith.constant 8 : i32
      %mul3A_573 = arith.muli %scan3A_187, %mul3A_572 : i32
      %add3A_574 = arith.constant 6 : i32
      %add3A_575 = arith.addi %mul3A_573, %add3A_574 : i32
      %swap3A_576 = arith.index_cast %add3A_575 : i32 to index
      %swap3A_577 = arith.constant 112 : index
      %swap3A_578 = tpu.vector_load %arg7[%swap3A_576, %swap3A_577] {strides = array<i32>} : memref<208x128xf32, #tpu.memory_space<vmem>>, vector<16xf32>,
      tpu.vector_store %arg7[%swap3A_576, %swap3A_577], %broadcast_in_dim3A_6 {strides = array<i32>} : memref<208x128xf32, #tpu.memory_space<vmem>>, vector<16xf32>,
      %mul3A_579 = arith.constant 8 : i32
      %mul3A_580 = arith.muli %scan3A_187, %mul3A_579 : i32
      %add3A_581 = arith.constant 7 : i32
      %add3A_582 = arith.addi %mul3A_580, %add3A_581 : i32
      %swap3A_583 = arith.index_cast %add3A_582 : i32 to index
      %swap3A_584 = arith.constant 0 : index
      %swap3A_585 = tpu.vector_load %arg7[%swap3A_583, %swap3A_584] {strides = array<i32>} : memref<208x128xf32, #tpu.memory_space<vmem>>, vector<16xf32>,
      tpu.vector_store %arg7[%swap3A_583, %swap3A_584], %broadcast_in_dim3A_6 {strides = array<i32>} : memref<208x128xf32, #tpu.memory_space<vmem>>, vector<16xf32>,
      %mul3A_586 = arith.constant 8 : i32
      %mul3A_587 = arith.muli %scan3A_187, %mul3A_586 : i32
      %add3A_588 = arith.constant 7 : i32
      %add3A_589 = arith.addi %mul3A_587, %add3A_588 : i32
      %swap3A_590 = arith.index_cast %add3A_589 : i32 to index
      %swap3A_591 = arith.constant 16 : index
      %swap3A_592 = tpu.vector_load %arg7[%swap3A_590, %swap3A_591] {strides = array<i32>} : memref<208x128xf32, #tpu.memory_space<vmem>>, vector<16xf32>,
      tpu.vector_store %arg7[%swap3A_590, %swap3A_591], %broadcast_in_dim3A_6 {strides = array<i32>} : memref<208x128xf32, #tpu.memory_space<vmem>>, vector<16xf32>,
      %mul3A_593 = arith.constant 8 : i32
      %mul3A_594 = arith.muli %scan3A_187, %mul3A_593 : i32
      %add3A_595 = arith.constant 7 : i32
      %add3A_596 = arith.addi %mul3A_594, %add3A_595 : i32
      %swap3A_597 = arith.index_cast %add3A_596 : i32 to index
      %swap3A_598 = arith.constant 32 : index
      %swap3A_599 = tpu.vector_load %arg7[%swap3A_597, %swap3A_598] {strides = array<i32>} : memref<208x128xf32, #tpu.memory_space<vmem>>, vector<16xf32>,
      tpu.vector_store %arg7[%swap3A_597, %swap3A_598], %broadcast_in_dim3A_6 {strides = array<i32>} : memref<208x128xf32, #tpu.memory_space<vmem>>, vector<16xf32>,
      %mul3A_600 = arith.constant 8 : i32
      %mul3A_601 = arith.muli %scan3A_187, %mul3A_600 : i32
      %add3A_602 = arith.constant 7 : i32
      %add3A_603 = arith.addi %mul3A_601, %add3A_602 : i32
      %swap3A_604 = arith.index_cast %add3A_603 : i32 to index
      %swap3A_605 = arith.constant 48 : index
      %swap3A_606 = tpu.vector_load %arg7[%swap3A_604, %swap3A_605] {strides = array<i32>} : memref<208x128xf32, #tpu.memory_space<vmem>>, vector<16xf32>,
      tpu.vector_store %arg7[%swap3A_604, %swap3A_605], %broadcast_in_dim3A_6 {strides = array<i32>} : memref<208x128xf32, #tpu.memory_space<vmem>>, vector<16xf32>,
      %mul3A_607 = arith.constant 8 : i32
      %mul3A_608 = arith.muli %scan3A_187, %mul3A_607 : i32
      %add3A_609 = arith.constant 7 : i32
      %add3A_610 = arith.addi %mul3A_608, %add3A_609 : i32
      %swap3A_611 = arith.index_cast %add3A_610 : i32 to index
      %swap3A_612 = arith.constant 64 : index
      %swap3A_613 = tpu.vector_load %arg7[%swap3A_611, %swap3A_612] {strides = array<i32>} : memref<208x128xf32, #tpu.memory_space<vmem>>, vector<16xf32>,
      tpu.vector_store %arg7[%swap3A_611, %swap3A_612], %broadcast_in_dim3A_6 {strides = array<i32>} : memref<208x128xf32, #tpu.memory_space<vmem>>, vector<16xf32>,
      %mul3A_614 = arith.constant 8 : i32
      %mul3A_615 = arith.muli %scan3A_187, %mul3A_614 : i32
      %add3A_616 = arith.constant 7 : i32
      %add3A_617 = arith.addi %mul3A_615, %add3A_616 : i32
      %swap3A_618 = arith.index_cast %add3A_617 : i32 to index
      %swap3A_619 = arith.constant 80 : index
      %swap3A_620 = tpu.vector_load %arg7[%swap3A_618, %swap3A_619] {strides = array<i32>} : memref<208x128xf32, #tpu.memory_space<vmem>>, vector<16xf32>,
      tpu.vector_store %arg7[%swap3A_618, %swap3A_619], %broadcast_in_dim3A_6 {strides = array<i32>} : memref<208x128xf32, #tpu.memory_space<vmem>>, vector<16xf32>,
      %mul3A_621 = arith.constant 8 : i32
      %mul3A_622 = arith.muli %scan3A_187, %mul3A_621 : i32
      %add3A_623 = arith.constant 7 : i32
      %add3A_624 = arith.addi %mul3A_622, %add3A_623 : i32
      %swap3A_625 = arith.index_cast %add3A_624 : i32 to index
      %swap3A_626 = arith.constant 96 : index
      %swap3A_627 = tpu.vector_load %arg7[%swap3A_625, %swap3A_626] {strides = array<i32>} : memref<208x128xf32, #tpu.memory_space<vmem>>, vector<16xf32>,
      tpu.vector_store %arg7[%swap3A_625, %swap3A_626], %broadcast_in_dim3A_6 {strides = array<i32>} : memref<208x128xf32, #tpu.memory_space<vmem>>, vector<16xf32>,
      %mul3A_628 = arith.constant 8 : i32
      %mul3A_629 = arith.muli %scan3A_187, %mul3A_628 : i32
      %add3A_630 = arith.constant 7 : i32
      %add3A_631 = arith.addi %mul3A_629, %add3A_630 : i32
      %swap3A_632 = arith.index_cast %add3A_631 : i32 to index
      %swap3A_633 = arith.constant 112 : index
      %swap3A_634 = tpu.vector_load %arg7[%swap3A_632, %swap3A_633] {strides = array<i32>} : memref<208x128xf32, #tpu.memory_space<vmem>>, vector<16xf32>,
      tpu.vector_store %arg7[%swap3A_632, %swap3A_633], %broadcast_in_dim3A_6 {strides = array<i32>} : memref<208x128xf32, #tpu.memory_space<vmem>>, vector<16xf32>,
    }
    %scan3A_52 = arith.constant 26 : i32
    %scan3A_53 = arith.constant 0 : i32
    %scan3A_54 = arith.constant 0 : i32
    %scan3A_55 = arith.constant 8 : i32
    %scan3A_56 = arith.addi %scan3A_54, %scan3A_55 : i32
    %scan3A_57 = arith.constant 1 : i32
    scf.for %scan3A_187 = %scan3A_54 to %scan3A_56 step %scan3A_57  : i32 {
      %mul3A_188 = arith.constant 16 : i32
      %mul3A_189 = arith.muli %scan3A_187, %mul3A_188 : i32
      %add3A_190 = vector.broadcast %mul3A_189 : i32 to vector<16xi32>
      %add3A_191 = arith.addi %iota3A, %add3A_190 : vector<16xi32>
      %mul3A_192 = arith.constant 16 : i32
      %mul3A_193 = arith.muli %scan3A_187, %mul3A_192 : i32
      %add3A_194 = arith.constant 128 : i32
      %add3A_195 = arith.addi %add3A_194, %mul3A_193 : i32
      %get3A = arith.constant 0 : i32
      %get3A_196 = arith.index_cast %get3A : i32 to index
      %get3A_197 = arith.index_cast %add3A_195 : i32 to index
      %get3A_198 = tpu.vector_load %arg4[%get3A_196, %get3A_197] {strides = array<i32>} : memref<26x512xi32, #tpu.memory_space<vmem>>, vector<16xi32>,
      %sub3A = arith.constant 0 : i32
      %sub3A_199 = vector.broadcast %sub3A : i32 to vector<16xi32>
      %sub3A_200 = arith.subi %get3A_198, %sub3A_199 : vector<16xi32>
      %bitcast3A = vector.bitcast %sub3A_200 : vector<16xi32> to vector<16xi32>
      %lt3A = arith.constant 16 : i32
      %lt3A_201 = vector.broadcast %lt3A : i32 to vector<16xi32>
      %lt3A_202 = arith.cmpi ult, %bitcast3A, %lt3A_201 : vector<16xi32>
      %sub3A_203 = arith.constant 0 : i32
      %sub3A_204 = vector.broadcast %sub3A_203 : i32 to vector<16xi32>
      %sub3A_205 = arith.subi %get3A_198, %sub3A_204 : vector<16xi32>
      tpu.vector_store_idx %arg7[%sub3A_205, %add3A_191], %broadcast_in_dim3A_8 masked %lt3A_202 : memref<208x128xf32, #tpu.memory_space<vmem>>[vector<16xi32>, vector<16xi32>], vector<16xf32>, vector<16xi1>
      %mul3A_206 = arith.constant 16 : i32
      %mul3A_207 = arith.muli %scan3A_187, %mul3A_206 : i32
      %add3A_208 = arith.constant 128 : i32
      %add3A_209 = arith.addi %add3A_208, %mul3A_207 : i32
      %get3A_210 = arith.constant 1 : i32
      %get3A_211 = arith.index_cast %get3A_210 : i32 to index
      %get3A_212 = arith.index_cast %add3A_209 : i32 to index
      %get3A_213 = tpu.vector_load %arg4[%get3A_211, %get3A_212] {strides = array<i32>} : memref<26x512xi32, #tpu.memory_space<vmem>>, vector<16xi32>,
      %sub3A_214 = arith.constant 16 : i32
      %sub3A_215 = vector.broadcast %sub3A_214 : i32 to vector<16xi32>
      %sub3A_216 = arith.subi %get3A_213, %sub3A_215 : vector<16xi32>
      %bitcast3A_217 = vector.bitcast %sub3A_216 : vector<16xi32> to vector<16xi32>
      %lt3A_218 = arith.constant 16 : i32
      %lt3A_219 = vector.broadcast %lt3A_218 : i32 to vector<16xi32>
      %lt3A_220 = arith.cmpi ult, %bitcast3A_217, %lt3A_219 : vector<16xi32>
      %sub3A_221 = arith.constant 0 : i32
      %sub3A_222 = vector.broadcast %sub3A_221 : i32 to vector<16xi32>
      %sub3A_223 = arith.subi %get3A_213, %sub3A_222 : vector<16xi32>
      tpu.vector_store_idx %arg7[%sub3A_223, %add3A_191], %broadcast_in_dim3A_8 masked %lt3A_220 : memref<208x128xf32, #tpu.memory_space<vmem>>[vector<16xi32>, vector<16xi32>], vector<16xf32>, vector<16xi1>
      %mul3A_224 = arith.constant 16 : i32
      %mul3A_225 = arith.muli %scan3A_187, %mul3A_224 : i32
      %add3A_226 = arith.constant 128 : i32
      %add3A_227 = arith.addi %add3A_226, %mul3A_225 : i32
      %get3A_228 = arith.constant 2 : i32
      %get3A_229 = arith.index_cast %get3A_228 : i32 to index
      %get3A_230 = arith.index_cast %add3A_227 : i32 to index
      %get3A_231 = tpu.vector_load %arg4[%get3A_229, %get3A_230] {strides = array<i32>} : memref<26x512xi32, #tpu.memory_space<vmem>>, vector<16xi32>,
      %sub3A_232 = arith.constant 32 : i32
      %sub3A_233 = vector.broadcast %sub3A_232 : i32 to vector<16xi32>
      %sub3A_234 = arith.subi %get3A_231, %sub3A_233 : vector<16xi32>
      %bitcast3A_235 = vector.bitcast %sub3A_234 : vector<16xi32> to vector<16xi32>
      %lt3A_236 = arith.constant 16 : i32
      %lt3A_237 = vector.broadcast %lt3A_236 : i32 to vector<16xi32>
      %lt3A_238 = arith.cmpi ult, %bitcast3A_235, %lt3A_237 : vector<16xi32>
      %sub3A_239 = arith.constant 0 : i32
      %sub3A_240 = vector.broadcast %sub3A_239 : i32 to vector<16xi32>
      %sub3A_241 = arith.subi %get3A_231, %sub3A_240 : vector<16xi32>
      tpu.vector_store_idx %arg7[%sub3A_241, %add3A_191], %broadcast_in_dim3A_8 masked %lt3A_238 : memref<208x128xf32, #tpu.memory_space<vmem>>[vector<16xi32>, vector<16xi32>], vector<16xf32>, vector<16xi1>
      %mul3A_242 = arith.constant 16 : i32
      %mul3A_243 = arith.muli %scan3A_187, %mul3A_242 : i32
      %add3A_244 = arith.constant 128 : i32
      %add3A_245 = arith.addi %add3A_244, %mul3A_243 : i32
      %get3A_246 = arith.constant 3 : i32
      %get3A_247 = arith.index_cast %get3A_246 : i32 to index
      %get3A_248 = arith.index_cast %add3A_245 : i32 to index
      %get3A_249 = tpu.vector_load %arg4[%get3A_247, %get3A_248] {strides = array<i32>} : memref<26x512xi32, #tpu.memory_space<vmem>>, vector<16xi32>,
      %sub3A_250 = arith.constant 48 : i32
      %sub3A_251 = vector.broadcast %sub3A_250 : i32 to vector<16xi32>
      %sub3A_252 = arith.subi %get3A_249, %sub3A_251 : vector<16xi32>
      %bitcast3A_253 = vector.bitcast %sub3A_252 : vector<16xi32> to vector<16xi32>
      %lt3A_254 = arith.constant 16 : i32
      %lt3A_255 = vector.broadcast %lt3A_254 : i32 to vector<16xi32>
      %lt3A_256 = arith.cmpi ult, %bitcast3A_253, %lt3A_255 : vector<16xi32>
      %sub3A_257 = arith.constant 0 : i32
      %sub3A_258 = vector.broadcast %sub3A_257 : i32 to vector<16xi32>
      %sub3A_259 = arith.subi %get3A_249, %sub3A_258 : vector<16xi32>
      tpu.vector_store_idx %arg7[%sub3A_259, %add3A_191], %broadcast_in_dim3A_8 masked %lt3A_256 : memref<208x128xf32, #tpu.memory_space<vmem>>[vector<16xi32>, vector<16xi32>], vector<16xf32>, vector<16xi1>
      %mul3A_260 = arith.constant 16 : i32
      %mul3A_261 = arith.muli %scan3A_187, %mul3A_260 : i32
      %add3A_262 = arith.constant 128 : i32
      %add3A_263 = arith.addi %add3A_262, %mul3A_261 : i32
      %get3A_264 = arith.constant 4 : i32
      %get3A_265 = arith.index_cast %get3A_264 : i32 to index
      %get3A_266 = arith.index_cast %add3A_263 : i32 to index
      %get3A_267 = tpu.vector_load %arg4[%get3A_265, %get3A_266] {strides = array<i32>} : memref<26x512xi32, #tpu.memory_space<vmem>>, vector<16xi32>,
      %sub3A_268 = arith.constant 64 : i32
      %sub3A_269 = vector.broadcast %sub3A_268 : i32 to vector<16xi32>
      %sub3A_270 = arith.subi %get3A_267, %sub3A_269 : vector<16xi32>
      %bitcast3A_271 = vector.bitcast %sub3A_270 : vector<16xi32> to vector<16xi32>
      %lt3A_272 = arith.constant 16 : i32
      %lt3A_273 = vector.broadcast %lt3A_272 : i32 to vector<16xi32>
      %lt3A_274 = arith.cmpi ult, %bitcast3A_271, %lt3A_273 : vector<16xi32>
      %sub3A_275 = arith.constant 0 : i32
      %sub3A_276 = vector.broadcast %sub3A_275 : i32 to vector<16xi32>
      %sub3A_277 = arith.subi %get3A_267, %sub3A_276 : vector<16xi32>
      tpu.vector_store_idx %arg7[%sub3A_277, %add3A_191], %broadcast_in_dim3A_8 masked %lt3A_274 : memref<208x128xf32, #tpu.memory_space<vmem>>[vector<16xi32>, vector<16xi32>], vector<16xf32>, vector<16xi1>
      %mul3A_278 = arith.constant 16 : i32
      %mul3A_279 = arith.muli %scan3A_187, %mul3A_278 : i32
      %add3A_280 = arith.constant 128 : i32
      %add3A_281 = arith.addi %add3A_280, %mul3A_279 : i32
      %get3A_282 = arith.constant 5 : i32
      %get3A_283 = arith.index_cast %get3A_282 : i32 to index
      %get3A_284 = arith.index_cast %add3A_281 : i32 to index
      %get3A_285 = tpu.vector_load %arg4[%get3A_283, %get3A_284] {strides = array<i32>} : memref<26x512xi32, #tpu.memory_space<vmem>>, vector<16xi32>,
      %sub3A_286 = arith.constant 80 : i32
      %sub3A_287 = vector.broadcast %sub3A_286 : i32 to vector<16xi32>
      %sub3A_288 = arith.subi %get3A_285, %sub3A_287 : vector<16xi32>
      %bitcast3A_289 = vector.bitcast %sub3A_288 : vector<16xi32> to vector<16xi32>
      %lt3A_290 = arith.constant 16 : i32
      %lt3A_291 = vector.broadcast %lt3A_290 : i32 to vector<16xi32>
      %lt3A_292 = arith.cmpi ult, %bitcast3A_289, %lt3A_291 : vector<16xi32>
      %sub3A_293 = arith.constant 0 : i32
      %sub3A_294 = vector.broadcast %sub3A_293 : i32 to vector<16xi32>
      %sub3A_295 = arith.subi %get3A_285, %sub3A_294 : vector<16xi32>
      tpu.vector_store_idx %arg7[%sub3A_295, %add3A_191], %broadcast_in_dim3A_8 masked %lt3A_292 : memref<208x128xf32, #tpu.memory_space<vmem>>[vector<16xi32>, vector<16xi32>], vector<16xf32>, vector<16xi1>
      %mul3A_296 = arith.constant 16 : i32
      %mul3A_297 = arith.muli %scan3A_187, %mul3A_296 : i32
      %add3A_298 = arith.constant 128 : i32
      %add3A_299 = arith.addi %add3A_298, %mul3A_297 : i32
      %get3A_300 = arith.constant 6 : i32
      %get3A_301 = arith.index_cast %get3A_300 : i32 to index
      %get3A_302 = arith.index_cast %add3A_299 : i32 to index
      %get3A_303 = tpu.vector_load %arg4[%get3A_301, %get3A_302] {strides = array<i32>} : memref<26x512xi32, #tpu.memory_space<vmem>>, vector<16xi32>,
      %sub3A_304 = arith.constant 96 : i32
      %sub3A_305 = vector.broadcast %sub3A_304 : i32 to vector<16xi32>
      %sub3A_306 = arith.subi %get3A_303, %sub3A_305 : vector<16xi32>
      %bitcast3A_307 = vector.bitcast %sub3A_306 : vector<16xi32> to vector<16xi32>
      %lt3A_308 = arith.constant 16 : i32
      %lt3A_309 = vector.broadcast %lt3A_308 : i32 to vector<16xi32>
      %lt3A_310 = arith.cmpi ult, %bitcast3A_307, %lt3A_309 : vector<16xi32>
      %sub3A_311 = arith.constant 0 : i32
      %sub3A_312 = vector.broadcast %sub3A_311 : i32 to vector<16xi32>
      %sub3A_313 = arith.subi %get3A_303, %sub3A_312 : vector<16xi32>
      tpu.vector_store_idx %arg7[%sub3A_313, %add3A_191], %broadcast_in_dim3A_8 masked %lt3A_310 : memref<208x128xf32, #tpu.memory_space<vmem>>[vector<16xi32>, vector<16xi32>], vector<16xf32>, vector<16xi1>
      %mul3A_314 = arith.constant 16 : i32
      %mul3A_315 = arith.muli %scan3A_187, %mul3A_314 : i32
      %add3A_316 = arith.constant 128 : i32
      %add3A_317 = arith.addi %add3A_316, %mul3A_315 : i32
      %get3A_318 = arith.constant 7 : i32
      %get3A_319 = arith.index_cast %get3A_318 : i32 to index
      %get3A_320 = arith.index_cast %add3A_317 : i32 to index
      %get3A_321 = tpu.vector_load %arg4[%get3A_319, %get3A_320] {strides = array<i32>} : memref<26x512xi32, #tpu.memory_space<vmem>>, vector<16xi32>,
      %sub3A_322 = arith.constant 112 : i32
      %sub3A_323 = vector.broadcast %sub3A_322 : i32 to vector<16xi32>
      %sub3A_324 = arith.subi %get3A_321, %sub3A_323 : vector<16xi32>
      %bitcast3A_325 = vector.bitcast %sub3A_324 : vector<16xi32> to vector<16xi32>
      %lt3A_326 = arith.constant 16 : i32
      %lt3A_327 = vector.broadcast %lt3A_326 : i32 to vector<16xi32>
      %lt3A_328 = arith.cmpi ult, %bitcast3A_325, %lt3A_327 : vector<16xi32>
      %sub3A_329 = arith.constant 0 : i32
      %sub3A_330 = vector.broadcast %sub3A_329 : i32 to vector<16xi32>
      %sub3A_331 = arith.subi %get3A_321, %sub3A_330 : vector<16xi32>
      tpu.vector_store_idx %arg7[%sub3A_331, %add3A_191], %broadcast_in_dim3A_8 masked %lt3A_328 : memref<208x128xf32, #tpu.memory_space<vmem>>[vector<16xi32>, vector<16xi32>], vector<16xf32>, vector<16xi1>
      %mul3A_332 = arith.constant 16 : i32
      %mul3A_333 = arith.muli %scan3A_187, %mul3A_332 : i32
      %add3A_334 = arith.constant 128 : i32
      %add3A_335 = arith.addi %add3A_334, %mul3A_333 : i32
      %get3A_336 = arith.constant 8 : i32
      %get3A_337 = arith.index_cast %get3A_336 : i32 to index
      %get3A_338 = arith.index_cast %add3A_335 : i32 to index
      %get3A_339 = tpu.vector_load %arg4[%get3A_337, %get3A_338] {strides = array<i32>} : memref<26x512xi32, #tpu.memory_space<vmem>>, vector<16xi32>,
      %sub3A_340 = arith.constant 128 : i32
      %sub3A_341 = vector.broadcast %sub3A_340 : i32 to vector<16xi32>
      %sub3A_342 = arith.subi %get3A_339, %sub3A_341 : vector<16xi32>
      %bitcast3A_343 = vector.bitcast %sub3A_342 : vector<16xi32> to vector<16xi32>
      %lt3A_344 = arith.constant 16 : i32
      %lt3A_345 = vector.broadcast %lt3A_344 : i32 to vector<16xi32>
      %lt3A_346 = arith.cmpi ult, %bitcast3A_343, %lt3A_345 : vector<16xi32>
      %sub3A_347 = arith.constant 0 : i32
      %sub3A_348 = vector.broadcast %sub3A_347 : i32 to vector<16xi32>
      %sub3A_349 = arith.subi %get3A_339, %sub3A_348 : vector<16xi32>
      tpu.vector_store_idx %arg7[%sub3A_349, %add3A_191], %broadcast_in_dim3A_8 masked %lt3A_346 : memref<208x128xf32, #tpu.memory_space<vmem>>[vector<16xi32>, vector<16xi32>], vector<16xf32>, vector<16xi1>
      %mul3A_350 = arith.constant 16 : i32
      %mul3A_351 = arith.muli %scan3A_187, %mul3A_350 : i32
      %add3A_352 = arith.constant 128 : i32
      %add3A_353 = arith.addi %add3A_352, %mul3A_351 : i32
      %get3A_354 = arith.constant 9 : i32
      %get3A_355 = arith.index_cast %get3A_354 : i32 to index
      %get3A_356 = arith.index_cast %add3A_353 : i32 to index
      %get3A_357 = tpu.vector_load %arg4[%get3A_355, %get3A_356] {strides = array<i32>} : memref<26x512xi32, #tpu.memory_space<vmem>>, vector<16xi32>,
      %sub3A_358 = arith.constant 144 : i32
      %sub3A_359 = vector.broadcast %sub3A_358 : i32 to vector<16xi32>
      %sub3A_360 = arith.subi %get3A_357, %sub3A_359 : vector<16xi32>
      %bitcast3A_361 = vector.bitcast %sub3A_360 : vector<16xi32> to vector<16xi32>
      %lt3A_362 = arith.constant 16 : i32
      %lt3A_363 = vector.broadcast %lt3A_362 : i32 to vector<16xi32>
      %lt3A_364 = arith.cmpi ult, %bitcast3A_361, %lt3A_363 : vector<16xi32>
      %sub3A_365 = arith.constant 0 : i32
      %sub3A_366 = vector.broadcast %sub3A_365 : i32 to vector<16xi32>
      %sub3A_367 = arith.subi %get3A_357, %sub3A_366 : vector<16xi32>
      tpu.vector_store_idx %arg7[%sub3A_367, %add3A_191], %broadcast_in_dim3A_8 masked %lt3A_364 : memref<208x128xf32, #tpu.memory_space<vmem>>[vector<16xi32>, vector<16xi32>], vector<16xf32>, vector<16xi1>
      %mul3A_368 = arith.constant 16 : i32
      %mul3A_369 = arith.muli %scan3A_187, %mul3A_368 : i32
      %add3A_370 = arith.constant 128 : i32
      %add3A_371 = arith.addi %add3A_370, %mul3A_369 : i32
      %get3A_372 = arith.constant 10 : i32
      %get3A_373 = arith.index_cast %get3A_372 : i32 to index
      %get3A_374 = arith.index_cast %add3A_371 : i32 to index
      %get3A_375 = tpu.vector_load %arg4[%get3A_373, %get3A_374] {strides = array<i32>} : memref<26x512xi32, #tpu.memory_space<vmem>>, vector<16xi32>,
      %sub3A_376 = arith.constant 160 : i32
      %sub3A_377 = vector.broadcast %sub3A_376 : i32 to vector<16xi32>
      %sub3A_378 = arith.subi %get3A_375, %sub3A_377 : vector<16xi32>
      %bitcast3A_379 = vector.bitcast %sub3A_378 : vector<16xi32> to vector<16xi32>
      %lt3A_380 = arith.constant 16 : i32
      %lt3A_381 = vector.broadcast %lt3A_380 : i32 to vector<16xi32>
      %lt3A_382 = arith.cmpi ult, %bitcast3A_379, %lt3A_381 : vector<16xi32>
      %sub3A_383 = arith.constant 0 : i32
      %sub3A_384 = vector.broadcast %sub3A_383 : i32 to vector<16xi32>
      %sub3A_385 = arith.subi %get3A_375, %sub3A_384 : vector<16xi32>
      tpu.vector_store_idx %arg7[%sub3A_385, %add3A_191], %broadcast_in_dim3A_8 masked %lt3A_382 : memref<208x128xf32, #tpu.memory_space<vmem>>[vector<16xi32>, vector<16xi32>], vector<16xf32>, vector<16xi1>
      %mul3A_386 = arith.constant 16 : i32
      %mul3A_387 = arith.muli %scan3A_187, %mul3A_386 : i32
      %add3A_388 = arith.constant 128 : i32
      %add3A_389 = arith.addi %add3A_388, %mul3A_387 : i32
      %get3A_390 = arith.constant 11 : i32
      %get3A_391 = arith.index_cast %get3A_390 : i32 to index
      %get3A_392 = arith.index_cast %add3A_389 : i32 to index
      %get3A_393 = tpu.vector_load %arg4[%get3A_391, %get3A_392] {strides = array<i32>} : memref<26x512xi32, #tpu.memory_space<vmem>>, vector<16xi32>,
      %sub3A_394 = arith.constant 176 : i32
      %sub3A_395 = vector.broadcast %sub3A_394 : i32 to vector<16xi32>
      %sub3A_396 = arith.subi %get3A_393, %sub3A_395 : vector<16xi32>
      %bitcast3A_397 = vector.bitcast %sub3A_396 : vector<16xi32> to vector<16xi32>
      %lt3A_398 = arith.constant 16 : i32
      %lt3A_399 = vector.broadcast %lt3A_398 : i32 to vector<16xi32>
      %lt3A_400 = arith.cmpi ult, %bitcast3A_397, %lt3A_399 : vector<16xi32>
      %sub3A_401 = arith.constant 0 : i32
      %sub3A_402 = vector.broadcast %sub3A_401 : i32 to vector<16xi32>
      %sub3A_403 = arith.subi %get3A_393, %sub3A_402 : vector<16xi32>
      tpu.vector_store_idx %arg7[%sub3A_403, %add3A_191], %broadcast_in_dim3A_8 masked %lt3A_400 : memref<208x128xf32, #tpu.memory_space<vmem>>[vector<16xi32>, vector<16xi32>], vector<16xf32>, vector<16xi1>
      %mul3A_404 = arith.constant 16 : i32
      %mul3A_405 = arith.muli %scan3A_187, %mul3A_404 : i32
      %add3A_406 = arith.constant 128 : i32
      %add3A_407 = arith.addi %add3A_406, %mul3A_405 : i32
      %get3A_408 = arith.constant 12 : i32
      %get3A_409 = arith.index_cast %get3A_408 : i32 to index
      %get3A_410 = arith.index_cast %add3A_407 : i32 to index
      %get3A_411 = tpu.vector_load %arg4[%get3A_409, %get3A_410] {strides = array<i32>} : memref<26x512xi32, #tpu.memory_space<vmem>>, vector<16xi32>,
      %sub3A_412 = arith.constant 192 : i32
      %sub3A_413 = vector.broadcast %sub3A_412 : i32 to vector<16xi32>
      %sub3A_414 = arith.subi %get3A_411, %sub3A_413 : vector<16xi32>
      %bitcast3A_415 = vector.bitcast %sub3A_414 : vector<16xi32> to vector<16xi32>
      %lt3A_416 = arith.constant 16 : i32
      %lt3A_417 = vector.broadcast %lt3A_416 : i32 to vector<16xi32>
      %lt3A_418 = arith.cmpi ult, %bitcast3A_415, %lt3A_417 : vector<16xi32>
      %sub3A_419 = arith.constant 0 : i32
      %sub3A_420 = vector.broadcast %sub3A_419 : i32 to vector<16xi32>
      %sub3A_421 = arith.subi %get3A_411, %sub3A_420 : vector<16xi32>
      tpu.vector_store_idx %arg7[%sub3A_421, %add3A_191], %broadcast_in_dim3A_8 masked %lt3A_418 : memref<208x128xf32, #tpu.memory_space<vmem>>[vector<16xi32>, vector<16xi32>], vector<16xf32>, vector<16xi1>
    }
    %scan3A_58 = arith.constant 8 : i32
    %add3A_59 = arith.constant 128 : i32
    %add3A_60 = arith.addi %mul3A_2, %add3A_59 : i32
    %dma_start3A_61 = arith.constant 0 : i32
    %dma_start3A_62 = tpu.memref_slice %arg3[%dma_start3A_61, %add3A_60] : memref<416x16384xf32, #tpu.memory_space<hbm>> -> memref<208x128xf32, #tpu.memory_space<hbm>>
    %dma_start3A_63 = arith.constant 0 : i32
    %dma_start3A_64 = tpu.memref_slice %arg3[%dma_start3A_63, %add3A_60] : memref<416x16384xf32, #tpu.memory_space<hbm>> -> memref<208x128xf32, #tpu.memory_space<hbm>>
    tpu.enqueue_dma source(%arg7 : memref<208x128xf32, #tpu.memory_space<vmem>>) target(%dma_start3A_64 : memref<208x128xf32, #tpu.memory_space<hbm>>) target_semaphore(%arg11 : memref<!tpu.dma_semaphore, #tpu.memory_space<semaphore_mem>>)
    %scan3A_65 = arith.constant 0 : i32
    %scan3A_66 = arith.constant 0 : i32
    %scan3A_67 = arith.constant 26 : i32
    %scan3A_68 = arith.addi %scan3A_66, %scan3A_67 : i32
    %scan3A_69 = arith.constant 1 : i32
    scf.for %scan3A_187 = %scan3A_66 to %scan3A_68 step %scan3A_69  : i32 {
      %mul3A_188 = arith.constant 8 : i32
      %mul3A_189 = arith.muli %scan3A_187, %mul3A_188 : i32
      %add3A_190 = arith.constant 0 : i32
      %add3A_191 = arith.addi %mul3A_189, %add3A_190 : i32
      %swap3A = arith.index_cast %add3A_191 : i32 to index
      %swap3A_192 = arith.constant 0 : index
      %swap3A_193 = tpu.vector_load %arg8[%swap3A, %swap3A_192] {strides = array<i32>} : memref<208x128xf32, #tpu.memory_space<vmem>>, vector<16xf32>,
      tpu.vector_store %arg8[%swap3A, %swap3A_192], %broadcast_in_dim3A_6 {strides = array<i32>} : memref<208x128xf32, #tpu.memory_space<vmem>>, vector<16xf32>,
      %mul3A_194 = arith.constant 8 : i32
      %mul3A_195 = arith.muli %scan3A_187, %mul3A_194 : i32
      %add3A_196 = arith.constant 0 : i32
      %add3A_197 = arith.addi %mul3A_195, %add3A_196 : i32
      %swap3A_198 = arith.index_cast %add3A_197 : i32 to index
      %swap3A_199 = arith.constant 16 : index
      %swap3A_200 = tpu.vector_load %arg8[%swap3A_198, %swap3A_199] {strides = array<i32>} : memref<208x128xf32, #tpu.memory_space<vmem>>, vector<16xf32>,
      tpu.vector_store %arg8[%swap3A_198, %swap3A_199], %broadcast_in_dim3A_6 {strides = array<i32>} : memref<208x128xf32, #tpu.memory_space<vmem>>, vector<16xf32>,
      %mul3A_201 = arith.constant 8 : i32
      %mul3A_202 = arith.muli %scan3A_187, %mul3A_201 : i32
      %add3A_203 = arith.constant 0 : i32
      %add3A_204 = arith.addi %mul3A_202, %add3A_203 : i32
      %swap3A_205 = arith.index_cast %add3A_204 : i32 to index
      %swap3A_206 = arith.constant 32 : index
      %swap3A_207 = tpu.vector_load %arg8[%swap3A_205, %swap3A_206] {strides = array<i32>} : memref<208x128xf32, #tpu.memory_space<vmem>>, vector<16xf32>,
      tpu.vector_store %arg8[%swap3A_205, %swap3A_206], %broadcast_in_dim3A_6 {strides = array<i32>} : memref<208x128xf32, #tpu.memory_space<vmem>>, vector<16xf32>,
      %mul3A_208 = arith.constant 8 : i32
      %mul3A_209 = arith.muli %scan3A_187, %mul3A_208 : i32
      %add3A_210 = arith.constant 0 : i32
      %add3A_211 = arith.addi %mul3A_209, %add3A_210 : i32
      %swap3A_212 = arith.index_cast %add3A_211 : i32 to index
      %swap3A_213 = arith.constant 48 : index
      %swap3A_214 = tpu.vector_load %arg8[%swap3A_212, %swap3A_213] {strides = array<i32>} : memref<208x128xf32, #tpu.memory_space<vmem>>, vector<16xf32>,
      tpu.vector_store %arg8[%swap3A_212, %swap3A_213], %broadcast_in_dim3A_6 {strides = array<i32>} : memref<208x128xf32, #tpu.memory_space<vmem>>, vector<16xf32>,
      %mul3A_215 = arith.constant 8 : i32
      %mul3A_216 = arith.muli %scan3A_187, %mul3A_215 : i32
      %add3A_217 = arith.constant 0 : i32
      %add3A_218 = arith.addi %mul3A_216, %add3A_217 : i32
      %swap3A_219 = arith.index_cast %add3A_218 : i32 to index
      %swap3A_220 = arith.constant 64 : index
      %swap3A_221 = tpu.vector_load %arg8[%swap3A_219, %swap3A_220] {strides = array<i32>} : memref<208x128xf32, #tpu.memory_space<vmem>>, vector<16xf32>,
      tpu.vector_store %arg8[%swap3A_219, %swap3A_220], %broadcast_in_dim3A_6 {strides = array<i32>} : memref<208x128xf32, #tpu.memory_space<vmem>>, vector<16xf32>,
      %mul3A_222 = arith.constant 8 : i32
      %mul3A_223 = arith.muli %scan3A_187, %mul3A_222 : i32
      %add3A_224 = arith.constant 0 : i32
      %add3A_225 = arith.addi %mul3A_223, %add3A_224 : i32
      %swap3A_226 = arith.index_cast %add3A_225 : i32 to index
      %swap3A_227 = arith.constant 80 : index
      %swap3A_228 = tpu.vector_load %arg8[%swap3A_226, %swap3A_227] {strides = array<i32>} : memref<208x128xf32, #tpu.memory_space<vmem>>, vector<16xf32>,
      tpu.vector_store %arg8[%swap3A_226, %swap3A_227], %broadcast_in_dim3A_6 {strides = array<i32>} : memref<208x128xf32, #tpu.memory_space<vmem>>, vector<16xf32>,
      %mul3A_229 = arith.constant 8 : i32
      %mul3A_230 = arith.muli %scan3A_187, %mul3A_229 : i32
      %add3A_231 = arith.constant 0 : i32
      %add3A_232 = arith.addi %mul3A_230, %add3A_231 : i32
      %swap3A_233 = arith.index_cast %add3A_232 : i32 to index
      %swap3A_234 = arith.constant 96 : index
      %swap3A_235 = tpu.vector_load %arg8[%swap3A_233, %swap3A_234] {strides = array<i32>} : memref<208x128xf32, #tpu.memory_space<vmem>>, vector<16xf32>,
      tpu.vector_store %arg8[%swap3A_233, %swap3A_234], %broadcast_in_dim3A_6 {strides = array<i32>} : memref<208x128xf32, #tpu.memory_space<vmem>>, vector<16xf32>,
      %mul3A_236 = arith.constant 8 : i32
      %mul3A_237 = arith.muli %scan3A_187, %mul3A_236 : i32
      %add3A_238 = arith.constant 0 : i32
      %add3A_239 = arith.addi %mul3A_237, %add3A_238 : i32
      %swap3A_240 = arith.index_cast %add3A_239 : i32 to index
      %swap3A_241 = arith.constant 112 : index
      %swap3A_242 = tpu.vector_load %arg8[%swap3A_240, %swap3A_241] {strides = array<i32>} : memref<208x128xf32, #tpu.memory_space<vmem>>, vector<16xf32>,
      tpu.vector_store %arg8[%swap3A_240, %swap3A_241], %broadcast_in_dim3A_6 {strides = array<i32>} : memref<208x128xf32, #tpu.memory_space<vmem>>, vector<16xf32>,
      %mul3A_243 = arith.constant 8 : i32
      %mul3A_244 = arith.muli %scan3A_187, %mul3A_243 : i32
      %add3A_245 = arith.constant 1 : i32
      %add3A_246 = arith.addi %mul3A_244, %add3A_245 : i32
      %swap3A_247 = arith.index_cast %add3A_246 : i32 to index
      %swap3A_248 = arith.constant 0 : index
      %swap3A_249 = tpu.vector_load %arg8[%swap3A_247, %swap3A_248] {strides = array<i32>} : memref<208x128xf32, #tpu.memory_space<vmem>>, vector<16xf32>,
      tpu.vector_store %arg8[%swap3A_247, %swap3A_248], %broadcast_in_dim3A_6 {strides = array<i32>} : memref<208x128xf32, #tpu.memory_space<vmem>>, vector<16xf32>,
      %mul3A_250 = arith.constant 8 : i32
      %mul3A_251 = arith.muli %scan3A_187, %mul3A_250 : i32
      %add3A_252 = arith.constant 1 : i32
      %add3A_253 = arith.addi %mul3A_251, %add3A_252 : i32
      %swap3A_254 = arith.index_cast %add3A_253 : i32 to index
      %swap3A_255 = arith.constant 16 : index
      %swap3A_256 = tpu.vector_load %arg8[%swap3A_254, %swap3A_255] {strides = array<i32>} : memref<208x128xf32, #tpu.memory_space<vmem>>, vector<16xf32>,
      tpu.vector_store %arg8[%swap3A_254, %swap3A_255], %broadcast_in_dim3A_6 {strides = array<i32>} : memref<208x128xf32, #tpu.memory_space<vmem>>, vector<16xf32>,
      %mul3A_257 = arith.constant 8 : i32
      %mul3A_258 = arith.muli %scan3A_187, %mul3A_257 : i32
      %add3A_259 = arith.constant 1 : i32
      %add3A_260 = arith.addi %mul3A_258, %add3A_259 : i32
      %swap3A_261 = arith.index_cast %add3A_260 : i32 to index
      %swap3A_262 = arith.constant 32 : index
      %swap3A_263 = tpu.vector_load %arg8[%swap3A_261, %swap3A_262] {strides = array<i32>} : memref<208x128xf32, #tpu.memory_space<vmem>>, vector<16xf32>,
      tpu.vector_store %arg8[%swap3A_261, %swap3A_262], %broadcast_in_dim3A_6 {strides = array<i32>} : memref<208x128xf32, #tpu.memory_space<vmem>>, vector<16xf32>,
      %mul3A_264 = arith.constant 8 : i32
      %mul3A_265 = arith.muli %scan3A_187, %mul3A_264 : i32
      %add3A_266 = arith.constant 1 : i32
      %add3A_267 = arith.addi %mul3A_265, %add3A_266 : i32
      %swap3A_268 = arith.index_cast %add3A_267 : i32 to index
      %swap3A_269 = arith.constant 48 : index
      %swap3A_270 = tpu.vector_load %arg8[%swap3A_268, %swap3A_269] {strides = array<i32>} : memref<208x128xf32, #tpu.memory_space<vmem>>, vector<16xf32>,
      tpu.vector_store %arg8[%swap3A_268, %swap3A_269], %broadcast_in_dim3A_6 {strides = array<i32>} : memref<208x128xf32, #tpu.memory_space<vmem>>, vector<16xf32>,
      %mul3A_271 = arith.constant 8 : i32
      %mul3A_272 = arith.muli %scan3A_187, %mul3A_271 : i32
      %add3A_273 = arith.constant 1 : i32
      %add3A_274 = arith.addi %mul3A_272, %add3A_273 : i32
      %swap3A_275 = arith.index_cast %add3A_274 : i32 to index
      %swap3A_276 = arith.constant 64 : index
      %swap3A_277 = tpu.vector_load %arg8[%swap3A_275, %swap3A_276] {strides = array<i32>} : memref<208x128xf32, #tpu.memory_space<vmem>>, vector<16xf32>,
      tpu.vector_store %arg8[%swap3A_275, %swap3A_276], %broadcast_in_dim3A_6 {strides = array<i32>} : memref<208x128xf32, #tpu.memory_space<vmem>>, vector<16xf32>,
      %mul3A_278 = arith.constant 8 : i32
      %mul3A_279 = arith.muli %scan3A_187, %mul3A_278 : i32
      %add3A_280 = arith.constant 1 : i32
      %add3A_281 = arith.addi %mul3A_279, %add3A_280 : i32
      %swap3A_282 = arith.index_cast %add3A_281 : i32 to index
      %swap3A_283 = arith.constant 80 : index
      %swap3A_284 = tpu.vector_load %arg8[%swap3A_282, %swap3A_283] {strides = array<i32>} : memref<208x128xf32, #tpu.memory_space<vmem>>, vector<16xf32>,
      tpu.vector_store %arg8[%swap3A_282, %swap3A_283], %broadcast_in_dim3A_6 {strides = array<i32>} : memref<208x128xf32, #tpu.memory_space<vmem>>, vector<16xf32>,
      %mul3A_285 = arith.constant 8 : i32
      %mul3A_286 = arith.muli %scan3A_187, %mul3A_285 : i32
      %add3A_287 = arith.constant 1 : i32
      %add3A_288 = arith.addi %mul3A_286, %add3A_287 : i32
      %swap3A_289 = arith.index_cast %add3A_288 : i32 to index
      %swap3A_290 = arith.constant 96 : index
      %swap3A_291 = tpu.vector_load %arg8[%swap3A_289, %swap3A_290] {strides = array<i32>} : memref<208x128xf32, #tpu.memory_space<vmem>>, vector<16xf32>,
      tpu.vector_store %arg8[%swap3A_289, %swap3A_290], %broadcast_in_dim3A_6 {strides = array<i32>} : memref<208x128xf32, #tpu.memory_space<vmem>>, vector<16xf32>,
      %mul3A_292 = arith.constant 8 : i32
      %mul3A_293 = arith.muli %scan3A_187, %mul3A_292 : i32
      %add3A_294 = arith.constant 1 : i32
      %add3A_295 = arith.addi %mul3A_293, %add3A_294 : i32
      %swap3A_296 = arith.index_cast %add3A_295 : i32 to index
      %swap3A_297 = arith.constant 112 : index
      %swap3A_298 = tpu.vector_load %arg8[%swap3A_296, %swap3A_297] {strides = array<i32>} : memref<208x128xf32, #tpu.memory_space<vmem>>, vector<16xf32>,
      tpu.vector_store %arg8[%swap3A_296, %swap3A_297], %broadcast_in_dim3A_6 {strides = array<i32>} : memref<208x128xf32, #tpu.memory_space<vmem>>, vector<16xf32>,
      %mul3A_299 = arith.constant 8 : i32
      %mul3A_300 = arith.muli %scan3A_187, %mul3A_299 : i32
      %add3A_301 = arith.constant 2 : i32
      %add3A_302 = arith.addi %mul3A_300, %add3A_301 : i32
      %swap3A_303 = arith.index_cast %add3A_302 : i32 to index
      %swap3A_304 = arith.constant 0 : index
      %swap3A_305 = tpu.vector_load %arg8[%swap3A_303, %swap3A_304] {strides = array<i32>} : memref<208x128xf32, #tpu.memory_space<vmem>>, vector<16xf32>,
      tpu.vector_store %arg8[%swap3A_303, %swap3A_304], %broadcast_in_dim3A_6 {strides = array<i32>} : memref<208x128xf32, #tpu.memory_space<vmem>>, vector<16xf32>,
      %mul3A_306 = arith.constant 8 : i32
      %mul3A_307 = arith.muli %scan3A_187, %mul3A_306 : i32
      %add3A_308 = arith.constant 2 : i32
      %add3A_309 = arith.addi %mul3A_307, %add3A_308 : i32
      %swap3A_310 = arith.index_cast %add3A_309 : i32 to index
      %swap3A_311 = arith.constant 16 : index
      %swap3A_312 = tpu.vector_load %arg8[%swap3A_310, %swap3A_311] {strides = array<i32>} : memref<208x128xf32, #tpu.memory_space<vmem>>, vector<16xf32>,
      tpu.vector_store %arg8[%swap3A_310, %swap3A_311], %broadcast_in_dim3A_6 {strides = array<i32>} : memref<208x128xf32, #tpu.memory_space<vmem>>, vector<16xf32>,
      %mul3A_313 = arith.constant 8 : i32
      %mul3A_314 = arith.muli %scan3A_187, %mul3A_313 : i32
      %add3A_315 = arith.constant 2 : i32
      %add3A_316 = arith.addi %mul3A_314, %add3A_315 : i32
      %swap3A_317 = arith.index_cast %add3A_316 : i32 to index
      %swap3A_318 = arith.constant 32 : index
      %swap3A_319 = tpu.vector_load %arg8[%swap3A_317, %swap3A_318] {strides = array<i32>} : memref<208x128xf32, #tpu.memory_space<vmem>>, vector<16xf32>,
      tpu.vector_store %arg8[%swap3A_317, %swap3A_318], %broadcast_in_dim3A_6 {strides = array<i32>} : memref<208x128xf32, #tpu.memory_space<vmem>>, vector<16xf32>,
      %mul3A_320 = arith.constant 8 : i32
      %mul3A_321 = arith.muli %scan3A_187, %mul3A_320 : i32
      %add3A_322 = arith.constant 2 : i32
      %add3A_323 = arith.addi %mul3A_321, %add3A_322 : i32
      %swap3A_324 = arith.index_cast %add3A_323 : i32 to index
      %swap3A_325 = arith.constant 48 : index
      %swap3A_326 = tpu.vector_load %arg8[%swap3A_324, %swap3A_325] {strides = array<i32>} : memref<208x128xf32, #tpu.memory_space<vmem>>, vector<16xf32>,
      tpu.vector_store %arg8[%swap3A_324, %swap3A_325], %broadcast_in_dim3A_6 {strides = array<i32>} : memref<208x128xf32, #tpu.memory_space<vmem>>, vector<16xf32>,
      %mul3A_327 = arith.constant 8 : i32
      %mul3A_328 = arith.muli %scan3A_187, %mul3A_327 : i32
      %add3A_329 = arith.constant 2 : i32
      %add3A_330 = arith.addi %mul3A_328, %add3A_329 : i32
      %swap3A_331 = arith.index_cast %add3A_330 : i32 to index
      %swap3A_332 = arith.constant 64 : index
      %swap3A_333 = tpu.vector_load %arg8[%swap3A_331, %swap3A_332] {strides = array<i32>} : memref<208x128xf32, #tpu.memory_space<vmem>>, vector<16xf32>,
      tpu.vector_store %arg8[%swap3A_331, %swap3A_332], %broadcast_in_dim3A_6 {strides = array<i32>} : memref<208x128xf32, #tpu.memory_space<vmem>>, vector<16xf32>,
      %mul3A_334 = arith.constant 8 : i32
      %mul3A_335 = arith.muli %scan3A_187, %mul3A_334 : i32
      %add3A_336 = arith.constant 2 : i32
      %add3A_337 = arith.addi %mul3A_335, %add3A_336 : i32
      %swap3A_338 = arith.index_cast %add3A_337 : i32 to index
      %swap3A_339 = arith.constant 80 : index
      %swap3A_340 = tpu.vector_load %arg8[%swap3A_338, %swap3A_339] {strides = array<i32>} : memref<208x128xf32, #tpu.memory_space<vmem>>, vector<16xf32>,
      tpu.vector_store %arg8[%swap3A_338, %swap3A_339], %broadcast_in_dim3A_6 {strides = array<i32>} : memref<208x128xf32, #tpu.memory_space<vmem>>, vector<16xf32>,
      %mul3A_341 = arith.constant 8 : i32
      %mul3A_342 = arith.muli %scan3A_187, %mul3A_341 : i32
      %add3A_343 = arith.constant 2 : i32
      %add3A_344 = arith.addi %mul3A_342, %add3A_343 : i32
      %swap3A_345 = arith.index_cast %add3A_344 : i32 to index
      %swap3A_346 = arith.constant 96 : index
      %swap3A_347 = tpu.vector_load %arg8[%swap3A_345, %swap3A_346] {strides = array<i32>} : memref<208x128xf32, #tpu.memory_space<vmem>>, vector<16xf32>,
      tpu.vector_store %arg8[%swap3A_345, %swap3A_346], %broadcast_in_dim3A_6 {strides = array<i32>} : memref<208x128xf32, #tpu.memory_space<vmem>>, vector<16xf32>,
      %mul3A_348 = arith.constant 8 : i32
      %mul3A_349 = arith.muli %scan3A_187, %mul3A_348 : i32
      %add3A_350 = arith.constant 2 : i32
      %add3A_351 = arith.addi %mul3A_349, %add3A_350 : i32
      %swap3A_352 = arith.index_cast %add3A_351 : i32 to index
      %swap3A_353 = arith.constant 112 : index
      %swap3A_354 = tpu.vector_load %arg8[%swap3A_352, %swap3A_353] {strides = array<i32>} : memref<208x128xf32, #tpu.memory_space<vmem>>, vector<16xf32>,
      tpu.vector_store %arg8[%swap3A_352, %swap3A_353], %broadcast_in_dim3A_6 {strides = array<i32>} : memref<208x128xf32, #tpu.memory_space<vmem>>, vector<16xf32>,
      %mul3A_355 = arith.constant 8 : i32
      %mul3A_356 = arith.muli %scan3A_187, %mul3A_355 : i32
      %add3A_357 = arith.constant 3 : i32
      %add3A_358 = arith.addi %mul3A_356, %add3A_357 : i32
      %swap3A_359 = arith.index_cast %add3A_358 : i32 to index
      %swap3A_360 = arith.constant 0 : index
      %swap3A_361 = tpu.vector_load %arg8[%swap3A_359, %swap3A_360] {strides = array<i32>} : memref<208x128xf32, #tpu.memory_space<vmem>>, vector<16xf32>,
      tpu.vector_store %arg8[%swap3A_359, %swap3A_360], %broadcast_in_dim3A_6 {strides = array<i32>} : memref<208x128xf32, #tpu.memory_space<vmem>>, vector<16xf32>,
      %mul3A_362 = arith.constant 8 : i32
      %mul3A_363 = arith.muli %scan3A_187, %mul3A_362 : i32
      %add3A_364 = arith.constant 3 : i32
      %add3A_365 = arith.addi %mul3A_363, %add3A_364 : i32
      %swap3A_366 = arith.index_cast %add3A_365 : i32 to index
      %swap3A_367 = arith.constant 16 : index
      %swap3A_368 = tpu.vector_load %arg8[%swap3A_366, %swap3A_367] {strides = array<i32>} : memref<208x128xf32, #tpu.memory_space<vmem>>, vector<16xf32>,
      tpu.vector_store %arg8[%swap3A_366, %swap3A_367], %broadcast_in_dim3A_6 {strides = array<i32>} : memref<208x128xf32, #tpu.memory_space<vmem>>, vector<16xf32>,
      %mul3A_369 = arith.constant 8 : i32
      %mul3A_370 = arith.muli %scan3A_187, %mul3A_369 : i32
      %add3A_371 = arith.constant 3 : i32
      %add3A_372 = arith.addi %mul3A_370, %add3A_371 : i32
      %swap3A_373 = arith.index_cast %add3A_372 : i32 to index
      %swap3A_374 = arith.constant 32 : index
      %swap3A_375 = tpu.vector_load %arg8[%swap3A_373, %swap3A_374] {strides = array<i32>} : memref<208x128xf32, #tpu.memory_space<vmem>>, vector<16xf32>,
      tpu.vector_store %arg8[%swap3A_373, %swap3A_374], %broadcast_in_dim3A_6 {strides = array<i32>} : memref<208x128xf32, #tpu.memory_space<vmem>>, vector<16xf32>,
      %mul3A_376 = arith.constant 8 : i32
      %mul3A_377 = arith.muli %scan3A_187, %mul3A_376 : i32
      %add3A_378 = arith.constant 3 : i32
      %add3A_379 = arith.addi %mul3A_377, %add3A_378 : i32
      %swap3A_380 = arith.index_cast %add3A_379 : i32 to index
      %swap3A_381 = arith.constant 48 : index
      %swap3A_382 = tpu.vector_load %arg8[%swap3A_380, %swap3A_381] {strides = array<i32>} : memref<208x128xf32, #tpu.memory_space<vmem>>, vector<16xf32>,
      tpu.vector_store %arg8[%swap3A_380, %swap3A_381], %broadcast_in_dim3A_6 {strides = array<i32>} : memref<208x128xf32, #tpu.memory_space<vmem>>, vector<16xf32>,
      %mul3A_383 = arith.constant 8 : i32
      %mul3A_384 = arith.muli %scan3A_187, %mul3A_383 : i32
      %add3A_385 = arith.constant 3 : i32
      %add3A_386 = arith.addi %mul3A_384, %add3A_385 : i32
      %swap3A_387 = arith.index_cast %add3A_386 : i32 to index
      %swap3A_388 = arith.constant 64 : index
      %swap3A_389 = tpu.vector_load %arg8[%swap3A_387, %swap3A_388] {strides = array<i32>} : memref<208x128xf32, #tpu.memory_space<vmem>>, vector<16xf32>,
      tpu.vector_store %arg8[%swap3A_387, %swap3A_388], %broadcast_in_dim3A_6 {strides = array<i32>} : memref<208x128xf32, #tpu.memory_space<vmem>>, vector<16xf32>,
      %mul3A_390 = arith.constant 8 : i32
      %mul3A_391 = arith.muli %scan3A_187, %mul3A_390 : i32
      %add3A_392 = arith.constant 3 : i32
      %add3A_393 = arith.addi %mul3A_391, %add3A_392 : i32
      %swap3A_394 = arith.index_cast %add3A_393 : i32 to index
      %swap3A_395 = arith.constant 80 : index
      %swap3A_396 = tpu.vector_load %arg8[%swap3A_394, %swap3A_395] {strides = array<i32>} : memref<208x128xf32, #tpu.memory_space<vmem>>, vector<16xf32>,
      tpu.vector_store %arg8[%swap3A_394, %swap3A_395], %broadcast_in_dim3A_6 {strides = array<i32>} : memref<208x128xf32, #tpu.memory_space<vmem>>, vector<16xf32>,
      %mul3A_397 = arith.constant 8 : i32
      %mul3A_398 = arith.muli %scan3A_187, %mul3A_397 : i32
      %add3A_399 = arith.constant 3 : i32
      %add3A_400 = arith.addi %mul3A_398, %add3A_399 : i32
      %swap3A_401 = arith.index_cast %add3A_400 : i32 to index
      %swap3A_402 = arith.constant 96 : index
      %swap3A_403 = tpu.vector_load %arg8[%swap3A_401, %swap3A_402] {strides = array<i32>} : memref<208x128xf32, #tpu.memory_space<vmem>>, vector<16xf32>,
      tpu.vector_store %arg8[%swap3A_401, %swap3A_402], %broadcast_in_dim3A_6 {strides = array<i32>} : memref<208x128xf32, #tpu.memory_space<vmem>>, vector<16xf32>,
      %mul3A_404 = arith.constant 8 : i32
      %mul3A_405 = arith.muli %scan3A_187, %mul3A_404 : i32
      %add3A_406 = arith.constant 3 : i32
      %add3A_407 = arith.addi %mul3A_405, %add3A_406 : i32
      %swap3A_408 = arith.index_cast %add3A_407 : i32 to index
      %swap3A_409 = arith.constant 112 : index
      %swap3A_410 = tpu.vector_load %arg8[%swap3A_408, %swap3A_409] {strides = array<i32>} : memref<208x128xf32, #tpu.memory_space<vmem>>, vector<16xf32>,
      tpu.vector_store %arg8[%swap3A_408, %swap3A_409], %broadcast_in_dim3A_6 {strides = array<i32>} : memref<208x128xf32, #tpu.memory_space<vmem>>, vector<16xf32>,
      %mul3A_411 = arith.constant 8 : i32
      %mul3A_412 = arith.muli %scan3A_187, %mul3A_411 : i32
      %add3A_413 = arith.constant 4 : i32
      %add3A_414 = arith.addi %mul3A_412, %add3A_413 : i32
      %swap3A_415 = arith.index_cast %add3A_414 : i32 to index
      %swap3A_416 = arith.constant 0 : index
      %swap3A_417 = tpu.vector_load %arg8[%swap3A_415, %swap3A_416] {strides = array<i32>} : memref<208x128xf32, #tpu.memory_space<vmem>>, vector<16xf32>,
      tpu.vector_store %arg8[%swap3A_415, %swap3A_416], %broadcast_in_dim3A_6 {strides = array<i32>} : memref<208x128xf32, #tpu.memory_space<vmem>>, vector<16xf32>,
      %mul3A_418 = arith.constant 8 : i32
      %mul3A_419 = arith.muli %scan3A_187, %mul3A_418 : i32
      %add3A_420 = arith.constant 4 : i32
      %add3A_421 = arith.addi %mul3A_419, %add3A_420 : i32
      %swap3A_422 = arith.index_cast %add3A_421 : i32 to index
      %swap3A_423 = arith.constant 16 : index
      %swap3A_424 = tpu.vector_load %arg8[%swap3A_422, %swap3A_423] {strides = array<i32>} : memref<208x128xf32, #tpu.memory_space<vmem>>, vector<16xf32>,
      tpu.vector_store %arg8[%swap3A_422, %swap3A_423], %broadcast_in_dim3A_6 {strides = array<i32>} : memref<208x128xf32, #tpu.memory_space<vmem>>, vector<16xf32>,
      %mul3A_425 = arith.constant 8 : i32
      %mul3A_426 = arith.muli %scan3A_187, %mul3A_425 : i32
      %add3A_427 = arith.constant 4 : i32
      %add3A_428 = arith.addi %mul3A_426, %add3A_427 : i32
      %swap3A_429 = arith.index_cast %add3A_428 : i32 to index
      %swap3A_430 = arith.constant 32 : index
      %swap3A_431 = tpu.vector_load %arg8[%swap3A_429, %swap3A_430] {strides = array<i32>} : memref<208x128xf32, #tpu.memory_space<vmem>>, vector<16xf32>,
      tpu.vector_store %arg8[%swap3A_429, %swap3A_430], %broadcast_in_dim3A_6 {strides = array<i32>} : memref<208x128xf32, #tpu.memory_space<vmem>>, vector<16xf32>,
      %mul3A_432 = arith.constant 8 : i32
      %mul3A_433 = arith.muli %scan3A_187, %mul3A_432 : i32
      %add3A_434 = arith.constant 4 : i32
      %add3A_435 = arith.addi %mul3A_433, %add3A_434 : i32
      %swap3A_436 = arith.index_cast %add3A_435 : i32 to index
      %swap3A_437 = arith.constant 48 : index
      %swap3A_438 = tpu.vector_load %arg8[%swap3A_436, %swap3A_437] {strides = array<i32>} : memref<208x128xf32, #tpu.memory_space<vmem>>, vector<16xf32>,
      tpu.vector_store %arg8[%swap3A_436, %swap3A_437], %broadcast_in_dim3A_6 {strides = array<i32>} : memref<208x128xf32, #tpu.memory_space<vmem>>, vector<16xf32>,
      %mul3A_439 = arith.constant 8 : i32
      %mul3A_440 = arith.muli %scan3A_187, %mul3A_439 : i32
      %add3A_441 = arith.constant 4 : i32
      %add3A_442 = arith.addi %mul3A_440, %add3A_441 : i32
      %swap3A_443 = arith.index_cast %add3A_442 : i32 to index
      %swap3A_444 = arith.constant 64 : index
      %swap3A_445 = tpu.vector_load %arg8[%swap3A_443, %swap3A_444] {strides = array<i32>} : memref<208x128xf32, #tpu.memory_space<vmem>>, vector<16xf32>,
      tpu.vector_store %arg8[%swap3A_443, %swap3A_444], %broadcast_in_dim3A_6 {strides = array<i32>} : memref<208x128xf32, #tpu.memory_space<vmem>>, vector<16xf32>,
      %mul3A_446 = arith.constant 8 : i32
      %mul3A_447 = arith.muli %scan3A_187, %mul3A_446 : i32
      %add3A_448 = arith.constant 4 : i32
      %add3A_449 = arith.addi %mul3A_447, %add3A_448 : i32
      %swap3A_450 = arith.index_cast %add3A_449 : i32 to index
      %swap3A_451 = arith.constant 80 : index
      %swap3A_452 = tpu.vector_load %arg8[%swap3A_450, %swap3A_451] {strides = array<i32>} : memref<208x128xf32, #tpu.memory_space<vmem>>, vector<16xf32>,
      tpu.vector_store %arg8[%swap3A_450, %swap3A_451], %broadcast_in_dim3A_6 {strides = array<i32>} : memref<208x128xf32, #tpu.memory_space<vmem>>, vector<16xf32>,
      %mul3A_453 = arith.constant 8 : i32
      %mul3A_454 = arith.muli %scan3A_187, %mul3A_453 : i32
      %add3A_455 = arith.constant 4 : i32
      %add3A_456 = arith.addi %mul3A_454, %add3A_455 : i32
      %swap3A_457 = arith.index_cast %add3A_456 : i32 to index
      %swap3A_458 = arith.constant 96 : index
      %swap3A_459 = tpu.vector_load %arg8[%swap3A_457, %swap3A_458] {strides = array<i32>} : memref<208x128xf32, #tpu.memory_space<vmem>>, vector<16xf32>,
      tpu.vector_store %arg8[%swap3A_457, %swap3A_458], %broadcast_in_dim3A_6 {strides = array<i32>} : memref<208x128xf32, #tpu.memory_space<vmem>>, vector<16xf32>,
      %mul3A_460 = arith.constant 8 : i32
      %mul3A_461 = arith.muli %scan3A_187, %mul3A_460 : i32
      %add3A_462 = arith.constant 4 : i32
      %add3A_463 = arith.addi %mul3A_461, %add3A_462 : i32
      %swap3A_464 = arith.index_cast %add3A_463 : i32 to index
      %swap3A_465 = arith.constant 112 : index
      %swap3A_466 = tpu.vector_load %arg8[%swap3A_464, %swap3A_465] {strides = array<i32>} : memref<208x128xf32, #tpu.memory_space<vmem>>, vector<16xf32>,
      tpu.vector_store %arg8[%swap3A_464, %swap3A_465], %broadcast_in_dim3A_6 {strides = array<i32>} : memref<208x128xf32, #tpu.memory_space<vmem>>, vector<16xf32>,
      %mul3A_467 = arith.constant 8 : i32
      %mul3A_468 = arith.muli %scan3A_187, %mul3A_467 : i32
      %add3A_469 = arith.constant 5 : i32
      %add3A_470 = arith.addi %mul3A_468, %add3A_469 : i32
      %swap3A_471 = arith.index_cast %add3A_470 : i32 to index
      %swap3A_472 = arith.constant 0 : index
      %swap3A_473 = tpu.vector_load %arg8[%swap3A_471, %swap3A_472] {strides = array<i32>} : memref<208x128xf32, #tpu.memory_space<vmem>>, vector<16xf32>,
      tpu.vector_store %arg8[%swap3A_471, %swap3A_472], %broadcast_in_dim3A_6 {strides = array<i32>} : memref<208x128xf32, #tpu.memory_space<vmem>>, vector<16xf32>,
      %mul3A_474 = arith.constant 8 : i32
      %mul3A_475 = arith.muli %scan3A_187, %mul3A_474 : i32
      %add3A_476 = arith.constant 5 : i32
      %add3A_477 = arith.addi %mul3A_475, %add3A_476 : i32
      %swap3A_478 = arith.index_cast %add3A_477 : i32 to index
      %swap3A_479 = arith.constant 16 : index
      %swap3A_480 = tpu.vector_load %arg8[%swap3A_478, %swap3A_479] {strides = array<i32>} : memref<208x128xf32, #tpu.memory_space<vmem>>, vector<16xf32>,
      tpu.vector_store %arg8[%swap3A_478, %swap3A_479], %broadcast_in_dim3A_6 {strides = array<i32>} : memref<208x128xf32, #tpu.memory_space<vmem>>, vector<16xf32>,
      %mul3A_481 = arith.constant 8 : i32
      %mul3A_482 = arith.muli %scan3A_187, %mul3A_481 : i32
      %add3A_483 = arith.constant 5 : i32
      %add3A_484 = arith.addi %mul3A_482, %add3A_483 : i32
      %swap3A_485 = arith.index_cast %add3A_484 : i32 to index
      %swap3A_486 = arith.constant 32 : index
      %swap3A_487 = tpu.vector_load %arg8[%swap3A_485, %swap3A_486] {strides = array<i32>} : memref<208x128xf32, #tpu.memory_space<vmem>>, vector<16xf32>,
      tpu.vector_store %arg8[%swap3A_485, %swap3A_486], %broadcast_in_dim3A_6 {strides = array<i32>} : memref<208x128xf32, #tpu.memory_space<vmem>>, vector<16xf32>,
      %mul3A_488 = arith.constant 8 : i32
      %mul3A_489 = arith.muli %scan3A_187, %mul3A_488 : i32
      %add3A_490 = arith.constant 5 : i32
      %add3A_491 = arith.addi %mul3A_489, %add3A_490 : i32
      %swap3A_492 = arith.index_cast %add3A_491 : i32 to index
      %swap3A_493 = arith.constant 48 : index
      %swap3A_494 = tpu.vector_load %arg8[%swap3A_492, %swap3A_493] {strides = array<i32>} : memref<208x128xf32, #tpu.memory_space<vmem>>, vector<16xf32>,
      tpu.vector_store %arg8[%swap3A_492, %swap3A_493], %broadcast_in_dim3A_6 {strides = array<i32>} : memref<208x128xf32, #tpu.memory_space<vmem>>, vector<16xf32>,
      %mul3A_495 = arith.constant 8 : i32
      %mul3A_496 = arith.muli %scan3A_187, %mul3A_495 : i32
      %add3A_497 = arith.constant 5 : i32
      %add3A_498 = arith.addi %mul3A_496, %add3A_497 : i32
      %swap3A_499 = arith.index_cast %add3A_498 : i32 to index
      %swap3A_500 = arith.constant 64 : index
      %swap3A_501 = tpu.vector_load %arg8[%swap3A_499, %swap3A_500] {strides = array<i32>} : memref<208x128xf32, #tpu.memory_space<vmem>>, vector<16xf32>,
      tpu.vector_store %arg8[%swap3A_499, %swap3A_500], %broadcast_in_dim3A_6 {strides = array<i32>} : memref<208x128xf32, #tpu.memory_space<vmem>>, vector<16xf32>,
      %mul3A_502 = arith.constant 8 : i32
      %mul3A_503 = arith.muli %scan3A_187, %mul3A_502 : i32
      %add3A_504 = arith.constant 5 : i32
      %add3A_505 = arith.addi %mul3A_503, %add3A_504 : i32
      %swap3A_506 = arith.index_cast %add3A_505 : i32 to index
      %swap3A_507 = arith.constant 80 : index
      %swap3A_508 = tpu.vector_load %arg8[%swap3A_506, %swap3A_507] {strides = array<i32>} : memref<208x128xf32, #tpu.memory_space<vmem>>, vector<16xf32>,
      tpu.vector_store %arg8[%swap3A_506, %swap3A_507], %broadcast_in_dim3A_6 {strides = array<i32>} : memref<208x128xf32, #tpu.memory_space<vmem>>, vector<16xf32>,
      %mul3A_509 = arith.constant 8 : i32
      %mul3A_510 = arith.muli %scan3A_187, %mul3A_509 : i32
      %add3A_511 = arith.constant 5 : i32
      %add3A_512 = arith.addi %mul3A_510, %add3A_511 : i32
      %swap3A_513 = arith.index_cast %add3A_512 : i32 to index
      %swap3A_514 = arith.constant 96 : index
      %swap3A_515 = tpu.vector_load %arg8[%swap3A_513, %swap3A_514] {strides = array<i32>} : memref<208x128xf32, #tpu.memory_space<vmem>>, vector<16xf32>,
      tpu.vector_store %arg8[%swap3A_513, %swap3A_514], %broadcast_in_dim3A_6 {strides = array<i32>} : memref<208x128xf32, #tpu.memory_space<vmem>>, vector<16xf32>,
      %mul3A_516 = arith.constant 8 : i32
      %mul3A_517 = arith.muli %scan3A_187, %mul3A_516 : i32
      %add3A_518 = arith.constant 5 : i32
      %add3A_519 = arith.addi %mul3A_517, %add3A_518 : i32
      %swap3A_520 = arith.index_cast %add3A_519 : i32 to index
      %swap3A_521 = arith.constant 112 : index
      %swap3A_522 = tpu.vector_load %arg8[%swap3A_520, %swap3A_521] {strides = array<i32>} : memref<208x128xf32, #tpu.memory_space<vmem>>, vector<16xf32>,
      tpu.vector_store %arg8[%swap3A_520, %swap3A_521], %broadcast_in_dim3A_6 {strides = array<i32>} : memref<208x128xf32, #tpu.memory_space<vmem>>, vector<16xf32>,
      %mul3A_523 = arith.constant 8 : i32
      %mul3A_524 = arith.muli %scan3A_187, %mul3A_523 : i32
      %add3A_525 = arith.constant 6 : i32
      %add3A_526 = arith.addi %mul3A_524, %add3A_525 : i32
      %swap3A_527 = arith.index_cast %add3A_526 : i32 to index
      %swap3A_528 = arith.constant 0 : index
      %swap3A_529 = tpu.vector_load %arg8[%swap3A_527, %swap3A_528] {strides = array<i32>} : memref<208x128xf32, #tpu.memory_space<vmem>>, vector<16xf32>,
      tpu.vector_store %arg8[%swap3A_527, %swap3A_528], %broadcast_in_dim3A_6 {strides = array<i32>} : memref<208x128xf32, #tpu.memory_space<vmem>>, vector<16xf32>,
      %mul3A_530 = arith.constant 8 : i32
      %mul3A_531 = arith.muli %scan3A_187, %mul3A_530 : i32
      %add3A_532 = arith.constant 6 : i32
      %add3A_533 = arith.addi %mul3A_531, %add3A_532 : i32
      %swap3A_534 = arith.index_cast %add3A_533 : i32 to index
      %swap3A_535 = arith.constant 16 : index
      %swap3A_536 = tpu.vector_load %arg8[%swap3A_534, %swap3A_535] {strides = array<i32>} : memref<208x128xf32, #tpu.memory_space<vmem>>, vector<16xf32>,
      tpu.vector_store %arg8[%swap3A_534, %swap3A_535], %broadcast_in_dim3A_6 {strides = array<i32>} : memref<208x128xf32, #tpu.memory_space<vmem>>, vector<16xf32>,
      %mul3A_537 = arith.constant 8 : i32
      %mul3A_538 = arith.muli %scan3A_187, %mul3A_537 : i32
      %add3A_539 = arith.constant 6 : i32
      %add3A_540 = arith.addi %mul3A_538, %add3A_539 : i32
      %swap3A_541 = arith.index_cast %add3A_540 : i32 to index
      %swap3A_542 = arith.constant 32 : index
      %swap3A_543 = tpu.vector_load %arg8[%swap3A_541, %swap3A_542] {strides = array<i32>} : memref<208x128xf32, #tpu.memory_space<vmem>>, vector<16xf32>,
      tpu.vector_store %arg8[%swap3A_541, %swap3A_542], %broadcast_in_dim3A_6 {strides = array<i32>} : memref<208x128xf32, #tpu.memory_space<vmem>>, vector<16xf32>,
      %mul3A_544 = arith.constant 8 : i32
      %mul3A_545 = arith.muli %scan3A_187, %mul3A_544 : i32
      %add3A_546 = arith.constant 6 : i32
      %add3A_547 = arith.addi %mul3A_545, %add3A_546 : i32
      %swap3A_548 = arith.index_cast %add3A_547 : i32 to index
      %swap3A_549 = arith.constant 48 : index
      %swap3A_550 = tpu.vector_load %arg8[%swap3A_548, %swap3A_549] {strides = array<i32>} : memref<208x128xf32, #tpu.memory_space<vmem>>, vector<16xf32>,
      tpu.vector_store %arg8[%swap3A_548, %swap3A_549], %broadcast_in_dim3A_6 {strides = array<i32>} : memref<208x128xf32, #tpu.memory_space<vmem>>, vector<16xf32>,
      %mul3A_551 = arith.constant 8 : i32
      %mul3A_552 = arith.muli %scan3A_187, %mul3A_551 : i32
      %add3A_553 = arith.constant 6 : i32
      %add3A_554 = arith.addi %mul3A_552, %add3A_553 : i32
      %swap3A_555 = arith.index_cast %add3A_554 : i32 to index
      %swap3A_556 = arith.constant 64 : index
      %swap3A_557 = tpu.vector_load %arg8[%swap3A_555, %swap3A_556] {strides = array<i32>} : memref<208x128xf32, #tpu.memory_space<vmem>>, vector<16xf32>,
      tpu.vector_store %arg8[%swap3A_555, %swap3A_556], %broadcast_in_dim3A_6 {strides = array<i32>} : memref<208x128xf32, #tpu.memory_space<vmem>>, vector<16xf32>,
      %mul3A_558 = arith.constant 8 : i32
      %mul3A_559 = arith.muli %scan3A_187, %mul3A_558 : i32
      %add3A_560 = arith.constant 6 : i32
      %add3A_561 = arith.addi %mul3A_559, %add3A_560 : i32
      %swap3A_562 = arith.index_cast %add3A_561 : i32 to index
      %swap3A_563 = arith.constant 80 : index
      %swap3A_564 = tpu.vector_load %arg8[%swap3A_562, %swap3A_563] {strides = array<i32>} : memref<208x128xf32, #tpu.memory_space<vmem>>, vector<16xf32>,
      tpu.vector_store %arg8[%swap3A_562, %swap3A_563], %broadcast_in_dim3A_6 {strides = array<i32>} : memref<208x128xf32, #tpu.memory_space<vmem>>, vector<16xf32>,
      %mul3A_565 = arith.constant 8 : i32
      %mul3A_566 = arith.muli %scan3A_187, %mul3A_565 : i32
      %add3A_567 = arith.constant 6 : i32
      %add3A_568 = arith.addi %mul3A_566, %add3A_567 : i32
      %swap3A_569 = arith.index_cast %add3A_568 : i32 to index
      %swap3A_570 = arith.constant 96 : index
      %swap3A_571 = tpu.vector_load %arg8[%swap3A_569, %swap3A_570] {strides = array<i32>} : memref<208x128xf32, #tpu.memory_space<vmem>>, vector<16xf32>,
      tpu.vector_store %arg8[%swap3A_569, %swap3A_570], %broadcast_in_dim3A_6 {strides = array<i32>} : memref<208x128xf32, #tpu.memory_space<vmem>>, vector<16xf32>,
      %mul3A_572 = arith.constant 8 : i32
      %mul3A_573 = arith.muli %scan3A_187, %mul3A_572 : i32
      %add3A_574 = arith.constant 6 : i32
      %add3A_575 = arith.addi %mul3A_573, %add3A_574 : i32
      %swap3A_576 = arith.index_cast %add3A_575 : i32 to index
      %swap3A_577 = arith.constant 112 : index
      %swap3A_578 = tpu.vector_load %arg8[%swap3A_576, %swap3A_577] {strides = array<i32>} : memref<208x128xf32, #tpu.memory_space<vmem>>, vector<16xf32>,
      tpu.vector_store %arg8[%swap3A_576, %swap3A_577], %broadcast_in_dim3A_6 {strides = array<i32>} : memref<208x128xf32, #tpu.memory_space<vmem>>, vector<16xf32>,
      %mul3A_579 = arith.constant 8 : i32
      %mul3A_580 = arith.muli %scan3A_187, %mul3A_579 : i32
      %add3A_581 = arith.constant 7 : i32
      %add3A_582 = arith.addi %mul3A_580, %add3A_581 : i32
      %swap3A_583 = arith.index_cast %add3A_582 : i32 to index
      %swap3A_584 = arith.constant 0 : index
      %swap3A_585 = tpu.vector_load %arg8[%swap3A_583, %swap3A_584] {strides = array<i32>} : memref<208x128xf32, #tpu.memory_space<vmem>>, vector<16xf32>,
      tpu.vector_store %arg8[%swap3A_583, %swap3A_584], %broadcast_in_dim3A_6 {strides = array<i32>} : memref<208x128xf32, #tpu.memory_space<vmem>>, vector<16xf32>,
      %mul3A_586 = arith.constant 8 : i32
      %mul3A_587 = arith.muli %scan3A_187, %mul3A_586 : i32
      %add3A_588 = arith.constant 7 : i32
      %add3A_589 = arith.addi %mul3A_587, %add3A_588 : i32
      %swap3A_590 = arith.index_cast %add3A_589 : i32 to index
      %swap3A_591 = arith.constant 16 : index
      %swap3A_592 = tpu.vector_load %arg8[%swap3A_590, %swap3A_591] {strides = array<i32>} : memref<208x128xf32, #tpu.memory_space<vmem>>, vector<16xf32>,
      tpu.vector_store %arg8[%swap3A_590, %swap3A_591], %broadcast_in_dim3A_6 {strides = array<i32>} : memref<208x128xf32, #tpu.memory_space<vmem>>, vector<16xf32>,
      %mul3A_593 = arith.constant 8 : i32
      %mul3A_594 = arith.muli %scan3A_187, %mul3A_593 : i32
      %add3A_595 = arith.constant 7 : i32
      %add3A_596 = arith.addi %mul3A_594, %add3A_595 : i32
      %swap3A_597 = arith.index_cast %add3A_596 : i32 to index
      %swap3A_598 = arith.constant 32 : index
      %swap3A_599 = tpu.vector_load %arg8[%swap3A_597, %swap3A_598] {strides = array<i32>} : memref<208x128xf32, #tpu.memory_space<vmem>>, vector<16xf32>,
      tpu.vector_store %arg8[%swap3A_597, %swap3A_598], %broadcast_in_dim3A_6 {strides = array<i32>} : memref<208x128xf32, #tpu.memory_space<vmem>>, vector<16xf32>,
      %mul3A_600 = arith.constant 8 : i32
      %mul3A_601 = arith.muli %scan3A_187, %mul3A_600 : i32
      %add3A_602 = arith.constant 7 : i32
      %add3A_603 = arith.addi %mul3A_601, %add3A_602 : i32
      %swap3A_604 = arith.index_cast %add3A_603 : i32 to index
      %swap3A_605 = arith.constant 48 : index
      %swap3A_606 = tpu.vector_load %arg8[%swap3A_604, %swap3A_605] {strides = array<i32>} : memref<208x128xf32, #tpu.memory_space<vmem>>, vector<16xf32>,
      tpu.vector_store %arg8[%swap3A_604, %swap3A_605], %broadcast_in_dim3A_6 {strides = array<i32>} : memref<208x128xf32, #tpu.memory_space<vmem>>, vector<16xf32>,
      %mul3A_607 = arith.constant 8 : i32
      %mul3A_608 = arith.muli %scan3A_187, %mul3A_607 : i32
      %add3A_609 = arith.constant 7 : i32
      %add3A_610 = arith.addi %mul3A_608, %add3A_609 : i32
      %swap3A_611 = arith.index_cast %add3A_610 : i32 to index
      %swap3A_612 = arith.constant 64 : index
      %swap3A_613 = tpu.vector_load %arg8[%swap3A_611, %swap3A_612] {strides = array<i32>} : memref<208x128xf32, #tpu.memory_space<vmem>>, vector<16xf32>,
      tpu.vector_store %arg8[%swap3A_611, %swap3A_612], %broadcast_in_dim3A_6 {strides = array<i32>} : memref<208x128xf32, #tpu.memory_space<vmem>>, vector<16xf32>,
      %mul3A_614 = arith.constant 8 : i32
      %mul3A_615 = arith.muli %scan3A_187, %mul3A_614 : i32
      %add3A_616 = arith.constant 7 : i32
      %add3A_617 = arith.addi %mul3A_615, %add3A_616 : i32
      %swap3A_618 = arith.index_cast %add3A_617 : i32 to index
      %swap3A_619 = arith.constant 80 : index
      %swap3A_620 = tpu.vector_load %arg8[%swap3A_618, %swap3A_619] {strides = array<i32>} : memref<208x128xf32, #tpu.memory_space<vmem>>, vector<16xf32>,
      tpu.vector_store %arg8[%swap3A_618, %swap3A_619], %broadcast_in_dim3A_6 {strides = array<i32>} : memref<208x128xf32, #tpu.memory_space<vmem>>, vector<16xf32>,
      %mul3A_621 = arith.constant 8 : i32
      %mul3A_622 = arith.muli %scan3A_187, %mul3A_621 : i32
      %add3A_623 = arith.constant 7 : i32
      %add3A_624 = arith.addi %mul3A_622, %add3A_623 : i32
      %swap3A_625 = arith.index_cast %add3A_624 : i32 to index
      %swap3A_626 = arith.constant 96 : index
      %swap3A_627 = tpu.vector_load %arg8[%swap3A_625, %swap3A_626] {strides = array<i32>} : memref<208x128xf32, #tpu.memory_space<vmem>>, vector<16xf32>,
      tpu.vector_store %arg8[%swap3A_625, %swap3A_626], %broadcast_in_dim3A_6 {strides = array<i32>} : memref<208x128xf32, #tpu.memory_space<vmem>>, vector<16xf32>,
      %mul3A_628 = arith.constant 8 : i32
      %mul3A_629 = arith.muli %scan3A_187, %mul3A_628 : i32
      %add3A_630 = arith.constant 7 : i32
      %add3A_631 = arith.addi %mul3A_629, %add3A_630 : i32
      %swap3A_632 = arith.index_cast %add3A_631 : i32 to index
      %swap3A_633 = arith.constant 112 : index
      %swap3A_634 = tpu.vector_load %arg8[%swap3A_632, %swap3A_633] {strides = array<i32>} : memref<208x128xf32, #tpu.memory_space<vmem>>, vector<16xf32>,
      tpu.vector_store %arg8[%swap3A_632, %swap3A_633], %broadcast_in_dim3A_6 {strides = array<i32>} : memref<208x128xf32, #tpu.memory_space<vmem>>, vector<16xf32>,
    }
    %scan3A_70 = arith.constant 26 : i32
    %scan3A_71 = arith.constant 0 : i32
    %scan3A_72 = arith.constant 0 : i32
    %scan3A_73 = arith.constant 8 : i32
    %scan3A_74 = arith.addi %scan3A_72, %scan3A_73 : i32
    %scan3A_75 = arith.constant 1 : i32
    scf.for %scan3A_187 = %scan3A_72 to %scan3A_74 step %scan3A_75  : i32 {
      %mul3A_188 = arith.constant 16 : i32
      %mul3A_189 = arith.muli %scan3A_187, %mul3A_188 : i32
      %add3A_190 = vector.broadcast %mul3A_189 : i32 to vector<16xi32>
      %add3A_191 = arith.addi %iota3A, %add3A_190 : vector<16xi32>
      %mul3A_192 = arith.constant 16 : i32
      %mul3A_193 = arith.muli %scan3A_187, %mul3A_192 : i32
      %add3A_194 = arith.constant 128 : i32
      %add3A_195 = arith.addi %add3A_194, %mul3A_193 : i32
      %get3A = arith.constant 13 : i32
      %get3A_196 = arith.index_cast %get3A : i32 to index
      %get3A_197 = arith.index_cast %add3A_195 : i32 to index
      %get3A_198 = tpu.vector_load %arg4[%get3A_196, %get3A_197] {strides = array<i32>} : memref<26x512xi32, #tpu.memory_space<vmem>>, vector<16xi32>,
      %sub3A = arith.constant 208 : i32
      %sub3A_199 = vector.broadcast %sub3A : i32 to vector<16xi32>
      %sub3A_200 = arith.subi %get3A_198, %sub3A_199 : vector<16xi32>
      %bitcast3A = vector.bitcast %sub3A_200 : vector<16xi32> to vector<16xi32>
      %lt3A = arith.constant 16 : i32
      %lt3A_201 = vector.broadcast %lt3A : i32 to vector<16xi32>
      %lt3A_202 = arith.cmpi ult, %bitcast3A, %lt3A_201 : vector<16xi32>
      %sub3A_203 = arith.constant 208 : i32
      %sub3A_204 = vector.broadcast %sub3A_203 : i32 to vector<16xi32>
      %sub3A_205 = arith.subi %get3A_198, %sub3A_204 : vector<16xi32>
      tpu.vector_store_idx %arg8[%sub3A_205, %add3A_191], %broadcast_in_dim3A_8 masked %lt3A_202 : memref<208x128xf32, #tpu.memory_space<vmem>>[vector<16xi32>, vector<16xi32>], vector<16xf32>, vector<16xi1>
      %mul3A_206 = arith.constant 16 : i32
      %mul3A_207 = arith.muli %scan3A_187, %mul3A_206 : i32
      %add3A_208 = arith.constant 128 : i32
      %add3A_209 = arith.addi %add3A_208, %mul3A_207 : i32
      %get3A_210 = arith.constant 14 : i32
      %get3A_211 = arith.index_cast %get3A_210 : i32 to index
      %get3A_212 = arith.index_cast %add3A_209 : i32 to index
      %get3A_213 = tpu.vector_load %arg4[%get3A_211, %get3A_212] {strides = array<i32>} : memref<26x512xi32, #tpu.memory_space<vmem>>, vector<16xi32>,
      %sub3A_214 = arith.constant 224 : i32
      %sub3A_215 = vector.broadcast %sub3A_214 : i32 to vector<16xi32>
      %sub3A_216 = arith.subi %get3A_213, %sub3A_215 : vector<16xi32>
      %bitcast3A_217 = vector.bitcast %sub3A_216 : vector<16xi32> to vector<16xi32>
      %lt3A_218 = arith.constant 16 : i32
      %lt3A_219 = vector.broadcast %lt3A_218 : i32 to vector<16xi32>
      %lt3A_220 = arith.cmpi ult, %bitcast3A_217, %lt3A_219 : vector<16xi32>
      %sub3A_221 = arith.constant 208 : i32
      %sub3A_222 = vector.broadcast %sub3A_221 : i32 to vector<16xi32>
      %sub3A_223 = arith.subi %get3A_213, %sub3A_222 : vector<16xi32>
      tpu.vector_store_idx %arg8[%sub3A_223, %add3A_191], %broadcast_in_dim3A_8 masked %lt3A_220 : memref<208x128xf32, #tpu.memory_space<vmem>>[vector<16xi32>, vector<16xi32>], vector<16xf32>, vector<16xi1>
      %mul3A_224 = arith.constant 16 : i32
      %mul3A_225 = arith.muli %scan3A_187, %mul3A_224 : i32
      %add3A_226 = arith.constant 128 : i32
      %add3A_227 = arith.addi %add3A_226, %mul3A_225 : i32
      %get3A_228 = arith.constant 15 : i32
      %get3A_229 = arith.index_cast %get3A_228 : i32 to index
      %get3A_230 = arith.index_cast %add3A_227 : i32 to index
      %get3A_231 = tpu.vector_load %arg4[%get3A_229, %get3A_230] {strides = array<i32>} : memref<26x512xi32, #tpu.memory_space<vmem>>, vector<16xi32>,
      %sub3A_232 = arith.constant 240 : i32
      %sub3A_233 = vector.broadcast %sub3A_232 : i32 to vector<16xi32>
      %sub3A_234 = arith.subi %get3A_231, %sub3A_233 : vector<16xi32>
      %bitcast3A_235 = vector.bitcast %sub3A_234 : vector<16xi32> to vector<16xi32>
      %lt3A_236 = arith.constant 16 : i32
      %lt3A_237 = vector.broadcast %lt3A_236 : i32 to vector<16xi32>
      %lt3A_238 = arith.cmpi ult, %bitcast3A_235, %lt3A_237 : vector<16xi32>
      %sub3A_239 = arith.constant 208 : i32
      %sub3A_240 = vector.broadcast %sub3A_239 : i32 to vector<16xi32>
      %sub3A_241 = arith.subi %get3A_231, %sub3A_240 : vector<16xi32>
      tpu.vector_store_idx %arg8[%sub3A_241, %add3A_191], %broadcast_in_dim3A_8 masked %lt3A_238 : memref<208x128xf32, #tpu.memory_space<vmem>>[vector<16xi32>, vector<16xi32>], vector<16xf32>, vector<16xi1>
      %mul3A_242 = arith.constant 16 : i32
      %mul3A_243 = arith.muli %scan3A_187, %mul3A_242 : i32
      %add3A_244 = arith.constant 128 : i32
      %add3A_245 = arith.addi %add3A_244, %mul3A_243 : i32
      %get3A_246 = arith.constant 16 : i32
      %get3A_247 = arith.index_cast %get3A_246 : i32 to index
      %get3A_248 = arith.index_cast %add3A_245 : i32 to index
      %get3A_249 = tpu.vector_load %arg4[%get3A_247, %get3A_248] {strides = array<i32>} : memref<26x512xi32, #tpu.memory_space<vmem>>, vector<16xi32>,
      %sub3A_250 = arith.constant 256 : i32
      %sub3A_251 = vector.broadcast %sub3A_250 : i32 to vector<16xi32>
      %sub3A_252 = arith.subi %get3A_249, %sub3A_251 : vector<16xi32>
      %bitcast3A_253 = vector.bitcast %sub3A_252 : vector<16xi32> to vector<16xi32>
      %lt3A_254 = arith.constant 16 : i32
      %lt3A_255 = vector.broadcast %lt3A_254 : i32 to vector<16xi32>
      %lt3A_256 = arith.cmpi ult, %bitcast3A_253, %lt3A_255 : vector<16xi32>
      %sub3A_257 = arith.constant 208 : i32
      %sub3A_258 = vector.broadcast %sub3A_257 : i32 to vector<16xi32>
      %sub3A_259 = arith.subi %get3A_249, %sub3A_258 : vector<16xi32>
      tpu.vector_store_idx %arg8[%sub3A_259, %add3A_191], %broadcast_in_dim3A_8 masked %lt3A_256 : memref<208x128xf32, #tpu.memory_space<vmem>>[vector<16xi32>, vector<16xi32>], vector<16xf32>, vector<16xi1>
      %mul3A_260 = arith.constant 16 : i32
      %mul3A_261 = arith.muli %scan3A_187, %mul3A_260 : i32
      %add3A_262 = arith.constant 128 : i32
      %add3A_263 = arith.addi %add3A_262, %mul3A_261 : i32
      %get3A_264 = arith.constant 17 : i32
      %get3A_265 = arith.index_cast %get3A_264 : i32 to index
      %get3A_266 = arith.index_cast %add3A_263 : i32 to index
      %get3A_267 = tpu.vector_load %arg4[%get3A_265, %get3A_266] {strides = array<i32>} : memref<26x512xi32, #tpu.memory_space<vmem>>, vector<16xi32>,
      %sub3A_268 = arith.constant 272 : i32
      %sub3A_269 = vector.broadcast %sub3A_268 : i32 to vector<16xi32>
      %sub3A_270 = arith.subi %get3A_267, %sub3A_269 : vector<16xi32>
      %bitcast3A_271 = vector.bitcast %sub3A_270 : vector<16xi32> to vector<16xi32>
      %lt3A_272 = arith.constant 16 : i32
      %lt3A_273 = vector.broadcast %lt3A_272 : i32 to vector<16xi32>
      %lt3A_274 = arith.cmpi ult, %bitcast3A_271, %lt3A_273 : vector<16xi32>
      %sub3A_275 = arith.constant 208 : i32
      %sub3A_276 = vector.broadcast %sub3A_275 : i32 to vector<16xi32>
      %sub3A_277 = arith.subi %get3A_267, %sub3A_276 : vector<16xi32>
      tpu.vector_store_idx %arg8[%sub3A_277, %add3A_191], %broadcast_in_dim3A_8 masked %lt3A_274 : memref<208x128xf32, #tpu.memory_space<vmem>>[vector<16xi32>, vector<16xi32>], vector<16xf32>, vector<16xi1>
      %mul3A_278 = arith.constant 16 : i32
      %mul3A_279 = arith.muli %scan3A_187, %mul3A_278 : i32
      %add3A_280 = arith.constant 128 : i32
      %add3A_281 = arith.addi %add3A_280, %mul3A_279 : i32
      %get3A_282 = arith.constant 18 : i32
      %get3A_283 = arith.index_cast %get3A_282 : i32 to index
      %get3A_284 = arith.index_cast %add3A_281 : i32 to index
      %get3A_285 = tpu.vector_load %arg4[%get3A_283, %get3A_284] {strides = array<i32>} : memref<26x512xi32, #tpu.memory_space<vmem>>, vector<16xi32>,
      %sub3A_286 = arith.constant 288 : i32
      %sub3A_287 = vector.broadcast %sub3A_286 : i32 to vector<16xi32>
      %sub3A_288 = arith.subi %get3A_285, %sub3A_287 : vector<16xi32>
      %bitcast3A_289 = vector.bitcast %sub3A_288 : vector<16xi32> to vector<16xi32>
      %lt3A_290 = arith.constant 16 : i32
      %lt3A_291 = vector.broadcast %lt3A_290 : i32 to vector<16xi32>
      %lt3A_292 = arith.cmpi ult, %bitcast3A_289, %lt3A_291 : vector<16xi32>
      %sub3A_293 = arith.constant 208 : i32
      %sub3A_294 = vector.broadcast %sub3A_293 : i32 to vector<16xi32>
      %sub3A_295 = arith.subi %get3A_285, %sub3A_294 : vector<16xi32>
      tpu.vector_store_idx %arg8[%sub3A_295, %add3A_191], %broadcast_in_dim3A_8 masked %lt3A_292 : memref<208x128xf32, #tpu.memory_space<vmem>>[vector<16xi32>, vector<16xi32>], vector<16xf32>, vector<16xi1>
      %mul3A_296 = arith.constant 16 : i32
      %mul3A_297 = arith.muli %scan3A_187, %mul3A_296 : i32
      %add3A_298 = arith.constant 128 : i32
      %add3A_299 = arith.addi %add3A_298, %mul3A_297 : i32
      %get3A_300 = arith.constant 19 : i32
      %get3A_301 = arith.index_cast %get3A_300 : i32 to index
      %get3A_302 = arith.index_cast %add3A_299 : i32 to index
      %get3A_303 = tpu.vector_load %arg4[%get3A_301, %get3A_302] {strides = array<i32>} : memref<26x512xi32, #tpu.memory_space<vmem>>, vector<16xi32>,
      %sub3A_304 = arith.constant 304 : i32
      %sub3A_305 = vector.broadcast %sub3A_304 : i32 to vector<16xi32>
      %sub3A_306 = arith.subi %get3A_303, %sub3A_305 : vector<16xi32>
      %bitcast3A_307 = vector.bitcast %sub3A_306 : vector<16xi32> to vector<16xi32>
      %lt3A_308 = arith.constant 16 : i32
      %lt3A_309 = vector.broadcast %lt3A_308 : i32 to vector<16xi32>
      %lt3A_310 = arith.cmpi ult, %bitcast3A_307, %lt3A_309 : vector<16xi32>
      %sub3A_311 = arith.constant 208 : i32
      %sub3A_312 = vector.broadcast %sub3A_311 : i32 to vector<16xi32>
      %sub3A_313 = arith.subi %get3A_303, %sub3A_312 : vector<16xi32>
      tpu.vector_store_idx %arg8[%sub3A_313, %add3A_191], %broadcast_in_dim3A_8 masked %lt3A_310 : memref<208x128xf32, #tpu.memory_space<vmem>>[vector<16xi32>, vector<16xi32>], vector<16xf32>, vector<16xi1>
      %mul3A_314 = arith.constant 16 : i32
      %mul3A_315 = arith.muli %scan3A_187, %mul3A_314 : i32
      %add3A_316 = arith.constant 128 : i32
      %add3A_317 = arith.addi %add3A_316, %mul3A_315 : i32
      %get3A_318 = arith.constant 20 : i32
      %get3A_319 = arith.index_cast %get3A_318 : i32 to index
      %get3A_320 = arith.index_cast %add3A_317 : i32 to index
      %get3A_321 = tpu.vector_load %arg4[%get3A_319, %get3A_320] {strides = array<i32>} : memref<26x512xi32, #tpu.memory_space<vmem>>, vector<16xi32>,
      %sub3A_322 = arith.constant 320 : i32
      %sub3A_323 = vector.broadcast %sub3A_322 : i32 to vector<16xi32>
      %sub3A_324 = arith.subi %get3A_321, %sub3A_323 : vector<16xi32>
      %bitcast3A_325 = vector.bitcast %sub3A_324 : vector<16xi32> to vector<16xi32>
      %lt3A_326 = arith.constant 16 : i32
      %lt3A_327 = vector.broadcast %lt3A_326 : i32 to vector<16xi32>
      %lt3A_328 = arith.cmpi ult, %bitcast3A_325, %lt3A_327 : vector<16xi32>
      %sub3A_329 = arith.constant 208 : i32
      %sub3A_330 = vector.broadcast %sub3A_329 : i32 to vector<16xi32>
      %sub3A_331 = arith.subi %get3A_321, %sub3A_330 : vector<16xi32>
      tpu.vector_store_idx %arg8[%sub3A_331, %add3A_191], %broadcast_in_dim3A_8 masked %lt3A_328 : memref<208x128xf32, #tpu.memory_space<vmem>>[vector<16xi32>, vector<16xi32>], vector<16xf32>, vector<16xi1>
      %mul3A_332 = arith.constant 16 : i32
      %mul3A_333 = arith.muli %scan3A_187, %mul3A_332 : i32
      %add3A_334 = arith.constant 128 : i32
      %add3A_335 = arith.addi %add3A_334, %mul3A_333 : i32
      %get3A_336 = arith.constant 21 : i32
      %get3A_337 = arith.index_cast %get3A_336 : i32 to index
      %get3A_338 = arith.index_cast %add3A_335 : i32 to index
      %get3A_339 = tpu.vector_load %arg4[%get3A_337, %get3A_338] {strides = array<i32>} : memref<26x512xi32, #tpu.memory_space<vmem>>, vector<16xi32>,
      %sub3A_340 = arith.constant 336 : i32
      %sub3A_341 = vector.broadcast %sub3A_340 : i32 to vector<16xi32>
      %sub3A_342 = arith.subi %get3A_339, %sub3A_341 : vector<16xi32>
      %bitcast3A_343 = vector.bitcast %sub3A_342 : vector<16xi32> to vector<16xi32>
      %lt3A_344 = arith.constant 16 : i32
      %lt3A_345 = vector.broadcast %lt3A_344 : i32 to vector<16xi32>
      %lt3A_346 = arith.cmpi ult, %bitcast3A_343, %lt3A_345 : vector<16xi32>
      %sub3A_347 = arith.constant 208 : i32
      %sub3A_348 = vector.broadcast %sub3A_347 : i32 to vector<16xi32>
      %sub3A_349 = arith.subi %get3A_339, %sub3A_348 : vector<16xi32>
      tpu.vector_store_idx %arg8[%sub3A_349, %add3A_191], %broadcast_in_dim3A_8 masked %lt3A_346 : memref<208x128xf32, #tpu.memory_space<vmem>>[vector<16xi32>, vector<16xi32>], vector<16xf32>, vector<16xi1>
      %mul3A_350 = arith.constant 16 : i32
      %mul3A_351 = arith.muli %scan3A_187, %mul3A_350 : i32
      %add3A_352 = arith.constant 128 : i32
      %add3A_353 = arith.addi %add3A_352, %mul3A_351 : i32
      %get3A_354 = arith.constant 22 : i32
      %get3A_355 = arith.index_cast %get3A_354 : i32 to index
      %get3A_356 = arith.index_cast %add3A_353 : i32 to index
      %get3A_357 = tpu.vector_load %arg4[%get3A_355, %get3A_356] {strides = array<i32>} : memref<26x512xi32, #tpu.memory_space<vmem>>, vector<16xi32>,
      %sub3A_358 = arith.constant 352 : i32
      %sub3A_359 = vector.broadcast %sub3A_358 : i32 to vector<16xi32>
      %sub3A_360 = arith.subi %get3A_357, %sub3A_359 : vector<16xi32>
      %bitcast3A_361 = vector.bitcast %sub3A_360 : vector<16xi32> to vector<16xi32>
      %lt3A_362 = arith.constant 16 : i32
      %lt3A_363 = vector.broadcast %lt3A_362 : i32 to vector<16xi32>
      %lt3A_364 = arith.cmpi ult, %bitcast3A_361, %lt3A_363 : vector<16xi32>
      %sub3A_365 = arith.constant 208 : i32
      %sub3A_366 = vector.broadcast %sub3A_365 : i32 to vector<16xi32>
      %sub3A_367 = arith.subi %get3A_357, %sub3A_366 : vector<16xi32>
      tpu.vector_store_idx %arg8[%sub3A_367, %add3A_191], %broadcast_in_dim3A_8 masked %lt3A_364 : memref<208x128xf32, #tpu.memory_space<vmem>>[vector<16xi32>, vector<16xi32>], vector<16xf32>, vector<16xi1>
      %mul3A_368 = arith.constant 16 : i32
      %mul3A_369 = arith.muli %scan3A_187, %mul3A_368 : i32
      %add3A_370 = arith.constant 128 : i32
      %add3A_371 = arith.addi %add3A_370, %mul3A_369 : i32
      %get3A_372 = arith.constant 23 : i32
      %get3A_373 = arith.index_cast %get3A_372 : i32 to index
      %get3A_374 = arith.index_cast %add3A_371 : i32 to index
      %get3A_375 = tpu.vector_load %arg4[%get3A_373, %get3A_374] {strides = array<i32>} : memref<26x512xi32, #tpu.memory_space<vmem>>, vector<16xi32>,
      %sub3A_376 = arith.constant 368 : i32
      %sub3A_377 = vector.broadcast %sub3A_376 : i32 to vector<16xi32>
      %sub3A_378 = arith.subi %get3A_375, %sub3A_377 : vector<16xi32>
      %bitcast3A_379 = vector.bitcast %sub3A_378 : vector<16xi32> to vector<16xi32>
      %lt3A_380 = arith.constant 16 : i32
      %lt3A_381 = vector.broadcast %lt3A_380 : i32 to vector<16xi32>
      %lt3A_382 = arith.cmpi ult, %bitcast3A_379, %lt3A_381 : vector<16xi32>
      %sub3A_383 = arith.constant 208 : i32
      %sub3A_384 = vector.broadcast %sub3A_383 : i32 to vector<16xi32>
      %sub3A_385 = arith.subi %get3A_375, %sub3A_384 : vector<16xi32>
      tpu.vector_store_idx %arg8[%sub3A_385, %add3A_191], %broadcast_in_dim3A_8 masked %lt3A_382 : memref<208x128xf32, #tpu.memory_space<vmem>>[vector<16xi32>, vector<16xi32>], vector<16xf32>, vector<16xi1>
      %mul3A_386 = arith.constant 16 : i32
      %mul3A_387 = arith.muli %scan3A_187, %mul3A_386 : i32
      %add3A_388 = arith.constant 128 : i32
      %add3A_389 = arith.addi %add3A_388, %mul3A_387 : i32
      %get3A_390 = arith.constant 24 : i32
      %get3A_391 = arith.index_cast %get3A_390 : i32 to index
      %get3A_392 = arith.index_cast %add3A_389 : i32 to index
      %get3A_393 = tpu.vector_load %arg4[%get3A_391, %get3A_392] {strides = array<i32>} : memref<26x512xi32, #tpu.memory_space<vmem>>, vector<16xi32>,
      %sub3A_394 = arith.constant 384 : i32
      %sub3A_395 = vector.broadcast %sub3A_394 : i32 to vector<16xi32>
      %sub3A_396 = arith.subi %get3A_393, %sub3A_395 : vector<16xi32>
      %bitcast3A_397 = vector.bitcast %sub3A_396 : vector<16xi32> to vector<16xi32>
      %lt3A_398 = arith.constant 16 : i32
      %lt3A_399 = vector.broadcast %lt3A_398 : i32 to vector<16xi32>
      %lt3A_400 = arith.cmpi ult, %bitcast3A_397, %lt3A_399 : vector<16xi32>
      %sub3A_401 = arith.constant 208 : i32
      %sub3A_402 = vector.broadcast %sub3A_401 : i32 to vector<16xi32>
      %sub3A_403 = arith.subi %get3A_393, %sub3A_402 : vector<16xi32>
      tpu.vector_store_idx %arg8[%sub3A_403, %add3A_191], %broadcast_in_dim3A_8 masked %lt3A_400 : memref<208x128xf32, #tpu.memory_space<vmem>>[vector<16xi32>, vector<16xi32>], vector<16xf32>, vector<16xi1>
      %mul3A_404 = arith.constant 16 : i32
      %mul3A_405 = arith.muli %scan3A_187, %mul3A_404 : i32
      %add3A_406 = arith.constant 128 : i32
      %add3A_407 = arith.addi %add3A_406, %mul3A_405 : i32
      %get3A_408 = arith.constant 25 : i32
      %get3A_409 = arith.index_cast %get3A_408 : i32 to index
      %get3A_410 = arith.index_cast %add3A_407 : i32 to index
      %get3A_411 = tpu.vector_load %arg4[%get3A_409, %get3A_410] {strides = array<i32>} : memref<26x512xi32, #tpu.memory_space<vmem>>, vector<16xi32>,
      %sub3A_412 = arith.constant 400 : i32
      %sub3A_413 = vector.broadcast %sub3A_412 : i32 to vector<16xi32>
      %sub3A_414 = arith.subi %get3A_411, %sub3A_413 : vector<16xi32>
      %bitcast3A_415 = vector.bitcast %sub3A_414 : vector<16xi32> to vector<16xi32>
      %lt3A_416 = arith.constant 16 : i32
      %lt3A_417 = vector.broadcast %lt3A_416 : i32 to vector<16xi32>
      %lt3A_418 = arith.cmpi ult, %bitcast3A_415, %lt3A_417 : vector<16xi32>
      %sub3A_419 = arith.constant 208 : i32
      %sub3A_420 = vector.broadcast %sub3A_419 : i32 to vector<16xi32>
      %sub3A_421 = arith.subi %get3A_411, %sub3A_420 : vector<16xi32>
      tpu.vector_store_idx %arg8[%sub3A_421, %add3A_191], %broadcast_in_dim3A_8 masked %lt3A_418 : memref<208x128xf32, #tpu.memory_space<vmem>>[vector<16xi32>, vector<16xi32>], vector<16xf32>, vector<16xi1>
    }
    %scan3A_76 = arith.constant 8 : i32
    %add3A_77 = arith.constant 128 : i32
    %add3A_78 = arith.addi %mul3A_2, %add3A_77 : i32
    %dma_start3A_79 = arith.constant 208 : i32
    %dma_start3A_80 = tpu.memref_slice %arg3[%dma_start3A_79, %add3A_78] : memref<416x16384xf32, #tpu.memory_space<hbm>> -> memref<208x128xf32, #tpu.memory_space<hbm>>
    %dma_start3A_81 = arith.constant 208 : i32
    %dma_start3A_82 = tpu.memref_slice %arg3[%dma_start3A_81, %add3A_78] : memref<416x16384xf32, #tpu.memory_space<hbm>> -> memref<208x128xf32, #tpu.memory_space<hbm>>
    tpu.enqueue_dma source(%arg8 : memref<208x128xf32, #tpu.memory_space<vmem>>) target(%dma_start3A_82 : memref<208x128xf32, #tpu.memory_space<hbm>>) target_semaphore(%arg12 : memref<!tpu.dma_semaphore, #tpu.memory_space<semaphore_mem>>)
    %dma_wait3A_83 = arith.constant 0 : i32
    %dma_wait3A_84 = tpu.memref_slice %arg3[%dma_wait3A_83, %add3A_24] : memref<416x16384xf32, #tpu.memory_space<hbm>> -> memref<208x128xf32, #tpu.memory_space<hbm>>
    %dma_wait3A_85 = arith.constant 0 : i32
    %dma_wait3A_86 = tpu.memref_slice %arg3[%dma_wait3A_85, %add3A_24] : memref<416x16384xf32, #tpu.memory_space<hbm>> -> memref<208x128xf32, #tpu.memory_space<hbm>>
    tpu.wait_dma2 semaphore(%arg9 : memref<!tpu.dma_semaphore, #tpu.memory_space<semaphore_mem>>) src(%arg5 : memref<208x128xf32, #tpu.memory_space<vmem>>) dst(%dma_wait3A_86 : memref<208x128xf32, #tpu.memory_space<hbm>>)
    %scan3A_87 = arith.constant 0 : i32
    %scan3A_88 = arith.constant 0 : i32
    %scan3A_89 = arith.constant 8 : i32
    %scan3A_90 = arith.addi %scan3A_88, %scan3A_89 : i32
    %scan3A_91 = arith.constant 1 : i32
    scf.for %scan3A_187 = %scan3A_88 to %scan3A_90 step %scan3A_91  : i32 {
      %mul3A_188 = arith.constant 16 : i32
      %mul3A_189 = arith.muli %scan3A_187, %mul3A_188 : i32
      %add3A_190 = vector.broadcast %mul3A_189 : i32 to vector<16xi32>
      %add3A_191 = arith.addi %iota3A, %add3A_190 : vector<16xi32>
      %mul3A_192 = arith.constant 16 : i32
      %mul3A_193 = arith.muli %scan3A_187, %mul3A_192 : i32
      %add3A_194 = arith.constant 0 : i32
      %add3A_195 = arith.addi %add3A_194, %mul3A_193 : i32
      %get3A = arith.constant 0 : i32
      %get3A_196 = arith.index_cast %get3A : i32 to index
      %get3A_197 = arith.index_cast %add3A_195 : i32 to index
      %get3A_198 = tpu.vector_load %arg4[%get3A_196, %get3A_197] {strides = array<i32>} : memref<26x512xi32, #tpu.memory_space<vmem>>, vector<16xi32>,
      %sub3A = arith.constant 0 : i32
      %sub3A_199 = vector.broadcast %sub3A : i32 to vector<16xi32>
      %sub3A_200 = arith.subi %get3A_198, %sub3A_199 : vector<16xi32>
      %bitcast3A = vector.bitcast %sub3A_200 : vector<16xi32> to vector<16xi32>
      %lt3A = arith.constant 16 : i32
      %lt3A_201 = vector.broadcast %lt3A : i32 to vector<16xi32>
      %lt3A_202 = arith.cmpi ult, %bitcast3A, %lt3A_201 : vector<16xi32>
      %sub3A_203 = arith.constant 0 : i32
      %sub3A_204 = vector.broadcast %sub3A_203 : i32 to vector<16xi32>
      %sub3A_205 = arith.subi %get3A_198, %sub3A_204 : vector<16xi32>
      tpu.vector_store_idx %arg5[%sub3A_205, %add3A_191], %broadcast_in_dim3A_6 masked %lt3A_202 : memref<208x128xf32, #tpu.memory_space<vmem>>[vector<16xi32>, vector<16xi32>], vector<16xf32>, vector<16xi1>
      %mul3A_206 = arith.constant 16 : i32
      %mul3A_207 = arith.muli %scan3A_187, %mul3A_206 : i32
      %add3A_208 = arith.constant 0 : i32
      %add3A_209 = arith.addi %add3A_208, %mul3A_207 : i32
      %get3A_210 = arith.constant 1 : i32
      %get3A_211 = arith.index_cast %get3A_210 : i32 to index
      %get3A_212 = arith.index_cast %add3A_209 : i32 to index
      %get3A_213 = tpu.vector_load %arg4[%get3A_211, %get3A_212] {strides = array<i32>} : memref<26x512xi32, #tpu.memory_space<vmem>>, vector<16xi32>,
      %sub3A_214 = arith.constant 16 : i32
      %sub3A_215 = vector.broadcast %sub3A_214 : i32 to vector<16xi32>
      %sub3A_216 = arith.subi %get3A_213, %sub3A_215 : vector<16xi32>
      %bitcast3A_217 = vector.bitcast %sub3A_216 : vector<16xi32> to vector<16xi32>
      %lt3A_218 = arith.constant 16 : i32
      %lt3A_219 = vector.broadcast %lt3A_218 : i32 to vector<16xi32>
      %lt3A_220 = arith.cmpi ult, %bitcast3A_217, %lt3A_219 : vector<16xi32>
      %sub3A_221 = arith.constant 0 : i32
      %sub3A_222 = vector.broadcast %sub3A_221 : i32 to vector<16xi32>
      %sub3A_223 = arith.subi %get3A_213, %sub3A_222 : vector<16xi32>
      tpu.vector_store_idx %arg5[%sub3A_223, %add3A_191], %broadcast_in_dim3A_6 masked %lt3A_220 : memref<208x128xf32, #tpu.memory_space<vmem>>[vector<16xi32>, vector<16xi32>], vector<16xf32>, vector<16xi1>
      %mul3A_224 = arith.constant 16 : i32
      %mul3A_225 = arith.muli %scan3A_187, %mul3A_224 : i32
      %add3A_226 = arith.constant 0 : i32
      %add3A_227 = arith.addi %add3A_226, %mul3A_225 : i32
      %get3A_228 = arith.constant 2 : i32
      %get3A_229 = arith.index_cast %get3A_228 : i32 to index
      %get3A_230 = arith.index_cast %add3A_227 : i32 to index
      %get3A_231 = tpu.vector_load %arg4[%get3A_229, %get3A_230] {strides = array<i32>} : memref<26x512xi32, #tpu.memory_space<vmem>>, vector<16xi32>,
      %sub3A_232 = arith.constant 32 : i32
      %sub3A_233 = vector.broadcast %sub3A_232 : i32 to vector<16xi32>
      %sub3A_234 = arith.subi %get3A_231, %sub3A_233 : vector<16xi32>
      %bitcast3A_235 = vector.bitcast %sub3A_234 : vector<16xi32> to vector<16xi32>
      %lt3A_236 = arith.constant 16 : i32
      %lt3A_237 = vector.broadcast %lt3A_236 : i32 to vector<16xi32>
      %lt3A_238 = arith.cmpi ult, %bitcast3A_235, %lt3A_237 : vector<16xi32>
      %sub3A_239 = arith.constant 0 : i32
      %sub3A_240 = vector.broadcast %sub3A_239 : i32 to vector<16xi32>
      %sub3A_241 = arith.subi %get3A_231, %sub3A_240 : vector<16xi32>
      tpu.vector_store_idx %arg5[%sub3A_241, %add3A_191], %broadcast_in_dim3A_6 masked %lt3A_238 : memref<208x128xf32, #tpu.memory_space<vmem>>[vector<16xi32>, vector<16xi32>], vector<16xf32>, vector<16xi1>
      %mul3A_242 = arith.constant 16 : i32
      %mul3A_243 = arith.muli %scan3A_187, %mul3A_242 : i32
      %add3A_244 = arith.constant 0 : i32
      %add3A_245 = arith.addi %add3A_244, %mul3A_243 : i32
      %get3A_246 = arith.constant 3 : i32
      %get3A_247 = arith.index_cast %get3A_246 : i32 to index
      %get3A_248 = arith.index_cast %add3A_245 : i32 to index
      %get3A_249 = tpu.vector_load %arg4[%get3A_247, %get3A_248] {strides = array<i32>} : memref<26x512xi32, #tpu.memory_space<vmem>>, vector<16xi32>,
      %sub3A_250 = arith.constant 48 : i32
      %sub3A_251 = vector.broadcast %sub3A_250 : i32 to vector<16xi32>
      %sub3A_252 = arith.subi %get3A_249, %sub3A_251 : vector<16xi32>
      %bitcast3A_253 = vector.bitcast %sub3A_252 : vector<16xi32> to vector<16xi32>
      %lt3A_254 = arith.constant 16 : i32
      %lt3A_255 = vector.broadcast %lt3A_254 : i32 to vector<16xi32>
      %lt3A_256 = arith.cmpi ult, %bitcast3A_253, %lt3A_255 : vector<16xi32>
      %sub3A_257 = arith.constant 0 : i32
      %sub3A_258 = vector.broadcast %sub3A_257 : i32 to vector<16xi32>
      %sub3A_259 = arith.subi %get3A_249, %sub3A_258 : vector<16xi32>
      tpu.vector_store_idx %arg5[%sub3A_259, %add3A_191], %broadcast_in_dim3A_6 masked %lt3A_256 : memref<208x128xf32, #tpu.memory_space<vmem>>[vector<16xi32>, vector<16xi32>], vector<16xf32>, vector<16xi1>
      %mul3A_260 = arith.constant 16 : i32
      %mul3A_261 = arith.muli %scan3A_187, %mul3A_260 : i32
      %add3A_262 = arith.constant 0 : i32
      %add3A_263 = arith.addi %add3A_262, %mul3A_261 : i32
      %get3A_264 = arith.constant 4 : i32
      %get3A_265 = arith.index_cast %get3A_264 : i32 to index
      %get3A_266 = arith.index_cast %add3A_263 : i32 to index
      %get3A_267 = tpu.vector_load %arg4[%get3A_265, %get3A_266] {strides = array<i32>} : memref<26x512xi32, #tpu.memory_space<vmem>>, vector<16xi32>,
      %sub3A_268 = arith.constant 64 : i32
      %sub3A_269 = vector.broadcast %sub3A_268 : i32 to vector<16xi32>
      %sub3A_270 = arith.subi %get3A_267, %sub3A_269 : vector<16xi32>
      %bitcast3A_271 = vector.bitcast %sub3A_270 : vector<16xi32> to vector<16xi32>
      %lt3A_272 = arith.constant 16 : i32
      %lt3A_273 = vector.broadcast %lt3A_272 : i32 to vector<16xi32>
      %lt3A_274 = arith.cmpi ult, %bitcast3A_271, %lt3A_273 : vector<16xi32>
      %sub3A_275 = arith.constant 0 : i32
      %sub3A_276 = vector.broadcast %sub3A_275 : i32 to vector<16xi32>
      %sub3A_277 = arith.subi %get3A_267, %sub3A_276 : vector<16xi32>
      tpu.vector_store_idx %arg5[%sub3A_277, %add3A_191], %broadcast_in_dim3A_6 masked %lt3A_274 : memref<208x128xf32, #tpu.memory_space<vmem>>[vector<16xi32>, vector<16xi32>], vector<16xf32>, vector<16xi1>
      %mul3A_278 = arith.constant 16 : i32
      %mul3A_279 = arith.muli %scan3A_187, %mul3A_278 : i32
      %add3A_280 = arith.constant 0 : i32
      %add3A_281 = arith.addi %add3A_280, %mul3A_279 : i32
      %get3A_282 = arith.constant 5 : i32
      %get3A_283 = arith.index_cast %get3A_282 : i32 to index
      %get3A_284 = arith.index_cast %add3A_281 : i32 to index
      %get3A_285 = tpu.vector_load %arg4[%get3A_283, %get3A_284] {strides = array<i32>} : memref<26x512xi32, #tpu.memory_space<vmem>>, vector<16xi32>,
      %sub3A_286 = arith.constant 80 : i32
      %sub3A_287 = vector.broadcast %sub3A_286 : i32 to vector<16xi32>
      %sub3A_288 = arith.subi %get3A_285, %sub3A_287 : vector<16xi32>
      %bitcast3A_289 = vector.bitcast %sub3A_288 : vector<16xi32> to vector<16xi32>
      %lt3A_290 = arith.constant 16 : i32
      %lt3A_291 = vector.broadcast %lt3A_290 : i32 to vector<16xi32>
      %lt3A_292 = arith.cmpi ult, %bitcast3A_289, %lt3A_291 : vector<16xi32>
      %sub3A_293 = arith.constant 0 : i32
      %sub3A_294 = vector.broadcast %sub3A_293 : i32 to vector<16xi32>
      %sub3A_295 = arith.subi %get3A_285, %sub3A_294 : vector<16xi32>
      tpu.vector_store_idx %arg5[%sub3A_295, %add3A_191], %broadcast_in_dim3A_6 masked %lt3A_292 : memref<208x128xf32, #tpu.memory_space<vmem>>[vector<16xi32>, vector<16xi32>], vector<16xf32>, vector<16xi1>
      %mul3A_296 = arith.constant 16 : i32
      %mul3A_297 = arith.muli %scan3A_187, %mul3A_296 : i32
      %add3A_298 = arith.constant 0 : i32
      %add3A_299 = arith.addi %add3A_298, %mul3A_297 : i32
      %get3A_300 = arith.constant 6 : i32
      %get3A_301 = arith.index_cast %get3A_300 : i32 to index
      %get3A_302 = arith.index_cast %add3A_299 : i32 to index
      %get3A_303 = tpu.vector_load %arg4[%get3A_301, %get3A_302] {strides = array<i32>} : memref<26x512xi32, #tpu.memory_space<vmem>>, vector<16xi32>,
      %sub3A_304 = arith.constant 96 : i32
      %sub3A_305 = vector.broadcast %sub3A_304 : i32 to vector<16xi32>
      %sub3A_306 = arith.subi %get3A_303, %sub3A_305 : vector<16xi32>
      %bitcast3A_307 = vector.bitcast %sub3A_306 : vector<16xi32> to vector<16xi32>
      %lt3A_308 = arith.constant 16 : i32
      %lt3A_309 = vector.broadcast %lt3A_308 : i32 to vector<16xi32>
      %lt3A_310 = arith.cmpi ult, %bitcast3A_307, %lt3A_309 : vector<16xi32>
      %sub3A_311 = arith.constant 0 : i32
      %sub3A_312 = vector.broadcast %sub3A_311 : i32 to vector<16xi32>
      %sub3A_313 = arith.subi %get3A_303, %sub3A_312 : vector<16xi32>
      tpu.vector_store_idx %arg5[%sub3A_313, %add3A_191], %broadcast_in_dim3A_6 masked %lt3A_310 : memref<208x128xf32, #tpu.memory_space<vmem>>[vector<16xi32>, vector<16xi32>], vector<16xf32>, vector<16xi1>
      %mul3A_314 = arith.constant 16 : i32
      %mul3A_315 = arith.muli %scan3A_187, %mul3A_314 : i32
      %add3A_316 = arith.constant 0 : i32
      %add3A_317 = arith.addi %add3A_316, %mul3A_315 : i32
      %get3A_318 = arith.constant 7 : i32
      %get3A_319 = arith.index_cast %get3A_318 : i32 to index
      %get3A_320 = arith.index_cast %add3A_317 : i32 to index
      %get3A_321 = tpu.vector_load %arg4[%get3A_319, %get3A_320] {strides = array<i32>} : memref<26x512xi32, #tpu.memory_space<vmem>>, vector<16xi32>,
      %sub3A_322 = arith.constant 112 : i32
      %sub3A_323 = vector.broadcast %sub3A_322 : i32 to vector<16xi32>
      %sub3A_324 = arith.subi %get3A_321, %sub3A_323 : vector<16xi32>
      %bitcast3A_325 = vector.bitcast %sub3A_324 : vector<16xi32> to vector<16xi32>
      %lt3A_326 = arith.constant 16 : i32
      %lt3A_327 = vector.broadcast %lt3A_326 : i32 to vector<16xi32>
      %lt3A_328 = arith.cmpi ult, %bitcast3A_325, %lt3A_327 : vector<16xi32>
      %sub3A_329 = arith.constant 0 : i32
      %sub3A_330 = vector.broadcast %sub3A_329 : i32 to vector<16xi32>
      %sub3A_331 = arith.subi %get3A_321, %sub3A_330 : vector<16xi32>
      tpu.vector_store_idx %arg5[%sub3A_331, %add3A_191], %broadcast_in_dim3A_6 masked %lt3A_328 : memref<208x128xf32, #tpu.memory_space<vmem>>[vector<16xi32>, vector<16xi32>], vector<16xf32>, vector<16xi1>
      %mul3A_332 = arith.constant 16 : i32
      %mul3A_333 = arith.muli %scan3A_187, %mul3A_332 : i32
      %add3A_334 = arith.constant 0 : i32
      %add3A_335 = arith.addi %add3A_334, %mul3A_333 : i32
      %get3A_336 = arith.constant 8 : i32
      %get3A_337 = arith.index_cast %get3A_336 : i32 to index
      %get3A_338 = arith.index_cast %add3A_335 : i32 to index
      %get3A_339 = tpu.vector_load %arg4[%get3A_337, %get3A_338] {strides = array<i32>} : memref<26x512xi32, #tpu.memory_space<vmem>>, vector<16xi32>,
      %sub3A_340 = arith.constant 128 : i32
      %sub3A_341 = vector.broadcast %sub3A_340 : i32 to vector<16xi32>
      %sub3A_342 = arith.subi %get3A_339, %sub3A_341 : vector<16xi32>
      %bitcast3A_343 = vector.bitcast %sub3A_342 : vector<16xi32> to vector<16xi32>
      %lt3A_344 = arith.constant 16 : i32
      %lt3A_345 = vector.broadcast %lt3A_344 : i32 to vector<16xi32>
      %lt3A_346 = arith.cmpi ult, %bitcast3A_343, %lt3A_345 : vector<16xi32>
      %sub3A_347 = arith.constant 0 : i32
      %sub3A_348 = vector.broadcast %sub3A_347 : i32 to vector<16xi32>
      %sub3A_349 = arith.subi %get3A_339, %sub3A_348 : vector<16xi32>
      tpu.vector_store_idx %arg5[%sub3A_349, %add3A_191], %broadcast_in_dim3A_6 masked %lt3A_346 : memref<208x128xf32, #tpu.memory_space<vmem>>[vector<16xi32>, vector<16xi32>], vector<16xf32>, vector<16xi1>
      %mul3A_350 = arith.constant 16 : i32
      %mul3A_351 = arith.muli %scan3A_187, %mul3A_350 : i32
      %add3A_352 = arith.constant 0 : i32
      %add3A_353 = arith.addi %add3A_352, %mul3A_351 : i32
      %get3A_354 = arith.constant 9 : i32
      %get3A_355 = arith.index_cast %get3A_354 : i32 to index
      %get3A_356 = arith.index_cast %add3A_353 : i32 to index
      %get3A_357 = tpu.vector_load %arg4[%get3A_355, %get3A_356] {strides = array<i32>} : memref<26x512xi32, #tpu.memory_space<vmem>>, vector<16xi32>,
      %sub3A_358 = arith.constant 144 : i32
      %sub3A_359 = vector.broadcast %sub3A_358 : i32 to vector<16xi32>
      %sub3A_360 = arith.subi %get3A_357, %sub3A_359 : vector<16xi32>
      %bitcast3A_361 = vector.bitcast %sub3A_360 : vector<16xi32> to vector<16xi32>
      %lt3A_362 = arith.constant 16 : i32
      %lt3A_363 = vector.broadcast %lt3A_362 : i32 to vector<16xi32>
      %lt3A_364 = arith.cmpi ult, %bitcast3A_361, %lt3A_363 : vector<16xi32>
      %sub3A_365 = arith.constant 0 : i32
      %sub3A_366 = vector.broadcast %sub3A_365 : i32 to vector<16xi32>
      %sub3A_367 = arith.subi %get3A_357, %sub3A_366 : vector<16xi32>
      tpu.vector_store_idx %arg5[%sub3A_367, %add3A_191], %broadcast_in_dim3A_6 masked %lt3A_364 : memref<208x128xf32, #tpu.memory_space<vmem>>[vector<16xi32>, vector<16xi32>], vector<16xf32>, vector<16xi1>
      %mul3A_368 = arith.constant 16 : i32
      %mul3A_369 = arith.muli %scan3A_187, %mul3A_368 : i32
      %add3A_370 = arith.constant 0 : i32
      %add3A_371 = arith.addi %add3A_370, %mul3A_369 : i32
      %get3A_372 = arith.constant 10 : i32
      %get3A_373 = arith.index_cast %get3A_372 : i32 to index
      %get3A_374 = arith.index_cast %add3A_371 : i32 to index
      %get3A_375 = tpu.vector_load %arg4[%get3A_373, %get3A_374] {strides = array<i32>} : memref<26x512xi32, #tpu.memory_space<vmem>>, vector<16xi32>,
      %sub3A_376 = arith.constant 160 : i32
      %sub3A_377 = vector.broadcast %sub3A_376 : i32 to vector<16xi32>
      %sub3A_378 = arith.subi %get3A_375, %sub3A_377 : vector<16xi32>
      %bitcast3A_379 = vector.bitcast %sub3A_378 : vector<16xi32> to vector<16xi32>
      %lt3A_380 = arith.constant 16 : i32
      %lt3A_381 = vector.broadcast %lt3A_380 : i32 to vector<16xi32>
      %lt3A_382 = arith.cmpi ult, %bitcast3A_379, %lt3A_381 : vector<16xi32>
      %sub3A_383 = arith.constant 0 : i32
      %sub3A_384 = vector.broadcast %sub3A_383 : i32 to vector<16xi32>
      %sub3A_385 = arith.subi %get3A_375, %sub3A_384 : vector<16xi32>
      tpu.vector_store_idx %arg5[%sub3A_385, %add3A_191], %broadcast_in_dim3A_6 masked %lt3A_382 : memref<208x128xf32, #tpu.memory_space<vmem>>[vector<16xi32>, vector<16xi32>], vector<16xf32>, vector<16xi1>
      %mul3A_386 = arith.constant 16 : i32
      %mul3A_387 = arith.muli %scan3A_187, %mul3A_386 : i32
      %add3A_388 = arith.constant 0 : i32
      %add3A_389 = arith.addi %add3A_388, %mul3A_387 : i32
      %get3A_390 = arith.constant 11 : i32
      %get3A_391 = arith.index_cast %get3A_390 : i32 to index
      %get3A_392 = arith.index_cast %add3A_389 : i32 to index
      %get3A_393 = tpu.vector_load %arg4[%get3A_391, %get3A_392] {strides = array<i32>} : memref<26x512xi32, #tpu.memory_space<vmem>>, vector<16xi32>,
      %sub3A_394 = arith.constant 176 : i32
      %sub3A_395 = vector.broadcast %sub3A_394 : i32 to vector<16xi32>
      %sub3A_396 = arith.subi %get3A_393, %sub3A_395 : vector<16xi32>
      %bitcast3A_397 = vector.bitcast %sub3A_396 : vector<16xi32> to vector<16xi32>
      %lt3A_398 = arith.constant 16 : i32
      %lt3A_399 = vector.broadcast %lt3A_398 : i32 to vector<16xi32>
      %lt3A_400 = arith.cmpi ult, %bitcast3A_397, %lt3A_399 : vector<16xi32>
      %sub3A_401 = arith.constant 0 : i32
      %sub3A_402 = vector.broadcast %sub3A_401 : i32 to vector<16xi32>
      %sub3A_403 = arith.subi %get3A_393, %sub3A_402 : vector<16xi32>
      tpu.vector_store_idx %arg5[%sub3A_403, %add3A_191], %broadcast_in_dim3A_6 masked %lt3A_400 : memref<208x128xf32, #tpu.memory_space<vmem>>[vector<16xi32>, vector<16xi32>], vector<16xf32>, vector<16xi1>
      %mul3A_404 = arith.constant 16 : i32
      %mul3A_405 = arith.muli %scan3A_187, %mul3A_404 : i32
      %add3A_406 = arith.constant 0 : i32
      %add3A_407 = arith.addi %add3A_406, %mul3A_405 : i32
      %get3A_408 = arith.constant 12 : i32
      %get3A_409 = arith.index_cast %get3A_408 : i32 to index
      %get3A_410 = arith.index_cast %add3A_407 : i32 to index
      %get3A_411 = tpu.vector_load %arg4[%get3A_409, %get3A_410] {strides = array<i32>} : memref<26x512xi32, #tpu.memory_space<vmem>>, vector<16xi32>,
      %sub3A_412 = arith.constant 192 : i32
      %sub3A_413 = vector.broadcast %sub3A_412 : i32 to vector<16xi32>
      %sub3A_414 = arith.subi %get3A_411, %sub3A_413 : vector<16xi32>
      %bitcast3A_415 = vector.bitcast %sub3A_414 : vector<16xi32> to vector<16xi32>
      %lt3A_416 = arith.constant 16 : i32
      %lt3A_417 = vector.broadcast %lt3A_416 : i32 to vector<16xi32>
      %lt3A_418 = arith.cmpi ult, %bitcast3A_415, %lt3A_417 : vector<16xi32>
      %sub3A_419 = arith.constant 0 : i32
      %sub3A_420 = vector.broadcast %sub3A_419 : i32 to vector<16xi32>
      %sub3A_421 = arith.subi %get3A_411, %sub3A_420 : vector<16xi32>
      tpu.vector_store_idx %arg5[%sub3A_421, %add3A_191], %broadcast_in_dim3A_6 masked %lt3A_418 : memref<208x128xf32, #tpu.memory_space<vmem>>[vector<16xi32>, vector<16xi32>], vector<16xf32>, vector<16xi1>
    }
    %scan3A_92 = arith.constant 8 : i32
    %scan3A_93 = arith.constant 0 : i32
    %scan3A_94 = arith.constant 0 : i32
    %scan3A_95 = arith.constant 8 : i32
    %scan3A_96 = arith.addi %scan3A_94, %scan3A_95 : i32
    %scan3A_97 = arith.constant 1 : i32
    scf.for %scan3A_187 = %scan3A_94 to %scan3A_96 step %scan3A_97  : i32 {
      %mul3A_188 = arith.constant 16 : i32
      %mul3A_189 = arith.muli %scan3A_187, %mul3A_188 : i32
      %add3A_190 = vector.broadcast %mul3A_189 : i32 to vector<16xi32>
      %add3A_191 = arith.addi %iota3A, %add3A_190 : vector<16xi32>
      %mul3A_192 = arith.constant 16 : i32
      %mul3A_193 = arith.muli %scan3A_187, %mul3A_192 : i32
      %add3A_194 = arith.constant 256 : i32
      %add3A_195 = arith.addi %add3A_194, %mul3A_193 : i32
      %get3A = arith.constant 0 : i32
      %get3A_196 = arith.index_cast %get3A : i32 to index
      %get3A_197 = arith.index_cast %add3A_195 : i32 to index
      %get3A_198 = tpu.vector_load %arg4[%get3A_196, %get3A_197] {strides = array<i32>} : memref<26x512xi32, #tpu.memory_space<vmem>>, vector<16xi32>,
      %sub3A = arith.constant 0 : i32
      %sub3A_199 = vector.broadcast %sub3A : i32 to vector<16xi32>
      %sub3A_200 = arith.subi %get3A_198, %sub3A_199 : vector<16xi32>
      %bitcast3A = vector.bitcast %sub3A_200 : vector<16xi32> to vector<16xi32>
      %lt3A = arith.constant 16 : i32
      %lt3A_201 = vector.broadcast %lt3A : i32 to vector<16xi32>
      %lt3A_202 = arith.cmpi ult, %bitcast3A, %lt3A_201 : vector<16xi32>
      %sub3A_203 = arith.constant 0 : i32
      %sub3A_204 = vector.broadcast %sub3A_203 : i32 to vector<16xi32>
      %sub3A_205 = arith.subi %get3A_198, %sub3A_204 : vector<16xi32>
      tpu.vector_store_idx %arg5[%sub3A_205, %add3A_191], %broadcast_in_dim3A_8 masked %lt3A_202 : memref<208x128xf32, #tpu.memory_space<vmem>>[vector<16xi32>, vector<16xi32>], vector<16xf32>, vector<16xi1>
      %mul3A_206 = arith.constant 16 : i32
      %mul3A_207 = arith.muli %scan3A_187, %mul3A_206 : i32
      %add3A_208 = arith.constant 256 : i32
      %add3A_209 = arith.addi %add3A_208, %mul3A_207 : i32
      %get3A_210 = arith.constant 1 : i32
      %get3A_211 = arith.index_cast %get3A_210 : i32 to index
      %get3A_212 = arith.index_cast %add3A_209 : i32 to index
      %get3A_213 = tpu.vector_load %arg4[%get3A_211, %get3A_212] {strides = array<i32>} : memref<26x512xi32, #tpu.memory_space<vmem>>, vector<16xi32>,
      %sub3A_214 = arith.constant 16 : i32
      %sub3A_215 = vector.broadcast %sub3A_214 : i32 to vector<16xi32>
      %sub3A_216 = arith.subi %get3A_213, %sub3A_215 : vector<16xi32>
      %bitcast3A_217 = vector.bitcast %sub3A_216 : vector<16xi32> to vector<16xi32>
      %lt3A_218 = arith.constant 16 : i32
      %lt3A_219 = vector.broadcast %lt3A_218 : i32 to vector<16xi32>
      %lt3A_220 = arith.cmpi ult, %bitcast3A_217, %lt3A_219 : vector<16xi32>
      %sub3A_221 = arith.constant 0 : i32
      %sub3A_222 = vector.broadcast %sub3A_221 : i32 to vector<16xi32>
      %sub3A_223 = arith.subi %get3A_213, %sub3A_222 : vector<16xi32>
      tpu.vector_store_idx %arg5[%sub3A_223, %add3A_191], %broadcast_in_dim3A_8 masked %lt3A_220 : memref<208x128xf32, #tpu.memory_space<vmem>>[vector<16xi32>, vector<16xi32>], vector<16xf32>, vector<16xi1>
      %mul3A_224 = arith.constant 16 : i32
      %mul3A_225 = arith.muli %scan3A_187, %mul3A_224 : i32
      %add3A_226 = arith.constant 256 : i32
      %add3A_227 = arith.addi %add3A_226, %mul3A_225 : i32
      %get3A_228 = arith.constant 2 : i32
      %get3A_229 = arith.index_cast %get3A_228 : i32 to index
      %get3A_230 = arith.index_cast %add3A_227 : i32 to index
      %get3A_231 = tpu.vector_load %arg4[%get3A_229, %get3A_230] {strides = array<i32>} : memref<26x512xi32, #tpu.memory_space<vmem>>, vector<16xi32>,
      %sub3A_232 = arith.constant 32 : i32
      %sub3A_233 = vector.broadcast %sub3A_232 : i32 to vector<16xi32>
      %sub3A_234 = arith.subi %get3A_231, %sub3A_233 : vector<16xi32>
      %bitcast3A_235 = vector.bitcast %sub3A_234 : vector<16xi32> to vector<16xi32>
      %lt3A_236 = arith.constant 16 : i32
      %lt3A_237 = vector.broadcast %lt3A_236 : i32 to vector<16xi32>
      %lt3A_238 = arith.cmpi ult, %bitcast3A_235, %lt3A_237 : vector<16xi32>
      %sub3A_239 = arith.constant 0 : i32
      %sub3A_240 = vector.broadcast %sub3A_239 : i32 to vector<16xi32>
      %sub3A_241 = arith.subi %get3A_231, %sub3A_240 : vector<16xi32>
      tpu.vector_store_idx %arg5[%sub3A_241, %add3A_191], %broadcast_in_dim3A_8 masked %lt3A_238 : memref<208x128xf32, #tpu.memory_space<vmem>>[vector<16xi32>, vector<16xi32>], vector<16xf32>, vector<16xi1>
      %mul3A_242 = arith.constant 16 : i32
      %mul3A_243 = arith.muli %scan3A_187, %mul3A_242 : i32
      %add3A_244 = arith.constant 256 : i32
      %add3A_245 = arith.addi %add3A_244, %mul3A_243 : i32
      %get3A_246 = arith.constant 3 : i32
      %get3A_247 = arith.index_cast %get3A_246 : i32 to index
      %get3A_248 = arith.index_cast %add3A_245 : i32 to index
      %get3A_249 = tpu.vector_load %arg4[%get3A_247, %get3A_248] {strides = array<i32>} : memref<26x512xi32, #tpu.memory_space<vmem>>, vector<16xi32>,
      %sub3A_250 = arith.constant 48 : i32
      %sub3A_251 = vector.broadcast %sub3A_250 : i32 to vector<16xi32>
      %sub3A_252 = arith.subi %get3A_249, %sub3A_251 : vector<16xi32>
      %bitcast3A_253 = vector.bitcast %sub3A_252 : vector<16xi32> to vector<16xi32>
      %lt3A_254 = arith.constant 16 : i32
      %lt3A_255 = vector.broadcast %lt3A_254 : i32 to vector<16xi32>
      %lt3A_256 = arith.cmpi ult, %bitcast3A_253, %lt3A_255 : vector<16xi32>
      %sub3A_257 = arith.constant 0 : i32
      %sub3A_258 = vector.broadcast %sub3A_257 : i32 to vector<16xi32>
      %sub3A_259 = arith.subi %get3A_249, %sub3A_258 : vector<16xi32>
      tpu.vector_store_idx %arg5[%sub3A_259, %add3A_191], %broadcast_in_dim3A_8 masked %lt3A_256 : memref<208x128xf32, #tpu.memory_space<vmem>>[vector<16xi32>, vector<16xi32>], vector<16xf32>, vector<16xi1>
      %mul3A_260 = arith.constant 16 : i32
      %mul3A_261 = arith.muli %scan3A_187, %mul3A_260 : i32
      %add3A_262 = arith.constant 256 : i32
      %add3A_263 = arith.addi %add3A_262, %mul3A_261 : i32
      %get3A_264 = arith.constant 4 : i32
      %get3A_265 = arith.index_cast %get3A_264 : i32 to index
      %get3A_266 = arith.index_cast %add3A_263 : i32 to index
      %get3A_267 = tpu.vector_load %arg4[%get3A_265, %get3A_266] {strides = array<i32>} : memref<26x512xi32, #tpu.memory_space<vmem>>, vector<16xi32>,
      %sub3A_268 = arith.constant 64 : i32
      %sub3A_269 = vector.broadcast %sub3A_268 : i32 to vector<16xi32>
      %sub3A_270 = arith.subi %get3A_267, %sub3A_269 : vector<16xi32>
      %bitcast3A_271 = vector.bitcast %sub3A_270 : vector<16xi32> to vector<16xi32>
      %lt3A_272 = arith.constant 16 : i32
      %lt3A_273 = vector.broadcast %lt3A_272 : i32 to vector<16xi32>
      %lt3A_274 = arith.cmpi ult, %bitcast3A_271, %lt3A_273 : vector<16xi32>
      %sub3A_275 = arith.constant 0 : i32
      %sub3A_276 = vector.broadcast %sub3A_275 : i32 to vector<16xi32>
      %sub3A_277 = arith.subi %get3A_267, %sub3A_276 : vector<16xi32>
      tpu.vector_store_idx %arg5[%sub3A_277, %add3A_191], %broadcast_in_dim3A_8 masked %lt3A_274 : memref<208x128xf32, #tpu.memory_space<vmem>>[vector<16xi32>, vector<16xi32>], vector<16xf32>, vector<16xi1>
      %mul3A_278 = arith.constant 16 : i32
      %mul3A_279 = arith.muli %scan3A_187, %mul3A_278 : i32
      %add3A_280 = arith.constant 256 : i32
      %add3A_281 = arith.addi %add3A_280, %mul3A_279 : i32
      %get3A_282 = arith.constant 5 : i32
      %get3A_283 = arith.index_cast %get3A_282 : i32 to index
      %get3A_284 = arith.index_cast %add3A_281 : i32 to index
      %get3A_285 = tpu.vector_load %arg4[%get3A_283, %get3A_284] {strides = array<i32>} : memref<26x512xi32, #tpu.memory_space<vmem>>, vector<16xi32>,
      %sub3A_286 = arith.constant 80 : i32
      %sub3A_287 = vector.broadcast %sub3A_286 : i32 to vector<16xi32>
      %sub3A_288 = arith.subi %get3A_285, %sub3A_287 : vector<16xi32>
      %bitcast3A_289 = vector.bitcast %sub3A_288 : vector<16xi32> to vector<16xi32>
      %lt3A_290 = arith.constant 16 : i32
      %lt3A_291 = vector.broadcast %lt3A_290 : i32 to vector<16xi32>
      %lt3A_292 = arith.cmpi ult, %bitcast3A_289, %lt3A_291 : vector<16xi32>
      %sub3A_293 = arith.constant 0 : i32
      %sub3A_294 = vector.broadcast %sub3A_293 : i32 to vector<16xi32>
      %sub3A_295 = arith.subi %get3A_285, %sub3A_294 : vector<16xi32>
      tpu.vector_store_idx %arg5[%sub3A_295, %add3A_191], %broadcast_in_dim3A_8 masked %lt3A_292 : memref<208x128xf32, #tpu.memory_space<vmem>>[vector<16xi32>, vector<16xi32>], vector<16xf32>, vector<16xi1>
      %mul3A_296 = arith.constant 16 : i32
      %mul3A_297 = arith.muli %scan3A_187, %mul3A_296 : i32
      %add3A_298 = arith.constant 256 : i32
      %add3A_299 = arith.addi %add3A_298, %mul3A_297 : i32
      %get3A_300 = arith.constant 6 : i32
      %get3A_301 = arith.index_cast %get3A_300 : i32 to index
      %get3A_302 = arith.index_cast %add3A_299 : i32 to index
      %get3A_303 = tpu.vector_load %arg4[%get3A_301, %get3A_302] {strides = array<i32>} : memref<26x512xi32, #tpu.memory_space<vmem>>, vector<16xi32>,
      %sub3A_304 = arith.constant 96 : i32
      %sub3A_305 = vector.broadcast %sub3A_304 : i32 to vector<16xi32>
      %sub3A_306 = arith.subi %get3A_303, %sub3A_305 : vector<16xi32>
      %bitcast3A_307 = vector.bitcast %sub3A_306 : vector<16xi32> to vector<16xi32>
      %lt3A_308 = arith.constant 16 : i32
      %lt3A_309 = vector.broadcast %lt3A_308 : i32 to vector<16xi32>
      %lt3A_310 = arith.cmpi ult, %bitcast3A_307, %lt3A_309 : vector<16xi32>
      %sub3A_311 = arith.constant 0 : i32
      %sub3A_312 = vector.broadcast %sub3A_311 : i32 to vector<16xi32>
      %sub3A_313 = arith.subi %get3A_303, %sub3A_312 : vector<16xi32>
      tpu.vector_store_idx %arg5[%sub3A_313, %add3A_191], %broadcast_in_dim3A_8 masked %lt3A_310 : memref<208x128xf32, #tpu.memory_space<vmem>>[vector<16xi32>, vector<16xi32>], vector<16xf32>, vector<16xi1>
      %mul3A_314 = arith.constant 16 : i32
      %mul3A_315 = arith.muli %scan3A_187, %mul3A_314 : i32
      %add3A_316 = arith.constant 256 : i32
      %add3A_317 = arith.addi %add3A_316, %mul3A_315 : i32
      %get3A_318 = arith.constant 7 : i32
      %get3A_319 = arith.index_cast %get3A_318 : i32 to index
      %get3A_320 = arith.index_cast %add3A_317 : i32 to index
      %get3A_321 = tpu.vector_load %arg4[%get3A_319, %get3A_320] {strides = array<i32>} : memref<26x512xi32, #tpu.memory_space<vmem>>, vector<16xi32>,
      %sub3A_322 = arith.constant 112 : i32
      %sub3A_323 = vector.broadcast %sub3A_322 : i32 to vector<16xi32>
      %sub3A_324 = arith.subi %get3A_321, %sub3A_323 : vector<16xi32>
      %bitcast3A_325 = vector.bitcast %sub3A_324 : vector<16xi32> to vector<16xi32>
      %lt3A_326 = arith.constant 16 : i32
      %lt3A_327 = vector.broadcast %lt3A_326 : i32 to vector<16xi32>
      %lt3A_328 = arith.cmpi ult, %bitcast3A_325, %lt3A_327 : vector<16xi32>
      %sub3A_329 = arith.constant 0 : i32
      %sub3A_330 = vector.broadcast %sub3A_329 : i32 to vector<16xi32>
      %sub3A_331 = arith.subi %get3A_321, %sub3A_330 : vector<16xi32>
      tpu.vector_store_idx %arg5[%sub3A_331, %add3A_191], %broadcast_in_dim3A_8 masked %lt3A_328 : memref<208x128xf32, #tpu.memory_space<vmem>>[vector<16xi32>, vector<16xi32>], vector<16xf32>, vector<16xi1>
      %mul3A_332 = arith.constant 16 : i32
      %mul3A_333 = arith.muli %scan3A_187, %mul3A_332 : i32
      %add3A_334 = arith.constant 256 : i32
      %add3A_335 = arith.addi %add3A_334, %mul3A_333 : i32
      %get3A_336 = arith.constant 8 : i32
      %get3A_337 = arith.index_cast %get3A_336 : i32 to index
      %get3A_338 = arith.index_cast %add3A_335 : i32 to index
      %get3A_339 = tpu.vector_load %arg4[%get3A_337, %get3A_338] {strides = array<i32>} : memref<26x512xi32, #tpu.memory_space<vmem>>, vector<16xi32>,
      %sub3A_340 = arith.constant 128 : i32
      %sub3A_341 = vector.broadcast %sub3A_340 : i32 to vector<16xi32>
      %sub3A_342 = arith.subi %get3A_339, %sub3A_341 : vector<16xi32>
      %bitcast3A_343 = vector.bitcast %sub3A_342 : vector<16xi32> to vector<16xi32>
      %lt3A_344 = arith.constant 16 : i32
      %lt3A_345 = vector.broadcast %lt3A_344 : i32 to vector<16xi32>
      %lt3A_346 = arith.cmpi ult, %bitcast3A_343, %lt3A_345 : vector<16xi32>
      %sub3A_347 = arith.constant 0 : i32
      %sub3A_348 = vector.broadcast %sub3A_347 : i32 to vector<16xi32>
      %sub3A_349 = arith.subi %get3A_339, %sub3A_348 : vector<16xi32>
      tpu.vector_store_idx %arg5[%sub3A_349, %add3A_191], %broadcast_in_dim3A_8 masked %lt3A_346 : memref<208x128xf32, #tpu.memory_space<vmem>>[vector<16xi32>, vector<16xi32>], vector<16xf32>, vector<16xi1>
      %mul3A_350 = arith.constant 16 : i32
      %mul3A_351 = arith.muli %scan3A_187, %mul3A_350 : i32
      %add3A_352 = arith.constant 256 : i32
      %add3A_353 = arith.addi %add3A_352, %mul3A_351 : i32
      %get3A_354 = arith.constant 9 : i32
      %get3A_355 = arith.index_cast %get3A_354 : i32 to index
      %get3A_356 = arith.index_cast %add3A_353 : i32 to index
      %get3A_357 = tpu.vector_load %arg4[%get3A_355, %get3A_356] {strides = array<i32>} : memref<26x512xi32, #tpu.memory_space<vmem>>, vector<16xi32>,
      %sub3A_358 = arith.constant 144 : i32
      %sub3A_359 = vector.broadcast %sub3A_358 : i32 to vector<16xi32>
      %sub3A_360 = arith.subi %get3A_357, %sub3A_359 : vector<16xi32>
      %bitcast3A_361 = vector.bitcast %sub3A_360 : vector<16xi32> to vector<16xi32>
      %lt3A_362 = arith.constant 16 : i32
      %lt3A_363 = vector.broadcast %lt3A_362 : i32 to vector<16xi32>
      %lt3A_364 = arith.cmpi ult, %bitcast3A_361, %lt3A_363 : vector<16xi32>
      %sub3A_365 = arith.constant 0 : i32
      %sub3A_366 = vector.broadcast %sub3A_365 : i32 to vector<16xi32>
      %sub3A_367 = arith.subi %get3A_357, %sub3A_366 : vector<16xi32>
      tpu.vector_store_idx %arg5[%sub3A_367, %add3A_191], %broadcast_in_dim3A_8 masked %lt3A_364 : memref<208x128xf32, #tpu.memory_space<vmem>>[vector<16xi32>, vector<16xi32>], vector<16xf32>, vector<16xi1>
      %mul3A_368 = arith.constant 16 : i32
      %mul3A_369 = arith.muli %scan3A_187, %mul3A_368 : i32
      %add3A_370 = arith.constant 256 : i32
      %add3A_371 = arith.addi %add3A_370, %mul3A_369 : i32
      %get3A_372 = arith.constant 10 : i32
      %get3A_373 = arith.index_cast %get3A_372 : i32 to index
      %get3A_374 = arith.index_cast %add3A_371 : i32 to index
      %get3A_375 = tpu.vector_load %arg4[%get3A_373, %get3A_374] {strides = array<i32>} : memref<26x512xi32, #tpu.memory_space<vmem>>, vector<16xi32>,
      %sub3A_376 = arith.constant 160 : i32
      %sub3A_377 = vector.broadcast %sub3A_376 : i32 to vector<16xi32>
      %sub3A_378 = arith.subi %get3A_375, %sub3A_377 : vector<16xi32>
      %bitcast3A_379 = vector.bitcast %sub3A_378 : vector<16xi32> to vector<16xi32>
      %lt3A_380 = arith.constant 16 : i32
      %lt3A_381 = vector.broadcast %lt3A_380 : i32 to vector<16xi32>
      %lt3A_382 = arith.cmpi ult, %bitcast3A_379, %lt3A_381 : vector<16xi32>
      %sub3A_383 = arith.constant 0 : i32
      %sub3A_384 = vector.broadcast %sub3A_383 : i32 to vector<16xi32>
      %sub3A_385 = arith.subi %get3A_375, %sub3A_384 : vector<16xi32>
      tpu.vector_store_idx %arg5[%sub3A_385, %add3A_191], %broadcast_in_dim3A_8 masked %lt3A_382 : memref<208x128xf32, #tpu.memory_space<vmem>>[vector<16xi32>, vector<16xi32>], vector<16xf32>, vector<16xi1>
      %mul3A_386 = arith.constant 16 : i32
      %mul3A_387 = arith.muli %scan3A_187, %mul3A_386 : i32
      %add3A_388 = arith.constant 256 : i32
      %add3A_389 = arith.addi %add3A_388, %mul3A_387 : i32
      %get3A_390 = arith.constant 11 : i32
      %get3A_391 = arith.index_cast %get3A_390 : i32 to index
      %get3A_392 = arith.index_cast %add3A_389 : i32 to index
      %get3A_393 = tpu.vector_load %arg4[%get3A_391, %get3A_392] {strides = array<i32>} : memref<26x512xi32, #tpu.memory_space<vmem>>, vector<16xi32>,
      %sub3A_394 = arith.constant 176 : i32
      %sub3A_395 = vector.broadcast %sub3A_394 : i32 to vector<16xi32>
      %sub3A_396 = arith.subi %get3A_393, %sub3A_395 : vector<16xi32>
      %bitcast3A_397 = vector.bitcast %sub3A_396 : vector<16xi32> to vector<16xi32>
      %lt3A_398 = arith.constant 16 : i32
      %lt3A_399 = vector.broadcast %lt3A_398 : i32 to vector<16xi32>
      %lt3A_400 = arith.cmpi ult, %bitcast3A_397, %lt3A_399 : vector<16xi32>
      %sub3A_401 = arith.constant 0 : i32
      %sub3A_402 = vector.broadcast %sub3A_401 : i32 to vector<16xi32>
      %sub3A_403 = arith.subi %get3A_393, %sub3A_402 : vector<16xi32>
      tpu.vector_store_idx %arg5[%sub3A_403, %add3A_191], %broadcast_in_dim3A_8 masked %lt3A_400 : memref<208x128xf32, #tpu.memory_space<vmem>>[vector<16xi32>, vector<16xi32>], vector<16xf32>, vector<16xi1>
      %mul3A_404 = arith.constant 16 : i32
      %mul3A_405 = arith.muli %scan3A_187, %mul3A_404 : i32
      %add3A_406 = arith.constant 256 : i32
      %add3A_407 = arith.addi %add3A_406, %mul3A_405 : i32
      %get3A_408 = arith.constant 12 : i32
      %get3A_409 = arith.index_cast %get3A_408 : i32 to index
      %get3A_410 = arith.index_cast %add3A_407 : i32 to index
      %get3A_411 = tpu.vector_load %arg4[%get3A_409, %get3A_410] {strides = array<i32>} : memref<26x512xi32, #tpu.memory_space<vmem>>, vector<16xi32>,
      %sub3A_412 = arith.constant 192 : i32
      %sub3A_413 = vector.broadcast %sub3A_412 : i32 to vector<16xi32>
      %sub3A_414 = arith.subi %get3A_411, %sub3A_413 : vector<16xi32>
      %bitcast3A_415 = vector.bitcast %sub3A_414 : vector<16xi32> to vector<16xi32>
      %lt3A_416 = arith.constant 16 : i32
      %lt3A_417 = vector.broadcast %lt3A_416 : i32 to vector<16xi32>
      %lt3A_418 = arith.cmpi ult, %bitcast3A_415, %lt3A_417 : vector<16xi32>
      %sub3A_419 = arith.constant 0 : i32
      %sub3A_420 = vector.broadcast %sub3A_419 : i32 to vector<16xi32>
      %sub3A_421 = arith.subi %get3A_411, %sub3A_420 : vector<16xi32>
      tpu.vector_store_idx %arg5[%sub3A_421, %add3A_191], %broadcast_in_dim3A_8 masked %lt3A_418 : memref<208x128xf32, #tpu.memory_space<vmem>>[vector<16xi32>, vector<16xi32>], vector<16xf32>, vector<16xi1>
    }
    %scan3A_98 = arith.constant 8 : i32
    %add3A_99 = arith.constant 256 : i32
    %add3A_100 = arith.addi %mul3A_2, %add3A_99 : i32
    %dma_start3A_101 = arith.constant 0 : i32
    %dma_start3A_102 = tpu.memref_slice %arg3[%dma_start3A_101, %add3A_100] : memref<416x16384xf32, #tpu.memory_space<hbm>> -> memref<208x128xf32, #tpu.memory_space<hbm>>
    %dma_start3A_103 = arith.constant 0 : i32
    %dma_start3A_104 = tpu.memref_slice %arg3[%dma_start3A_103, %add3A_100] : memref<416x16384xf32, #tpu.memory_space<hbm>> -> memref<208x128xf32, #tpu.memory_space<hbm>>
    tpu.enqueue_dma source(%arg5 : memref<208x128xf32, #tpu.memory_space<vmem>>) target(%dma_start3A_104 : memref<208x128xf32, #tpu.memory_space<hbm>>) target_semaphore(%arg9 : memref<!tpu.dma_semaphore, #tpu.memory_space<semaphore_mem>>)
    %dma_wait3A_105 = arith.constant 208 : i32
    %dma_wait3A_106 = tpu.memref_slice %arg3[%dma_wait3A_105, %add3A_42] : memref<416x16384xf32, #tpu.memory_space<hbm>> -> memref<208x128xf32, #tpu.memory_space<hbm>>
    %dma_wait3A_107 = arith.constant 208 : i32
    %dma_wait3A_108 = tpu.memref_slice %arg3[%dma_wait3A_107, %add3A_42] : memref<416x16384xf32, #tpu.memory_space<hbm>> -> memref<208x128xf32, #tpu.memory_space<hbm>>
    tpu.wait_dma2 semaphore(%arg10 : memref<!tpu.dma_semaphore, #tpu.memory_space<semaphore_mem>>) src(%arg6 : memref<208x128xf32, #tpu.memory_space<vmem>>) dst(%dma_wait3A_108 : memref<208x128xf32, #tpu.memory_space<hbm>>)
    %scan3A_109 = arith.constant 0 : i32
    %scan3A_110 = arith.constant 0 : i32
    %scan3A_111 = arith.constant 8 : i32
    %scan3A_112 = arith.addi %scan3A_110, %scan3A_111 : i32
    %scan3A_113 = arith.constant 1 : i32
    scf.for %scan3A_187 = %scan3A_110 to %scan3A_112 step %scan3A_113  : i32 {
      %mul3A_188 = arith.constant 16 : i32
      %mul3A_189 = arith.muli %scan3A_187, %mul3A_188 : i32
      %add3A_190 = vector.broadcast %mul3A_189 : i32 to vector<16xi32>
      %add3A_191 = arith.addi %iota3A, %add3A_190 : vector<16xi32>
      %mul3A_192 = arith.constant 16 : i32
      %mul3A_193 = arith.muli %scan3A_187, %mul3A_192 : i32
      %add3A_194 = arith.constant 0 : i32
      %add3A_195 = arith.addi %add3A_194, %mul3A_193 : i32
      %get3A = arith.constant 13 : i32
      %get3A_196 = arith.index_cast %get3A : i32 to index
      %get3A_197 = arith.index_cast %add3A_195 : i32 to index
      %get3A_198 = tpu.vector_load %arg4[%get3A_196, %get3A_197] {strides = array<i32>} : memref<26x512xi32, #tpu.memory_space<vmem>>, vector<16xi32>,
      %sub3A = arith.constant 208 : i32
      %sub3A_199 = vector.broadcast %sub3A : i32 to vector<16xi32>
      %sub3A_200 = arith.subi %get3A_198, %sub3A_199 : vector<16xi32>
      %bitcast3A = vector.bitcast %sub3A_200 : vector<16xi32> to vector<16xi32>
      %lt3A = arith.constant 16 : i32
      %lt3A_201 = vector.broadcast %lt3A : i32 to vector<16xi32>
      %lt3A_202 = arith.cmpi ult, %bitcast3A, %lt3A_201 : vector<16xi32>
      %sub3A_203 = arith.constant 208 : i32
      %sub3A_204 = vector.broadcast %sub3A_203 : i32 to vector<16xi32>
      %sub3A_205 = arith.subi %get3A_198, %sub3A_204 : vector<16xi32>
      tpu.vector_store_idx %arg6[%sub3A_205, %add3A_191], %broadcast_in_dim3A_6 masked %lt3A_202 : memref<208x128xf32, #tpu.memory_space<vmem>>[vector<16xi32>, vector<16xi32>], vector<16xf32>, vector<16xi1>
      %mul3A_206 = arith.constant 16 : i32
      %mul3A_207 = arith.muli %scan3A_187, %mul3A_206 : i32
      %add3A_208 = arith.constant 0 : i32
      %add3A_209 = arith.addi %add3A_208, %mul3A_207 : i32
      %get3A_210 = arith.constant 14 : i32
      %get3A_211 = arith.index_cast %get3A_210 : i32 to index
      %get3A_212 = arith.index_cast %add3A_209 : i32 to index
      %get3A_213 = tpu.vector_load %arg4[%get3A_211, %get3A_212] {strides = array<i32>} : memref<26x512xi32, #tpu.memory_space<vmem>>, vector<16xi32>,
      %sub3A_214 = arith.constant 224 : i32
      %sub3A_215 = vector.broadcast %sub3A_214 : i32 to vector<16xi32>
      %sub3A_216 = arith.subi %get3A_213, %sub3A_215 : vector<16xi32>
      %bitcast3A_217 = vector.bitcast %sub3A_216 : vector<16xi32> to vector<16xi32>
      %lt3A_218 = arith.constant 16 : i32
      %lt3A_219 = vector.broadcast %lt3A_218 : i32 to vector<16xi32>
      %lt3A_220 = arith.cmpi ult, %bitcast3A_217, %lt3A_219 : vector<16xi32>
      %sub3A_221 = arith.constant 208 : i32
      %sub3A_222 = vector.broadcast %sub3A_221 : i32 to vector<16xi32>
      %sub3A_223 = arith.subi %get3A_213, %sub3A_222 : vector<16xi32>
      tpu.vector_store_idx %arg6[%sub3A_223, %add3A_191], %broadcast_in_dim3A_6 masked %lt3A_220 : memref<208x128xf32, #tpu.memory_space<vmem>>[vector<16xi32>, vector<16xi32>], vector<16xf32>, vector<16xi1>
      %mul3A_224 = arith.constant 16 : i32
      %mul3A_225 = arith.muli %scan3A_187, %mul3A_224 : i32
      %add3A_226 = arith.constant 0 : i32
      %add3A_227 = arith.addi %add3A_226, %mul3A_225 : i32
      %get3A_228 = arith.constant 15 : i32
      %get3A_229 = arith.index_cast %get3A_228 : i32 to index
      %get3A_230 = arith.index_cast %add3A_227 : i32 to index
      %get3A_231 = tpu.vector_load %arg4[%get3A_229, %get3A_230] {strides = array<i32>} : memref<26x512xi32, #tpu.memory_space<vmem>>, vector<16xi32>,
      %sub3A_232 = arith.constant 240 : i32
      %sub3A_233 = vector.broadcast %sub3A_232 : i32 to vector<16xi32>
      %sub3A_234 = arith.subi %get3A_231, %sub3A_233 : vector<16xi32>
      %bitcast3A_235 = vector.bitcast %sub3A_234 : vector<16xi32> to vector<16xi32>
      %lt3A_236 = arith.constant 16 : i32
      %lt3A_237 = vector.broadcast %lt3A_236 : i32 to vector<16xi32>
      %lt3A_238 = arith.cmpi ult, %bitcast3A_235, %lt3A_237 : vector<16xi32>
      %sub3A_239 = arith.constant 208 : i32
      %sub3A_240 = vector.broadcast %sub3A_239 : i32 to vector<16xi32>
      %sub3A_241 = arith.subi %get3A_231, %sub3A_240 : vector<16xi32>
      tpu.vector_store_idx %arg6[%sub3A_241, %add3A_191], %broadcast_in_dim3A_6 masked %lt3A_238 : memref<208x128xf32, #tpu.memory_space<vmem>>[vector<16xi32>, vector<16xi32>], vector<16xf32>, vector<16xi1>
      %mul3A_242 = arith.constant 16 : i32
      %mul3A_243 = arith.muli %scan3A_187, %mul3A_242 : i32
      %add3A_244 = arith.constant 0 : i32
      %add3A_245 = arith.addi %add3A_244, %mul3A_243 : i32
      %get3A_246 = arith.constant 16 : i32
      %get3A_247 = arith.index_cast %get3A_246 : i32 to index
      %get3A_248 = arith.index_cast %add3A_245 : i32 to index
      %get3A_249 = tpu.vector_load %arg4[%get3A_247, %get3A_248] {strides = array<i32>} : memref<26x512xi32, #tpu.memory_space<vmem>>, vector<16xi32>,
      %sub3A_250 = arith.constant 256 : i32
      %sub3A_251 = vector.broadcast %sub3A_250 : i32 to vector<16xi32>
      %sub3A_252 = arith.subi %get3A_249, %sub3A_251 : vector<16xi32>
      %bitcast3A_253 = vector.bitcast %sub3A_252 : vector<16xi32> to vector<16xi32>
      %lt3A_254 = arith.constant 16 : i32
      %lt3A_255 = vector.broadcast %lt3A_254 : i32 to vector<16xi32>
      %lt3A_256 = arith.cmpi ult, %bitcast3A_253, %lt3A_255 : vector<16xi32>
      %sub3A_257 = arith.constant 208 : i32
      %sub3A_258 = vector.broadcast %sub3A_257 : i32 to vector<16xi32>
      %sub3A_259 = arith.subi %get3A_249, %sub3A_258 : vector<16xi32>
      tpu.vector_store_idx %arg6[%sub3A_259, %add3A_191], %broadcast_in_dim3A_6 masked %lt3A_256 : memref<208x128xf32, #tpu.memory_space<vmem>>[vector<16xi32>, vector<16xi32>], vector<16xf32>, vector<16xi1>
      %mul3A_260 = arith.constant 16 : i32
      %mul3A_261 = arith.muli %scan3A_187, %mul3A_260 : i32
      %add3A_262 = arith.constant 0 : i32
      %add3A_263 = arith.addi %add3A_262, %mul3A_261 : i32
      %get3A_264 = arith.constant 17 : i32
      %get3A_265 = arith.index_cast %get3A_264 : i32 to index
      %get3A_266 = arith.index_cast %add3A_263 : i32 to index
      %get3A_267 = tpu.vector_load %arg4[%get3A_265, %get3A_266] {strides = array<i32>} : memref<26x512xi32, #tpu.memory_space<vmem>>, vector<16xi32>,
      %sub3A_268 = arith.constant 272 : i32
      %sub3A_269 = vector.broadcast %sub3A_268 : i32 to vector<16xi32>
      %sub3A_270 = arith.subi %get3A_267, %sub3A_269 : vector<16xi32>
      %bitcast3A_271 = vector.bitcast %sub3A_270 : vector<16xi32> to vector<16xi32>
      %lt3A_272 = arith.constant 16 : i32
      %lt3A_273 = vector.broadcast %lt3A_272 : i32 to vector<16xi32>
      %lt3A_274 = arith.cmpi ult, %bitcast3A_271, %lt3A_273 : vector<16xi32>
      %sub3A_275 = arith.constant 208 : i32
      %sub3A_276 = vector.broadcast %sub3A_275 : i32 to vector<16xi32>
      %sub3A_277 = arith.subi %get3A_267, %sub3A_276 : vector<16xi32>
      tpu.vector_store_idx %arg6[%sub3A_277, %add3A_191], %broadcast_in_dim3A_6 masked %lt3A_274 : memref<208x128xf32, #tpu.memory_space<vmem>>[vector<16xi32>, vector<16xi32>], vector<16xf32>, vector<16xi1>
      %mul3A_278 = arith.constant 16 : i32
      %mul3A_279 = arith.muli %scan3A_187, %mul3A_278 : i32
      %add3A_280 = arith.constant 0 : i32
      %add3A_281 = arith.addi %add3A_280, %mul3A_279 : i32
      %get3A_282 = arith.constant 18 : i32
      %get3A_283 = arith.index_cast %get3A_282 : i32 to index
      %get3A_284 = arith.index_cast %add3A_281 : i32 to index
      %get3A_285 = tpu.vector_load %arg4[%get3A_283, %get3A_284] {strides = array<i32>} : memref<26x512xi32, #tpu.memory_space<vmem>>, vector<16xi32>,
      %sub3A_286 = arith.constant 288 : i32
      %sub3A_287 = vector.broadcast %sub3A_286 : i32 to vector<16xi32>
      %sub3A_288 = arith.subi %get3A_285, %sub3A_287 : vector<16xi32>
      %bitcast3A_289 = vector.bitcast %sub3A_288 : vector<16xi32> to vector<16xi32>
      %lt3A_290 = arith.constant 16 : i32
      %lt3A_291 = vector.broadcast %lt3A_290 : i32 to vector<16xi32>
      %lt3A_292 = arith.cmpi ult, %bitcast3A_289, %lt3A_291 : vector<16xi32>
      %sub3A_293 = arith.constant 208 : i32
      %sub3A_294 = vector.broadcast %sub3A_293 : i32 to vector<16xi32>
      %sub3A_295 = arith.subi %get3A_285, %sub3A_294 : vector<16xi32>
      tpu.vector_store_idx %arg6[%sub3A_295, %add3A_191], %broadcast_in_dim3A_6 masked %lt3A_292 : memref<208x128xf32, #tpu.memory_space<vmem>>[vector<16xi32>, vector<16xi32>], vector<16xf32>, vector<16xi1>
      %mul3A_296 = arith.constant 16 : i32
      %mul3A_297 = arith.muli %scan3A_187, %mul3A_296 : i32
      %add3A_298 = arith.constant 0 : i32
      %add3A_299 = arith.addi %add3A_298, %mul3A_297 : i32
      %get3A_300 = arith.constant 19 : i32
      %get3A_301 = arith.index_cast %get3A_300 : i32 to index
      %get3A_302 = arith.index_cast %add3A_299 : i32 to index
      %get3A_303 = tpu.vector_load %arg4[%get3A_301, %get3A_302] {strides = array<i32>} : memref<26x512xi32, #tpu.memory_space<vmem>>, vector<16xi32>,
      %sub3A_304 = arith.constant 304 : i32
      %sub3A_305 = vector.broadcast %sub3A_304 : i32 to vector<16xi32>
      %sub3A_306 = arith.subi %get3A_303, %sub3A_305 : vector<16xi32>
      %bitcast3A_307 = vector.bitcast %sub3A_306 : vector<16xi32> to vector<16xi32>
      %lt3A_308 = arith.constant 16 : i32
      %lt3A_309 = vector.broadcast %lt3A_308 : i32 to vector<16xi32>
      %lt3A_310 = arith.cmpi ult, %bitcast3A_307, %lt3A_309 : vector<16xi32>
      %sub3A_311 = arith.constant 208 : i32
      %sub3A_312 = vector.broadcast %sub3A_311 : i32 to vector<16xi32>
      %sub3A_313 = arith.subi %get3A_303, %sub3A_312 : vector<16xi32>
      tpu.vector_store_idx %arg6[%sub3A_313, %add3A_191], %broadcast_in_dim3A_6 masked %lt3A_310 : memref<208x128xf32, #tpu.memory_space<vmem>>[vector<16xi32>, vector<16xi32>], vector<16xf32>, vector<16xi1>
      %mul3A_314 = arith.constant 16 : i32
      %mul3A_315 = arith.muli %scan3A_187, %mul3A_314 : i32
      %add3A_316 = arith.constant 0 : i32
      %add3A_317 = arith.addi %add3A_316, %mul3A_315 : i32
      %get3A_318 = arith.constant 20 : i32
      %get3A_319 = arith.index_cast %get3A_318 : i32 to index
      %get3A_320 = arith.index_cast %add3A_317 : i32 to index
      %get3A_321 = tpu.vector_load %arg4[%get3A_319, %get3A_320] {strides = array<i32>} : memref<26x512xi32, #tpu.memory_space<vmem>>, vector<16xi32>,
      %sub3A_322 = arith.constant 320 : i32
      %sub3A_323 = vector.broadcast %sub3A_322 : i32 to vector<16xi32>
      %sub3A_324 = arith.subi %get3A_321, %sub3A_323 : vector<16xi32>
      %bitcast3A_325 = vector.bitcast %sub3A_324 : vector<16xi32> to vector<16xi32>
      %lt3A_326 = arith.constant 16 : i32
      %lt3A_327 = vector.broadcast %lt3A_326 : i32 to vector<16xi32>
      %lt3A_328 = arith.cmpi ult, %bitcast3A_325, %lt3A_327 : vector<16xi32>
      %sub3A_329 = arith.constant 208 : i32
      %sub3A_330 = vector.broadcast %sub3A_329 : i32 to vector<16xi32>
      %sub3A_331 = arith.subi %get3A_321, %sub3A_330 : vector<16xi32>
      tpu.vector_store_idx %arg6[%sub3A_331, %add3A_191], %broadcast_in_dim3A_6 masked %lt3A_328 : memref<208x128xf32, #tpu.memory_space<vmem>>[vector<16xi32>, vector<16xi32>], vector<16xf32>, vector<16xi1>
      %mul3A_332 = arith.constant 16 : i32
      %mul3A_333 = arith.muli %scan3A_187, %mul3A_332 : i32
      %add3A_334 = arith.constant 0 : i32
      %add3A_335 = arith.addi %add3A_334, %mul3A_333 : i32
      %get3A_336 = arith.constant 21 : i32
      %get3A_337 = arith.index_cast %get3A_336 : i32 to index
      %get3A_338 = arith.index_cast %add3A_335 : i32 to index
      %get3A_339 = tpu.vector_load %arg4[%get3A_337, %get3A_338] {strides = array<i32>} : memref<26x512xi32, #tpu.memory_space<vmem>>, vector<16xi32>,
      %sub3A_340 = arith.constant 336 : i32
      %sub3A_341 = vector.broadcast %sub3A_340 : i32 to vector<16xi32>
      %sub3A_342 = arith.subi %get3A_339, %sub3A_341 : vector<16xi32>
      %bitcast3A_343 = vector.bitcast %sub3A_342 : vector<16xi32> to vector<16xi32>
      %lt3A_344 = arith.constant 16 : i32
      %lt3A_345 = vector.broadcast %lt3A_344 : i32 to vector<16xi32>
      %lt3A_346 = arith.cmpi ult, %bitcast3A_343, %lt3A_345 : vector<16xi32>
      %sub3A_347 = arith.constant 208 : i32
      %sub3A_348 = vector.broadcast %sub3A_347 : i32 to vector<16xi32>
      %sub3A_349 = arith.subi %get3A_339, %sub3A_348 : vector<16xi32>
      tpu.vector_store_idx %arg6[%sub3A_349, %add3A_191], %broadcast_in_dim3A_6 masked %lt3A_346 : memref<208x128xf32, #tpu.memory_space<vmem>>[vector<16xi32>, vector<16xi32>], vector<16xf32>, vector<16xi1>
      %mul3A_350 = arith.constant 16 : i32
      %mul3A_351 = arith.muli %scan3A_187, %mul3A_350 : i32
      %add3A_352 = arith.constant 0 : i32
      %add3A_353 = arith.addi %add3A_352, %mul3A_351 : i32
      %get3A_354 = arith.constant 22 : i32
      %get3A_355 = arith.index_cast %get3A_354 : i32 to index
      %get3A_356 = arith.index_cast %add3A_353 : i32 to index
      %get3A_357 = tpu.vector_load %arg4[%get3A_355, %get3A_356] {strides = array<i32>} : memref<26x512xi32, #tpu.memory_space<vmem>>, vector<16xi32>,
      %sub3A_358 = arith.constant 352 : i32
      %sub3A_359 = vector.broadcast %sub3A_358 : i32 to vector<16xi32>
      %sub3A_360 = arith.subi %get3A_357, %sub3A_359 : vector<16xi32>
      %bitcast3A_361 = vector.bitcast %sub3A_360 : vector<16xi32> to vector<16xi32>
      %lt3A_362 = arith.constant 16 : i32
      %lt3A_363 = vector.broadcast %lt3A_362 : i32 to vector<16xi32>
      %lt3A_364 = arith.cmpi ult, %bitcast3A_361, %lt3A_363 : vector<16xi32>
      %sub3A_365 = arith.constant 208 : i32
      %sub3A_366 = vector.broadcast %sub3A_365 : i32 to vector<16xi32>
      %sub3A_367 = arith.subi %get3A_357, %sub3A_366 : vector<16xi32>
      tpu.vector_store_idx %arg6[%sub3A_367, %add3A_191], %broadcast_in_dim3A_6 masked %lt3A_364 : memref<208x128xf32, #tpu.memory_space<vmem>>[vector<16xi32>, vector<16xi32>], vector<16xf32>, vector<16xi1>
      %mul3A_368 = arith.constant 16 : i32
      %mul3A_369 = arith.muli %scan3A_187, %mul3A_368 : i32
      %add3A_370 = arith.constant 0 : i32
      %add3A_371 = arith.addi %add3A_370, %mul3A_369 : i32
      %get3A_372 = arith.constant 23 : i32
      %get3A_373 = arith.index_cast %get3A_372 : i32 to index
      %get3A_374 = arith.index_cast %add3A_371 : i32 to index
      %get3A_375 = tpu.vector_load %arg4[%get3A_373, %get3A_374] {strides = array<i32>} : memref<26x512xi32, #tpu.memory_space<vmem>>, vector<16xi32>,
      %sub3A_376 = arith.constant 368 : i32
      %sub3A_377 = vector.broadcast %sub3A_376 : i32 to vector<16xi32>
      %sub3A_378 = arith.subi %get3A_375, %sub3A_377 : vector<16xi32>
      %bitcast3A_379 = vector.bitcast %sub3A_378 : vector<16xi32> to vector<16xi32>
      %lt3A_380 = arith.constant 16 : i32
      %lt3A_381 = vector.broadcast %lt3A_380 : i32 to vector<16xi32>
      %lt3A_382 = arith.cmpi ult, %bitcast3A_379, %lt3A_381 : vector<16xi32>
      %sub3A_383 = arith.constant 208 : i32
      %sub3A_384 = vector.broadcast %sub3A_383 : i32 to vector<16xi32>
      %sub3A_385 = arith.subi %get3A_375, %sub3A_384 : vector<16xi32>
      tpu.vector_store_idx %arg6[%sub3A_385, %add3A_191], %broadcast_in_dim3A_6 masked %lt3A_382 : memref<208x128xf32, #tpu.memory_space<vmem>>[vector<16xi32>, vector<16xi32>], vector<16xf32>, vector<16xi1>
      %mul3A_386 = arith.constant 16 : i32
      %mul3A_387 = arith.muli %scan3A_187, %mul3A_386 : i32
      %add3A_388 = arith.constant 0 : i32
      %add3A_389 = arith.addi %add3A_388, %mul3A_387 : i32
      %get3A_390 = arith.constant 24 : i32
      %get3A_391 = arith.index_cast %get3A_390 : i32 to index
      %get3A_392 = arith.index_cast %add3A_389 : i32 to index
      %get3A_393 = tpu.vector_load %arg4[%get3A_391, %get3A_392] {strides = array<i32>} : memref<26x512xi32, #tpu.memory_space<vmem>>, vector<16xi32>,
      %sub3A_394 = arith.constant 384 : i32
      %sub3A_395 = vector.broadcast %sub3A_394 : i32 to vector<16xi32>
      %sub3A_396 = arith.subi %get3A_393, %sub3A_395 : vector<16xi32>
      %bitcast3A_397 = vector.bitcast %sub3A_396 : vector<16xi32> to vector<16xi32>
      %lt3A_398 = arith.constant 16 : i32
      %lt3A_399 = vector.broadcast %lt3A_398 : i32 to vector<16xi32>
      %lt3A_400 = arith.cmpi ult, %bitcast3A_397, %lt3A_399 : vector<16xi32>
      %sub3A_401 = arith.constant 208 : i32
      %sub3A_402 = vector.broadcast %sub3A_401 : i32 to vector<16xi32>
      %sub3A_403 = arith.subi %get3A_393, %sub3A_402 : vector<16xi32>
      tpu.vector_store_idx %arg6[%sub3A_403, %add3A_191], %broadcast_in_dim3A_6 masked %lt3A_400 : memref<208x128xf32, #tpu.memory_space<vmem>>[vector<16xi32>, vector<16xi32>], vector<16xf32>, vector<16xi1>
      %mul3A_404 = arith.constant 16 : i32
      %mul3A_405 = arith.muli %scan3A_187, %mul3A_404 : i32
      %add3A_406 = arith.constant 0 : i32
      %add3A_407 = arith.addi %add3A_406, %mul3A_405 : i32
      %get3A_408 = arith.constant 25 : i32
      %get3A_409 = arith.index_cast %get3A_408 : i32 to index
      %get3A_410 = arith.index_cast %add3A_407 : i32 to index
      %get3A_411 = tpu.vector_load %arg4[%get3A_409, %get3A_410] {strides = array<i32>} : memref<26x512xi32, #tpu.memory_space<vmem>>, vector<16xi32>,
      %sub3A_412 = arith.constant 400 : i32
      %sub3A_413 = vector.broadcast %sub3A_412 : i32 to vector<16xi32>
      %sub3A_414 = arith.subi %get3A_411, %sub3A_413 : vector<16xi32>
      %bitcast3A_415 = vector.bitcast %sub3A_414 : vector<16xi32> to vector<16xi32>
      %lt3A_416 = arith.constant 16 : i32
      %lt3A_417 = vector.broadcast %lt3A_416 : i32 to vector<16xi32>
      %lt3A_418 = arith.cmpi ult, %bitcast3A_415, %lt3A_417 : vector<16xi32>
      %sub3A_419 = arith.constant 208 : i32
      %sub3A_420 = vector.broadcast %sub3A_419 : i32 to vector<16xi32>
      %sub3A_421 = arith.subi %get3A_411, %sub3A_420 : vector<16xi32>
      tpu.vector_store_idx %arg6[%sub3A_421, %add3A_191], %broadcast_in_dim3A_6 masked %lt3A_418 : memref<208x128xf32, #tpu.memory_space<vmem>>[vector<16xi32>, vector<16xi32>], vector<16xf32>, vector<16xi1>
    }
    %scan3A_114 = arith.constant 8 : i32
    %scan3A_115 = arith.constant 0 : i32
    %scan3A_116 = arith.constant 0 : i32
    %scan3A_117 = arith.constant 8 : i32
    %scan3A_118 = arith.addi %scan3A_116, %scan3A_117 : i32
    %scan3A_119 = arith.constant 1 : i32
    scf.for %scan3A_187 = %scan3A_116 to %scan3A_118 step %scan3A_119  : i32 {
      %mul3A_188 = arith.constant 16 : i32
      %mul3A_189 = arith.muli %scan3A_187, %mul3A_188 : i32
      %add3A_190 = vector.broadcast %mul3A_189 : i32 to vector<16xi32>
      %add3A_191 = arith.addi %iota3A, %add3A_190 : vector<16xi32>
      %mul3A_192 = arith.constant 16 : i32
      %mul3A_193 = arith.muli %scan3A_187, %mul3A_192 : i32
      %add3A_194 = arith.constant 256 : i32
      %add3A_195 = arith.addi %add3A_194, %mul3A_193 : i32
      %get3A = arith.constant 13 : i32
      %get3A_196 = arith.index_cast %get3A : i32 to index
      %get3A_197 = arith.index_cast %add3A_195 : i32 to index
      %get3A_198 = tpu.vector_load %arg4[%get3A_196, %get3A_197] {strides = array<i32>} : memref<26x512xi32, #tpu.memory_space<vmem>>, vector<16xi32>,
      %sub3A = arith.constant 208 : i32
      %sub3A_199 = vector.broadcast %sub3A : i32 to vector<16xi32>
      %sub3A_200 = arith.subi %get3A_198, %sub3A_199 : vector<16xi32>
      %bitcast3A = vector.bitcast %sub3A_200 : vector<16xi32> to vector<16xi32>
      %lt3A = arith.constant 16 : i32
      %lt3A_201 = vector.broadcast %lt3A : i32 to vector<16xi32>
      %lt3A_202 = arith.cmpi ult, %bitcast3A, %lt3A_201 : vector<16xi32>
      %sub3A_203 = arith.constant 208 : i32
      %sub3A_204 = vector.broadcast %sub3A_203 : i32 to vector<16xi32>
      %sub3A_205 = arith.subi %get3A_198, %sub3A_204 : vector<16xi32>
      tpu.vector_store_idx %arg6[%sub3A_205, %add3A_191], %broadcast_in_dim3A_8 masked %lt3A_202 : memref<208x128xf32, #tpu.memory_space<vmem>>[vector<16xi32>, vector<16xi32>], vector<16xf32>, vector<16xi1>
      %mul3A_206 = arith.constant 16 : i32
      %mul3A_207 = arith.muli %scan3A_187, %mul3A_206 : i32
      %add3A_208 = arith.constant 256 : i32
      %add3A_209 = arith.addi %add3A_208, %mul3A_207 : i32
      %get3A_210 = arith.constant 14 : i32
      %get3A_211 = arith.index_cast %get3A_210 : i32 to index
      %get3A_212 = arith.index_cast %add3A_209 : i32 to index
      %get3A_213 = tpu.vector_load %arg4[%get3A_211, %get3A_212] {strides = array<i32>} : memref<26x512xi32, #tpu.memory_space<vmem>>, vector<16xi32>,
      %sub3A_214 = arith.constant 224 : i32
      %sub3A_215 = vector.broadcast %sub3A_214 : i32 to vector<16xi32>
      %sub3A_216 = arith.subi %get3A_213, %sub3A_215 : vector<16xi32>
      %bitcast3A_217 = vector.bitcast %sub3A_216 : vector<16xi32> to vector<16xi32>
      %lt3A_218 = arith.constant 16 : i32
      %lt3A_219 = vector.broadcast %lt3A_218 : i32 to vector<16xi32>
      %lt3A_220 = arith.cmpi ult, %bitcast3A_217, %lt3A_219 : vector<16xi32>
      %sub3A_221 = arith.constant 208 : i32
      %sub3A_222 = vector.broadcast %sub3A_221 : i32 to vector<16xi32>
      %sub3A_223 = arith.subi %get3A_213, %sub3A_222 : vector<16xi32>
      tpu.vector_store_idx %arg6[%sub3A_223, %add3A_191], %broadcast_in_dim3A_8 masked %lt3A_220 : memref<208x128xf32, #tpu.memory_space<vmem>>[vector<16xi32>, vector<16xi32>], vector<16xf32>, vector<16xi1>
      %mul3A_224 = arith.constant 16 : i32
      %mul3A_225 = arith.muli %scan3A_187, %mul3A_224 : i32
      %add3A_226 = arith.constant 256 : i32
      %add3A_227 = arith.addi %add3A_226, %mul3A_225 : i32
      %get3A_228 = arith.constant 15 : i32
      %get3A_229 = arith.index_cast %get3A_228 : i32 to index
      %get3A_230 = arith.index_cast %add3A_227 : i32 to index
      %get3A_231 = tpu.vector_load %arg4[%get3A_229, %get3A_230] {strides = array<i32>} : memref<26x512xi32, #tpu.memory_space<vmem>>, vector<16xi32>,
      %sub3A_232 = arith.constant 240 : i32
      %sub3A_233 = vector.broadcast %sub3A_232 : i32 to vector<16xi32>
      %sub3A_234 = arith.subi %get3A_231, %sub3A_233 : vector<16xi32>
      %bitcast3A_235 = vector.bitcast %sub3A_234 : vector<16xi32> to vector<16xi32>
      %lt3A_236 = arith.constant 16 : i32
      %lt3A_237 = vector.broadcast %lt3A_236 : i32 to vector<16xi32>
      %lt3A_238 = arith.cmpi ult, %bitcast3A_235, %lt3A_237 : vector<16xi32>
      %sub3A_239 = arith.constant 208 : i32
      %sub3A_240 = vector.broadcast %sub3A_239 : i32 to vector<16xi32>
      %sub3A_241 = arith.subi %get3A_231, %sub3A_240 : vector<16xi32>
      tpu.vector_store_idx %arg6[%sub3A_241, %add3A_191], %broadcast_in_dim3A_8 masked %lt3A_238 : memref<208x128xf32, #tpu.memory_space<vmem>>[vector<16xi32>, vector<16xi32>], vector<16xf32>, vector<16xi1>
      %mul3A_242 = arith.constant 16 : i32
      %mul3A_243 = arith.muli %scan3A_187, %mul3A_242 : i32
      %add3A_244 = arith.constant 256 : i32
      %add3A_245 = arith.addi %add3A_244, %mul3A_243 : i32
      %get3A_246 = arith.constant 16 : i32
      %get3A_247 = arith.index_cast %get3A_246 : i32 to index
      %get3A_248 = arith.index_cast %add3A_245 : i32 to index
      %get3A_249 = tpu.vector_load %arg4[%get3A_247, %get3A_248] {strides = array<i32>} : memref<26x512xi32, #tpu.memory_space<vmem>>, vector<16xi32>,
      %sub3A_250 = arith.constant 256 : i32
      %sub3A_251 = vector.broadcast %sub3A_250 : i32 to vector<16xi32>
      %sub3A_252 = arith.subi %get3A_249, %sub3A_251 : vector<16xi32>
      %bitcast3A_253 = vector.bitcast %sub3A_252 : vector<16xi32> to vector<16xi32>
      %lt3A_254 = arith.constant 16 : i32
      %lt3A_255 = vector.broadcast %lt3A_254 : i32 to vector<16xi32>
      %lt3A_256 = arith.cmpi ult, %bitcast3A_253, %lt3A_255 : vector<16xi32>
      %sub3A_257 = arith.constant 208 : i32
      %sub3A_258 = vector.broadcast %sub3A_257 : i32 to vector<16xi32>
      %sub3A_259 = arith.subi %get3A_249, %sub3A_258 : vector<16xi32>
      tpu.vector_store_idx %arg6[%sub3A_259, %add3A_191], %broadcast_in_dim3A_8 masked %lt3A_256 : memref<208x128xf32, #tpu.memory_space<vmem>>[vector<16xi32>, vector<16xi32>], vector<16xf32>, vector<16xi1>
      %mul3A_260 = arith.constant 16 : i32
      %mul3A_261 = arith.muli %scan3A_187, %mul3A_260 : i32
      %add3A_262 = arith.constant 256 : i32
      %add3A_263 = arith.addi %add3A_262, %mul3A_261 : i32
      %get3A_264 = arith.constant 17 : i32
      %get3A_265 = arith.index_cast %get3A_264 : i32 to index
      %get3A_266 = arith.index_cast %add3A_263 : i32 to index
      %get3A_267 = tpu.vector_load %arg4[%get3A_265, %get3A_266] {strides = array<i32>} : memref<26x512xi32, #tpu.memory_space<vmem>>, vector<16xi32>,
      %sub3A_268 = arith.constant 272 : i32
      %sub3A_269 = vector.broadcast %sub3A_268 : i32 to vector<16xi32>
      %sub3A_270 = arith.subi %get3A_267, %sub3A_269 : vector<16xi32>
      %bitcast3A_271 = vector.bitcast %sub3A_270 : vector<16xi32> to vector<16xi32>
      %lt3A_272 = arith.constant 16 : i32
      %lt3A_273 = vector.broadcast %lt3A_272 : i32 to vector<16xi32>
      %lt3A_274 = arith.cmpi ult, %bitcast3A_271, %lt3A_273 : vector<16xi32>
      %sub3A_275 = arith.constant 208 : i32
      %sub3A_276 = vector.broadcast %sub3A_275 : i32 to vector<16xi32>
      %sub3A_277 = arith.subi %get3A_267, %sub3A_276 : vector<16xi32>
      tpu.vector_store_idx %arg6[%sub3A_277, %add3A_191], %broadcast_in_dim3A_8 masked %lt3A_274 : memref<208x128xf32, #tpu.memory_space<vmem>>[vector<16xi32>, vector<16xi32>], vector<16xf32>, vector<16xi1>
      %mul3A_278 = arith.constant 16 : i32
      %mul3A_279 = arith.muli %scan3A_187, %mul3A_278 : i32
      %add3A_280 = arith.constant 256 : i32
      %add3A_281 = arith.addi %add3A_280, %mul3A_279 : i32
      %get3A_282 = arith.constant 18 : i32
      %get3A_283 = arith.index_cast %get3A_282 : i32 to index
      %get3A_284 = arith.index_cast %add3A_281 : i32 to index
      %get3A_285 = tpu.vector_load %arg4[%get3A_283, %get3A_284] {strides = array<i32>} : memref<26x512xi32, #tpu.memory_space<vmem>>, vector<16xi32>,
      %sub3A_286 = arith.constant 288 : i32
      %sub3A_287 = vector.broadcast %sub3A_286 : i32 to vector<16xi32>
      %sub3A_288 = arith.subi %get3A_285, %sub3A_287 : vector<16xi32>
      %bitcast3A_289 = vector.bitcast %sub3A_288 : vector<16xi32> to vector<16xi32>
      %lt3A_290 = arith.constant 16 : i32
      %lt3A_291 = vector.broadcast %lt3A_290 : i32 to vector<16xi32>
      %lt3A_292 = arith.cmpi ult, %bitcast3A_289, %lt3A_291 : vector<16xi32>
      %sub3A_293 = arith.constant 208 : i32
      %sub3A_294 = vector.broadcast %sub3A_293 : i32 to vector<16xi32>
      %sub3A_295 = arith.subi %get3A_285, %sub3A_294 : vector<16xi32>
      tpu.vector_store_idx %arg6[%sub3A_295, %add3A_191], %broadcast_in_dim3A_8 masked %lt3A_292 : memref<208x128xf32, #tpu.memory_space<vmem>>[vector<16xi32>, vector<16xi32>], vector<16xf32>, vector<16xi1>
      %mul3A_296 = arith.constant 16 : i32
      %mul3A_297 = arith.muli %scan3A_187, %mul3A_296 : i32
      %add3A_298 = arith.constant 256 : i32
      %add3A_299 = arith.addi %add3A_298, %mul3A_297 : i32
      %get3A_300 = arith.constant 19 : i32
      %get3A_301 = arith.index_cast %get3A_300 : i32 to index
      %get3A_302 = arith.index_cast %add3A_299 : i32 to index
      %get3A_303 = tpu.vector_load %arg4[%get3A_301, %get3A_302] {strides = array<i32>} : memref<26x512xi32, #tpu.memory_space<vmem>>, vector<16xi32>,
      %sub3A_304 = arith.constant 304 : i32
      %sub3A_305 = vector.broadcast %sub3A_304 : i32 to vector<16xi32>
      %sub3A_306 = arith.subi %get3A_303, %sub3A_305 : vector<16xi32>
      %bitcast3A_307 = vector.bitcast %sub3A_306 : vector<16xi32> to vector<16xi32>
      %lt3A_308 = arith.constant 16 : i32
      %lt3A_309 = vector.broadcast %lt3A_308 : i32 to vector<16xi32>
      %lt3A_310 = arith.cmpi ult, %bitcast3A_307, %lt3A_309 : vector<16xi32>
      %sub3A_311 = arith.constant 208 : i32
      %sub3A_312 = vector.broadcast %sub3A_311 : i32 to vector<16xi32>
      %sub3A_313 = arith.subi %get3A_303, %sub3A_312 : vector<16xi32>
      tpu.vector_store_idx %arg6[%sub3A_313, %add3A_191], %broadcast_in_dim3A_8 masked %lt3A_310 : memref<208x128xf32, #tpu.memory_space<vmem>>[vector<16xi32>, vector<16xi32>], vector<16xf32>, vector<16xi1>
      %mul3A_314 = arith.constant 16 : i32
      %mul3A_315 = arith.muli %scan3A_187, %mul3A_314 : i32
      %add3A_316 = arith.constant 256 : i32
      %add3A_317 = arith.addi %add3A_316, %mul3A_315 : i32
      %get3A_318 = arith.constant 20 : i32
      %get3A_319 = arith.index_cast %get3A_318 : i32 to index
      %get3A_320 = arith.index_cast %add3A_317 : i32 to index
      %get3A_321 = tpu.vector_load %arg4[%get3A_319, %get3A_320] {strides = array<i32>} : memref<26x512xi32, #tpu.memory_space<vmem>>, vector<16xi32>,
      %sub3A_322 = arith.constant 320 : i32
      %sub3A_323 = vector.broadcast %sub3A_322 : i32 to vector<16xi32>
      %sub3A_324 = arith.subi %get3A_321, %sub3A_323 : vector<16xi32>
      %bitcast3A_325 = vector.bitcast %sub3A_324 : vector<16xi32> to vector<16xi32>
      %lt3A_326 = arith.constant 16 : i32
      %lt3A_327 = vector.broadcast %lt3A_326 : i32 to vector<16xi32>
      %lt3A_328 = arith.cmpi ult, %bitcast3A_325, %lt3A_327 : vector<16xi32>
      %sub3A_329 = arith.constant 208 : i32
      %sub3A_330 = vector.broadcast %sub3A_329 : i32 to vector<16xi32>
      %sub3A_331 = arith.subi %get3A_321, %sub3A_330 : vector<16xi32>
      tpu.vector_store_idx %arg6[%sub3A_331, %add3A_191], %broadcast_in_dim3A_8 masked %lt3A_328 : memref<208x128xf32, #tpu.memory_space<vmem>>[vector<16xi32>, vector<16xi32>], vector<16xf32>, vector<16xi1>
      %mul3A_332 = arith.constant 16 : i32
      %mul3A_333 = arith.muli %scan3A_187, %mul3A_332 : i32
      %add3A_334 = arith.constant 256 : i32
      %add3A_335 = arith.addi %add3A_334, %mul3A_333 : i32
      %get3A_336 = arith.constant 21 : i32
      %get3A_337 = arith.index_cast %get3A_336 : i32 to index
      %get3A_338 = arith.index_cast %add3A_335 : i32 to index
      %get3A_339 = tpu.vector_load %arg4[%get3A_337, %get3A_338] {strides = array<i32>} : memref<26x512xi32, #tpu.memory_space<vmem>>, vector<16xi32>,
      %sub3A_340 = arith.constant 336 : i32
      %sub3A_341 = vector.broadcast %sub3A_340 : i32 to vector<16xi32>
      %sub3A_342 = arith.subi %get3A_339, %sub3A_341 : vector<16xi32>
      %bitcast3A_343 = vector.bitcast %sub3A_342 : vector<16xi32> to vector<16xi32>
      %lt3A_344 = arith.constant 16 : i32
      %lt3A_345 = vector.broadcast %lt3A_344 : i32 to vector<16xi32>
      %lt3A_346 = arith.cmpi ult, %bitcast3A_343, %lt3A_345 : vector<16xi32>
      %sub3A_347 = arith.constant 208 : i32
      %sub3A_348 = vector.broadcast %sub3A_347 : i32 to vector<16xi32>
      %sub3A_349 = arith.subi %get3A_339, %sub3A_348 : vector<16xi32>
      tpu.vector_store_idx %arg6[%sub3A_349, %add3A_191], %broadcast_in_dim3A_8 masked %lt3A_346 : memref<208x128xf32, #tpu.memory_space<vmem>>[vector<16xi32>, vector<16xi32>], vector<16xf32>, vector<16xi1>
      %mul3A_350 = arith.constant 16 : i32
      %mul3A_351 = arith.muli %scan3A_187, %mul3A_350 : i32
      %add3A_352 = arith.constant 256 : i32
      %add3A_353 = arith.addi %add3A_352, %mul3A_351 : i32
      %get3A_354 = arith.constant 22 : i32
      %get3A_355 = arith.index_cast %get3A_354 : i32 to index
      %get3A_356 = arith.index_cast %add3A_353 : i32 to index
      %get3A_357 = tpu.vector_load %arg4[%get3A_355, %get3A_356] {strides = array<i32>} : memref<26x512xi32, #tpu.memory_space<vmem>>, vector<16xi32>,
      %sub3A_358 = arith.constant 352 : i32
      %sub3A_359 = vector.broadcast %sub3A_358 : i32 to vector<16xi32>
      %sub3A_360 = arith.subi %get3A_357, %sub3A_359 : vector<16xi32>
      %bitcast3A_361 = vector.bitcast %sub3A_360 : vector<16xi32> to vector<16xi32>
      %lt3A_362 = arith.constant 16 : i32
      %lt3A_363 = vector.broadcast %lt3A_362 : i32 to vector<16xi32>
      %lt3A_364 = arith.cmpi ult, %bitcast3A_361, %lt3A_363 : vector<16xi32>
      %sub3A_365 = arith.constant 208 : i32
      %sub3A_366 = vector.broadcast %sub3A_365 : i32 to vector<16xi32>
      %sub3A_367 = arith.subi %get3A_357, %sub3A_366 : vector<16xi32>
      tpu.vector_store_idx %arg6[%sub3A_367, %add3A_191], %broadcast_in_dim3A_8 masked %lt3A_364 : memref<208x128xf32, #tpu.memory_space<vmem>>[vector<16xi32>, vector<16xi32>], vector<16xf32>, vector<16xi1>
      %mul3A_368 = arith.constant 16 : i32
      %mul3A_369 = arith.muli %scan3A_187, %mul3A_368 : i32
      %add3A_370 = arith.constant 256 : i32
      %add3A_371 = arith.addi %add3A_370, %mul3A_369 : i32
      %get3A_372 = arith.constant 23 : i32
      %get3A_373 = arith.index_cast %get3A_372 : i32 to index
      %get3A_374 = arith.index_cast %add3A_371 : i32 to index
      %get3A_375 = tpu.vector_load %arg4[%get3A_373, %get3A_374] {strides = array<i32>} : memref<26x512xi32, #tpu.memory_space<vmem>>, vector<16xi32>,
      %sub3A_376 = arith.constant 368 : i32
      %sub3A_377 = vector.broadcast %sub3A_376 : i32 to vector<16xi32>
      %sub3A_378 = arith.subi %get3A_375, %sub3A_377 : vector<16xi32>
      %bitcast3A_379 = vector.bitcast %sub3A_378 : vector<16xi32> to vector<16xi32>
      %lt3A_380 = arith.constant 16 : i32
      %lt3A_381 = vector.broadcast %lt3A_380 : i32 to vector<16xi32>
      %lt3A_382 = arith.cmpi ult, %bitcast3A_379, %lt3A_381 : vector<16xi32>
      %sub3A_383 = arith.constant 208 : i32
      %sub3A_384 = vector.broadcast %sub3A_383 : i32 to vector<16xi32>
      %sub3A_385 = arith.subi %get3A_375, %sub3A_384 : vector<16xi32>
      tpu.vector_store_idx %arg6[%sub3A_385, %add3A_191], %broadcast_in_dim3A_8 masked %lt3A_382 : memref<208x128xf32, #tpu.memory_space<vmem>>[vector<16xi32>, vector<16xi32>], vector<16xf32>, vector<16xi1>
      %mul3A_386 = arith.constant 16 : i32
      %mul3A_387 = arith.muli %scan3A_187, %mul3A_386 : i32
      %add3A_388 = arith.constant 256 : i32
      %add3A_389 = arith.addi %add3A_388, %mul3A_387 : i32
      %get3A_390 = arith.constant 24 : i32
      %get3A_391 = arith.index_cast %get3A_390 : i32 to index
      %get3A_392 = arith.index_cast %add3A_389 : i32 to index
      %get3A_393 = tpu.vector_load %arg4[%get3A_391, %get3A_392] {strides = array<i32>} : memref<26x512xi32, #tpu.memory_space<vmem>>, vector<16xi32>,
      %sub3A_394 = arith.constant 384 : i32
      %sub3A_395 = vector.broadcast %sub3A_394 : i32 to vector<16xi32>
      %sub3A_396 = arith.subi %get3A_393, %sub3A_395 : vector<16xi32>
      %bitcast3A_397 = vector.bitcast %sub3A_396 : vector<16xi32> to vector<16xi32>
      %lt3A_398 = arith.constant 16 : i32
      %lt3A_399 = vector.broadcast %lt3A_398 : i32 to vector<16xi32>
      %lt3A_400 = arith.cmpi ult, %bitcast3A_397, %lt3A_399 : vector<16xi32>
      %sub3A_401 = arith.constant 208 : i32
      %sub3A_402 = vector.broadcast %sub3A_401 : i32 to vector<16xi32>
      %sub3A_403 = arith.subi %get3A_393, %sub3A_402 : vector<16xi32>
      tpu.vector_store_idx %arg6[%sub3A_403, %add3A_191], %broadcast_in_dim3A_8 masked %lt3A_400 : memref<208x128xf32, #tpu.memory_space<vmem>>[vector<16xi32>, vector<16xi32>], vector<16xf32>, vector<16xi1>
      %mul3A_404 = arith.constant 16 : i32
      %mul3A_405 = arith.muli %scan3A_187, %mul3A_404 : i32
      %add3A_406 = arith.constant 256 : i32
      %add3A_407 = arith.addi %add3A_406, %mul3A_405 : i32
      %get3A_408 = arith.constant 25 : i32
      %get3A_409 = arith.index_cast %get3A_408 : i32 to index
      %get3A_410 = arith.index_cast %add3A_407 : i32 to index
      %get3A_411 = tpu.vector_load %arg4[%get3A_409, %get3A_410] {strides = array<i32>} : memref<26x512xi32, #tpu.memory_space<vmem>>, vector<16xi32>,
      %sub3A_412 = arith.constant 400 : i32
      %sub3A_413 = vector.broadcast %sub3A_412 : i32 to vector<16xi32>
      %sub3A_414 = arith.subi %get3A_411, %sub3A_413 : vector<16xi32>
      %bitcast3A_415 = vector.bitcast %sub3A_414 : vector<16xi32> to vector<16xi32>
      %lt3A_416 = arith.constant 16 : i32
      %lt3A_417 = vector.broadcast %lt3A_416 : i32 to vector<16xi32>
      %lt3A_418 = arith.cmpi ult, %bitcast3A_415, %lt3A_417 : vector<16xi32>
      %sub3A_419 = arith.constant 208 : i32
      %sub3A_420 = vector.broadcast %sub3A_419 : i32 to vector<16xi32>
      %sub3A_421 = arith.subi %get3A_411, %sub3A_420 : vector<16xi32>
      tpu.vector_store_idx %arg6[%sub3A_421, %add3A_191], %broadcast_in_dim3A_8 masked %lt3A_418 : memref<208x128xf32, #tpu.memory_space<vmem>>[vector<16xi32>, vector<16xi32>], vector<16xf32>, vector<16xi1>
    }
    %scan3A_120 = arith.constant 8 : i32
    %add3A_121 = arith.constant 256 : i32
    %add3A_122 = arith.addi %mul3A_2, %add3A_121 : i32
    %dma_start3A_123 = arith.constant 208 : i32
    %dma_start3A_124 = tpu.memref_slice %arg3[%dma_start3A_123, %add3A_122] : memref<416x16384xf32, #tpu.memory_space<hbm>> -> memref<208x128xf32, #tpu.memory_space<hbm>>
    %dma_start3A_125 = arith.constant 208 : i32
    %dma_start3A_126 = tpu.memref_slice %arg3[%dma_start3A_125, %add3A_122] : memref<416x16384xf32, #tpu.memory_space<hbm>> -> memref<208x128xf32, #tpu.memory_space<hbm>>
    tpu.enqueue_dma source(%arg6 : memref<208x128xf32, #tpu.memory_space<vmem>>) target(%dma_start3A_126 : memref<208x128xf32, #tpu.memory_space<hbm>>) target_semaphore(%arg10 : memref<!tpu.dma_semaphore, #tpu.memory_space<semaphore_mem>>)
    %dma_wait3A_127 = arith.constant 0 : i32
    %dma_wait3A_128 = tpu.memref_slice %arg3[%dma_wait3A_127, %add3A_60] : memref<416x16384xf32, #tpu.memory_space<hbm>> -> memref<208x128xf32, #tpu.memory_space<hbm>>
    %dma_wait3A_129 = arith.constant 0 : i32
    %dma_wait3A_130 = tpu.memref_slice %arg3[%dma_wait3A_129, %add3A_60] : memref<416x16384xf32, #tpu.memory_space<hbm>> -> memref<208x128xf32, #tpu.memory_space<hbm>>
    tpu.wait_dma2 semaphore(%arg11 : memref<!tpu.dma_semaphore, #tpu.memory_space<semaphore_mem>>) src(%arg7 : memref<208x128xf32, #tpu.memory_space<vmem>>) dst(%dma_wait3A_130 : memref<208x128xf32, #tpu.memory_space<hbm>>)
    %scan3A_131 = arith.constant 0 : i32
    %scan3A_132 = arith.constant 0 : i32
    %scan3A_133 = arith.constant 8 : i32
    %scan3A_134 = arith.addi %scan3A_132, %scan3A_133 : i32
    %scan3A_135 = arith.constant 1 : i32
    scf.for %scan3A_187 = %scan3A_132 to %scan3A_134 step %scan3A_135  : i32 {
      %mul3A_188 = arith.constant 16 : i32
      %mul3A_189 = arith.muli %scan3A_187, %mul3A_188 : i32
      %add3A_190 = vector.broadcast %mul3A_189 : i32 to vector<16xi32>
      %add3A_191 = arith.addi %iota3A, %add3A_190 : vector<16xi32>
      %mul3A_192 = arith.constant 16 : i32
      %mul3A_193 = arith.muli %scan3A_187, %mul3A_192 : i32
      %add3A_194 = arith.constant 128 : i32
      %add3A_195 = arith.addi %add3A_194, %mul3A_193 : i32
      %get3A = arith.constant 0 : i32
      %get3A_196 = arith.index_cast %get3A : i32 to index
      %get3A_197 = arith.index_cast %add3A_195 : i32 to index
      %get3A_198 = tpu.vector_load %arg4[%get3A_196, %get3A_197] {strides = array<i32>} : memref<26x512xi32, #tpu.memory_space<vmem>>, vector<16xi32>,
      %sub3A = arith.constant 0 : i32
      %sub3A_199 = vector.broadcast %sub3A : i32 to vector<16xi32>
      %sub3A_200 = arith.subi %get3A_198, %sub3A_199 : vector<16xi32>
      %bitcast3A = vector.bitcast %sub3A_200 : vector<16xi32> to vector<16xi32>
      %lt3A = arith.constant 16 : i32
      %lt3A_201 = vector.broadcast %lt3A : i32 to vector<16xi32>
      %lt3A_202 = arith.cmpi ult, %bitcast3A, %lt3A_201 : vector<16xi32>
      %sub3A_203 = arith.constant 0 : i32
      %sub3A_204 = vector.broadcast %sub3A_203 : i32 to vector<16xi32>
      %sub3A_205 = arith.subi %get3A_198, %sub3A_204 : vector<16xi32>
      tpu.vector_store_idx %arg7[%sub3A_205, %add3A_191], %broadcast_in_dim3A_6 masked %lt3A_202 : memref<208x128xf32, #tpu.memory_space<vmem>>[vector<16xi32>, vector<16xi32>], vector<16xf32>, vector<16xi1>
      %mul3A_206 = arith.constant 16 : i32
      %mul3A_207 = arith.muli %scan3A_187, %mul3A_206 : i32
      %add3A_208 = arith.constant 128 : i32
      %add3A_209 = arith.addi %add3A_208, %mul3A_207 : i32
      %get3A_210 = arith.constant 1 : i32
      %get3A_211 = arith.index_cast %get3A_210 : i32 to index
      %get3A_212 = arith.index_cast %add3A_209 : i32 to index
      %get3A_213 = tpu.vector_load %arg4[%get3A_211, %get3A_212] {strides = array<i32>} : memref<26x512xi32, #tpu.memory_space<vmem>>, vector<16xi32>,
      %sub3A_214 = arith.constant 16 : i32
      %sub3A_215 = vector.broadcast %sub3A_214 : i32 to vector<16xi32>
      %sub3A_216 = arith.subi %get3A_213, %sub3A_215 : vector<16xi32>
      %bitcast3A_217 = vector.bitcast %sub3A_216 : vector<16xi32> to vector<16xi32>
      %lt3A_218 = arith.constant 16 : i32
      %lt3A_219 = vector.broadcast %lt3A_218 : i32 to vector<16xi32>
      %lt3A_220 = arith.cmpi ult, %bitcast3A_217, %lt3A_219 : vector<16xi32>
      %sub3A_221 = arith.constant 0 : i32
      %sub3A_222 = vector.broadcast %sub3A_221 : i32 to vector<16xi32>
      %sub3A_223 = arith.subi %get3A_213, %sub3A_222 : vector<16xi32>
      tpu.vector_store_idx %arg7[%sub3A_223, %add3A_191], %broadcast_in_dim3A_6 masked %lt3A_220 : memref<208x128xf32, #tpu.memory_space<vmem>>[vector<16xi32>, vector<16xi32>], vector<16xf32>, vector<16xi1>
      %mul3A_224 = arith.constant 16 : i32
      %mul3A_225 = arith.muli %scan3A_187, %mul3A_224 : i32
      %add3A_226 = arith.constant 128 : i32
      %add3A_227 = arith.addi %add3A_226, %mul3A_225 : i32
      %get3A_228 = arith.constant 2 : i32
      %get3A_229 = arith.index_cast %get3A_228 : i32 to index
      %get3A_230 = arith.index_cast %add3A_227 : i32 to index
      %get3A_231 = tpu.vector_load %arg4[%get3A_229, %get3A_230] {strides = array<i32>} : memref<26x512xi32, #tpu.memory_space<vmem>>, vector<16xi32>,
      %sub3A_232 = arith.constant 32 : i32
      %sub3A_233 = vector.broadcast %sub3A_232 : i32 to vector<16xi32>
      %sub3A_234 = arith.subi %get3A_231, %sub3A_233 : vector<16xi32>
      %bitcast3A_235 = vector.bitcast %sub3A_234 : vector<16xi32> to vector<16xi32>
      %lt3A_236 = arith.constant 16 : i32
      %lt3A_237 = vector.broadcast %lt3A_236 : i32 to vector<16xi32>
      %lt3A_238 = arith.cmpi ult, %bitcast3A_235, %lt3A_237 : vector<16xi32>
      %sub3A_239 = arith.constant 0 : i32
      %sub3A_240 = vector.broadcast %sub3A_239 : i32 to vector<16xi32>
      %sub3A_241 = arith.subi %get3A_231, %sub3A_240 : vector<16xi32>
      tpu.vector_store_idx %arg7[%sub3A_241, %add3A_191], %broadcast_in_dim3A_6 masked %lt3A_238 : memref<208x128xf32, #tpu.memory_space<vmem>>[vector<16xi32>, vector<16xi32>], vector<16xf32>, vector<16xi1>
      %mul3A_242 = arith.constant 16 : i32
      %mul3A_243 = arith.muli %scan3A_187, %mul3A_242 : i32
      %add3A_244 = arith.constant 128 : i32
      %add3A_245 = arith.addi %add3A_244, %mul3A_243 : i32
      %get3A_246 = arith.constant 3 : i32
      %get3A_247 = arith.index_cast %get3A_246 : i32 to index
      %get3A_248 = arith.index_cast %add3A_245 : i32 to index
      %get3A_249 = tpu.vector_load %arg4[%get3A_247, %get3A_248] {strides = array<i32>} : memref<26x512xi32, #tpu.memory_space<vmem>>, vector<16xi32>,
      %sub3A_250 = arith.constant 48 : i32
      %sub3A_251 = vector.broadcast %sub3A_250 : i32 to vector<16xi32>
      %sub3A_252 = arith.subi %get3A_249, %sub3A_251 : vector<16xi32>
      %bitcast3A_253 = vector.bitcast %sub3A_252 : vector<16xi32> to vector<16xi32>
      %lt3A_254 = arith.constant 16 : i32
      %lt3A_255 = vector.broadcast %lt3A_254 : i32 to vector<16xi32>
      %lt3A_256 = arith.cmpi ult, %bitcast3A_253, %lt3A_255 : vector<16xi32>
      %sub3A_257 = arith.constant 0 : i32
      %sub3A_258 = vector.broadcast %sub3A_257 : i32 to vector<16xi32>
      %sub3A_259 = arith.subi %get3A_249, %sub3A_258 : vector<16xi32>
      tpu.vector_store_idx %arg7[%sub3A_259, %add3A_191], %broadcast_in_dim3A_6 masked %lt3A_256 : memref<208x128xf32, #tpu.memory_space<vmem>>[vector<16xi32>, vector<16xi32>], vector<16xf32>, vector<16xi1>
      %mul3A_260 = arith.constant 16 : i32
      %mul3A_261 = arith.muli %scan3A_187, %mul3A_260 : i32
      %add3A_262 = arith.constant 128 : i32
      %add3A_263 = arith.addi %add3A_262, %mul3A_261 : i32
      %get3A_264 = arith.constant 4 : i32
      %get3A_265 = arith.index_cast %get3A_264 : i32 to index
      %get3A_266 = arith.index_cast %add3A_263 : i32 to index
      %get3A_267 = tpu.vector_load %arg4[%get3A_265, %get3A_266] {strides = array<i32>} : memref<26x512xi32, #tpu.memory_space<vmem>>, vector<16xi32>,
      %sub3A_268 = arith.constant 64 : i32
      %sub3A_269 = vector.broadcast %sub3A_268 : i32 to vector<16xi32>
      %sub3A_270 = arith.subi %get3A_267, %sub3A_269 : vector<16xi32>
      %bitcast3A_271 = vector.bitcast %sub3A_270 : vector<16xi32> to vector<16xi32>
      %lt3A_272 = arith.constant 16 : i32
      %lt3A_273 = vector.broadcast %lt3A_272 : i32 to vector<16xi32>
      %lt3A_274 = arith.cmpi ult, %bitcast3A_271, %lt3A_273 : vector<16xi32>
      %sub3A_275 = arith.constant 0 : i32
      %sub3A_276 = vector.broadcast %sub3A_275 : i32 to vector<16xi32>
      %sub3A_277 = arith.subi %get3A_267, %sub3A_276 : vector<16xi32>
      tpu.vector_store_idx %arg7[%sub3A_277, %add3A_191], %broadcast_in_dim3A_6 masked %lt3A_274 : memref<208x128xf32, #tpu.memory_space<vmem>>[vector<16xi32>, vector<16xi32>], vector<16xf32>, vector<16xi1>
      %mul3A_278 = arith.constant 16 : i32
      %mul3A_279 = arith.muli %scan3A_187, %mul3A_278 : i32
      %add3A_280 = arith.constant 128 : i32
      %add3A_281 = arith.addi %add3A_280, %mul3A_279 : i32
      %get3A_282 = arith.constant 5 : i32
      %get3A_283 = arith.index_cast %get3A_282 : i32 to index
      %get3A_284 = arith.index_cast %add3A_281 : i32 to index
      %get3A_285 = tpu.vector_load %arg4[%get3A_283, %get3A_284] {strides = array<i32>} : memref<26x512xi32, #tpu.memory_space<vmem>>, vector<16xi32>,
      %sub3A_286 = arith.constant 80 : i32
      %sub3A_287 = vector.broadcast %sub3A_286 : i32 to vector<16xi32>
      %sub3A_288 = arith.subi %get3A_285, %sub3A_287 : vector<16xi32>
      %bitcast3A_289 = vector.bitcast %sub3A_288 : vector<16xi32> to vector<16xi32>
      %lt3A_290 = arith.constant 16 : i32
      %lt3A_291 = vector.broadcast %lt3A_290 : i32 to vector<16xi32>
      %lt3A_292 = arith.cmpi ult, %bitcast3A_289, %lt3A_291 : vector<16xi32>
      %sub3A_293 = arith.constant 0 : i32
      %sub3A_294 = vector.broadcast %sub3A_293 : i32 to vector<16xi32>
      %sub3A_295 = arith.subi %get3A_285, %sub3A_294 : vector<16xi32>
      tpu.vector_store_idx %arg7[%sub3A_295, %add3A_191], %broadcast_in_dim3A_6 masked %lt3A_292 : memref<208x128xf32, #tpu.memory_space<vmem>>[vector<16xi32>, vector<16xi32>], vector<16xf32>, vector<16xi1>
      %mul3A_296 = arith.constant 16 : i32
      %mul3A_297 = arith.muli %scan3A_187, %mul3A_296 : i32
      %add3A_298 = arith.constant 128 : i32
      %add3A_299 = arith.addi %add3A_298, %mul3A_297 : i32
      %get3A_300 = arith.constant 6 : i32
      %get3A_301 = arith.index_cast %get3A_300 : i32 to index
      %get3A_302 = arith.index_cast %add3A_299 : i32 to index
      %get3A_303 = tpu.vector_load %arg4[%get3A_301, %get3A_302] {strides = array<i32>} : memref<26x512xi32, #tpu.memory_space<vmem>>, vector<16xi32>,
      %sub3A_304 = arith.constant 96 : i32
      %sub3A_305 = vector.broadcast %sub3A_304 : i32 to vector<16xi32>
      %sub3A_306 = arith.subi %get3A_303, %sub3A_305 : vector<16xi32>
      %bitcast3A_307 = vector.bitcast %sub3A_306 : vector<16xi32> to vector<16xi32>
      %lt3A_308 = arith.constant 16 : i32
      %lt3A_309 = vector.broadcast %lt3A_308 : i32 to vector<16xi32>
      %lt3A_310 = arith.cmpi ult, %bitcast3A_307, %lt3A_309 : vector<16xi32>
      %sub3A_311 = arith.constant 0 : i32
      %sub3A_312 = vector.broadcast %sub3A_311 : i32 to vector<16xi32>
      %sub3A_313 = arith.subi %get3A_303, %sub3A_312 : vector<16xi32>
      tpu.vector_store_idx %arg7[%sub3A_313, %add3A_191], %broadcast_in_dim3A_6 masked %lt3A_310 : memref<208x128xf32, #tpu.memory_space<vmem>>[vector<16xi32>, vector<16xi32>], vector<16xf32>, vector<16xi1>
      %mul3A_314 = arith.constant 16 : i32
      %mul3A_315 = arith.muli %scan3A_187, %mul3A_314 : i32
      %add3A_316 = arith.constant 128 : i32
      %add3A_317 = arith.addi %add3A_316, %mul3A_315 : i32
      %get3A_318 = arith.constant 7 : i32
      %get3A_319 = arith.index_cast %get3A_318 : i32 to index
      %get3A_320 = arith.index_cast %add3A_317 : i32 to index
      %get3A_321 = tpu.vector_load %arg4[%get3A_319, %get3A_320] {strides = array<i32>} : memref<26x512xi32, #tpu.memory_space<vmem>>, vector<16xi32>,
      %sub3A_322 = arith.constant 112 : i32
      %sub3A_323 = vector.broadcast %sub3A_322 : i32 to vector<16xi32>
      %sub3A_324 = arith.subi %get3A_321, %sub3A_323 : vector<16xi32>
      %bitcast3A_325 = vector.bitcast %sub3A_324 : vector<16xi32> to vector<16xi32>
      %lt3A_326 = arith.constant 16 : i32
      %lt3A_327 = vector.broadcast %lt3A_326 : i32 to vector<16xi32>
      %lt3A_328 = arith.cmpi ult, %bitcast3A_325, %lt3A_327 : vector<16xi32>
      %sub3A_329 = arith.constant 0 : i32
      %sub3A_330 = vector.broadcast %sub3A_329 : i32 to vector<16xi32>
      %sub3A_331 = arith.subi %get3A_321, %sub3A_330 : vector<16xi32>
      tpu.vector_store_idx %arg7[%sub3A_331, %add3A_191], %broadcast_in_dim3A_6 masked %lt3A_328 : memref<208x128xf32, #tpu.memory_space<vmem>>[vector<16xi32>, vector<16xi32>], vector<16xf32>, vector<16xi1>
      %mul3A_332 = arith.constant 16 : i32
      %mul3A_333 = arith.muli %scan3A_187, %mul3A_332 : i32
      %add3A_334 = arith.constant 128 : i32
      %add3A_335 = arith.addi %add3A_334, %mul3A_333 : i32
      %get3A_336 = arith.constant 8 : i32
      %get3A_337 = arith.index_cast %get3A_336 : i32 to index
      %get3A_338 = arith.index_cast %add3A_335 : i32 to index
      %get3A_339 = tpu.vector_load %arg4[%get3A_337, %get3A_338] {strides = array<i32>} : memref<26x512xi32, #tpu.memory_space<vmem>>, vector<16xi32>,
      %sub3A_340 = arith.constant 128 : i32
      %sub3A_341 = vector.broadcast %sub3A_340 : i32 to vector<16xi32>
      %sub3A_342 = arith.subi %get3A_339, %sub3A_341 : vector<16xi32>
      %bitcast3A_343 = vector.bitcast %sub3A_342 : vector<16xi32> to vector<16xi32>
      %lt3A_344 = arith.constant 16 : i32
      %lt3A_345 = vector.broadcast %lt3A_344 : i32 to vector<16xi32>
      %lt3A_346 = arith.cmpi ult, %bitcast3A_343, %lt3A_345 : vector<16xi32>
      %sub3A_347 = arith.constant 0 : i32
      %sub3A_348 = vector.broadcast %sub3A_347 : i32 to vector<16xi32>
      %sub3A_349 = arith.subi %get3A_339, %sub3A_348 : vector<16xi32>
      tpu.vector_store_idx %arg7[%sub3A_349, %add3A_191], %broadcast_in_dim3A_6 masked %lt3A_346 : memref<208x128xf32, #tpu.memory_space<vmem>>[vector<16xi32>, vector<16xi32>], vector<16xf32>, vector<16xi1>
      %mul3A_350 = arith.constant 16 : i32
      %mul3A_351 = arith.muli %scan3A_187, %mul3A_350 : i32
      %add3A_352 = arith.constant 128 : i32
      %add3A_353 = arith.addi %add3A_352, %mul3A_351 : i32
      %get3A_354 = arith.constant 9 : i32
      %get3A_355 = arith.index_cast %get3A_354 : i32 to index
      %get3A_356 = arith.index_cast %add3A_353 : i32 to index
      %get3A_357 = tpu.vector_load %arg4[%get3A_355, %get3A_356] {strides = array<i32>} : memref<26x512xi32, #tpu.memory_space<vmem>>, vector<16xi32>,
      %sub3A_358 = arith.constant 144 : i32
      %sub3A_359 = vector.broadcast %sub3A_358 : i32 to vector<16xi32>
      %sub3A_360 = arith.subi %get3A_357, %sub3A_359 : vector<16xi32>
      %bitcast3A_361 = vector.bitcast %sub3A_360 : vector<16xi32> to vector<16xi32>
      %lt3A_362 = arith.constant 16 : i32
      %lt3A_363 = vector.broadcast %lt3A_362 : i32 to vector<16xi32>
      %lt3A_364 = arith.cmpi ult, %bitcast3A_361, %lt3A_363 : vector<16xi32>
      %sub3A_365 = arith.constant 0 : i32
      %sub3A_366 = vector.broadcast %sub3A_365 : i32 to vector<16xi32>
      %sub3A_367 = arith.subi %get3A_357, %sub3A_366 : vector<16xi32>
      tpu.vector_store_idx %arg7[%sub3A_367, %add3A_191], %broadcast_in_dim3A_6 masked %lt3A_364 : memref<208x128xf32, #tpu.memory_space<vmem>>[vector<16xi32>, vector<16xi32>], vector<16xf32>, vector<16xi1>
      %mul3A_368 = arith.constant 16 : i32
      %mul3A_369 = arith.muli %scan3A_187, %mul3A_368 : i32
      %add3A_370 = arith.constant 128 : i32
      %add3A_371 = arith.addi %add3A_370, %mul3A_369 : i32
      %get3A_372 = arith.constant 10 : i32
      %get3A_373 = arith.index_cast %get3A_372 : i32 to index
      %get3A_374 = arith.index_cast %add3A_371 : i32 to index
      %get3A_375 = tpu.vector_load %arg4[%get3A_373, %get3A_374] {strides = array<i32>} : memref<26x512xi32, #tpu.memory_space<vmem>>, vector<16xi32>,
      %sub3A_376 = arith.constant 160 : i32
      %sub3A_377 = vector.broadcast %sub3A_376 : i32 to vector<16xi32>
      %sub3A_378 = arith.subi %get3A_375, %sub3A_377 : vector<16xi32>
      %bitcast3A_379 = vector.bitcast %sub3A_378 : vector<16xi32> to vector<16xi32>
      %lt3A_380 = arith.constant 16 : i32
      %lt3A_381 = vector.broadcast %lt3A_380 : i32 to vector<16xi32>
      %lt3A_382 = arith.cmpi ult, %bitcast3A_379, %lt3A_381 : vector<16xi32>
      %sub3A_383 = arith.constant 0 : i32
      %sub3A_384 = vector.broadcast %sub3A_383 : i32 to vector<16xi32>
      %sub3A_385 = arith.subi %get3A_375, %sub3A_384 : vector<16xi32>
      tpu.vector_store_idx %arg7[%sub3A_385, %add3A_191], %broadcast_in_dim3A_6 masked %lt3A_382 : memref<208x128xf32, #tpu.memory_space<vmem>>[vector<16xi32>, vector<16xi32>], vector<16xf32>, vector<16xi1>
      %mul3A_386 = arith.constant 16 : i32
      %mul3A_387 = arith.muli %scan3A_187, %mul3A_386 : i32
      %add3A_388 = arith.constant 128 : i32
      %add3A_389 = arith.addi %add3A_388, %mul3A_387 : i32
      %get3A_390 = arith.constant 11 : i32
      %get3A_391 = arith.index_cast %get3A_390 : i32 to index
      %get3A_392 = arith.index_cast %add3A_389 : i32 to index
      %get3A_393 = tpu.vector_load %arg4[%get3A_391, %get3A_392] {strides = array<i32>} : memref<26x512xi32, #tpu.memory_space<vmem>>, vector<16xi32>,
      %sub3A_394 = arith.constant 176 : i32
      %sub3A_395 = vector.broadcast %sub3A_394 : i32 to vector<16xi32>
      %sub3A_396 = arith.subi %get3A_393, %sub3A_395 : vector<16xi32>
      %bitcast3A_397 = vector.bitcast %sub3A_396 : vector<16xi32> to vector<16xi32>
      %lt3A_398 = arith.constant 16 : i32
      %lt3A_399 = vector.broadcast %lt3A_398 : i32 to vector<16xi32>
      %lt3A_400 = arith.cmpi ult, %bitcast3A_397, %lt3A_399 : vector<16xi32>
      %sub3A_401 = arith.constant 0 : i32
      %sub3A_402 = vector.broadcast %sub3A_401 : i32 to vector<16xi32>
      %sub3A_403 = arith.subi %get3A_393, %sub3A_402 : vector<16xi32>
      tpu.vector_store_idx %arg7[%sub3A_403, %add3A_191], %broadcast_in_dim3A_6 masked %lt3A_400 : memref<208x128xf32, #tpu.memory_space<vmem>>[vector<16xi32>, vector<16xi32>], vector<16xf32>, vector<16xi1>
      %mul3A_404 = arith.constant 16 : i32
      %mul3A_405 = arith.muli %scan3A_187, %mul3A_404 : i32
      %add3A_406 = arith.constant 128 : i32
      %add3A_407 = arith.addi %add3A_406, %mul3A_405 : i32
      %get3A_408 = arith.constant 12 : i32
      %get3A_409 = arith.index_cast %get3A_408 : i32 to index
      %get3A_410 = arith.index_cast %add3A_407 : i32 to index
      %get3A_411 = tpu.vector_load %arg4[%get3A_409, %get3A_410] {strides = array<i32>} : memref<26x512xi32, #tpu.memory_space<vmem>>, vector<16xi32>,
      %sub3A_412 = arith.constant 192 : i32
      %sub3A_413 = vector.broadcast %sub3A_412 : i32 to vector<16xi32>
      %sub3A_414 = arith.subi %get3A_411, %sub3A_413 : vector<16xi32>
      %bitcast3A_415 = vector.bitcast %sub3A_414 : vector<16xi32> to vector<16xi32>
      %lt3A_416 = arith.constant 16 : i32
      %lt3A_417 = vector.broadcast %lt3A_416 : i32 to vector<16xi32>
      %lt3A_418 = arith.cmpi ult, %bitcast3A_415, %lt3A_417 : vector<16xi32>
      %sub3A_419 = arith.constant 0 : i32
      %sub3A_420 = vector.broadcast %sub3A_419 : i32 to vector<16xi32>
      %sub3A_421 = arith.subi %get3A_411, %sub3A_420 : vector<16xi32>
      tpu.vector_store_idx %arg7[%sub3A_421, %add3A_191], %broadcast_in_dim3A_6 masked %lt3A_418 : memref<208x128xf32, #tpu.memory_space<vmem>>[vector<16xi32>, vector<16xi32>], vector<16xf32>, vector<16xi1>
    }
    %scan3A_136 = arith.constant 8 : i32
    %scan3A_137 = arith.constant 0 : i32
    %scan3A_138 = arith.constant 0 : i32
    %scan3A_139 = arith.constant 8 : i32
    %scan3A_140 = arith.addi %scan3A_138, %scan3A_139 : i32
    %scan3A_141 = arith.constant 1 : i32
    scf.for %scan3A_187 = %scan3A_138 to %scan3A_140 step %scan3A_141  : i32 {
      %mul3A_188 = arith.constant 16 : i32
      %mul3A_189 = arith.muli %scan3A_187, %mul3A_188 : i32
      %add3A_190 = vector.broadcast %mul3A_189 : i32 to vector<16xi32>
      %add3A_191 = arith.addi %iota3A, %add3A_190 : vector<16xi32>
      %mul3A_192 = arith.constant 16 : i32
      %mul3A_193 = arith.muli %scan3A_187, %mul3A_192 : i32
      %add3A_194 = arith.constant 384 : i32
      %add3A_195 = arith.addi %add3A_194, %mul3A_193 : i32
      %get3A = arith.constant 0 : i32
      %get3A_196 = arith.index_cast %get3A : i32 to index
      %get3A_197 = arith.index_cast %add3A_195 : i32 to index
      %get3A_198 = tpu.vector_load %arg4[%get3A_196, %get3A_197] {strides = array<i32>} : memref<26x512xi32, #tpu.memory_space<vmem>>, vector<16xi32>,
      %sub3A = arith.constant 0 : i32
      %sub3A_199 = vector.broadcast %sub3A : i32 to vector<16xi32>
      %sub3A_200 = arith.subi %get3A_198, %sub3A_199 : vector<16xi32>
      %bitcast3A = vector.bitcast %sub3A_200 : vector<16xi32> to vector<16xi32>
      %lt3A = arith.constant 16 : i32
      %lt3A_201 = vector.broadcast %lt3A : i32 to vector<16xi32>
      %lt3A_202 = arith.cmpi ult, %bitcast3A, %lt3A_201 : vector<16xi32>
      %sub3A_203 = arith.constant 0 : i32
      %sub3A_204 = vector.broadcast %sub3A_203 : i32 to vector<16xi32>
      %sub3A_205 = arith.subi %get3A_198, %sub3A_204 : vector<16xi32>
      tpu.vector_store_idx %arg7[%sub3A_205, %add3A_191], %broadcast_in_dim3A_8 masked %lt3A_202 : memref<208x128xf32, #tpu.memory_space<vmem>>[vector<16xi32>, vector<16xi32>], vector<16xf32>, vector<16xi1>
      %mul3A_206 = arith.constant 16 : i32
      %mul3A_207 = arith.muli %scan3A_187, %mul3A_206 : i32
      %add3A_208 = arith.constant 384 : i32
      %add3A_209 = arith.addi %add3A_208, %mul3A_207 : i32
      %get3A_210 = arith.constant 1 : i32
      %get3A_211 = arith.index_cast %get3A_210 : i32 to index
      %get3A_212 = arith.index_cast %add3A_209 : i32 to index
      %get3A_213 = tpu.vector_load %arg4[%get3A_211, %get3A_212] {strides = array<i32>} : memref<26x512xi32, #tpu.memory_space<vmem>>, vector<16xi32>,
      %sub3A_214 = arith.constant 16 : i32
      %sub3A_215 = vector.broadcast %sub3A_214 : i32 to vector<16xi32>
      %sub3A_216 = arith.subi %get3A_213, %sub3A_215 : vector<16xi32>
      %bitcast3A_217 = vector.bitcast %sub3A_216 : vector<16xi32> to vector<16xi32>
      %lt3A_218 = arith.constant 16 : i32
      %lt3A_219 = vector.broadcast %lt3A_218 : i32 to vector<16xi32>
      %lt3A_220 = arith.cmpi ult, %bitcast3A_217, %lt3A_219 : vector<16xi32>
      %sub3A_221 = arith.constant 0 : i32
      %sub3A_222 = vector.broadcast %sub3A_221 : i32 to vector<16xi32>
      %sub3A_223 = arith.subi %get3A_213, %sub3A_222 : vector<16xi32>
      tpu.vector_store_idx %arg7[%sub3A_223, %add3A_191], %broadcast_in_dim3A_8 masked %lt3A_220 : memref<208x128xf32, #tpu.memory_space<vmem>>[vector<16xi32>, vector<16xi32>], vector<16xf32>, vector<16xi1>
      %mul3A_224 = arith.constant 16 : i32
      %mul3A_225 = arith.muli %scan3A_187, %mul3A_224 : i32
      %add3A_226 = arith.constant 384 : i32
      %add3A_227 = arith.addi %add3A_226, %mul3A_225 : i32
      %get3A_228 = arith.constant 2 : i32
      %get3A_229 = arith.index_cast %get3A_228 : i32 to index
      %get3A_230 = arith.index_cast %add3A_227 : i32 to index
      %get3A_231 = tpu.vector_load %arg4[%get3A_229, %get3A_230] {strides = array<i32>} : memref<26x512xi32, #tpu.memory_space<vmem>>, vector<16xi32>,
      %sub3A_232 = arith.constant 32 : i32
      %sub3A_233 = vector.broadcast %sub3A_232 : i32 to vector<16xi32>
      %sub3A_234 = arith.subi %get3A_231, %sub3A_233 : vector<16xi32>
      %bitcast3A_235 = vector.bitcast %sub3A_234 : vector<16xi32> to vector<16xi32>
      %lt3A_236 = arith.constant 16 : i32
      %lt3A_237 = vector.broadcast %lt3A_236 : i32 to vector<16xi32>
      %lt3A_238 = arith.cmpi ult, %bitcast3A_235, %lt3A_237 : vector<16xi32>
      %sub3A_239 = arith.constant 0 : i32
      %sub3A_240 = vector.broadcast %sub3A_239 : i32 to vector<16xi32>
      %sub3A_241 = arith.subi %get3A_231, %sub3A_240 : vector<16xi32>
      tpu.vector_store_idx %arg7[%sub3A_241, %add3A_191], %broadcast_in_dim3A_8 masked %lt3A_238 : memref<208x128xf32, #tpu.memory_space<vmem>>[vector<16xi32>, vector<16xi32>], vector<16xf32>, vector<16xi1>
      %mul3A_242 = arith.constant 16 : i32
      %mul3A_243 = arith.muli %scan3A_187, %mul3A_242 : i32
      %add3A_244 = arith.constant 384 : i32
      %add3A_245 = arith.addi %add3A_244, %mul3A_243 : i32
      %get3A_246 = arith.constant 3 : i32
      %get3A_247 = arith.index_cast %get3A_246 : i32 to index
      %get3A_248 = arith.index_cast %add3A_245 : i32 to index
      %get3A_249 = tpu.vector_load %arg4[%get3A_247, %get3A_248] {strides = array<i32>} : memref<26x512xi32, #tpu.memory_space<vmem>>, vector<16xi32>,
      %sub3A_250 = arith.constant 48 : i32
      %sub3A_251 = vector.broadcast %sub3A_250 : i32 to vector<16xi32>
      %sub3A_252 = arith.subi %get3A_249, %sub3A_251 : vector<16xi32>
      %bitcast3A_253 = vector.bitcast %sub3A_252 : vector<16xi32> to vector<16xi32>
      %lt3A_254 = arith.constant 16 : i32
      %lt3A_255 = vector.broadcast %lt3A_254 : i32 to vector<16xi32>
      %lt3A_256 = arith.cmpi ult, %bitcast3A_253, %lt3A_255 : vector<16xi32>
      %sub3A_257 = arith.constant 0 : i32
      %sub3A_258 = vector.broadcast %sub3A_257 : i32 to vector<16xi32>
      %sub3A_259 = arith.subi %get3A_249, %sub3A_258 : vector<16xi32>
      tpu.vector_store_idx %arg7[%sub3A_259, %add3A_191], %broadcast_in_dim3A_8 masked %lt3A_256 : memref<208x128xf32, #tpu.memory_space<vmem>>[vector<16xi32>, vector<16xi32>], vector<16xf32>, vector<16xi1>
      %mul3A_260 = arith.constant 16 : i32
      %mul3A_261 = arith.muli %scan3A_187, %mul3A_260 : i32
      %add3A_262 = arith.constant 384 : i32
      %add3A_263 = arith.addi %add3A_262, %mul3A_261 : i32
      %get3A_264 = arith.constant 4 : i32
      %get3A_265 = arith.index_cast %get3A_264 : i32 to index
      %get3A_266 = arith.index_cast %add3A_263 : i32 to index
      %get3A_267 = tpu.vector_load %arg4[%get3A_265, %get3A_266] {strides = array<i32>} : memref<26x512xi32, #tpu.memory_space<vmem>>, vector<16xi32>,
      %sub3A_268 = arith.constant 64 : i32
      %sub3A_269 = vector.broadcast %sub3A_268 : i32 to vector<16xi32>
      %sub3A_270 = arith.subi %get3A_267, %sub3A_269 : vector<16xi32>
      %bitcast3A_271 = vector.bitcast %sub3A_270 : vector<16xi32> to vector<16xi32>
      %lt3A_272 = arith.constant 16 : i32
      %lt3A_273 = vector.broadcast %lt3A_272 : i32 to vector<16xi32>
      %lt3A_274 = arith.cmpi ult, %bitcast3A_271, %lt3A_273 : vector<16xi32>
      %sub3A_275 = arith.constant 0 : i32
      %sub3A_276 = vector.broadcast %sub3A_275 : i32 to vector<16xi32>
      %sub3A_277 = arith.subi %get3A_267, %sub3A_276 : vector<16xi32>
      tpu.vector_store_idx %arg7[%sub3A_277, %add3A_191], %broadcast_in_dim3A_8 masked %lt3A_274 : memref<208x128xf32, #tpu.memory_space<vmem>>[vector<16xi32>, vector<16xi32>], vector<16xf32>, vector<16xi1>
      %mul3A_278 = arith.constant 16 : i32
      %mul3A_279 = arith.muli %scan3A_187, %mul3A_278 : i32
      %add3A_280 = arith.constant 384 : i32
      %add3A_281 = arith.addi %add3A_280, %mul3A_279 : i32
      %get3A_282 = arith.constant 5 : i32
      %get3A_283 = arith.index_cast %get3A_282 : i32 to index
      %get3A_284 = arith.index_cast %add3A_281 : i32 to index
      %get3A_285 = tpu.vector_load %arg4[%get3A_283, %get3A_284] {strides = array<i32>} : memref<26x512xi32, #tpu.memory_space<vmem>>, vector<16xi32>,
      %sub3A_286 = arith.constant 80 : i32
      %sub3A_287 = vector.broadcast %sub3A_286 : i32 to vector<16xi32>
      %sub3A_288 = arith.subi %get3A_285, %sub3A_287 : vector<16xi32>
      %bitcast3A_289 = vector.bitcast %sub3A_288 : vector<16xi32> to vector<16xi32>
      %lt3A_290 = arith.constant 16 : i32
      %lt3A_291 = vector.broadcast %lt3A_290 : i32 to vector<16xi32>
      %lt3A_292 = arith.cmpi ult, %bitcast3A_289, %lt3A_291 : vector<16xi32>
      %sub3A_293 = arith.constant 0 : i32
      %sub3A_294 = vector.broadcast %sub3A_293 : i32 to vector<16xi32>
      %sub3A_295 = arith.subi %get3A_285, %sub3A_294 : vector<16xi32>
      tpu.vector_store_idx %arg7[%sub3A_295, %add3A_191], %broadcast_in_dim3A_8 masked %lt3A_292 : memref<208x128xf32, #tpu.memory_space<vmem>>[vector<16xi32>, vector<16xi32>], vector<16xf32>, vector<16xi1>
      %mul3A_296 = arith.constant 16 : i32
      %mul3A_297 = arith.muli %scan3A_187, %mul3A_296 : i32
      %add3A_298 = arith.constant 384 : i32
      %add3A_299 = arith.addi %add3A_298, %mul3A_297 : i32
      %get3A_300 = arith.constant 6 : i32
      %get3A_301 = arith.index_cast %get3A_300 : i32 to index
      %get3A_302 = arith.index_cast %add3A_299 : i32 to index
      %get3A_303 = tpu.vector_load %arg4[%get3A_301, %get3A_302] {strides = array<i32>} : memref<26x512xi32, #tpu.memory_space<vmem>>, vector<16xi32>,
      %sub3A_304 = arith.constant 96 : i32
      %sub3A_305 = vector.broadcast %sub3A_304 : i32 to vector<16xi32>
      %sub3A_306 = arith.subi %get3A_303, %sub3A_305 : vector<16xi32>
      %bitcast3A_307 = vector.bitcast %sub3A_306 : vector<16xi32> to vector<16xi32>
      %lt3A_308 = arith.constant 16 : i32
      %lt3A_309 = vector.broadcast %lt3A_308 : i32 to vector<16xi32>
      %lt3A_310 = arith.cmpi ult, %bitcast3A_307, %lt3A_309 : vector<16xi32>
      %sub3A_311 = arith.constant 0 : i32
      %sub3A_312 = vector.broadcast %sub3A_311 : i32 to vector<16xi32>
      %sub3A_313 = arith.subi %get3A_303, %sub3A_312 : vector<16xi32>
      tpu.vector_store_idx %arg7[%sub3A_313, %add3A_191], %broadcast_in_dim3A_8 masked %lt3A_310 : memref<208x128xf32, #tpu.memory_space<vmem>>[vector<16xi32>, vector<16xi32>], vector<16xf32>, vector<16xi1>
      %mul3A_314 = arith.constant 16 : i32
      %mul3A_315 = arith.muli %scan3A_187, %mul3A_314 : i32
      %add3A_316 = arith.constant 384 : i32
      %add3A_317 = arith.addi %add3A_316, %mul3A_315 : i32
      %get3A_318 = arith.constant 7 : i32
      %get3A_319 = arith.index_cast %get3A_318 : i32 to index
      %get3A_320 = arith.index_cast %add3A_317 : i32 to index
      %get3A_321 = tpu.vector_load %arg4[%get3A_319, %get3A_320] {strides = array<i32>} : memref<26x512xi32, #tpu.memory_space<vmem>>, vector<16xi32>,
      %sub3A_322 = arith.constant 112 : i32
      %sub3A_323 = vector.broadcast %sub3A_322 : i32 to vector<16xi32>
      %sub3A_324 = arith.subi %get3A_321, %sub3A_323 : vector<16xi32>
      %bitcast3A_325 = vector.bitcast %sub3A_324 : vector<16xi32> to vector<16xi32>
      %lt3A_326 = arith.constant 16 : i32
      %lt3A_327 = vector.broadcast %lt3A_326 : i32 to vector<16xi32>
      %lt3A_328 = arith.cmpi ult, %bitcast3A_325, %lt3A_327 : vector<16xi32>
      %sub3A_329 = arith.constant 0 : i32
      %sub3A_330 = vector.broadcast %sub3A_329 : i32 to vector<16xi32>
      %sub3A_331 = arith.subi %get3A_321, %sub3A_330 : vector<16xi32>
      tpu.vector_store_idx %arg7[%sub3A_331, %add3A_191], %broadcast_in_dim3A_8 masked %lt3A_328 : memref<208x128xf32, #tpu.memory_space<vmem>>[vector<16xi32>, vector<16xi32>], vector<16xf32>, vector<16xi1>
      %mul3A_332 = arith.constant 16 : i32
      %mul3A_333 = arith.muli %scan3A_187, %mul3A_332 : i32
      %add3A_334 = arith.constant 384 : i32
      %add3A_335 = arith.addi %add3A_334, %mul3A_333 : i32
      %get3A_336 = arith.constant 8 : i32
      %get3A_337 = arith.index_cast %get3A_336 : i32 to index
      %get3A_338 = arith.index_cast %add3A_335 : i32 to index
      %get3A_339 = tpu.vector_load %arg4[%get3A_337, %get3A_338] {strides = array<i32>} : memref<26x512xi32, #tpu.memory_space<vmem>>, vector<16xi32>,
      %sub3A_340 = arith.constant 128 : i32
      %sub3A_341 = vector.broadcast %sub3A_340 : i32 to vector<16xi32>
      %sub3A_342 = arith.subi %get3A_339, %sub3A_341 : vector<16xi32>
      %bitcast3A_343 = vector.bitcast %sub3A_342 : vector<16xi32> to vector<16xi32>
      %lt3A_344 = arith.constant 16 : i32
      %lt3A_345 = vector.broadcast %lt3A_344 : i32 to vector<16xi32>
      %lt3A_346 = arith.cmpi ult, %bitcast3A_343, %lt3A_345 : vector<16xi32>
      %sub3A_347 = arith.constant 0 : i32
      %sub3A_348 = vector.broadcast %sub3A_347 : i32 to vector<16xi32>
      %sub3A_349 = arith.subi %get3A_339, %sub3A_348 : vector<16xi32>
      tpu.vector_store_idx %arg7[%sub3A_349, %add3A_191], %broadcast_in_dim3A_8 masked %lt3A_346 : memref<208x128xf32, #tpu.memory_space<vmem>>[vector<16xi32>, vector<16xi32>], vector<16xf32>, vector<16xi1>
      %mul3A_350 = arith.constant 16 : i32
      %mul3A_351 = arith.muli %scan3A_187, %mul3A_350 : i32
      %add3A_352 = arith.constant 384 : i32
      %add3A_353 = arith.addi %add3A_352, %mul3A_351 : i32
      %get3A_354 = arith.constant 9 : i32
      %get3A_355 = arith.index_cast %get3A_354 : i32 to index
      %get3A_356 = arith.index_cast %add3A_353 : i32 to index
      %get3A_357 = tpu.vector_load %arg4[%get3A_355, %get3A_356] {strides = array<i32>} : memref<26x512xi32, #tpu.memory_space<vmem>>, vector<16xi32>,
      %sub3A_358 = arith.constant 144 : i32
      %sub3A_359 = vector.broadcast %sub3A_358 : i32 to vector<16xi32>
      %sub3A_360 = arith.subi %get3A_357, %sub3A_359 : vector<16xi32>
      %bitcast3A_361 = vector.bitcast %sub3A_360 : vector<16xi32> to vector<16xi32>
      %lt3A_362 = arith.constant 16 : i32
      %lt3A_363 = vector.broadcast %lt3A_362 : i32 to vector<16xi32>
      %lt3A_364 = arith.cmpi ult, %bitcast3A_361, %lt3A_363 : vector<16xi32>
      %sub3A_365 = arith.constant 0 : i32
      %sub3A_366 = vector.broadcast %sub3A_365 : i32 to vector<16xi32>
      %sub3A_367 = arith.subi %get3A_357, %sub3A_366 : vector<16xi32>
      tpu.vector_store_idx %arg7[%sub3A_367, %add3A_191], %broadcast_in_dim3A_8 masked %lt3A_364 : memref<208x128xf32, #tpu.memory_space<vmem>>[vector<16xi32>, vector<16xi32>], vector<16xf32>, vector<16xi1>
      %mul3A_368 = arith.constant 16 : i32
      %mul3A_369 = arith.muli %scan3A_187, %mul3A_368 : i32
      %add3A_370 = arith.constant 384 : i32
      %add3A_371 = arith.addi %add3A_370, %mul3A_369 : i32
      %get3A_372 = arith.constant 10 : i32
      %get3A_373 = arith.index_cast %get3A_372 : i32 to index
      %get3A_374 = arith.index_cast %add3A_371 : i32 to index
      %get3A_375 = tpu.vector_load %arg4[%get3A_373, %get3A_374] {strides = array<i32>} : memref<26x512xi32, #tpu.memory_space<vmem>>, vector<16xi32>,
      %sub3A_376 = arith.constant 160 : i32
      %sub3A_377 = vector.broadcast %sub3A_376 : i32 to vector<16xi32>
      %sub3A_378 = arith.subi %get3A_375, %sub3A_377 : vector<16xi32>
      %bitcast3A_379 = vector.bitcast %sub3A_378 : vector<16xi32> to vector<16xi32>
      %lt3A_380 = arith.constant 16 : i32
      %lt3A_381 = vector.broadcast %lt3A_380 : i32 to vector<16xi32>
      %lt3A_382 = arith.cmpi ult, %bitcast3A_379, %lt3A_381 : vector<16xi32>
      %sub3A_383 = arith.constant 0 : i32
      %sub3A_384 = vector.broadcast %sub3A_383 : i32 to vector<16xi32>
      %sub3A_385 = arith.subi %get3A_375, %sub3A_384 : vector<16xi32>
      tpu.vector_store_idx %arg7[%sub3A_385, %add3A_191], %broadcast_in_dim3A_8 masked %lt3A_382 : memref<208x128xf32, #tpu.memory_space<vmem>>[vector<16xi32>, vector<16xi32>], vector<16xf32>, vector<16xi1>
      %mul3A_386 = arith.constant 16 : i32
      %mul3A_387 = arith.muli %scan3A_187, %mul3A_386 : i32
      %add3A_388 = arith.constant 384 : i32
      %add3A_389 = arith.addi %add3A_388, %mul3A_387 : i32
      %get3A_390 = arith.constant 11 : i32
      %get3A_391 = arith.index_cast %get3A_390 : i32 to index
      %get3A_392 = arith.index_cast %add3A_389 : i32 to index
      %get3A_393 = tpu.vector_load %arg4[%get3A_391, %get3A_392] {strides = array<i32>} : memref<26x512xi32, #tpu.memory_space<vmem>>, vector<16xi32>,
      %sub3A_394 = arith.constant 176 : i32
      %sub3A_395 = vector.broadcast %sub3A_394 : i32 to vector<16xi32>
      %sub3A_396 = arith.subi %get3A_393, %sub3A_395 : vector<16xi32>
      %bitcast3A_397 = vector.bitcast %sub3A_396 : vector<16xi32> to vector<16xi32>
      %lt3A_398 = arith.constant 16 : i32
      %lt3A_399 = vector.broadcast %lt3A_398 : i32 to vector<16xi32>
      %lt3A_400 = arith.cmpi ult, %bitcast3A_397, %lt3A_399 : vector<16xi32>
      %sub3A_401 = arith.constant 0 : i32
      %sub3A_402 = vector.broadcast %sub3A_401 : i32 to vector<16xi32>
      %sub3A_403 = arith.subi %get3A_393, %sub3A_402 : vector<16xi32>
      tpu.vector_store_idx %arg7[%sub3A_403, %add3A_191], %broadcast_in_dim3A_8 masked %lt3A_400 : memref<208x128xf32, #tpu.memory_space<vmem>>[vector<16xi32>, vector<16xi32>], vector<16xf32>, vector<16xi1>
      %mul3A_404 = arith.constant 16 : i32
      %mul3A_405 = arith.muli %scan3A_187, %mul3A_404 : i32
      %add3A_406 = arith.constant 384 : i32
      %add3A_407 = arith.addi %add3A_406, %mul3A_405 : i32
      %get3A_408 = arith.constant 12 : i32
      %get3A_409 = arith.index_cast %get3A_408 : i32 to index
      %get3A_410 = arith.index_cast %add3A_407 : i32 to index
      %get3A_411 = tpu.vector_load %arg4[%get3A_409, %get3A_410] {strides = array<i32>} : memref<26x512xi32, #tpu.memory_space<vmem>>, vector<16xi32>,
      %sub3A_412 = arith.constant 192 : i32
      %sub3A_413 = vector.broadcast %sub3A_412 : i32 to vector<16xi32>
      %sub3A_414 = arith.subi %get3A_411, %sub3A_413 : vector<16xi32>
      %bitcast3A_415 = vector.bitcast %sub3A_414 : vector<16xi32> to vector<16xi32>
      %lt3A_416 = arith.constant 16 : i32
      %lt3A_417 = vector.broadcast %lt3A_416 : i32 to vector<16xi32>
      %lt3A_418 = arith.cmpi ult, %bitcast3A_415, %lt3A_417 : vector<16xi32>
      %sub3A_419 = arith.constant 0 : i32
      %sub3A_420 = vector.broadcast %sub3A_419 : i32 to vector<16xi32>
      %sub3A_421 = arith.subi %get3A_411, %sub3A_420 : vector<16xi32>
      tpu.vector_store_idx %arg7[%sub3A_421, %add3A_191], %broadcast_in_dim3A_8 masked %lt3A_418 : memref<208x128xf32, #tpu.memory_space<vmem>>[vector<16xi32>, vector<16xi32>], vector<16xf32>, vector<16xi1>
    }
    %scan3A_142 = arith.constant 8 : i32
    %add3A_143 = arith.constant 384 : i32
    %add3A_144 = arith.addi %mul3A_2, %add3A_143 : i32
    %dma_start3A_145 = arith.constant 0 : i32
    %dma_start3A_146 = tpu.memref_slice %arg3[%dma_start3A_145, %add3A_144] : memref<416x16384xf32, #tpu.memory_space<hbm>> -> memref<208x128xf32, #tpu.memory_space<hbm>>
    %dma_start3A_147 = arith.constant 0 : i32
    %dma_start3A_148 = tpu.memref_slice %arg3[%dma_start3A_147, %add3A_144] : memref<416x16384xf32, #tpu.memory_space<hbm>> -> memref<208x128xf32, #tpu.memory_space<hbm>>
    tpu.enqueue_dma source(%arg7 : memref<208x128xf32, #tpu.memory_space<vmem>>) target(%dma_start3A_148 : memref<208x128xf32, #tpu.memory_space<hbm>>) target_semaphore(%arg11 : memref<!tpu.dma_semaphore, #tpu.memory_space<semaphore_mem>>)
    %dma_wait3A_149 = arith.constant 208 : i32
    %dma_wait3A_150 = tpu.memref_slice %arg3[%dma_wait3A_149, %add3A_78] : memref<416x16384xf32, #tpu.memory_space<hbm>> -> memref<208x128xf32, #tpu.memory_space<hbm>>
    %dma_wait3A_151 = arith.constant 208 : i32
    %dma_wait3A_152 = tpu.memref_slice %arg3[%dma_wait3A_151, %add3A_78] : memref<416x16384xf32, #tpu.memory_space<hbm>> -> memref<208x128xf32, #tpu.memory_space<hbm>>
    tpu.wait_dma2 semaphore(%arg12 : memref<!tpu.dma_semaphore, #tpu.memory_space<semaphore_mem>>) src(%arg8 : memref<208x128xf32, #tpu.memory_space<vmem>>) dst(%dma_wait3A_152 : memref<208x128xf32, #tpu.memory_space<hbm>>)
    %scan3A_153 = arith.constant 0 : i32
    %scan3A_154 = arith.constant 0 : i32
    %scan3A_155 = arith.constant 8 : i32
    %scan3A_156 = arith.addi %scan3A_154, %scan3A_155 : i32
    %scan3A_157 = arith.constant 1 : i32
    scf.for %scan3A_187 = %scan3A_154 to %scan3A_156 step %scan3A_157  : i32 {
      %mul3A_188 = arith.constant 16 : i32
      %mul3A_189 = arith.muli %scan3A_187, %mul3A_188 : i32
      %add3A_190 = vector.broadcast %mul3A_189 : i32 to vector<16xi32>
      %add3A_191 = arith.addi %iota3A, %add3A_190 : vector<16xi32>
      %mul3A_192 = arith.constant 16 : i32
      %mul3A_193 = arith.muli %scan3A_187, %mul3A_192 : i32
      %add3A_194 = arith.constant 128 : i32
      %add3A_195 = arith.addi %add3A_194, %mul3A_193 : i32
      %get3A = arith.constant 13 : i32
      %get3A_196 = arith.index_cast %get3A : i32 to index
      %get3A_197 = arith.index_cast %add3A_195 : i32 to index
      %get3A_198 = tpu.vector_load %arg4[%get3A_196, %get3A_197] {strides = array<i32>} : memref<26x512xi32, #tpu.memory_space<vmem>>, vector<16xi32>,
      %sub3A = arith.constant 208 : i32
      %sub3A_199 = vector.broadcast %sub3A : i32 to vector<16xi32>
      %sub3A_200 = arith.subi %get3A_198, %sub3A_199 : vector<16xi32>
      %bitcast3A = vector.bitcast %sub3A_200 : vector<16xi32> to vector<16xi32>
      %lt3A = arith.constant 16 : i32
      %lt3A_201 = vector.broadcast %lt3A : i32 to vector<16xi32>
      %lt3A_202 = arith.cmpi ult, %bitcast3A, %lt3A_201 : vector<16xi32>
      %sub3A_203 = arith.constant 208 : i32
      %sub3A_204 = vector.broadcast %sub3A_203 : i32 to vector<16xi32>
      %sub3A_205 = arith.subi %get3A_198, %sub3A_204 : vector<16xi32>
      tpu.vector_store_idx %arg8[%sub3A_205, %add3A_191], %broadcast_in_dim3A_6 masked %lt3A_202 : memref<208x128xf32, #tpu.memory_space<vmem>>[vector<16xi32>, vector<16xi32>], vector<16xf32>, vector<16xi1>
      %mul3A_206 = arith.constant 16 : i32
      %mul3A_207 = arith.muli %scan3A_187, %mul3A_206 : i32
      %add3A_208 = arith.constant 128 : i32
      %add3A_209 = arith.addi %add3A_208, %mul3A_207 : i32
      %get3A_210 = arith.constant 14 : i32
      %get3A_211 = arith.index_cast %get3A_210 : i32 to index
      %get3A_212 = arith.index_cast %add3A_209 : i32 to index
      %get3A_213 = tpu.vector_load %arg4[%get3A_211, %get3A_212] {strides = array<i32>} : memref<26x512xi32, #tpu.memory_space<vmem>>, vector<16xi32>,
      %sub3A_214 = arith.constant 224 : i32
      %sub3A_215 = vector.broadcast %sub3A_214 : i32 to vector<16xi32>
      %sub3A_216 = arith.subi %get3A_213, %sub3A_215 : vector<16xi32>
      %bitcast3A_217 = vector.bitcast %sub3A_216 : vector<16xi32> to vector<16xi32>
      %lt3A_218 = arith.constant 16 : i32
      %lt3A_219 = vector.broadcast %lt3A_218 : i32 to vector<16xi32>
      %lt3A_220 = arith.cmpi ult, %bitcast3A_217, %lt3A_219 : vector<16xi32>
      %sub3A_221 = arith.constant 208 : i32
      %sub3A_222 = vector.broadcast %sub3A_221 : i32 to vector<16xi32>
      %sub3A_223 = arith.subi %get3A_213, %sub3A_222 : vector<16xi32>
      tpu.vector_store_idx %arg8[%sub3A_223, %add3A_191], %broadcast_in_dim3A_6 masked %lt3A_220 : memref<208x128xf32, #tpu.memory_space<vmem>>[vector<16xi32>, vector<16xi32>], vector<16xf32>, vector<16xi1>
      %mul3A_224 = arith.constant 16 : i32
      %mul3A_225 = arith.muli %scan3A_187, %mul3A_224 : i32
      %add3A_226 = arith.constant 128 : i32
      %add3A_227 = arith.addi %add3A_226, %mul3A_225 : i32
      %get3A_228 = arith.constant 15 : i32
      %get3A_229 = arith.index_cast %get3A_228 : i32 to index
      %get3A_230 = arith.index_cast %add3A_227 : i32 to index
      %get3A_231 = tpu.vector_load %arg4[%get3A_229, %get3A_230] {strides = array<i32>} : memref<26x512xi32, #tpu.memory_space<vmem>>, vector<16xi32>,
      %sub3A_232 = arith.constant 240 : i32
      %sub3A_233 = vector.broadcast %sub3A_232 : i32 to vector<16xi32>
      %sub3A_234 = arith.subi %get3A_231, %sub3A_233 : vector<16xi32>
      %bitcast3A_235 = vector.bitcast %sub3A_234 : vector<16xi32> to vector<16xi32>
      %lt3A_236 = arith.constant 16 : i32
      %lt3A_237 = vector.broadcast %lt3A_236 : i32 to vector<16xi32>
      %lt3A_238 = arith.cmpi ult, %bitcast3A_235, %lt3A_237 : vector<16xi32>
      %sub3A_239 = arith.constant 208 : i32
      %sub3A_240 = vector.broadcast %sub3A_239 : i32 to vector<16xi32>
      %sub3A_241 = arith.subi %get3A_231, %sub3A_240 : vector<16xi32>
      tpu.vector_store_idx %arg8[%sub3A_241, %add3A_191], %broadcast_in_dim3A_6 masked %lt3A_238 : memref<208x128xf32, #tpu.memory_space<vmem>>[vector<16xi32>, vector<16xi32>], vector<16xf32>, vector<16xi1>
      %mul3A_242 = arith.constant 16 : i32
      %mul3A_243 = arith.muli %scan3A_187, %mul3A_242 : i32
      %add3A_244 = arith.constant 128 : i32
      %add3A_245 = arith.addi %add3A_244, %mul3A_243 : i32
      %get3A_246 = arith.constant 16 : i32
      %get3A_247 = arith.index_cast %get3A_246 : i32 to index
      %get3A_248 = arith.index_cast %add3A_245 : i32 to index
      %get3A_249 = tpu.vector_load %arg4[%get3A_247, %get3A_248] {strides = array<i32>} : memref<26x512xi32, #tpu.memory_space<vmem>>, vector<16xi32>,
      %sub3A_250 = arith.constant 256 : i32
      %sub3A_251 = vector.broadcast %sub3A_250 : i32 to vector<16xi32>
      %sub3A_252 = arith.subi %get3A_249, %sub3A_251 : vector<16xi32>
      %bitcast3A_253 = vector.bitcast %sub3A_252 : vector<16xi32> to vector<16xi32>
      %lt3A_254 = arith.constant 16 : i32
      %lt3A_255 = vector.broadcast %lt3A_254 : i32 to vector<16xi32>
      %lt3A_256 = arith.cmpi ult, %bitcast3A_253, %lt3A_255 : vector<16xi32>
      %sub3A_257 = arith.constant 208 : i32
      %sub3A_258 = vector.broadcast %sub3A_257 : i32 to vector<16xi32>
      %sub3A_259 = arith.subi %get3A_249, %sub3A_258 : vector<16xi32>
      tpu.vector_store_idx %arg8[%sub3A_259, %add3A_191], %broadcast_in_dim3A_6 masked %lt3A_256 : memref<208x128xf32, #tpu.memory_space<vmem>>[vector<16xi32>, vector<16xi32>], vector<16xf32>, vector<16xi1>
      %mul3A_260 = arith.constant 16 : i32
      %mul3A_261 = arith.muli %scan3A_187, %mul3A_260 : i32
      %add3A_262 = arith.constant 128 : i32
      %add3A_263 = arith.addi %add3A_262, %mul3A_261 : i32
      %get3A_264 = arith.constant 17 : i32
      %get3A_265 = arith.index_cast %get3A_264 : i32 to index
      %get3A_266 = arith.index_cast %add3A_263 : i32 to index
      %get3A_267 = tpu.vector_load %arg4[%get3A_265, %get3A_266] {strides = array<i32>} : memref<26x512xi32, #tpu.memory_space<vmem>>, vector<16xi32>,
      %sub3A_268 = arith.constant 272 : i32
      %sub3A_269 = vector.broadcast %sub3A_268 : i32 to vector<16xi32>
      %sub3A_270 = arith.subi %get3A_267, %sub3A_269 : vector<16xi32>
      %bitcast3A_271 = vector.bitcast %sub3A_270 : vector<16xi32> to vector<16xi32>
      %lt3A_272 = arith.constant 16 : i32
      %lt3A_273 = vector.broadcast %lt3A_272 : i32 to vector<16xi32>
      %lt3A_274 = arith.cmpi ult, %bitcast3A_271, %lt3A_273 : vector<16xi32>
      %sub3A_275 = arith.constant 208 : i32
      %sub3A_276 = vector.broadcast %sub3A_275 : i32 to vector<16xi32>
      %sub3A_277 = arith.subi %get3A_267, %sub3A_276 : vector<16xi32>
      tpu.vector_store_idx %arg8[%sub3A_277, %add3A_191], %broadcast_in_dim3A_6 masked %lt3A_274 : memref<208x128xf32, #tpu.memory_space<vmem>>[vector<16xi32>, vector<16xi32>], vector<16xf32>, vector<16xi1>
      %mul3A_278 = arith.constant 16 : i32
      %mul3A_279 = arith.muli %scan3A_187, %mul3A_278 : i32
      %add3A_280 = arith.constant 128 : i32
      %add3A_281 = arith.addi %add3A_280, %mul3A_279 : i32
      %get3A_282 = arith.constant 18 : i32
      %get3A_283 = arith.index_cast %get3A_282 : i32 to index
      %get3A_284 = arith.index_cast %add3A_281 : i32 to index
      %get3A_285 = tpu.vector_load %arg4[%get3A_283, %get3A_284] {strides = array<i32>} : memref<26x512xi32, #tpu.memory_space<vmem>>, vector<16xi32>,
      %sub3A_286 = arith.constant 288 : i32
      %sub3A_287 = vector.broadcast %sub3A_286 : i32 to vector<16xi32>
      %sub3A_288 = arith.subi %get3A_285, %sub3A_287 : vector<16xi32>
      %bitcast3A_289 = vector.bitcast %sub3A_288 : vector<16xi32> to vector<16xi32>
      %lt3A_290 = arith.constant 16 : i32
      %lt3A_291 = vector.broadcast %lt3A_290 : i32 to vector<16xi32>
      %lt3A_292 = arith.cmpi ult, %bitcast3A_289, %lt3A_291 : vector<16xi32>
      %sub3A_293 = arith.constant 208 : i32
      %sub3A_294 = vector.broadcast %sub3A_293 : i32 to vector<16xi32>
      %sub3A_295 = arith.subi %get3A_285, %sub3A_294 : vector<16xi32>
      tpu.vector_store_idx %arg8[%sub3A_295, %add3A_191], %broadcast_in_dim3A_6 masked %lt3A_292 : memref<208x128xf32, #tpu.memory_space<vmem>>[vector<16xi32>, vector<16xi32>], vector<16xf32>, vector<16xi1>
      %mul3A_296 = arith.constant 16 : i32
      %mul3A_297 = arith.muli %scan3A_187, %mul3A_296 : i32
      %add3A_298 = arith.constant 128 : i32
      %add3A_299 = arith.addi %add3A_298, %mul3A_297 : i32
      %get3A_300 = arith.constant 19 : i32
      %get3A_301 = arith.index_cast %get3A_300 : i32 to index
      %get3A_302 = arith.index_cast %add3A_299 : i32 to index
      %get3A_303 = tpu.vector_load %arg4[%get3A_301, %get3A_302] {strides = array<i32>} : memref<26x512xi32, #tpu.memory_space<vmem>>, vector<16xi32>,
      %sub3A_304 = arith.constant 304 : i32
      %sub3A_305 = vector.broadcast %sub3A_304 : i32 to vector<16xi32>
      %sub3A_306 = arith.subi %get3A_303, %sub3A_305 : vector<16xi32>
      %bitcast3A_307 = vector.bitcast %sub3A_306 : vector<16xi32> to vector<16xi32>
      %lt3A_308 = arith.constant 16 : i32
      %lt3A_309 = vector.broadcast %lt3A_308 : i32 to vector<16xi32>
      %lt3A_310 = arith.cmpi ult, %bitcast3A_307, %lt3A_309 : vector<16xi32>
      %sub3A_311 = arith.constant 208 : i32
      %sub3A_312 = vector.broadcast %sub3A_311 : i32 to vector<16xi32>
      %sub3A_313 = arith.subi %get3A_303, %sub3A_312 : vector<16xi32>
      tpu.vector_store_idx %arg8[%sub3A_313, %add3A_191], %broadcast_in_dim3A_6 masked %lt3A_310 : memref<208x128xf32, #tpu.memory_space<vmem>>[vector<16xi32>, vector<16xi32>], vector<16xf32>, vector<16xi1>
      %mul3A_314 = arith.constant 16 : i32
      %mul3A_315 = arith.muli %scan3A_187, %mul3A_314 : i32
      %add3A_316 = arith.constant 128 : i32
      %add3A_317 = arith.addi %add3A_316, %mul3A_315 : i32
      %get3A_318 = arith.constant 20 : i32
      %get3A_319 = arith.index_cast %get3A_318 : i32 to index
      %get3A_320 = arith.index_cast %add3A_317 : i32 to index
      %get3A_321 = tpu.vector_load %arg4[%get3A_319, %get3A_320] {strides = array<i32>} : memref<26x512xi32, #tpu.memory_space<vmem>>, vector<16xi32>,
      %sub3A_322 = arith.constant 320 : i32
      %sub3A_323 = vector.broadcast %sub3A_322 : i32 to vector<16xi32>
      %sub3A_324 = arith.subi %get3A_321, %sub3A_323 : vector<16xi32>
      %bitcast3A_325 = vector.bitcast %sub3A_324 : vector<16xi32> to vector<16xi32>
      %lt3A_326 = arith.constant 16 : i32
      %lt3A_327 = vector.broadcast %lt3A_326 : i32 to vector<16xi32>
      %lt3A_328 = arith.cmpi ult, %bitcast3A_325, %lt3A_327 : vector<16xi32>
      %sub3A_329 = arith.constant 208 : i32
      %sub3A_330 = vector.broadcast %sub3A_329 : i32 to vector<16xi32>
      %sub3A_331 = arith.subi %get3A_321, %sub3A_330 : vector<16xi32>
      tpu.vector_store_idx %arg8[%sub3A_331, %add3A_191], %broadcast_in_dim3A_6 masked %lt3A_328 : memref<208x128xf32, #tpu.memory_space<vmem>>[vector<16xi32>, vector<16xi32>], vector<16xf32>, vector<16xi1>
      %mul3A_332 = arith.constant 16 : i32
      %mul3A_333 = arith.muli %scan3A_187, %mul3A_332 : i32
      %add3A_334 = arith.constant 128 : i32
      %add3A_335 = arith.addi %add3A_334, %mul3A_333 : i32
      %get3A_336 = arith.constant 21 : i32
      %get3A_337 = arith.index_cast %get3A_336 : i32 to index
      %get3A_338 = arith.index_cast %add3A_335 : i32 to index
      %get3A_339 = tpu.vector_load %arg4[%get3A_337, %get3A_338] {strides = array<i32>} : memref<26x512xi32, #tpu.memory_space<vmem>>, vector<16xi32>,
      %sub3A_340 = arith.constant 336 : i32
      %sub3A_341 = vector.broadcast %sub3A_340 : i32 to vector<16xi32>
      %sub3A_342 = arith.subi %get3A_339, %sub3A_341 : vector<16xi32>
      %bitcast3A_343 = vector.bitcast %sub3A_342 : vector<16xi32> to vector<16xi32>
      %lt3A_344 = arith.constant 16 : i32
      %lt3A_345 = vector.broadcast %lt3A_344 : i32 to vector<16xi32>
      %lt3A_346 = arith.cmpi ult, %bitcast3A_343, %lt3A_345 : vector<16xi32>
      %sub3A_347 = arith.constant 208 : i32
      %sub3A_348 = vector.broadcast %sub3A_347 : i32 to vector<16xi32>
      %sub3A_349 = arith.subi %get3A_339, %sub3A_348 : vector<16xi32>
      tpu.vector_store_idx %arg8[%sub3A_349, %add3A_191], %broadcast_in_dim3A_6 masked %lt3A_346 : memref<208x128xf32, #tpu.memory_space<vmem>>[vector<16xi32>, vector<16xi32>], vector<16xf32>, vector<16xi1>
      %mul3A_350 = arith.constant 16 : i32
      %mul3A_351 = arith.muli %scan3A_187, %mul3A_350 : i32
      %add3A_352 = arith.constant 128 : i32
      %add3A_353 = arith.addi %add3A_352, %mul3A_351 : i32
      %get3A_354 = arith.constant 22 : i32
      %get3A_355 = arith.index_cast %get3A_354 : i32 to index
      %get3A_356 = arith.index_cast %add3A_353 : i32 to index
      %get3A_357 = tpu.vector_load %arg4[%get3A_355, %get3A_356] {strides = array<i32>} : memref<26x512xi32, #tpu.memory_space<vmem>>, vector<16xi32>,
      %sub3A_358 = arith.constant 352 : i32
      %sub3A_359 = vector.broadcast %sub3A_358 : i32 to vector<16xi32>
      %sub3A_360 = arith.subi %get3A_357, %sub3A_359 : vector<16xi32>
      %bitcast3A_361 = vector.bitcast %sub3A_360 : vector<16xi32> to vector<16xi32>
      %lt3A_362 = arith.constant 16 : i32
      %lt3A_363 = vector.broadcast %lt3A_362 : i32 to vector<16xi32>
      %lt3A_364 = arith.cmpi ult, %bitcast3A_361, %lt3A_363 : vector<16xi32>
      %sub3A_365 = arith.constant 208 : i32
      %sub3A_366 = vector.broadcast %sub3A_365 : i32 to vector<16xi32>
      %sub3A_367 = arith.subi %get3A_357, %sub3A_366 : vector<16xi32>
      tpu.vector_store_idx %arg8[%sub3A_367, %add3A_191], %broadcast_in_dim3A_6 masked %lt3A_364 : memref<208x128xf32, #tpu.memory_space<vmem>>[vector<16xi32>, vector<16xi32>], vector<16xf32>, vector<16xi1>
      %mul3A_368 = arith.constant 16 : i32
      %mul3A_369 = arith.muli %scan3A_187, %mul3A_368 : i32
      %add3A_370 = arith.constant 128 : i32
      %add3A_371 = arith.addi %add3A_370, %mul3A_369 : i32
      %get3A_372 = arith.constant 23 : i32
      %get3A_373 = arith.index_cast %get3A_372 : i32 to index
      %get3A_374 = arith.index_cast %add3A_371 : i32 to index
      %get3A_375 = tpu.vector_load %arg4[%get3A_373, %get3A_374] {strides = array<i32>} : memref<26x512xi32, #tpu.memory_space<vmem>>, vector<16xi32>,
      %sub3A_376 = arith.constant 368 : i32
      %sub3A_377 = vector.broadcast %sub3A_376 : i32 to vector<16xi32>
      %sub3A_378 = arith.subi %get3A_375, %sub3A_377 : vector<16xi32>
      %bitcast3A_379 = vector.bitcast %sub3A_378 : vector<16xi32> to vector<16xi32>
      %lt3A_380 = arith.constant 16 : i32
      %lt3A_381 = vector.broadcast %lt3A_380 : i32 to vector<16xi32>
      %lt3A_382 = arith.cmpi ult, %bitcast3A_379, %lt3A_381 : vector<16xi32>
      %sub3A_383 = arith.constant 208 : i32
      %sub3A_384 = vector.broadcast %sub3A_383 : i32 to vector<16xi32>
      %sub3A_385 = arith.subi %get3A_375, %sub3A_384 : vector<16xi32>
      tpu.vector_store_idx %arg8[%sub3A_385, %add3A_191], %broadcast_in_dim3A_6 masked %lt3A_382 : memref<208x128xf32, #tpu.memory_space<vmem>>[vector<16xi32>, vector<16xi32>], vector<16xf32>, vector<16xi1>
      %mul3A_386 = arith.constant 16 : i32
      %mul3A_387 = arith.muli %scan3A_187, %mul3A_386 : i32
      %add3A_388 = arith.constant 128 : i32
      %add3A_389 = arith.addi %add3A_388, %mul3A_387 : i32
      %get3A_390 = arith.constant 24 : i32
      %get3A_391 = arith.index_cast %get3A_390 : i32 to index
      %get3A_392 = arith.index_cast %add3A_389 : i32 to index
      %get3A_393 = tpu.vector_load %arg4[%get3A_391, %get3A_392] {strides = array<i32>} : memref<26x512xi32, #tpu.memory_space<vmem>>, vector<16xi32>,
      %sub3A_394 = arith.constant 384 : i32
      %sub3A_395 = vector.broadcast %sub3A_394 : i32 to vector<16xi32>
      %sub3A_396 = arith.subi %get3A_393, %sub3A_395 : vector<16xi32>
      %bitcast3A_397 = vector.bitcast %sub3A_396 : vector<16xi32> to vector<16xi32>
      %lt3A_398 = arith.constant 16 : i32
      %lt3A_399 = vector.broadcast %lt3A_398 : i32 to vector<16xi32>
      %lt3A_400 = arith.cmpi ult, %bitcast3A_397, %lt3A_399 : vector<16xi32>
      %sub3A_401 = arith.constant 208 : i32
      %sub3A_402 = vector.broadcast %sub3A_401 : i32 to vector<16xi32>
      %sub3A_403 = arith.subi %get3A_393, %sub3A_402 : vector<16xi32>
      tpu.vector_store_idx %arg8[%sub3A_403, %add3A_191], %broadcast_in_dim3A_6 masked %lt3A_400 : memref<208x128xf32, #tpu.memory_space<vmem>>[vector<16xi32>, vector<16xi32>], vector<16xf32>, vector<16xi1>
      %mul3A_404 = arith.constant 16 : i32
      %mul3A_405 = arith.muli %scan3A_187, %mul3A_404 : i32
      %add3A_406 = arith.constant 128 : i32
      %add3A_407 = arith.addi %add3A_406, %mul3A_405 : i32
      %get3A_408 = arith.constant 25 : i32
      %get3A_409 = arith.index_cast %get3A_408 : i32 to index
      %get3A_410 = arith.index_cast %add3A_407 : i32 to index
      %get3A_411 = tpu.vector_load %arg4[%get3A_409, %get3A_410] {strides = array<i32>} : memref<26x512xi32, #tpu.memory_space<vmem>>, vector<16xi32>,
      %sub3A_412 = arith.constant 400 : i32
      %sub3A_413 = vector.broadcast %sub3A_412 : i32 to vector<16xi32>
      %sub3A_414 = arith.subi %get3A_411, %sub3A_413 : vector<16xi32>
      %bitcast3A_415 = vector.bitcast %sub3A_414 : vector<16xi32> to vector<16xi32>
      %lt3A_416 = arith.constant 16 : i32
      %lt3A_417 = vector.broadcast %lt3A_416 : i32 to vector<16xi32>
      %lt3A_418 = arith.cmpi ult, %bitcast3A_415, %lt3A_417 : vector<16xi32>
      %sub3A_419 = arith.constant 208 : i32
      %sub3A_420 = vector.broadcast %sub3A_419 : i32 to vector<16xi32>
      %sub3A_421 = arith.subi %get3A_411, %sub3A_420 : vector<16xi32>
      tpu.vector_store_idx %arg8[%sub3A_421, %add3A_191], %broadcast_in_dim3A_6 masked %lt3A_418 : memref<208x128xf32, #tpu.memory_space<vmem>>[vector<16xi32>, vector<16xi32>], vector<16xf32>, vector<16xi1>
    }
    %scan3A_158 = arith.constant 8 : i32
    %scan3A_159 = arith.constant 0 : i32
    %scan3A_160 = arith.constant 0 : i32
    %scan3A_161 = arith.constant 8 : i32
    %scan3A_162 = arith.addi %scan3A_160, %scan3A_161 : i32
    %scan3A_163 = arith.constant 1 : i32
    scf.for %scan3A_187 = %scan3A_160 to %scan3A_162 step %scan3A_163  : i32 {
      %mul3A_188 = arith.constant 16 : i32
      %mul3A_189 = arith.muli %scan3A_187, %mul3A_188 : i32
      %add3A_190 = vector.broadcast %mul3A_189 : i32 to vector<16xi32>
      %add3A_191 = arith.addi %iota3A, %add3A_190 : vector<16xi32>
      %mul3A_192 = arith.constant 16 : i32
      %mul3A_193 = arith.muli %scan3A_187, %mul3A_192 : i32
      %add3A_194 = arith.constant 384 : i32
      %add3A_195 = arith.addi %add3A_194, %mul3A_193 : i32
      %get3A = arith.constant 13 : i32
      %get3A_196 = arith.index_cast %get3A : i32 to index
      %get3A_197 = arith.index_cast %add3A_195 : i32 to index
      %get3A_198 = tpu.vector_load %arg4[%get3A_196, %get3A_197] {strides = array<i32>} : memref<26x512xi32, #tpu.memory_space<vmem>>, vector<16xi32>,
      %sub3A = arith.constant 208 : i32
      %sub3A_199 = vector.broadcast %sub3A : i32 to vector<16xi32>
      %sub3A_200 = arith.subi %get3A_198, %sub3A_199 : vector<16xi32>
      %bitcast3A = vector.bitcast %sub3A_200 : vector<16xi32> to vector<16xi32>
      %lt3A = arith.constant 16 : i32
      %lt3A_201 = vector.broadcast %lt3A : i32 to vector<16xi32>
      %lt3A_202 = arith.cmpi ult, %bitcast3A, %lt3A_201 : vector<16xi32>
      %sub3A_203 = arith.constant 208 : i32
      %sub3A_204 = vector.broadcast %sub3A_203 : i32 to vector<16xi32>
      %sub3A_205 = arith.subi %get3A_198, %sub3A_204 : vector<16xi32>
      tpu.vector_store_idx %arg8[%sub3A_205, %add3A_191], %broadcast_in_dim3A_8 masked %lt3A_202 : memref<208x128xf32, #tpu.memory_space<vmem>>[vector<16xi32>, vector<16xi32>], vector<16xf32>, vector<16xi1>
      %mul3A_206 = arith.constant 16 : i32
      %mul3A_207 = arith.muli %scan3A_187, %mul3A_206 : i32
      %add3A_208 = arith.constant 384 : i32
      %add3A_209 = arith.addi %add3A_208, %mul3A_207 : i32
      %get3A_210 = arith.constant 14 : i32
      %get3A_211 = arith.index_cast %get3A_210 : i32 to index
      %get3A_212 = arith.index_cast %add3A_209 : i32 to index
      %get3A_213 = tpu.vector_load %arg4[%get3A_211, %get3A_212] {strides = array<i32>} : memref<26x512xi32, #tpu.memory_space<vmem>>, vector<16xi32>,
      %sub3A_214 = arith.constant 224 : i32
      %sub3A_215 = vector.broadcast %sub3A_214 : i32 to vector<16xi32>
      %sub3A_216 = arith.subi %get3A_213, %sub3A_215 : vector<16xi32>
      %bitcast3A_217 = vector.bitcast %sub3A_216 : vector<16xi32> to vector<16xi32>
      %lt3A_218 = arith.constant 16 : i32
      %lt3A_219 = vector.broadcast %lt3A_218 : i32 to vector<16xi32>
      %lt3A_220 = arith.cmpi ult, %bitcast3A_217, %lt3A_219 : vector<16xi32>
      %sub3A_221 = arith.constant 208 : i32
      %sub3A_222 = vector.broadcast %sub3A_221 : i32 to vector<16xi32>
      %sub3A_223 = arith.subi %get3A_213, %sub3A_222 : vector<16xi32>
      tpu.vector_store_idx %arg8[%sub3A_223, %add3A_191], %broadcast_in_dim3A_8 masked %lt3A_220 : memref<208x128xf32, #tpu.memory_space<vmem>>[vector<16xi32>, vector<16xi32>], vector<16xf32>, vector<16xi1>
      %mul3A_224 = arith.constant 16 : i32
      %mul3A_225 = arith.muli %scan3A_187, %mul3A_224 : i32
      %add3A_226 = arith.constant 384 : i32
      %add3A_227 = arith.addi %add3A_226, %mul3A_225 : i32
      %get3A_228 = arith.constant 15 : i32
      %get3A_229 = arith.index_cast %get3A_228 : i32 to index
      %get3A_230 = arith.index_cast %add3A_227 : i32 to index
      %get3A_231 = tpu.vector_load %arg4[%get3A_229, %get3A_230] {strides = array<i32>} : memref<26x512xi32, #tpu.memory_space<vmem>>, vector<16xi32>,
      %sub3A_232 = arith.constant 240 : i32
      %sub3A_233 = vector.broadcast %sub3A_232 : i32 to vector<16xi32>
      %sub3A_234 = arith.subi %get3A_231, %sub3A_233 : vector<16xi32>
      %bitcast3A_235 = vector.bitcast %sub3A_234 : vector<16xi32> to vector<16xi32>
      %lt3A_236 = arith.constant 16 : i32
      %lt3A_237 = vector.broadcast %lt3A_236 : i32 to vector<16xi32>
      %lt3A_238 = arith.cmpi ult, %bitcast3A_235, %lt3A_237 : vector<16xi32>
      %sub3A_239 = arith.constant 208 : i32
      %sub3A_240 = vector.broadcast %sub3A_239 : i32 to vector<16xi32>
      %sub3A_241 = arith.subi %get3A_231, %sub3A_240 : vector<16xi32>
      tpu.vector_store_idx %arg8[%sub3A_241, %add3A_191], %broadcast_in_dim3A_8 masked %lt3A_238 : memref<208x128xf32, #tpu.memory_space<vmem>>[vector<16xi32>, vector<16xi32>], vector<16xf32>, vector<16xi1>
      %mul3A_242 = arith.constant 16 : i32
      %mul3A_243 = arith.muli %scan3A_187, %mul3A_242 : i32
      %add3A_244 = arith.constant 384 : i32
      %add3A_245 = arith.addi %add3A_244, %mul3A_243 : i32
      %get3A_246 = arith.constant 16 : i32
      %get3A_247 = arith.index_cast %get3A_246 : i32 to index
      %get3A_248 = arith.index_cast %add3A_245 : i32 to index
      %get3A_249 = tpu.vector_load %arg4[%get3A_247, %get3A_248] {strides = array<i32>} : memref<26x512xi32, #tpu.memory_space<vmem>>, vector<16xi32>,
      %sub3A_250 = arith.constant 256 : i32
      %sub3A_251 = vector.broadcast %sub3A_250 : i32 to vector<16xi32>
      %sub3A_252 = arith.subi %get3A_249, %sub3A_251 : vector<16xi32>
      %bitcast3A_253 = vector.bitcast %sub3A_252 : vector<16xi32> to vector<16xi32>
      %lt3A_254 = arith.constant 16 : i32
      %lt3A_255 = vector.broadcast %lt3A_254 : i32 to vector<16xi32>
      %lt3A_256 = arith.cmpi ult, %bitcast3A_253, %lt3A_255 : vector<16xi32>
      %sub3A_257 = arith.constant 208 : i32
      %sub3A_258 = vector.broadcast %sub3A_257 : i32 to vector<16xi32>
      %sub3A_259 = arith.subi %get3A_249, %sub3A_258 : vector<16xi32>
      tpu.vector_store_idx %arg8[%sub3A_259, %add3A_191], %broadcast_in_dim3A_8 masked %lt3A_256 : memref<208x128xf32, #tpu.memory_space<vmem>>[vector<16xi32>, vector<16xi32>], vector<16xf32>, vector<16xi1>
      %mul3A_260 = arith.constant 16 : i32
      %mul3A_261 = arith.muli %scan3A_187, %mul3A_260 : i32
      %add3A_262 = arith.constant 384 : i32
      %add3A_263 = arith.addi %add3A_262, %mul3A_261 : i32
      %get3A_264 = arith.constant 17 : i32
      %get3A_265 = arith.index_cast %get3A_264 : i32 to index
      %get3A_266 = arith.index_cast %add3A_263 : i32 to index
      %get3A_267 = tpu.vector_load %arg4[%get3A_265, %get3A_266] {strides = array<i32>} : memref<26x512xi32, #tpu.memory_space<vmem>>, vector<16xi32>,
      %sub3A_268 = arith.constant 272 : i32
      %sub3A_269 = vector.broadcast %sub3A_268 : i32 to vector<16xi32>
      %sub3A_270 = arith.subi %get3A_267, %sub3A_269 : vector<16xi32>
      %bitcast3A_271 = vector.bitcast %sub3A_270 : vector<16xi32> to vector<16xi32>
      %lt3A_272 = arith.constant 16 : i32
      %lt3A_273 = vector.broadcast %lt3A_272 : i32 to vector<16xi32>
      %lt3A_274 = arith.cmpi ult, %bitcast3A_271, %lt3A_273 : vector<16xi32>
      %sub3A_275 = arith.constant 208 : i32
      %sub3A_276 = vector.broadcast %sub3A_275 : i32 to vector<16xi32>
      %sub3A_277 = arith.subi %get3A_267, %sub3A_276 : vector<16xi32>
      tpu.vector_store_idx %arg8[%sub3A_277, %add3A_191], %broadcast_in_dim3A_8 masked %lt3A_274 : memref<208x128xf32, #tpu.memory_space<vmem>>[vector<16xi32>, vector<16xi32>], vector<16xf32>, vector<16xi1>
      %mul3A_278 = arith.constant 16 : i32
      %mul3A_279 = arith.muli %scan3A_187, %mul3A_278 : i32
      %add3A_280 = arith.constant 384 : i32
      %add3A_281 = arith.addi %add3A_280, %mul3A_279 : i32
      %get3A_282 = arith.constant 18 : i32
      %get3A_283 = arith.index_cast %get3A_282 : i32 to index
      %get3A_284 = arith.index_cast %add3A_281 : i32 to index
      %get3A_285 = tpu.vector_load %arg4[%get3A_283, %get3A_284] {strides = array<i32>} : memref<26x512xi32, #tpu.memory_space<vmem>>, vector<16xi32>,
      %sub3A_286 = arith.constant 288 : i32
      %sub3A_287 = vector.broadcast %sub3A_286 : i32 to vector<16xi32>
      %sub3A_288 = arith.subi %get3A_285, %sub3A_287 : vector<16xi32>
      %bitcast3A_289 = vector.bitcast %sub3A_288 : vector<16xi32> to vector<16xi32>
      %lt3A_290 = arith.constant 16 : i32
      %lt3A_291 = vector.broadcast %lt3A_290 : i32 to vector<16xi32>
      %lt3A_292 = arith.cmpi ult, %bitcast3A_289, %lt3A_291 : vector<16xi32>
      %sub3A_293 = arith.constant 208 : i32
      %sub3A_294 = vector.broadcast %sub3A_293 : i32 to vector<16xi32>
      %sub3A_295 = arith.subi %get3A_285, %sub3A_294 : vector<16xi32>
      tpu.vector_store_idx %arg8[%sub3A_295, %add3A_191], %broadcast_in_dim3A_8 masked %lt3A_292 : memref<208x128xf32, #tpu.memory_space<vmem>>[vector<16xi32>, vector<16xi32>], vector<16xf32>, vector<16xi1>
      %mul3A_296 = arith.constant 16 : i32
      %mul3A_297 = arith.muli %scan3A_187, %mul3A_296 : i32
      %add3A_298 = arith.constant 384 : i32
      %add3A_299 = arith.addi %add3A_298, %mul3A_297 : i32
      %get3A_300 = arith.constant 19 : i32
      %get3A_301 = arith.index_cast %get3A_300 : i32 to index
      %get3A_302 = arith.index_cast %add3A_299 : i32 to index
      %get3A_303 = tpu.vector_load %arg4[%get3A_301, %get3A_302] {strides = array<i32>} : memref<26x512xi32, #tpu.memory_space<vmem>>, vector<16xi32>,
      %sub3A_304 = arith.constant 304 : i32
      %sub3A_305 = vector.broadcast %sub3A_304 : i32 to vector<16xi32>
      %sub3A_306 = arith.subi %get3A_303, %sub3A_305 : vector<16xi32>
      %bitcast3A_307 = vector.bitcast %sub3A_306 : vector<16xi32> to vector<16xi32>
      %lt3A_308 = arith.constant 16 : i32
      %lt3A_309 = vector.broadcast %lt3A_308 : i32 to vector<16xi32>
      %lt3A_310 = arith.cmpi ult, %bitcast3A_307, %lt3A_309 : vector<16xi32>
      %sub3A_311 = arith.constant 208 : i32
      %sub3A_312 = vector.broadcast %sub3A_311 : i32 to vector<16xi32>
      %sub3A_313 = arith.subi %get3A_303, %sub3A_312 : vector<16xi32>
      tpu.vector_store_idx %arg8[%sub3A_313, %add3A_191], %broadcast_in_dim3A_8 masked %lt3A_310 : memref<208x128xf32, #tpu.memory_space<vmem>>[vector<16xi32>, vector<16xi32>], vector<16xf32>, vector<16xi1>
      %mul3A_314 = arith.constant 16 : i32
      %mul3A_315 = arith.muli %scan3A_187, %mul3A_314 : i32
      %add3A_316 = arith.constant 384 : i32
      %add3A_317 = arith.addi %add3A_316, %mul3A_315 : i32
      %get3A_318 = arith.constant 20 : i32
      %get3A_319 = arith.index_cast %get3A_318 : i32 to index
      %get3A_320 = arith.index_cast %add3A_317 : i32 to index
      %get3A_321 = tpu.vector_load %arg4[%get3A_319, %get3A_320] {strides = array<i32>} : memref<26x512xi32, #tpu.memory_space<vmem>>, vector<16xi32>,
      %sub3A_322 = arith.constant 320 : i32
      %sub3A_323 = vector.broadcast %sub3A_322 : i32 to vector<16xi32>
      %sub3A_324 = arith.subi %get3A_321, %sub3A_323 : vector<16xi32>
      %bitcast3A_325 = vector.bitcast %sub3A_324 : vector<16xi32> to vector<16xi32>
      %lt3A_326 = arith.constant 16 : i32
      %lt3A_327 = vector.broadcast %lt3A_326 : i32 to vector<16xi32>
      %lt3A_328 = arith.cmpi ult, %bitcast3A_325, %lt3A_327 : vector<16xi32>
      %sub3A_329 = arith.constant 208 : i32
      %sub3A_330 = vector.broadcast %sub3A_329 : i32 to vector<16xi32>
      %sub3A_331 = arith.subi %get3A_321, %sub3A_330 : vector<16xi32>
      tpu.vector_store_idx %arg8[%sub3A_331, %add3A_191], %broadcast_in_dim3A_8 masked %lt3A_328 : memref<208x128xf32, #tpu.memory_space<vmem>>[vector<16xi32>, vector<16xi32>], vector<16xf32>, vector<16xi1>
      %mul3A_332 = arith.constant 16 : i32
      %mul3A_333 = arith.muli %scan3A_187, %mul3A_332 : i32
      %add3A_334 = arith.constant 384 : i32
      %add3A_335 = arith.addi %add3A_334, %mul3A_333 : i32
      %get3A_336 = arith.constant 21 : i32
      %get3A_337 = arith.index_cast %get3A_336 : i32 to index
      %get3A_338 = arith.index_cast %add3A_335 : i32 to index
      %get3A_339 = tpu.vector_load %arg4[%get3A_337, %get3A_338] {strides = array<i32>} : memref<26x512xi32, #tpu.memory_space<vmem>>, vector<16xi32>,
      %sub3A_340 = arith.constant 336 : i32
      %sub3A_341 = vector.broadcast %sub3A_340 : i32 to vector<16xi32>
      %sub3A_342 = arith.subi %get3A_339, %sub3A_341 : vector<16xi32>
      %bitcast3A_343 = vector.bitcast %sub3A_342 : vector<16xi32> to vector<16xi32>
      %lt3A_344 = arith.constant 16 : i32
      %lt3A_345 = vector.broadcast %lt3A_344 : i32 to vector<16xi32>
      %lt3A_346 = arith.cmpi ult, %bitcast3A_343, %lt3A_345 : vector<16xi32>
      %sub3A_347 = arith.constant 208 : i32
      %sub3A_348 = vector.broadcast %sub3A_347 : i32 to vector<16xi32>
      %sub3A_349 = arith.subi %get3A_339, %sub3A_348 : vector<16xi32>
      tpu.vector_store_idx %arg8[%sub3A_349, %add3A_191], %broadcast_in_dim3A_8 masked %lt3A_346 : memref<208x128xf32, #tpu.memory_space<vmem>>[vector<16xi32>, vector<16xi32>], vector<16xf32>, vector<16xi1>
      %mul3A_350 = arith.constant 16 : i32
      %mul3A_351 = arith.muli %scan3A_187, %mul3A_350 : i32
      %add3A_352 = arith.constant 384 : i32
      %add3A_353 = arith.addi %add3A_352, %mul3A_351 : i32
      %get3A_354 = arith.constant 22 : i32
      %get3A_355 = arith.index_cast %get3A_354 : i32 to index
      %get3A_356 = arith.index_cast %add3A_353 : i32 to index
      %get3A_357 = tpu.vector_load %arg4[%get3A_355, %get3A_356] {strides = array<i32>} : memref<26x512xi32, #tpu.memory_space<vmem>>, vector<16xi32>,
      %sub3A_358 = arith.constant 352 : i32
      %sub3A_359 = vector.broadcast %sub3A_358 : i32 to vector<16xi32>
      %sub3A_360 = arith.subi %get3A_357, %sub3A_359 : vector<16xi32>
      %bitcast3A_361 = vector.bitcast %sub3A_360 : vector<16xi32> to vector<16xi32>
      %lt3A_362 = arith.constant 16 : i32
      %lt3A_363 = vector.broadcast %lt3A_362 : i32 to vector<16xi32>
      %lt3A_364 = arith.cmpi ult, %bitcast3A_361, %lt3A_363 : vector<16xi32>
      %sub3A_365 = arith.constant 208 : i32
      %sub3A_366 = vector.broadcast %sub3A_365 : i32 to vector<16xi32>
      %sub3A_367 = arith.subi %get3A_357, %sub3A_366 : vector<16xi32>
      tpu.vector_store_idx %arg8[%sub3A_367, %add3A_191], %broadcast_in_dim3A_8 masked %lt3A_364 : memref<208x128xf32, #tpu.memory_space<vmem>>[vector<16xi32>, vector<16xi32>], vector<16xf32>, vector<16xi1>
      %mul3A_368 = arith.constant 16 : i32
      %mul3A_369 = arith.muli %scan3A_187, %mul3A_368 : i32
      %add3A_370 = arith.constant 384 : i32
      %add3A_371 = arith.addi %add3A_370, %mul3A_369 : i32
      %get3A_372 = arith.constant 23 : i32
      %get3A_373 = arith.index_cast %get3A_372 : i32 to index
      %get3A_374 = arith.index_cast %add3A_371 : i32 to index
      %get3A_375 = tpu.vector_load %arg4[%get3A_373, %get3A_374] {strides = array<i32>} : memref<26x512xi32, #tpu.memory_space<vmem>>, vector<16xi32>,
      %sub3A_376 = arith.constant 368 : i32
      %sub3A_377 = vector.broadcast %sub3A_376 : i32 to vector<16xi32>
      %sub3A_378 = arith.subi %get3A_375, %sub3A_377 : vector<16xi32>
      %bitcast3A_379 = vector.bitcast %sub3A_378 : vector<16xi32> to vector<16xi32>
      %lt3A_380 = arith.constant 16 : i32
      %lt3A_381 = vector.broadcast %lt3A_380 : i32 to vector<16xi32>
      %lt3A_382 = arith.cmpi ult, %bitcast3A_379, %lt3A_381 : vector<16xi32>
      %sub3A_383 = arith.constant 208 : i32
      %sub3A_384 = vector.broadcast %sub3A_383 : i32 to vector<16xi32>
      %sub3A_385 = arith.subi %get3A_375, %sub3A_384 : vector<16xi32>
      tpu.vector_store_idx %arg8[%sub3A_385, %add3A_191], %broadcast_in_dim3A_8 masked %lt3A_382 : memref<208x128xf32, #tpu.memory_space<vmem>>[vector<16xi32>, vector<16xi32>], vector<16xf32>, vector<16xi1>
      %mul3A_386 = arith.constant 16 : i32
      %mul3A_387 = arith.muli %scan3A_187, %mul3A_386 : i32
      %add3A_388 = arith.constant 384 : i32
      %add3A_389 = arith.addi %add3A_388, %mul3A_387 : i32
      %get3A_390 = arith.constant 24 : i32
      %get3A_391 = arith.index_cast %get3A_390 : i32 to index
      %get3A_392 = arith.index_cast %add3A_389 : i32 to index
      %get3A_393 = tpu.vector_load %arg4[%get3A_391, %get3A_392] {strides = array<i32>} : memref<26x512xi32, #tpu.memory_space<vmem>>, vector<16xi32>,
      %sub3A_394 = arith.constant 384 : i32
      %sub3A_395 = vector.broadcast %sub3A_394 : i32 to vector<16xi32>
      %sub3A_396 = arith.subi %get3A_393, %sub3A_395 : vector<16xi32>
      %bitcast3A_397 = vector.bitcast %sub3A_396 : vector<16xi32> to vector<16xi32>
      %lt3A_398 = arith.constant 16 : i32
      %lt3A_399 = vector.broadcast %lt3A_398 : i32 to vector<16xi32>
      %lt3A_400 = arith.cmpi ult, %bitcast3A_397, %lt3A_399 : vector<16xi32>
      %sub3A_401 = arith.constant 208 : i32
      %sub3A_402 = vector.broadcast %sub3A_401 : i32 to vector<16xi32>
      %sub3A_403 = arith.subi %get3A_393, %sub3A_402 : vector<16xi32>
      tpu.vector_store_idx %arg8[%sub3A_403, %add3A_191], %broadcast_in_dim3A_8 masked %lt3A_400 : memref<208x128xf32, #tpu.memory_space<vmem>>[vector<16xi32>, vector<16xi32>], vector<16xf32>, vector<16xi1>
      %mul3A_404 = arith.constant 16 : i32
      %mul3A_405 = arith.muli %scan3A_187, %mul3A_404 : i32
      %add3A_406 = arith.constant 384 : i32
      %add3A_407 = arith.addi %add3A_406, %mul3A_405 : i32
      %get3A_408 = arith.constant 25 : i32
      %get3A_409 = arith.index_cast %get3A_408 : i32 to index
      %get3A_410 = arith.index_cast %add3A_407 : i32 to index
      %get3A_411 = tpu.vector_load %arg4[%get3A_409, %get3A_410] {strides = array<i32>} : memref<26x512xi32, #tpu.memory_space<vmem>>, vector<16xi32>,
      %sub3A_412 = arith.constant 400 : i32
      %sub3A_413 = vector.broadcast %sub3A_412 : i32 to vector<16xi32>
      %sub3A_414 = arith.subi %get3A_411, %sub3A_413 : vector<16xi32>
      %bitcast3A_415 = vector.bitcast %sub3A_414 : vector<16xi32> to vector<16xi32>
      %lt3A_416 = arith.constant 16 : i32
      %lt3A_417 = vector.broadcast %lt3A_416 : i32 to vector<16xi32>
      %lt3A_418 = arith.cmpi ult, %bitcast3A_415, %lt3A_417 : vector<16xi32>
      %sub3A_419 = arith.constant 208 : i32
      %sub3A_420 = vector.broadcast %sub3A_419 : i32 to vector<16xi32>
      %sub3A_421 = arith.subi %get3A_411, %sub3A_420 : vector<16xi32>
      tpu.vector_store_idx %arg8[%sub3A_421, %add3A_191], %broadcast_in_dim3A_8 masked %lt3A_418 : memref<208x128xf32, #tpu.memory_space<vmem>>[vector<16xi32>, vector<16xi32>], vector<16xf32>, vector<16xi1>
    }
    %scan3A_164 = arith.constant 8 : i32
    %add3A_165 = arith.constant 384 : i32
    %add3A_166 = arith.addi %mul3A_2, %add3A_165 : i32
    %dma_start3A_167 = arith.constant 208 : i32
    %dma_start3A_168 = tpu.memref_slice %arg3[%dma_start3A_167, %add3A_166] : memref<416x16384xf32, #tpu.memory_space<hbm>> -> memref<208x128xf32, #tpu.memory_space<hbm>>
    %dma_start3A_169 = arith.constant 208 : i32
    %dma_start3A_170 = tpu.memref_slice %arg3[%dma_start3A_169, %add3A_166] : memref<416x16384xf32, #tpu.memory_space<hbm>> -> memref<208x128xf32, #tpu.memory_space<hbm>>
    tpu.enqueue_dma source(%arg8 : memref<208x128xf32, #tpu.memory_space<vmem>>) target(%dma_start3A_170 : memref<208x128xf32, #tpu.memory_space<hbm>>) target_semaphore(%arg12 : memref<!tpu.dma_semaphore, #tpu.memory_space<semaphore_mem>>)
    %dma_wait3A_171 = arith.constant 0 : i32
    %dma_wait3A_172 = tpu.memref_slice %arg3[%dma_wait3A_171, %add3A_100] : memref<416x16384xf32, #tpu.memory_space<hbm>> -> memref<208x128xf32, #tpu.memory_space<hbm>>
    %dma_wait3A_173 = arith.constant 0 : i32
    %dma_wait3A_174 = tpu.memref_slice %arg3[%dma_wait3A_173, %add3A_100] : memref<416x16384xf32, #tpu.memory_space<hbm>> -> memref<208x128xf32, #tpu.memory_space<hbm>>
    tpu.wait_dma2 semaphore(%arg9 : memref<!tpu.dma_semaphore, #tpu.memory_space<semaphore_mem>>) src(%arg5 : memref<208x128xf32, #tpu.memory_space<vmem>>) dst(%dma_wait3A_174 : memref<208x128xf32, #tpu.memory_space<hbm>>)
    %dma_wait3A_175 = arith.constant 208 : i32
    %dma_wait3A_176 = tpu.memref_slice %arg3[%dma_wait3A_175, %add3A_122] : memref<416x16384xf32, #tpu.memory_space<hbm>> -> memref<208x128xf32, #tpu.memory_space<hbm>>
    %dma_wait3A_177 = arith.constant 208 : i32
    %dma_wait3A_178 = tpu.memref_slice %arg3[%dma_wait3A_177, %add3A_122] : memref<416x16384xf32, #tpu.memory_space<hbm>> -> memref<208x128xf32, #tpu.memory_space<hbm>>
    tpu.wait_dma2 semaphore(%arg10 : memref<!tpu.dma_semaphore, #tpu.memory_space<semaphore_mem>>) src(%arg6 : memref<208x128xf32, #tpu.memory_space<vmem>>) dst(%dma_wait3A_178 : memref<208x128xf32, #tpu.memory_space<hbm>>)
    %dma_wait3A_179 = arith.constant 0 : i32
    %dma_wait3A_180 = tpu.memref_slice %arg3[%dma_wait3A_179, %add3A_144] : memref<416x16384xf32, #tpu.memory_space<hbm>> -> memref<208x128xf32, #tpu.memory_space<hbm>>
    %dma_wait3A_181 = arith.constant 0 : i32
    %dma_wait3A_182 = tpu.memref_slice %arg3[%dma_wait3A_181, %add3A_144] : memref<416x16384xf32, #tpu.memory_space<hbm>> -> memref<208x128xf32, #tpu.memory_space<hbm>>
    tpu.wait_dma2 semaphore(%arg11 : memref<!tpu.dma_semaphore, #tpu.memory_space<semaphore_mem>>) src(%arg7 : memref<208x128xf32, #tpu.memory_space<vmem>>) dst(%dma_wait3A_182 : memref<208x128xf32, #tpu.memory_space<hbm>>)
    %dma_wait3A_183 = arith.constant 208 : i32
    %dma_wait3A_184 = tpu.memref_slice %arg3[%dma_wait3A_183, %add3A_166] : memref<416x16384xf32, #tpu.memory_space<hbm>> -> memref<208x128xf32, #tpu.memory_space<hbm>>
    %dma_wait3A_185 = arith.constant 208 : i32
    %dma_wait3A_186 = tpu.memref_slice %arg3[%dma_wait3A_185, %add3A_166] : memref<416x16384xf32, #tpu.memory_space<hbm>> -> memref<208x128xf32, #tpu.memory_space<hbm>>
    tpu.wait_dma2 semaphore(%arg12 : memref<!tpu.dma_semaphore, #tpu.memory_space<semaphore_mem>>) src(%arg8 : memref<208x128xf32, #tpu.memory_space<vmem>>) dst(%dma_wait3A_186 : memref<208x128xf32, #tpu.memory_space<hbm>>)
    return
  }
}

</mosaic_0001>

<sc_bundles>
// kernel: _run.3.cloned.1.call-start
scs
__scs_entry_jumppad:
0x0: {  	(pc) =	sbr.rel $0x88, $3  }
0x1: {  	(tag) =	ssettag $0x0;
	lr =	simm.s32 $0x1  }
0x2: {  	[smem:$0x3FA0] =	sst lr;
	_ =	strace $0xD0000000  }
0x3: {  	_ = 	snop  }
0x4: {  	_ = 	snop  }
0x5: {  	_ = 	snop  }
0x6: {  	_ = 	snop  }
0x7: {  	_ = 	snop  }
__scs_overlays_trampoline_lowered:
0x8: {  	[smem:$0x3FAF] =	sst s0  }
0x9: {  	[smem:$0x3FB0] =	sst s1  }
0xa: {  	[smem:$0x3FB1] =	sst s2  }
0xb: {  	[smem:$0x3FB2] =	sst s3  }
0xc: {  	[smem:$0x3FB3] =	sst s4  }
0xd: {  	[smem:$0x3FB4] =	sst s5  }
0xe: {  	[smem:$0x3FB5] =	sst s6  }
0xf: {  	[smem:$0x3FB6] =	sst s7  }
0x10: {  	[smem:$0x3FB7] =	sst s8  }
0x11: {  	[smem:$0x3FB8] =	sst s9;
	s0 =	simm.s32 @!p0 $0x0  }
0x12: {  	s1 =	sld [smem:$0x3F9E];
	s0 =	simm.s32 @p0 $0x1  }
0x13: {  	[smem:$0x3FB9] =	sst s0;
	s0 =	simm.s32 @!p1 $0x0  }
0x14: {  	s2 =	sld [smem:$0x3F9D];
	s0 =	simm.s32 @p1 $0x1  }
0x15: {  	[smem:$0x3FBA] =	sst s0;
	s0 =	simm.s32 @!p2 $0x0  }
0x16: {  	s3 =	sld [smem:$0x3FDB];
	s0 =	simm.s32 @p2 $0x1  }
0x17: {  	s4 =	simm.s32 $0x1BF5;
	[smem:$0x3FBC] =	sst s0  }
0x18: {  	s0 =	sld [smem:$0x3F9F];
	_ =	swait.ge [sflag:s4], $0x0  }
0x19: {  	s7 =	sld [smem:$0x3FA0]  }
0x1a: {  	s8 =	sadd.s32 $0xFFFFE003, lr  }
0x1b: {  	s9 =	sadd.s32 $0xFFFFFEF7, lr;
	s5 =	simm.s32 $0xFFFFFFFF;
	p2 =	slt.u32 s8, $0xFFFFF086  }
0x1c: {  	p1 =	slt.u32 s9, $0xF7A;
	s5 =	simm.s32 @!p2 $0x0  }
0x1d: {  	s5 =	simm.s32 @p1 $0x1;
	p0 =	seq.s32 s7, s2  }
0x1e: {  	s7 =	smul.u32 @!p0 $0xF7A, s2;
	p2 =	seq.s32 @!p0 s5, $0x0  }
0x1f: {  	s9 =	smul.u32 $0xF7A, s1;
	s8 =	simm.s32 @!p0 $0x1BF5;
	p2 =	por !p2, p0  }
0x20: {  	[sflag:s8] =	ssyncset.s32 @!p0 $0xFFFFF086;
	s6 =	sadd.s32 @!p0 s3, s7;
	s7 =	simm.s32 @!p0 $0x108  }
0x21: {  	s3 =	sadd.s32 s3, s9;
	s6 =	sadd.s32 @!p0 $0x88, s6;
	s7 =	simm.s32 @p2 $0x1082  }
0x22: {  	[simem:s7], [sflag:s8] =	dma.local @!p0 [hbm:s6], $0xF7A  }
0x23: {  	s9 =	sor.u32 $0xD0000000, s2;
	s6 =	simm.s32 $0x108;
	_ =	swait.ge @!p0 [sflag:s8], $0x0  }
0x24: {  	s3 =	sadd.s32 $0x88, s3;
	s6 =	simm.s32 @!p1 $0x1082;
	[sflag:s4] =	ssyncset.s32 $0xFFFFF086  }
0x25: {  	[simem:s6], [sflag:s4] =	dma.local [hbm:s3], $0xF7A  }
0x26: {  	[smem:$0x3FA0] =	sst s1;
	(tag) =	ssettag s2;
	_ =	strace s9  }
0x27: {  	s1 =	sld [smem:$0x3FB0]  }
0x28: {  	s2 =	sld [smem:$0x3FB1]  }
0x29: {  	s4 =	sld [smem:$0x3FB3]  }
0x2a: {  	p0 =	seq.s32 s5, $0x0;
	s5 =	sld [smem:$0x3FB4]  }
0x2b: {  	s6 =	sld [smem:$0x3FB5]  }
0x2c: {  	s7 =	sld [smem:$0x3FB6]  }
0x2d: {  	s3 =	simm.s32 $0x108;
	s8 =	sld [smem:$0x3FB7]  }
0x2e: {  	s3 =	simm.s32 @!p0 $0x1082;
	s9 =	sld [smem:$0x3FB8]  }
0x2f: {  	lr =	sadd.s32 s0, s3;
	s0 =	sld [smem:$0x3FAF]  }
0x30: {  	s3 =	sld [smem:$0x3FB2]  }
0x31: {  	[smem:$0x3FBB] =	sst s10  }
0x32: {  	s10 =	sld [smem:$0x3FB9];
	_ =	sdelay $0x3  }
0x33: {  	p0 =	seq.s32 s10, $0x1;
	s10 =	sld [smem:$0x3FBB];
	_ =	sdelay $0x3  }
0x34: {  	[smem:$0x3FBB] =	sst s10  }
0x35: {  	s10 =	sld [smem:$0x3FBA];
	_ =	sdelay $0x3  }
0x36: {  	p1 =	seq.s32 s10, $0x1;
	s10 =	sld [smem:$0x3FBB];
	_ =	sdelay $0x3  }
0x37: {  	[smem:$0x3FBB] =	sst s10  }
0x38: {  	s10 =	sld [smem:$0x3FBC]  }
0x39: {  	_ = 	snop;
	(pc) =	sbr.ind lr, $3  }
0x3a: {  	_ = 	snop  }
0x3b: {  	_ = 	snop  }
0x3c: {  	p2 =	seq.s32 s10, $0x1;
	s10 =	sld [smem:$0x3FBB]  }
0x3d: {  	_ =	shalt  }
0x3e: {  	_ =	shalt  }
0x3f: {  	_ =	shalt  }
0x40: {  	_ =	shalt  }
0x41: {  	_ =	shalt  }
0x42: {  	_ =	shalt  }
0x43: {  	_ =	shalt  }
0x44: {  	_ =	shalt  }
0x45: {  	_ =	shalt  }
0x46: {  	_ =	shalt  }
0x47: {  	_ =	shalt  }
0x48: {  	_ =	shalt  }
0x49: {  	_ =	shalt  }
0x4a: {  	_ =	shalt  }
0x4b: {  	_ =	shalt  }
0x4c: {  	_ =	shalt  }
0x4d: {  	_ =	shalt  }
0x4e: {  	_ =	shalt  }
0x4f: {  	_ =	shalt  }
0x50: {  	_ =	shalt  }
0x51: {  	_ =	shalt  }
0x52: {  	_ =	shalt  }
0x53: {  	_ =	shalt  }
0x54: {  	_ =	shalt  }
0x55: {  	_ =	shalt  }
0x56: {  	_ =	shalt  }
0x57: {  	_ =	shalt  }
0x58: {  	_ =	shalt  }
0x59: {  	_ =	shalt  }
0x5a: {  	_ =	shalt  }
0x5b: {  	_ =	shalt  }
0x5c: {  	_ =	shalt  }
0x5d: {  	_ =	shalt  }
0x5e: {  	_ =	shalt  }
0x5f: {  	_ =	shalt  }
0x60: {  	_ =	shalt  }
0x61: {  	_ =	shalt  }
0x62: {  	_ =	shalt  }
0x63: {  	_ =	shalt  }
0x64: {  	_ =	shalt  }
0x65: {  	_ =	shalt  }
0x66: {  	_ =	shalt  }
0x67: {  	_ =	shalt  }
0x68: {  	_ =	shalt  }
0x69: {  	_ =	shalt  }
0x6a: {  	_ =	shalt  }
0x6b: {  	_ =	shalt  }
0x6c: {  	_ =	shalt  }
0x6d: {  	_ =	shalt  }
0x6e: {  	_ =	shalt  }
0x6f: {  	_ =	shalt  }
0x70: {  	_ =	shalt  }
0x71: {  	_ =	shalt  }
0x72: {  	_ =	shalt  }
0x73: {  	_ =	shalt  }
0x74: {  	_ =	shalt  }
0x75: {  	_ =	shalt  }
0x76: {  	_ =	shalt  }
0x77: {  	_ =	shalt  }
0x78: {  	_ =	shalt  }
0x79: {  	_ =	shalt  }
0x7a: {  	_ =	shalt  }
0x7b: {  	_ =	shalt  }
0x7c: {  	_ =	shalt  }
0x7d: {  	_ =	shalt  }
0x7e: {  	_ =	shalt  }
0x7f: {  	_ =	shalt  }
0x80: {  	_ =	shalt  }
0x81: {  	_ =	shalt  }
0x82: {  	_ =	shalt  }
0x83: {  	_ =	shalt  }
0x84: {  	_ =	shalt  }
0x85: {  	_ =	shalt  }
0x86: {  	_ =	shalt  }
0x87: {  	_ =	shalt  }
.Lfunc_end0:
.L_simem_size_0:
called_computation_lowered:
.L_overlay_start_0:
0x88: {  	s2 =	sld [smem:$0x3FD9]  }
0x89: {  	s3 =	sld [smem:$0x3FFE];
	_ =	sdelay $0x1  }
0x8a: {  	s1 =	srdreg.scid  }
0x8b: {  	s0 =	sand.u32 $0x1, s1  }
0x8c: {  	s18 =	sshll.u32 s0, $0xA;
	s2 =	sadd.s32 s3, s2  }
0x8d: {  	s2 =	sadd.s32 s2, s18  }
0x8e: {  	[smem:$0x3FC7] =	sst s2  }
0x8f: {  	_ = 	snop  }
0x90: {  	s2 =	sld [smem:$0x3FC9]  }
0x91: {  	s19 =	sld [smem:$0x3FD0];
	(tm) =	ssettm $0x1  }
0x92: {  	s4 =	sld [smem:$0x3FFB];
	_ =	sdelay $0x3  }
0x93: {  	_ =	strace s4  }
0x94: {  	s4 =	sld [smem:$0x3FFC];
	_ =	sdelay $0x3  }
0x95: {  	_ =	strace s4  }
0x96: {  	s4 =	sld [smem:$0x3FFD];
	_ =	sdelay $0x3  }
0x97: {  	_ =	strace s4  }
0x98: {  	_ =	strace $0x8FFFFFFF  }
0x99: {  	s20 =	sld [smem:$0x3FDB];
	_ =	sdelay $0x1  }
0x9a: {  	s5 =	simm.s32 $_scs_section_size  }
0x9b: {  	s6 =	simm.s32 $_size__tile_overlayer_lowered;
	s7 =	simm.s32 $_tile_overlayer_lowered  }
0x9c: {  	s23 =	simm.s32 $0x1BFF;
	s22 =	sshll.u32 s7, $0x1;
	s4 =	sadd.s32 s5, s20  }
0x9d: {  	s8 =	simm.s32 $0x0;
	s21 =	sshll.u32 s6, $0x1;
	s6 =	sadd.s32 s22, s4  }
0x9e: {  	[timem:s8], [sflag:s23] =	dma.local [hbm:s6], s21  }
0x9f: {  	_ =	swait.ge [sflag:s23], s21  }
0xa0: {  	s5 =	ssub.s32 $0x0, s21;
	[sflag:s23] =	ssyncset.done $0x0  }
0xa1: {  	[sflag:s23] =	ssyncadd.s32 s5;
	_ =	sdelay $0x1  }
0xa2: {  	s24 =	simm.s32 $0x1B8B  }
0xa3: {  	_ =	swait.ge [sflag:s24], $0x1  }
0xa4: {  	[sflag:s24] =	ssyncset.done $0x0  }
0xa5: {  	s25 =	simm.s32 $0x1B8E;
	[sflag:s24] =	ssyncadd.s32 $0xFFFFFFFF  }
0xa6: {  	s26 =	simm.s32 $execute0_lowered;
	[smem:$0x3FD2] =	sst s25  }
0xa7: {  	s5 =	sshll.u32 s26, $0x1;
	_ =	strace $0x80000046;
	[dreg:$0x1] =	wrdreg $0xFFFFFFFF  }
0xa8: {  	s28 =	simm.s32 $_size_execute0_lowered;
	s4 =	sadd.s32 s4, s5;
	[dreg:$0x0] =	wrdreg $0x0  }
0xa9: {  	s5 =	sshll.u32 s28, $0x1;
	[dreg:$0x2] =	wrdreg s4  }
0xaa: {  	[dreg:$0x3] =	wrdreg s5  }
0xab: {  	[dreg:$0x4] =	wrdreg $0xC0  }
0xac: {  	_ =	task [dreg:s8], $0x5FFFF  }
0xad: {  	[dreg:$0x1] =	wrdreg $0xFFFFFFFF  }
0xae: {  	[dreg:$0x0] =	wrdreg $0x60  }
0xaf: {  	[dreg:$0x2] =	wrdreg s2  }
0xb0: {  	[dreg:$0x3] =	wrdreg s19  }
0xb1: {  	[dreg:$0x4] =	wrdreg $0x9  }
0xb2: {  	_ =	task.clear_ibuf [dreg:s8], $0x5FFFF;
	_ =	strace $0x90000046  }
0xb3: {  	s29 =	simm.s32 $0x9;
	_ =	strace $0x80000048  }
0xb4: {  	_ =	swait.ge [sflag:s29], $0x1  }
0xb5: {  	[sflag:s29] =	ssyncadd.s32 $0xFFFFFFFF  }
0xb6: {  	_ =	strace $0x90000048  }
0xb7: {  	_ =	sfence  }
0xb8: {  	s30 =	sld [smem:$0x0];
	_ =	sdelay $0x2  }
0xb9: {  	s31 =	sshll.u32 s1, $0xD;
	s1 =	sshrl.u32 s1, $0x2  }
0xba: {  	s3 =	sand.u32 $0x4000, s31;
	s1 =	sadd.s32 s1, s30  }
0xbb: {  	s0 =	sor.u32 s3, s0;
	s1 =	sshll.u32 s1, $0x11  }
0xbc: {  	s0 =	sor.u32 s1, s0  }
0xbd: {  	s0 =	sadd.s32 $0x8F2B, s0  }
0xbe: {  	[sflag:s0] =	ssyncadd.remote.s32 $0x1  }
0xbf: {  	_ =	sfence.sel $0xFFFF  }
0xc0: {  	[dreg:$0x0] =	wrdreg $0xFFFFFFFF;
	(pc) =	sbr.abs _section_cstart, $3  }
0xc1: {  	[dreg:$0x1] =	wrdreg $0xFFFFFFFF  }
0xc2: {  	_ =	task.clear_ibuf [dreg:s8], $0x2FFFF;
	_ =	strace $0x9FFFFFFF  }
0xc3: {  	(tm) =	ssettm $0x7FFFFFFF  }
tec
execute0_lowered:
.L_overlay_start_1:
0x0: {  	(tag) =	ssettag $0x1  }
0x1: {  	s3 =	rddreg [dreg:$0x0]  }
0x2: {  	s4 =	rddreg [dreg:$0x1]  }
0x3: {  	s0 =	rddreg [dreg:$0x2];
	s2 =	simm.s32 $0x0;
	s5 =	srdreg.scid  }
0x4: {  	s1 =	stileid.u32;
	s13 =	simm.s32 $0x1000;
	s14 =	simm.s32 $0x20000  }
0x5: {  	s15 =	simm.s32 $0x5;
	s16 =	simm.s32 $0x4000;
	s17 =	simm.s32 $0x400  }
0x6: {  	s18 =	simm.s32 $0xA800;
	s19 =	simm.s32 $0x11000;
	s20 =	simm.s32 $0x17800  }
0x7: {  	s21 =	simm.s32 $0x1;
	s22 =	simm.s32 $0x2;
	s23 =	simm.s32 $0x3  }
0x8: {  	s24 =	simm.s32 $0x4;
	s25 =	simm.s32 $0x0;
	s5 =	sand.u32 $0x1, s5  }
0x9: {  	s7 =	sshll.u32 s1, $0xA;
	s6 =	ssub.s32 $0x2, s5;
	s5 =	sshll.u32 s5, $0x9  }
0xa: {  	[smem:$0x7FF] =	sst s2;
	s8 =	sshrl.u32 s6, $0x1;
	s5 =	sor.u32 s5, s7  }
0xb: {  	_ =	strace $0x80000047;
	s12 =	ssub.s32 s6, s8;
	s4 =	sadd.s32 s4, s5  }
0xc: {  	s3 =	sadd.s32 s3, s5;
	s5 =	sadd.s32 $0x68000, s4;
	s6 =	sadd.s32 $0x80, s4  }
0xd: {  	s7 =	sadd.s32 $0x68080, s4;
	s8 =	sadd.s32 $0x100, s4;
	s9 =	sadd.s32 $0x68100, s4  }
0xe: {  	v0 =	vimm.f32 $0.0e+00;
	v1 =	vlaneseq.u32;
	v2 =	vimm.f32 $1.000000000e+00;
	s10 =	sadd.s32 $0x180, s4;
	s11 =	sadd.s32 $0x68180, s4;
	s12 =	smax.u32 s12, $0x1  }
.LBB2_1:
0xf: {  	[tilespmem:s2], [sflag:$0x5] =	stream.strided.gather [hbm4b:s3+s13], $0x4000, s14, s13, $0x38;
	[tilespmem:$0x1E000] =	vst v63  }
0x10: {  	s26 =	simm.s32 $0x0;
	s28 =	simm.s32 $0x1000  }
.LBB2_2:
0x11: {  	p0 =	sne.s32 s28, $0x19000;
	[tilespmem:s26+$0x43F0] =	vst v0  }
0x12: {  	[tilespmem:s26+$0x4000] =	vst v0  }
0x13: {  	[tilespmem:s26+$0x4010] =	vst v0  }
0x14: {  	[tilespmem:s26+$0x4020] =	vst v0  }
0x15: {  	[tilespmem:s26+$0x4030] =	vst v0  }
0x16: {  	[tilespmem:s26+$0x4040] =	vst v0  }
0x17: {  	[tilespmem:s26+$0x4050] =	vst v0  }
0x18: {  	[tilespmem:s26+$0x4060] =	vst v0  }
0x19: {  	[tilespmem:s26+$0x4070] =	vst v0  }
0x1a: {  	[tilespmem:s26+$0x4080] =	vst v0  }
0x1b: {  	[tilespmem:s26+$0x4090] =	vst v0  }
0x1c: {  	[tilespmem:s26+$0x40A0] =	vst v0  }
0x1d: {  	[tilespmem:s26+$0x40B0] =	vst v0  }
0x1e: {  	[tilespmem:s26+$0x40C0] =	vst v0  }
0x1f: {  	[tilespmem:s26+$0x40D0] =	vst v0  }
0x20: {  	[tilespmem:s26+$0x40E0] =	vst v0  }
0x21: {  	[tilespmem:s26+$0x40F0] =	vst v0  }
0x22: {  	[tilespmem:s26+$0x4100] =	vst v0  }
0x23: {  	[tilespmem:s26+$0x4110] =	vst v0  }
0x24: {  	[tilespmem:s26+$0x4120] =	vst v0  }
0x25: {  	[tilespmem:s26+$0x4130] =	vst v0  }
0x26: {  	[tilespmem:s26+$0x4140] =	vst v0  }
0x27: {  	[tilespmem:s26+$0x4150] =	vst v0  }
0x28: {  	[tilespmem:s26+$0x4160] =	vst v0  }
0x29: {  	[tilespmem:s26+$0x4170] =	vst v0  }
0x2a: {  	[tilespmem:s26+$0x4180] =	vst v0  }
0x2b: {  	[tilespmem:s26+$0x4190] =	vst v0  }
0x2c: {  	[tilespmem:s26+$0x41A0] =	vst v0  }
0x2d: {  	[tilespmem:s26+$0x41B0] =	vst v0  }
0x2e: {  	[tilespmem:s26+$0x41C0] =	vst v0  }
0x2f: {  	[tilespmem:s26+$0x41D0] =	vst v0  }
0x30: {  	[tilespmem:s26+$0x41E0] =	vst v0  }
0x31: {  	[tilespmem:s26+$0x41F0] =	vst v0  }
0x32: {  	[tilespmem:s26+$0x4200] =	vst v0  }
0x33: {  	[tilespmem:s26+$0x4210] =	vst v0  }
0x34: {  	[tilespmem:s26+$0x4220] =	vst v0  }
0x35: {  	[tilespmem:s26+$0x4230] =	vst v0  }
0x36: {  	[tilespmem:s26+$0x4240] =	vst v0  }
0x37: {  	[tilespmem:s26+$0x4250] =	vst v0  }
0x38: {  	[tilespmem:s26+$0x4260] =	vst v0  }
0x39: {  	[tilespmem:s26+$0x4270] =	vst v0  }
0x3a: {  	[tilespmem:s26+$0x4280] =	vst v0  }
0x3b: {  	[tilespmem:s26+$0x4290] =	vst v0  }
0x3c: {  	[tilespmem:s26+$0x42A0] =	vst v0  }
0x3d: {  	[tilespmem:s26+$0x42B0] =	vst v0  }
0x3e: {  	[tilespmem:s26+$0x42C0] =	vst v0  }
0x3f: {  	[tilespmem:s26+$0x42D0] =	vst v0  }
0x40: {  	[tilespmem:s26+$0x42E0] =	vst v0  }
0x41: {  	[tilespmem:s26+$0x42F0] =	vst v0  }
0x42: {  	[tilespmem:s26+$0x4300] =	vst v0  }
0x43: {  	[tilespmem:s26+$0x4310] =	vst v0  }
0x44: {  	[tilespmem:s26+$0x4320] =	vst v0  }
0x45: {  	[tilespmem:s26+$0x4330] =	vst v0  }
0x46: {  	[tilespmem:s26+$0x4340] =	vst v0  }
0x47: {  	[tilespmem:s26+$0x4350] =	vst v0  }
0x48: {  	[tilespmem:s26+$0x4360] =	vst v0  }
0x49: {  	[tilespmem:s26+$0x4370] =	vst v0  }
0x4a: {  	[tilespmem:s26+$0x4380] =	vst v0  }
0x4b: {  	[tilespmem:s26+$0x4390] =	vst v0  }
.Ltmp0:
0x4c: {  	[tilespmem:s26+$0x43A0] =	vst v0;
	(pc) =	sbr.rel @p0 .LBB2_2-.Ltmp0, $4  }
0x4d: {  	[tilespmem:s26+$0x43B0] =	vst v0  }
0x4e: {  	[tilespmem:s26+$0x43C0] =	vst v0  }
0x4f: {  	[tilespmem:s26+$0x43D0] =	vst v0  }
0x50: {  	[tilespmem:s26+$0x43E0] =	vst v0;
	s26 =	sshra.s32 s28, $0x2;
	s28 =	sadd.s32 $0x1000, s28  }
0x51: {  	[tilespmem:s26+$0x43F0] =	vst v0  }
0x52: {  	[tilespmem:s26+$0x4000] =	vst v0  }
0x53: {  	[tilespmem:s26+$0x4010] =	vst v0  }
0x54: {  	[tilespmem:s26+$0x4020] =	vst v0  }
0x55: {  	[tilespmem:s26+$0x4030] =	vst v0  }
0x56: {  	[tilespmem:s26+$0x4040] =	vst v0  }
0x57: {  	[tilespmem:s26+$0x4050] =	vst v0  }
0x58: {  	[tilespmem:s26+$0x4060] =	vst v0  }
0x59: {  	[tilespmem:s26+$0x4070] =	vst v0  }
0x5a: {  	[tilespmem:s26+$0x4080] =	vst v0  }
0x5b: {  	[tilespmem:s26+$0x4090] =	vst v0  }
0x5c: {  	[tilespmem:s26+$0x40A0] =	vst v0  }
0x5d: {  	[tilespmem:s26+$0x40B0] =	vst v0  }
0x5e: {  	[tilespmem:s26+$0x40C0] =	vst v0  }
0x5f: {  	[tilespmem:s26+$0x40D0] =	vst v0  }
0x60: {  	[tilespmem:s26+$0x40E0] =	vst v0  }
0x61: {  	[tilespmem:s26+$0x40F0] =	vst v0  }
0x62: {  	[tilespmem:s26+$0x4100] =	vst v0  }
0x63: {  	[tilespmem:s26+$0x4110] =	vst v0  }
0x64: {  	[tilespmem:s26+$0x4120] =	vst v0  }
0x65: {  	[tilespmem:s26+$0x4130] =	vst v0  }
0x66: {  	[tilespmem:s26+$0x4140] =	vst v0  }
0x67: {  	[tilespmem:s26+$0x4150] =	vst v0  }
0x68: {  	[tilespmem:s26+$0x4160] =	vst v0  }
0x69: {  	[tilespmem:s26+$0x4170] =	vst v0  }
0x6a: {  	[tilespmem:s26+$0x4180] =	vst v0  }
0x6b: {  	[tilespmem:s26+$0x4190] =	vst v0  }
0x6c: {  	[tilespmem:s26+$0x41A0] =	vst v0  }
0x6d: {  	[tilespmem:s26+$0x41B0] =	vst v0  }
0x6e: {  	[tilespmem:s26+$0x41C0] =	vst v0  }
0x6f: {  	[tilespmem:s26+$0x41D0] =	vst v0  }
0x70: {  	[tilespmem:s26+$0x41E0] =	vst v0  }
0x71: {  	[tilespmem:s26+$0x41F0] =	vst v0  }
0x72: {  	[tilespmem:s26+$0x4200] =	vst v0  }
0x73: {  	[tilespmem:s26+$0x4210] =	vst v0  }
0x74: {  	[tilespmem:s26+$0x4220] =	vst v0  }
0x75: {  	[tilespmem:s26+$0x4230] =	vst v0  }
0x76: {  	[tilespmem:s26+$0x4240] =	vst v0  }
0x77: {  	[tilespmem:s26+$0x4250] =	vst v0  }
0x78: {  	[tilespmem:s26+$0x4260] =	vst v0  }
0x79: {  	[tilespmem:s26+$0x4270] =	vst v0  }
0x7a: {  	[tilespmem:s26+$0x4280] =	vst v0  }
0x7b: {  	[tilespmem:s26+$0x4290] =	vst v0  }
0x7c: {  	[tilespmem:s26+$0x42A0] =	vst v0  }
0x7d: {  	[tilespmem:s26+$0x42B0] =	vst v0  }
0x7e: {  	[tilespmem:s26+$0x42C0] =	vst v0  }
0x7f: {  	[tilespmem:s26+$0x42D0] =	vst v0  }
0x80: {  	[tilespmem:s26+$0x42E0] =	vst v0  }
0x81: {  	[tilespmem:s26+$0x42F0] =	vst v0  }
0x82: {  	[tilespmem:s26+$0x4300] =	vst v0  }
0x83: {  	[tilespmem:s26+$0x4310] =	vst v0  }
0x84: {  	[tilespmem:s26+$0x4320] =	vst v0  }
0x85: {  	[tilespmem:s26+$0x4330] =	vst v0  }
0x86: {  	[tilespmem:s26+$0x4340] =	vst v0  }
0x87: {  	[tilespmem:s26+$0x4350] =	vst v0  }
0x88: {  	[tilespmem:s26+$0x4360] =	vst v0  }
0x89: {  	[tilespmem:s26+$0x4370] =	vst v0  }
0x8a: {  	[tilespmem:s26+$0x4380] =	vst v0  }
0x8b: {  	[tilespmem:s26+$0x4390] =	vst v0  }
0x8c: {  	[tilespmem:s26+$0x43A0] =	vst v0  }
0x8d: {  	[tilespmem:s26+$0x43B0] =	vst v0  }
0x8e: {  	[tilespmem:s26+$0x43C0] =	vst v0  }
0x8f: {  	[tilespmem:s26+$0x43D0] =	vst v0  }
0x90: {  	[tilespmem:s26+$0x43E0] =	vst v0  }
0x91: {  	_ =	swait.ge [sflag:s15], $0x4000  }
0x92: {  	[sflag:s15] =	ssyncset.done $0x0  }
0x93: {  	s26 =	simm.s32 $0x0;
	s28 =	simm.s32 $0x0;
	[sflag:s15] =	ssyncadd.s32 $0xFFFFC000  }
.LBB2_4:
0x94: {  	v3 =	vld [tilespmem:s26+$0x0];
	_ =	sdelay $0x4  }
0x95: {  	v4 =	vor.u32 s28, v1;
	vm0 =	vlt.u32 v3, $0x10;
	v3 =	vshll.u32 v3, $0x7  }
0x96: {  	v3 =	vadd.s32 v4, v3;
	_ =	sdelay $0x4  }
0x97: {  	[tilespmem:v3+s16+$0x0] =	vst.idx.msk vm0, v2  }
0x98: {  	v3 =	vld [tilespmem:s26+$0x80];
	_ =	sdelay $0x4  }
0x99: {  	v5 =	vand.u32 $0xFFFFFFF0, v3  }
0x9a: {  	v3 =	vshll.u32 v3, $0x7;
	vm4 =	veq.s32 v5, $0x10  }
0x9b: {  	v3 =	vadd.s32 v4, v3;
	_ =	sdelay $0x4  }
0x9c: {  	[tilespmem:v3+s16+$0x0] =	vst.idx.msk vm4, v2  }
0x9d: {  	v3 =	vld [tilespmem:s26+$0x100];
	_ =	sdelay $0x4  }
0x9e: {  	v53 =	vand.u32 $0xFFFFFFF0, v3  }
0x9f: {  	v3 =	vshll.u32 v3, $0x7;
	vm5 =	veq.s32 v53, $0x20  }
0xa0: {  	v3 =	vadd.s32 v4, v3;
	_ =	sdelay $0x4  }
0xa1: {  	[tilespmem:v3+s16+$0x0] =	vst.idx.msk vm5, v2  }
0xa2: {  	v3 =	vld [tilespmem:s26+$0x180];
	_ =	sdelay $0x4  }
0xa3: {  	v54 =	vand.u32 $0xFFFFFFF0, v3  }
0xa4: {  	v3 =	vshll.u32 v3, $0x7;
	vm6 =	veq.s32 v54, $0x30  }
0xa5: {  	v3 =	vadd.s32 v4, v3;
	_ =	sdelay $0x4  }
0xa6: {  	[tilespmem:v3+s16+$0x0] =	vst.idx.msk vm6, v2  }
0xa7: {  	v3 =	vld [tilespmem:s26+$0x200];
	_ =	sdelay $0x4  }
0xa8: {  	v55 =	vand.u32 $0xFFFFFFF0, v3  }
0xa9: {  	v3 =	vshll.u32 v3, $0x7;
	vm7 =	veq.s32 v55, $0x40  }
0xaa: {  	v3 =	vadd.s32 v4, v3;
	_ =	sdelay $0x4  }
0xab: {  	[tilespmem:v3+s16+$0x0] =	vst.idx.msk vm7, v2  }
0xac: {  	v3 =	vld [tilespmem:s26+$0x280];
	_ =	sdelay $0x4  }
0xad: {  	v56 =	vand.u32 $0xFFFFFFF0, v3  }
0xae: {  	v3 =	vshll.u32 v3, $0x7;
	vm8 =	veq.s32 v56, $0x50  }
0xaf: {  	v3 =	vadd.s32 v4, v3;
	_ =	sdelay $0x4  }
0xb0: {  	[tilespmem:v3+s16+$0x0] =	vst.idx.msk vm8, v2  }
0xb1: {  	v3 =	vld [tilespmem:s26+$0x300];
	_ =	sdelay $0x4  }
0xb2: {  	v57 =	vand.u32 $0xFFFFFFF0, v3  }
0xb3: {  	v3 =	vshll.u32 v3, $0x7;
	vm9 =	veq.s32 v57, $0x60  }
0xb4: {  	v3 =	vadd.s32 v4, v3;
	_ =	sdelay $0x4  }
0xb5: {  	[tilespmem:v3+s16+$0x0] =	vst.idx.msk vm9, v2  }
0xb6: {  	v3 =	vld [tilespmem:s26+$0x380];
	_ =	sdelay $0x4  }
0xb7: {  	v58 =	vand.u32 $0xFFFFFFF0, v3  }
0xb8: {  	v3 =	vshll.u32 v3, $0x7;
	vm10 =	veq.s32 v58, $0x70  }
0xb9: {  	v3 =	vadd.s32 v4, v3;
	_ =	sdelay $0x4  }
0xba: {  	[tilespmem:v3+s16+$0x0] =	vst.idx.msk vm10, v2  }
0xbb: {  	v3 =	vld [tilespmem:s26+$0x1000];
	_ =	sdelay $0x4  }
0xbc: {  	v59 =	vand.u32 $0xFFFFFFF0, v3  }
0xbd: {  	v3 =	vshll.u32 v3, $0x7;
	vm11 =	veq.s32 v59, $0x80  }
0xbe: {  	v3 =	vadd.s32 v4, v3;
	_ =	sdelay $0x4  }
0xbf: {  	[tilespmem:v3+s16+$0x0] =	vst.idx.msk vm11, v2  }
0xc0: {  	v3 =	vld [tilespmem:s26+$0x1080];
	_ =	sdelay $0x4  }
0xc1: {  	v60 =	vand.u32 $0xFFFFFFF0, v3  }
0xc2: {  	v3 =	vshll.u32 v3, $0x7;
	vm12 =	veq.s32 v60, $0x90  }
0xc3: {  	v3 =	vadd.s32 v4, v3;
	_ =	sdelay $0x4  }
0xc4: {  	[tilespmem:v3+s16+$0x0] =	vst.idx.msk vm12, v2  }
0xc5: {  	v3 =	vld [tilespmem:s26+$0x1100];
	_ =	sdelay $0x4  }
0xc6: {  	v61 =	vand.u32 $0xFFFFFFF0, v3  }
0xc7: {  	v3 =	vshll.u32 v3, $0x7;
	vm13 =	veq.s32 v61, $0xA0  }
0xc8: {  	v3 =	vadd.s32 v4, v3;
	_ =	sdelay $0x4  }
0xc9: {  	[tilespmem:v3+s16+$0x0] =	vst.idx.msk vm13, v2  }
0xca: {  	v3 =	vld [tilespmem:s26+$0x1180];
	_ =	sdelay $0x4  }
0xcb: {  	v62 =	vand.u32 $0xFFFFFFF0, v3  }
0xcc: {  	v3 =	vshll.u32 v3, $0x7;
	vm14 =	veq.s32 v62, $0xB0  }
0xcd: {  	v3 =	vadd.s32 v4, v3;
	_ =	sdelay $0x4  }
0xce: {  	[tilespmem:v3+s16+$0x0] =	vst.idx.msk vm14, v2  }
0xcf: {  	v3 =	vld [tilespmem:s26+$0x1200];
	_ =	sdelay $0x4  }
0xd0: {  	v63 =	vand.u32 $0xFFFFFFF0, v3  }
0xd1: {  	v3 =	vshll.u32 v3, $0x7;
	vm15 =	veq.s32 v63, $0xC0  }
0xd2: {  	p0 =	sne.s32 s28, $0x70;
	v3 =	vadd.s32 v4, v3  }
.Ltmp1:
0xd3: {  	_ = 	snop;
	(pc) =	sbr.rel @p0 .LBB2_4-.Ltmp1, $2  }
0xd4: {  	_ =	sdelay $0x2  }
0xd5: {  	s28 =	sadd.s32 $0x10, s28;
	s26 =	sadd.s32 $0x10, s26;
	[tilespmem:v3+s16+$0x0] =	vst.idx.msk vm15, v2  }
0xd6: {  	[hbm4b:s4+s17] =	stream.strided.scatter [tilespmem:s16], [sflag:$0x1], $0x6800, s14, s17, $0x38;
	[tilespmem:$0x1E000] =	vst v63  }
0xd7: {  	s26 =	simm.s32 $0x0;
	s28 =	simm.s32 $0x0;
	s29 =	simm.s32 $0x1000  }
.LBB2_6:
0xd8: {  	p0 =	sne.s32 s29, $0x19000;
	[tilespmem:s28+$0xABF0] =	vst v0  }
0xd9: {  	[tilespmem:s28+$0xA800] =	vst v0  }
0xda: {  	[tilespmem:s28+$0xA810] =	vst v0  }
0xdb: {  	[tilespmem:s28+$0xA820] =	vst v0  }
0xdc: {  	[tilespmem:s28+$0xA830] =	vst v0  }
0xdd: {  	[tilespmem:s28+$0xA840] =	vst v0  }
0xde: {  	[tilespmem:s28+$0xA850] =	vst v0  }
0xdf: {  	[tilespmem:s28+$0xA860] =	vst v0  }
0xe0: {  	[tilespmem:s28+$0xA870] =	vst v0  }
0xe1: {  	[tilespmem:s28+$0xA880] =	vst v0  }
0xe2: {  	[tilespmem:s28+$0xA890] =	vst v0  }
0xe3: {  	[tilespmem:s28+$0xA8A0] =	vst v0  }
0xe4: {  	[tilespmem:s28+$0xA8B0] =	vst v0  }
0xe5: {  	[tilespmem:s28+$0xA8C0] =	vst v0  }
0xe6: {  	[tilespmem:s28+$0xA8D0] =	vst v0  }
0xe7: {  	[tilespmem:s28+$0xA8E0] =	vst v0  }
0xe8: {  	[tilespmem:s28+$0xA8F0] =	vst v0  }
0xe9: {  	[tilespmem:s28+$0xA900] =	vst v0  }
0xea: {  	[tilespmem:s28+$0xA910] =	vst v0  }
0xeb: {  	[tilespmem:s28+$0xA920] =	vst v0  }
0xec: {  	[tilespmem:s28+$0xA930] =	vst v0  }
0xed: {  	[tilespmem:s28+$0xA940] =	vst v0  }
0xee: {  	[tilespmem:s28+$0xA950] =	vst v0  }
0xef: {  	[tilespmem:s28+$0xA960] =	vst v0  }
0xf0: {  	[tilespmem:s28+$0xA970] =	vst v0  }
0xf1: {  	[tilespmem:s28+$0xA980] =	vst v0  }
0xf2: {  	[tilespmem:s28+$0xA990] =	vst v0  }
0xf3: {  	[tilespmem:s28+$0xA9A0] =	vst v0  }
0xf4: {  	[tilespmem:s28+$0xA9B0] =	vst v0  }
0xf5: {  	[tilespmem:s28+$0xA9C0] =	vst v0  }
0xf6: {  	[tilespmem:s28+$0xA9D0] =	vst v0  }
0xf7: {  	[tilespmem:s28+$0xA9E0] =	vst v0  }
0xf8: {  	[tilespmem:s28+$0xA9F0] =	vst v0  }
0xf9: {  	[tilespmem:s28+$0xAA00] =	vst v0  }
0xfa: {  	[tilespmem:s28+$0xAA10] =	vst v0  }
0xfb: {  	[tilespmem:s28+$0xAA20] =	vst v0  }
0xfc: {  	[tilespmem:s28+$0xAA30] =	vst v0  }
0xfd: {  	[tilespmem:s28+$0xAA40] =	vst v0  }
0xfe: {  	[tilespmem:s28+$0xAA50] =	vst v0  }
0xff: {  	[tilespmem:s28+$0xAA60] =	vst v0  }
0x100: {  	[tilespmem:s28+$0xAA70] =	vst v0  }
0x101: {  	[tilespmem:s28+$0xAA80] =	vst v0  }
0x102: {  	[tilespmem:s28+$0xAA90] =	vst v0  }
0x103: {  	[tilespmem:s28+$0xAAA0] =	vst v0  }
0x104: {  	[tilespmem:s28+$0xAAB0] =	vst v0  }
0x105: {  	[tilespmem:s28+$0xAAC0] =	vst v0  }
0x106: {  	[tilespmem:s28+$0xAAD0] =	vst v0  }
0x107: {  	[tilespmem:s28+$0xAAE0] =	vst v0  }
0x108: {  	[tilespmem:s28+$0xAAF0] =	vst v0  }
0x109: {  	[tilespmem:s28+$0xAB00] =	vst v0  }
0x10a: {  	[tilespmem:s28+$0xAB10] =	vst v0  }
0x10b: {  	[tilespmem:s28+$0xAB20] =	vst v0  }
0x10c: {  	[tilespmem:s28+$0xAB30] =	vst v0  }
0x10d: {  	[tilespmem:s28+$0xAB40] =	vst v0  }
0x10e: {  	[tilespmem:s28+$0xAB50] =	vst v0  }
0x10f: {  	[tilespmem:s28+$0xAB60] =	vst v0  }
0x110: {  	[tilespmem:s28+$0xAB70] =	vst v0  }
0x111: {  	[tilespmem:s28+$0xAB80] =	vst v0  }
0x112: {  	[tilespmem:s28+$0xAB90] =	vst v0  }
.Ltmp2:
0x113: {  	[tilespmem:s28+$0xABA0] =	vst v0;
	(pc) =	sbr.rel @p0 .LBB2_6-.Ltmp2, $4  }
0x114: {  	[tilespmem:s28+$0xABB0] =	vst v0  }
0x115: {  	[tilespmem:s28+$0xABC0] =	vst v0  }
0x116: {  	[tilespmem:s28+$0xABD0] =	vst v0  }
0x117: {  	[tilespmem:s28+$0xABE0] =	vst v0;
	s28 =	sshra.s32 s29, $0x2;
	s29 =	sadd.s32 $0x1000, s29  }
0x118: {  	[tilespmem:s28+$0xABF0] =	vst v0  }
0x119: {  	[tilespmem:s28+$0xA800] =	vst v0  }
0x11a: {  	[tilespmem:s28+$0xA810] =	vst v0  }
0x11b: {  	[tilespmem:s28+$0xA820] =	vst v0  }
0x11c: {  	[tilespmem:s28+$0xA830] =	vst v0  }
0x11d: {  	[tilespmem:s28+$0xA840] =	vst v0  }
0x11e: {  	[tilespmem:s28+$0xA850] =	vst v0  }
0x11f: {  	[tilespmem:s28+$0xA860] =	vst v0  }
0x120: {  	[tilespmem:s28+$0xA870] =	vst v0  }
0x121: {  	[tilespmem:s28+$0xA880] =	vst v0  }
0x122: {  	[tilespmem:s28+$0xA890] =	vst v0  }
0x123: {  	[tilespmem:s28+$0xA8A0] =	vst v0  }
0x124: {  	[tilespmem:s28+$0xA8B0] =	vst v0  }
0x125: {  	[tilespmem:s28+$0xA8C0] =	vst v0  }
0x126: {  	[tilespmem:s28+$0xA8D0] =	vst v0  }
0x127: {  	[tilespmem:s28+$0xA8E0] =	vst v0  }
0x128: {  	[tilespmem:s28+$0xA8F0] =	vst v0  }
0x129: {  	[tilespmem:s28+$0xA900] =	vst v0  }
0x12a: {  	[tilespmem:s28+$0xA910] =	vst v0  }
0x12b: {  	[tilespmem:s28+$0xA920] =	vst v0  }
0x12c: {  	[tilespmem:s28+$0xA930] =	vst v0  }
0x12d: {  	[tilespmem:s28+$0xA940] =	vst v0  }
0x12e: {  	[tilespmem:s28+$0xA950] =	vst v0  }
0x12f: {  	[tilespmem:s28+$0xA960] =	vst v0  }
0x130: {  	[tilespmem:s28+$0xA970] =	vst v0  }
0x131: {  	[tilespmem:s28+$0xA980] =	vst v0  }
0x132: {  	[tilespmem:s28+$0xA990] =	vst v0  }
0x133: {  	[tilespmem:s28+$0xA9A0] =	vst v0  }
0x134: {  	[tilespmem:s28+$0xA9B0] =	vst v0  }
0x135: {  	[tilespmem:s28+$0xA9C0] =	vst v0  }
0x136: {  	[tilespmem:s28+$0xA9D0] =	vst v0  }
0x137: {  	[tilespmem:s28+$0xA9E0] =	vst v0  }
0x138: {  	[tilespmem:s28+$0xA9F0] =	vst v0  }
0x139: {  	[tilespmem:s28+$0xAA00] =	vst v0  }
0x13a: {  	[tilespmem:s28+$0xAA10] =	vst v0  }
0x13b: {  	[tilespmem:s28+$0xAA20] =	vst v0  }
0x13c: {  	[tilespmem:s28+$0xAA30] =	vst v0  }
0x13d: {  	[tilespmem:s28+$0xAA40] =	vst v0  }
0x13e: {  	[tilespmem:s28+$0xAA50] =	vst v0  }
0x13f: {  	[tilespmem:s28+$0xAA60] =	vst v0  }
0x140: {  	[tilespmem:s28+$0xAA70] =	vst v0  }
0x141: {  	[tilespmem:s28+$0xAA80] =	vst v0  }
0x142: {  	[tilespmem:s28+$0xAA90] =	vst v0  }
0x143: {  	[tilespmem:s28+$0xAAA0] =	vst v0  }
0x144: {  	[tilespmem:s28+$0xAAB0] =	vst v0  }
0x145: {  	[tilespmem:s28+$0xAAC0] =	vst v0  }
0x146: {  	[tilespmem:s28+$0xAAD0] =	vst v0  }
0x147: {  	[tilespmem:s28+$0xAAE0] =	vst v0  }
0x148: {  	[tilespmem:s28+$0xAAF0] =	vst v0  }
0x149: {  	[tilespmem:s28+$0xAB00] =	vst v0  }
0x14a: {  	[tilespmem:s28+$0xAB10] =	vst v0  }
0x14b: {  	[tilespmem:s28+$0xAB20] =	vst v0  }
0x14c: {  	[tilespmem:s28+$0xAB30] =	vst v0  }
0x14d: {  	[tilespmem:s28+$0xAB40] =	vst v0  }
0x14e: {  	[tilespmem:s28+$0xAB50] =	vst v0  }
0x14f: {  	[tilespmem:s28+$0xAB60] =	vst v0  }
0x150: {  	[tilespmem:s28+$0xAB70] =	vst v0  }
0x151: {  	[tilespmem:s28+$0xAB80] =	vst v0  }
0x152: {  	[tilespmem:s28+$0xAB90] =	vst v0  }
0x153: {  	[tilespmem:s28+$0xABA0] =	vst v0  }
0x154: {  	[tilespmem:s28+$0xABB0] =	vst v0  }
0x155: {  	[tilespmem:s28+$0xABC0] =	vst v0  }
0x156: {  	[tilespmem:s28+$0xABD0] =	vst v0  }
0x157: {  	[tilespmem:s28+$0xABE0] =	vst v0;
	s28 =	simm.s32 $0x2000  }
.LBB2_8:
0x158: {  	v3 =	vld [tilespmem:s28+$0xFFFFF280];
	_ =	sdelay $0x4  }
0x159: {  	v3 =	vadd.s32 $0xFFFFFF30, v3  }
0x15a: {  	v4 =	vor.u32 s26, v1;
	vm0 =	vlt.u32 v3, $0x10;
	v3 =	vshll.u32 v3, $0x7  }
0x15b: {  	v3 =	vadd.s32 v4, v3;
	_ =	sdelay $0x4  }
0x15c: {  	[tilespmem:v3+s18+$0x0] =	vst.idx.msk vm0, v2  }
0x15d: {  	v3 =	vld [tilespmem:s28+$0xFFFFF300];
	_ =	sdelay $0x4  }
0x15e: {  	v5 =	vand.u32 $0xFFFFFFF0, v3;
	v3 =	vshll.u32 v3, $0x7  }
0x15f: {  	vm4 =	veq.s32 v5, $0xE0;
	v3 =	vadd.s32 v4, v3  }
0x160: {  	v3 =	vadd.s32 $0xFFFF9800, v3;
	_ =	sdelay $0x4  }
0x161: {  	[tilespmem:v3+s18+$0x0] =	vst.idx.msk vm4, v2  }
0x162: {  	v3 =	vld [tilespmem:s28+$0xFFFFF380];
	_ =	sdelay $0x4  }
0x163: {  	v53 =	vand.u32 $0xFFFFFFF0, v3;
	v3 =	vshll.u32 v3, $0x7  }
0x164: {  	vm5 =	veq.s32 v53, $0xF0;
	v3 =	vadd.s32 v4, v3  }
0x165: {  	v3 =	vadd.s32 $0xFFFF9800, v3;
	_ =	sdelay $0x4  }
0x166: {  	[tilespmem:v3+s18+$0x0] =	vst.idx.msk vm5, v2  }
0x167: {  	v3 =	vld [tilespmem:s28+$0x0];
	_ =	sdelay $0x4  }
0x168: {  	v54 =	vand.u32 $0xFFFFFFF0, v3;
	v3 =	vshll.u32 v3, $0x7  }
0x169: {  	vm6 =	veq.s32 v54, $0x100;
	v3 =	vadd.s32 v4, v3  }
0x16a: {  	v3 =	vadd.s32 $0xFFFF9800, v3;
	_ =	sdelay $0x4  }
0x16b: {  	[tilespmem:v3+s18+$0x0] =	vst.idx.msk vm6, v2  }
0x16c: {  	v3 =	vld [tilespmem:s28+$0x80];
	_ =	sdelay $0x4  }
0x16d: {  	v55 =	vand.u32 $0xFFFFFFF0, v3;
	v3 =	vshll.u32 v3, $0x7  }
0x16e: {  	vm7 =	veq.s32 v55, $0x110;
	v3 =	vadd.s32 v4, v3  }
0x16f: {  	v3 =	vadd.s32 $0xFFFF9800, v3;
	_ =	sdelay $0x4  }
0x170: {  	[tilespmem:v3+s18+$0x0] =	vst.idx.msk vm7, v2  }
0x171: {  	v3 =	vld [tilespmem:s28+$0x100];
	_ =	sdelay $0x4  }
0x172: {  	v56 =	vand.u32 $0xFFFFFFF0, v3;
	v3 =	vshll.u32 v3, $0x7  }
0x173: {  	vm8 =	veq.s32 v56, $0x120;
	v3 =	vadd.s32 v4, v3  }
0x174: {  	v3 =	vadd.s32 $0xFFFF9800, v3;
	_ =	sdelay $0x4  }
0x175: {  	[tilespmem:v3+s18+$0x0] =	vst.idx.msk vm8, v2  }
0x176: {  	v3 =	vld [tilespmem:s28+$0x180];
	_ =	sdelay $0x4  }
0x177: {  	v57 =	vand.u32 $0xFFFFFFF0, v3;
	v3 =	vshll.u32 v3, $0x7  }
0x178: {  	vm9 =	veq.s32 v57, $0x130;
	v3 =	vadd.s32 v4, v3  }
0x179: {  	v3 =	vadd.s32 $0xFFFF9800, v3;
	_ =	sdelay $0x4  }
0x17a: {  	[tilespmem:v3+s18+$0x0] =	vst.idx.msk vm9, v2  }
0x17b: {  	v3 =	vld [tilespmem:s28+$0x200];
	_ =	sdelay $0x4  }
0x17c: {  	v58 =	vand.u32 $0xFFFFFFF0, v3;
	v3 =	vshll.u32 v3, $0x7  }
0x17d: {  	vm10 =	veq.s32 v58, $0x140;
	v3 =	vadd.s32 v4, v3  }
0x17e: {  	v3 =	vadd.s32 $0xFFFF9800, v3;
	_ =	sdelay $0x4  }
0x17f: {  	[tilespmem:v3+s18+$0x0] =	vst.idx.msk vm10, v2  }
0x180: {  	v3 =	vld [tilespmem:s28+$0x280];
	_ =	sdelay $0x4  }
0x181: {  	v59 =	vand.u32 $0xFFFFFFF0, v3;
	v3 =	vshll.u32 v3, $0x7  }
0x182: {  	vm11 =	veq.s32 v59, $0x150;
	v3 =	vadd.s32 v4, v3  }
0x183: {  	v3 =	vadd.s32 $0xFFFF9800, v3;
	_ =	sdelay $0x4  }
0x184: {  	[tilespmem:v3+s18+$0x0] =	vst.idx.msk vm11, v2  }
0x185: {  	v3 =	vld [tilespmem:s28+$0x300];
	_ =	sdelay $0x4  }
0x186: {  	v60 =	vand.u32 $0xFFFFFFF0, v3;
	v3 =	vshll.u32 v3, $0x7  }
0x187: {  	vm12 =	veq.s32 v60, $0x160;
	v3 =	vadd.s32 v4, v3  }
0x188: {  	v3 =	vadd.s32 $0xFFFF9800, v3;
	_ =	sdelay $0x4  }
0x189: {  	[tilespmem:v3+s18+$0x0] =	vst.idx.msk vm12, v2  }
0x18a: {  	v3 =	vld [tilespmem:s28+$0x380];
	_ =	sdelay $0x4  }
0x18b: {  	v61 =	vand.u32 $0xFFFFFFF0, v3;
	v3 =	vshll.u32 v3, $0x7  }
0x18c: {  	vm13 =	veq.s32 v61, $0x170;
	v3 =	vadd.s32 v4, v3  }
0x18d: {  	v3 =	vadd.s32 $0xFFFF9800, v3;
	_ =	sdelay $0x4  }
0x18e: {  	[tilespmem:v3+s18+$0x0] =	vst.idx.msk vm13, v2  }
0x18f: {  	v3 =	vld [tilespmem:s28+$0x1000];
	_ =	sdelay $0x4  }
0x190: {  	v62 =	vand.u32 $0xFFFFFFF0, v3;
	v3 =	vshll.u32 v3, $0x7  }
0x191: {  	vm14 =	veq.s32 v62, $0x180;
	v3 =	vadd.s32 v4, v3  }
0x192: {  	v3 =	vadd.s32 $0xFFFF9800, v3;
	_ =	sdelay $0x4  }
0x193: {  	[tilespmem:v3+s18+$0x0] =	vst.idx.msk vm14, v2  }
0x194: {  	v3 =	vld [tilespmem:s28+$0x1080];
	_ =	sdelay $0x4  }
0x195: {  	v63 =	vand.u32 $0xFFFFFFF0, v3;
	v3 =	vshll.u32 v3, $0x7  }
0x196: {  	vm15 =	veq.s32 v63, $0x190;
	v3 =	vadd.s32 v4, v3  }
0x197: {  	p0 =	sne.s32 s26, $0x70;
	v3 =	vadd.s32 $0xFFFF9800, v3  }
.Ltmp3:
0x198: {  	_ = 	snop;
	(pc) =	sbr.rel @p0 .LBB2_8-.Ltmp3, $2  }
0x199: {  	_ =	sdelay $0x2  }
0x19a: {  	s26 =	sadd.s32 $0x10, s26;
	s28 =	sadd.s32 $0x10, s28;
	[tilespmem:v3+s18+$0x0] =	vst.idx.msk vm15, v2  }
0x19b: {  	[hbm4b:s5+s17] =	stream.strided.scatter [tilespmem:s18], [sflag:$0x2], $0x6800, s14, s17, $0x38;
	[tilespmem:$0x1E000] =	vst v63  }
0x19c: {  	s26 =	simm.s32 $0x0;
	s28 =	simm.s32 $0x0;
	s29 =	simm.s32 $0x1000  }
.LBB2_10:
0x19d: {  	p0 =	sne.s32 s29, $0x19000;
	[tilespmem:s28+$0x113F0] =	vst v0  }
0x19e: {  	[tilespmem:s28+$0x11000] =	vst v0  }
0x19f: {  	[tilespmem:s28+$0x11010] =	vst v0  }
0x1a0: {  	[tilespmem:s28+$0x11020] =	vst v0  }
0x1a1: {  	[tilespmem:s28+$0x11030] =	vst v0  }
0x1a2: {  	[tilespmem:s28+$0x11040] =	vst v0  }
0x1a3: {  	[tilespmem:s28+$0x11050] =	vst v0  }
0x1a4: {  	[tilespmem:s28+$0x11060] =	vst v0  }
0x1a5: {  	[tilespmem:s28+$0x11070] =	vst v0  }
0x1a6: {  	[tilespmem:s28+$0x11080] =	vst v0  }
0x1a7: {  	[tilespmem:s28+$0x11090] =	vst v0  }
0x1a8: {  	[tilespmem:s28+$0x110A0] =	vst v0  }
0x1a9: {  	[tilespmem:s28+$0x110B0] =	vst v0  }
0x1aa: {  	[tilespmem:s28+$0x110C0] =	vst v0  }
0x1ab: {  	[tilespmem:s28+$0x110D0] =	vst v0  }
0x1ac: {  	[tilespmem:s28+$0x110E0] =	vst v0  }
0x1ad: {  	[tilespmem:s28+$0x110F0] =	vst v0  }
0x1ae: {  	[tilespmem:s28+$0x11100] =	vst v0  }
0x1af: {  	[tilespmem:s28+$0x11110] =	vst v0  }
0x1b0: {  	[tilespmem:s28+$0x11120] =	vst v0  }
0x1b1: {  	[tilespmem:s28+$0x11130] =	vst v0  }
0x1b2: {  	[tilespmem:s28+$0x11140] =	vst v0  }
0x1b3: {  	[tilespmem:s28+$0x11150] =	vst v0  }
0x1b4: {  	[tilespmem:s28+$0x11160] =	vst v0  }
0x1b5: {  	[tilespmem:s28+$0x11170] =	vst v0  }
0x1b6: {  	[tilespmem:s28+$0x11180] =	vst v0  }
0x1b7: {  	[tilespmem:s28+$0x11190] =	vst v0  }
0x1b8: {  	[tilespmem:s28+$0x111A0] =	vst v0  }
0x1b9: {  	[tilespmem:s28+$0x111B0] =	vst v0  }
0x1ba: {  	[tilespmem:s28+$0x111C0] =	vst v0  }
0x1bb: {  	[tilespmem:s28+$0x111D0] =	vst v0  }
0x1bc: {  	[tilespmem:s28+$0x111E0] =	vst v0  }
0x1bd: {  	[tilespmem:s28+$0x111F0] =	vst v0  }
0x1be: {  	[tilespmem:s28+$0x11200] =	vst v0  }
0x1bf: {  	[tilespmem:s28+$0x11210] =	vst v0  }
0x1c0: {  	[tilespmem:s28+$0x11220] =	vst v0  }
0x1c1: {  	[tilespmem:s28+$0x11230] =	vst v0  }
0x1c2: {  	[tilespmem:s28+$0x11240] =	vst v0  }
0x1c3: {  	[tilespmem:s28+$0x11250] =	vst v0  }
0x1c4: {  	[tilespmem:s28+$0x11260] =	vst v0  }
0x1c5: {  	[tilespmem:s28+$0x11270] =	vst v0  }
0x1c6: {  	[tilespmem:s28+$0x11280] =	vst v0  }
0x1c7: {  	[tilespmem:s28+$0x11290] =	vst v0  }
0x1c8: {  	[tilespmem:s28+$0x112A0] =	vst v0  }
0x1c9: {  	[tilespmem:s28+$0x112B0] =	vst v0  }
0x1ca: {  	[tilespmem:s28+$0x112C0] =	vst v0  }
0x1cb: {  	[tilespmem:s28+$0x112D0] =	vst v0  }
0x1cc: {  	[tilespmem:s28+$0x112E0] =	vst v0  }
0x1cd: {  	[tilespmem:s28+$0x112F0] =	vst v0  }
0x1ce: {  	[tilespmem:s28+$0x11300] =	vst v0  }
0x1cf: {  	[tilespmem:s28+$0x11310] =	vst v0  }
0x1d0: {  	[tilespmem:s28+$0x11320] =	vst v0  }
0x1d1: {  	[tilespmem:s28+$0x11330] =	vst v0  }
0x1d2: {  	[tilespmem:s28+$0x11340] =	vst v0  }
0x1d3: {  	[tilespmem:s28+$0x11350] =	vst v0  }
0x1d4: {  	[tilespmem:s28+$0x11360] =	vst v0  }
0x1d5: {  	[tilespmem:s28+$0x11370] =	vst v0  }
0x1d6: {  	[tilespmem:s28+$0x11380] =	vst v0  }
0x1d7: {  	[tilespmem:s28+$0x11390] =	vst v0  }
.Ltmp4:
0x1d8: {  	[tilespmem:s28+$0x113A0] =	vst v0;
	(pc) =	sbr.rel @p0 .LBB2_10-.Ltmp4, $4  }
0x1d9: {  	[tilespmem:s28+$0x113B0] =	vst v0  }
0x1da: {  	[tilespmem:s28+$0x113C0] =	vst v0  }
0x1db: {  	[tilespmem:s28+$0x113D0] =	vst v0  }
0x1dc: {  	[tilespmem:s28+$0x113E0] =	vst v0;
	s28 =	sshra.s32 s29, $0x2;
	s29 =	sadd.s32 $0x1000, s29  }
0x1dd: {  	[tilespmem:s28+$0x113F0] =	vst v0  }
0x1de: {  	[tilespmem:s28+$0x11000] =	vst v0  }
0x1df: {  	[tilespmem:s28+$0x11010] =	vst v0  }
0x1e0: {  	[tilespmem:s28+$0x11020] =	vst v0  }
0x1e1: {  	[tilespmem:s28+$0x11030] =	vst v0  }
0x1e2: {  	[tilespmem:s28+$0x11040] =	vst v0  }
0x1e3: {  	[tilespmem:s28+$0x11050] =	vst v0  }
0x1e4: {  	[tilespmem:s28+$0x11060] =	vst v0  }
0x1e5: {  	[tilespmem:s28+$0x11070] =	vst v0  }
0x1e6: {  	[tilespmem:s28+$0x11080] =	vst v0  }
0x1e7: {  	[tilespmem:s28+$0x11090] =	vst v0  }
0x1e8: {  	[tilespmem:s28+$0x110A0] =	vst v0  }
0x1e9: {  	[tilespmem:s28+$0x110B0] =	vst v0  }
0x1ea: {  	[tilespmem:s28+$0x110C0] =	vst v0  }
0x1eb: {  	[tilespmem:s28+$0x110D0] =	vst v0  }
0x1ec: {  	[tilespmem:s28+$0x110E0] =	vst v0  }
0x1ed: {  	[tilespmem:s28+$0x110F0] =	vst v0  }
0x1ee: {  	[tilespmem:s28+$0x11100] =	vst v0  }
0x1ef: {  	[tilespmem:s28+$0x11110] =	vst v0  }
0x1f0: {  	[tilespmem:s28+$0x11120] =	vst v0  }
0x1f1: {  	[tilespmem:s28+$0x11130] =	vst v0  }
0x1f2: {  	[tilespmem:s28+$0x11140] =	vst v0  }
0x1f3: {  	[tilespmem:s28+$0x11150] =	vst v0  }
0x1f4: {  	[tilespmem:s28+$0x11160] =	vst v0  }
0x1f5: {  	[tilespmem:s28+$0x11170] =	vst v0  }
0x1f6: {  	[tilespmem:s28+$0x11180] =	vst v0  }
0x1f7: {  	[tilespmem:s28+$0x11190] =	vst v0  }
0x1f8: {  	[tilespmem:s28+$0x111A0] =	vst v0  }
0x1f9: {  	[tilespmem:s28+$0x111B0] =	vst v0  }
0x1fa: {  	[tilespmem:s28+$0x111C0] =	vst v0  }
0x1fb: {  	[tilespmem:s28+$0x111D0] =	vst v0  }
0x1fc: {  	[tilespmem:s28+$0x111E0] =	vst v0  }
0x1fd: {  	[tilespmem:s28+$0x111F0] =	vst v0  }
0x1fe: {  	[tilespmem:s28+$0x11200] =	vst v0  }
0x1ff: {  	[tilespmem:s28+$0x11210] =	vst v0  }
0x200: {  	[tilespmem:s28+$0x11220] =	vst v0  }
0x201: {  	[tilespmem:s28+$0x11230] =	vst v0  }
0x202: {  	[tilespmem:s28+$0x11240] =	vst v0  }
0x203: {  	[tilespmem:s28+$0x11250] =	vst v0  }
0x204: {  	[tilespmem:s28+$0x11260] =	vst v0  }
0x205: {  	[tilespmem:s28+$0x11270] =	vst v0  }
0x206: {  	[tilespmem:s28+$0x11280] =	vst v0  }
0x207: {  	[tilespmem:s28+$0x11290] =	vst v0  }
0x208: {  	[tilespmem:s28+$0x112A0] =	vst v0  }
0x209: {  	[tilespmem:s28+$0x112B0] =	vst v0  }
0x20a: {  	[tilespmem:s28+$0x112C0] =	vst v0  }
0x20b: {  	[tilespmem:s28+$0x112D0] =	vst v0  }
0x20c: {  	[tilespmem:s28+$0x112E0] =	vst v0  }
0x20d: {  	[tilespmem:s28+$0x112F0] =	vst v0  }
0x20e: {  	[tilespmem:s28+$0x11300] =	vst v0  }
0x20f: {  	[tilespmem:s28+$0x11310] =	vst v0  }
0x210: {  	[tilespmem:s28+$0x11320] =	vst v0  }
0x211: {  	[tilespmem:s28+$0x11330] =	vst v0  }
0x212: {  	[tilespmem:s28+$0x11340] =	vst v0  }
0x213: {  	[tilespmem:s28+$0x11350] =	vst v0  }
0x214: {  	[tilespmem:s28+$0x11360] =	vst v0  }
0x215: {  	[tilespmem:s28+$0x11370] =	vst v0  }
0x216: {  	[tilespmem:s28+$0x11380] =	vst v0  }
0x217: {  	[tilespmem:s28+$0x11390] =	vst v0  }
0x218: {  	[tilespmem:s28+$0x113A0] =	vst v0  }
0x219: {  	[tilespmem:s28+$0x113B0] =	vst v0  }
0x21a: {  	[tilespmem:s28+$0x113C0] =	vst v0  }
0x21b: {  	[tilespmem:s28+$0x113D0] =	vst v0  }
0x21c: {  	[tilespmem:s28+$0x113E0] =	vst v0;
	s28 =	simm.s32 $0x1400  }
.LBB2_12:
0x21d: {  	v3 =	vld [tilespmem:s28+$0xFFFFF000];
	_ =	sdelay $0x4  }
0x21e: {  	v4 =	vor.u32 s26, v1;
	vm0 =	vlt.u32 v3, $0x10;
	v3 =	vshll.u32 v3, $0x7  }
0x21f: {  	v3 =	vadd.s32 v4, v3;
	_ =	sdelay $0x4  }
0x220: {  	[tilespmem:v3+s19+$0x0] =	vst.idx.msk vm0, v2  }
0x221: {  	v3 =	vld [tilespmem:s28+$0xFFFFF080];
	_ =	sdelay $0x4  }
0x222: {  	v5 =	vand.u32 $0xFFFFFFF0, v3  }
0x223: {  	v3 =	vshll.u32 v3, $0x7;
	vm4 =	veq.s32 v5, $0x10  }
0x224: {  	v3 =	vadd.s32 v4, v3;
	_ =	sdelay $0x4  }
0x225: {  	[tilespmem:v3+s19+$0x0] =	vst.idx.msk vm4, v2  }
0x226: {  	v3 =	vld [tilespmem:s28+$0xFFFFF100];
	_ =	sdelay $0x4  }
0x227: {  	v53 =	vand.u32 $0xFFFFFFF0, v3  }
0x228: {  	v3 =	vshll.u32 v3, $0x7;
	vm5 =	veq.s32 v53, $0x20  }
0x229: {  	v3 =	vadd.s32 v4, v3;
	_ =	sdelay $0x4  }
0x22a: {  	[tilespmem:v3+s19+$0x0] =	vst.idx.msk vm5, v2  }
0x22b: {  	v3 =	vld [tilespmem:s28+$0xFFFFF180];
	_ =	sdelay $0x4  }
0x22c: {  	v54 =	vand.u32 $0xFFFFFFF0, v3  }
0x22d: {  	v3 =	vshll.u32 v3, $0x7;
	vm6 =	veq.s32 v54, $0x30  }
0x22e: {  	v3 =	vadd.s32 v4, v3;
	_ =	sdelay $0x4  }
0x22f: {  	[tilespmem:v3+s19+$0x0] =	vst.idx.msk vm6, v2  }
0x230: {  	v3 =	vld [tilespmem:s28+$0xFFFFF200];
	_ =	sdelay $0x4  }
0x231: {  	v55 =	vand.u32 $0xFFFFFFF0, v3  }
0x232: {  	v3 =	vshll.u32 v3, $0x7;
	vm7 =	veq.s32 v55, $0x40  }
0x233: {  	v3 =	vadd.s32 v4, v3;
	_ =	sdelay $0x4  }
0x234: {  	[tilespmem:v3+s19+$0x0] =	vst.idx.msk vm7, v2  }
0x235: {  	v3 =	vld [tilespmem:s28+$0xFFFFF280];
	_ =	sdelay $0x4  }
0x236: {  	v56 =	vand.u32 $0xFFFFFFF0, v3  }
0x237: {  	v3 =	vshll.u32 v3, $0x7;
	vm8 =	veq.s32 v56, $0x50  }
0x238: {  	v3 =	vadd.s32 v4, v3;
	_ =	sdelay $0x4  }
0x239: {  	[tilespmem:v3+s19+$0x0] =	vst.idx.msk vm8, v2  }
0x23a: {  	v3 =	vld [tilespmem:s28+$0xFFFFF300];
	_ =	sdelay $0x4  }
0x23b: {  	v57 =	vand.u32 $0xFFFFFFF0, v3  }
0x23c: {  	v3 =	vshll.u32 v3, $0x7;
	vm9 =	veq.s32 v57, $0x60  }
0x23d: {  	v3 =	vadd.s32 v4, v3;
	_ =	sdelay $0x4  }
0x23e: {  	[tilespmem:v3+s19+$0x0] =	vst.idx.msk vm9, v2  }
0x23f: {  	v3 =	vld [tilespmem:s28+$0xFFFFF380];
	_ =	sdelay $0x4  }
0x240: {  	v58 =	vand.u32 $0xFFFFFFF0, v3  }
0x241: {  	v3 =	vshll.u32 v3, $0x7;
	vm10 =	veq.s32 v58, $0x70  }
0x242: {  	v3 =	vadd.s32 v4, v3;
	_ =	sdelay $0x4  }
0x243: {  	[tilespmem:v3+s19+$0x0] =	vst.idx.msk vm10, v2  }
0x244: {  	v3 =	vld [tilespmem:s28+$0x0];
	_ =	sdelay $0x4  }
0x245: {  	v59 =	vand.u32 $0xFFFFFFF0, v3  }
0x246: {  	v3 =	vshll.u32 v3, $0x7;
	vm11 =	veq.s32 v59, $0x80  }
0x247: {  	v3 =	vadd.s32 v4, v3;
	_ =	sdelay $0x4  }
0x248: {  	[tilespmem:v3+s19+$0x0] =	vst.idx.msk vm11, v2  }
0x249: {  	v3 =	vld [tilespmem:s28+$0x80];
	_ =	sdelay $0x4  }
0x24a: {  	v60 =	vand.u32 $0xFFFFFFF0, v3  }
0x24b: {  	v3 =	vshll.u32 v3, $0x7;
	vm12 =	veq.s32 v60, $0x90  }
0x24c: {  	v3 =	vadd.s32 v4, v3;
	_ =	sdelay $0x4  }
0x24d: {  	[tilespmem:v3+s19+$0x0] =	vst.idx.msk vm12, v2  }
0x24e: {  	v3 =	vld [tilespmem:s28+$0x100];
	_ =	sdelay $0x4  }
0x24f: {  	v61 =	vand.u32 $0xFFFFFFF0, v3  }
0x250: {  	v3 =	vshll.u32 v3, $0x7;
	vm13 =	veq.s32 v61, $0xA0  }
0x251: {  	v3 =	vadd.s32 v4, v3;
	_ =	sdelay $0x4  }
0x252: {  	[tilespmem:v3+s19+$0x0] =	vst.idx.msk vm13, v2  }
0x253: {  	v3 =	vld [tilespmem:s28+$0x180];
	_ =	sdelay $0x4  }
0x254: {  	v62 =	vand.u32 $0xFFFFFFF0, v3  }
0x255: {  	v3 =	vshll.u32 v3, $0x7;
	vm14 =	veq.s32 v62, $0xB0  }
0x256: {  	v3 =	vadd.s32 v4, v3;
	_ =	sdelay $0x4  }
0x257: {  	[tilespmem:v3+s19+$0x0] =	vst.idx.msk vm14, v2  }
0x258: {  	v3 =	vld [tilespmem:s28+$0x200];
	_ =	sdelay $0x4  }
0x259: {  	v63 =	vand.u32 $0xFFFFFFF0, v3  }
0x25a: {  	v3 =	vshll.u32 v3, $0x7;
	vm15 =	veq.s32 v63, $0xC0  }
0x25b: {  	p0 =	sne.s32 s26, $0x70;
	v3 =	vadd.s32 v4, v3  }
.Ltmp5:
0x25c: {  	_ = 	snop;
	(pc) =	sbr.rel @p0 .LBB2_12-.Ltmp5, $2  }
0x25d: {  	_ =	sdelay $0x2  }
0x25e: {  	s26 =	sadd.s32 $0x10, s26;
	s28 =	sadd.s32 $0x10, s28;
	[tilespmem:v3+s19+$0x0] =	vst.idx.msk vm15, v2  }
0x25f: {  	[hbm4b:s6+s17] =	stream.strided.scatter [tilespmem:s19], [sflag:$0x3], $0x6800, s14, s17, $0x38;
	[tilespmem:$0x1E000] =	vst v63  }
0x260: {  	s26 =	simm.s32 $0x0;
	s28 =	simm.s32 $0x0;
	s29 =	simm.s32 $0x1000  }
.LBB2_14:
0x261: {  	p0 =	sne.s32 s29, $0x19000;
	[tilespmem:s28+$0x17BF0] =	vst v0  }
0x262: {  	[tilespmem:s28+$0x17800] =	vst v0  }
0x263: {  	[tilespmem:s28+$0x17810] =	vst v0  }
0x264: {  	[tilespmem:s28+$0x17820] =	vst v0  }
0x265: {  	[tilespmem:s28+$0x17830] =	vst v0  }
0x266: {  	[tilespmem:s28+$0x17840] =	vst v0  }
0x267: {  	[tilespmem:s28+$0x17850] =	vst v0  }
0x268: {  	[tilespmem:s28+$0x17860] =	vst v0  }
0x269: {  	[tilespmem:s28+$0x17870] =	vst v0  }
0x26a: {  	[tilespmem:s28+$0x17880] =	vst v0  }
0x26b: {  	[tilespmem:s28+$0x17890] =	vst v0  }
0x26c: {  	[tilespmem:s28+$0x178A0] =	vst v0  }
0x26d: {  	[tilespmem:s28+$0x178B0] =	vst v0  }
0x26e: {  	[tilespmem:s28+$0x178C0] =	vst v0  }
0x26f: {  	[tilespmem:s28+$0x178D0] =	vst v0  }
0x270: {  	[tilespmem:s28+$0x178E0] =	vst v0  }
0x271: {  	[tilespmem:s28+$0x178F0] =	vst v0  }
0x272: {  	[tilespmem:s28+$0x17900] =	vst v0  }
0x273: {  	[tilespmem:s28+$0x17910] =	vst v0  }
0x274: {  	[tilespmem:s28+$0x17920] =	vst v0  }
0x275: {  	[tilespmem:s28+$0x17930] =	vst v0  }
0x276: {  	[tilespmem:s28+$0x17940] =	vst v0  }
0x277: {  	[tilespmem:s28+$0x17950] =	vst v0  }
0x278: {  	[tilespmem:s28+$0x17960] =	vst v0  }
0x279: {  	[tilespmem:s28+$0x17970] =	vst v0  }
0x27a: {  	[tilespmem:s28+$0x17980] =	vst v0  }
0x27b: {  	[tilespmem:s28+$0x17990] =	vst v0  }
0x27c: {  	[tilespmem:s28+$0x179A0] =	vst v0  }
0x27d: {  	[tilespmem:s28+$0x179B0] =	vst v0  }
0x27e: {  	[tilespmem:s28+$0x179C0] =	vst v0  }
0x27f: {  	[tilespmem:s28+$0x179D0] =	vst v0  }
0x280: {  	[tilespmem:s28+$0x179E0] =	vst v0  }
0x281: {  	[tilespmem:s28+$0x179F0] =	vst v0  }
0x282: {  	[tilespmem:s28+$0x17A00] =	vst v0  }
0x283: {  	[tilespmem:s28+$0x17A10] =	vst v0  }
0x284: {  	[tilespmem:s28+$0x17A20] =	vst v0  }
0x285: {  	[tilespmem:s28+$0x17A30] =	vst v0  }
0x286: {  	[tilespmem:s28+$0x17A40] =	vst v0  }
0x287: {  	[tilespmem:s28+$0x17A50] =	vst v0  }
0x288: {  	[tilespmem:s28+$0x17A60] =	vst v0  }
0x289: {  	[tilespmem:s28+$0x17A70] =	vst v0  }
0x28a: {  	[tilespmem:s28+$0x17A80] =	vst v0  }
0x28b: {  	[tilespmem:s28+$0x17A90] =	vst v0  }
0x28c: {  	[tilespmem:s28+$0x17AA0] =	vst v0  }
0x28d: {  	[tilespmem:s28+$0x17AB0] =	vst v0  }
0x28e: {  	[tilespmem:s28+$0x17AC0] =	vst v0  }
0x28f: {  	[tilespmem:s28+$0x17AD0] =	vst v0  }
0x290: {  	[tilespmem:s28+$0x17AE0] =	vst v0  }
0x291: {  	[tilespmem:s28+$0x17AF0] =	vst v0  }
0x292: {  	[tilespmem:s28+$0x17B00] =	vst v0  }
0x293: {  	[tilespmem:s28+$0x17B10] =	vst v0  }
0x294: {  	[tilespmem:s28+$0x17B20] =	vst v0  }
0x295: {  	[tilespmem:s28+$0x17B30] =	vst v0  }
0x296: {  	[tilespmem:s28+$0x17B40] =	vst v0  }
0x297: {  	[tilespmem:s28+$0x17B50] =	vst v0  }
0x298: {  	[tilespmem:s28+$0x17B60] =	vst v0  }
0x299: {  	[tilespmem:s28+$0x17B70] =	vst v0  }
0x29a: {  	[tilespmem:s28+$0x17B80] =	vst v0  }
0x29b: {  	[tilespmem:s28+$0x17B90] =	vst v0  }
.Ltmp6:
0x29c: {  	[tilespmem:s28+$0x17BA0] =	vst v0;
	(pc) =	sbr.rel @p0 .LBB2_14-.Ltmp6, $4  }
0x29d: {  	[tilespmem:s28+$0x17BB0] =	vst v0  }
0x29e: {  	[tilespmem:s28+$0x17BC0] =	vst v0  }
0x29f: {  	[tilespmem:s28+$0x17BD0] =	vst v0  }
0x2a0: {  	[tilespmem:s28+$0x17BE0] =	vst v0;
	s28 =	sshra.s32 s29, $0x2;
	s29 =	sadd.s32 $0x1000, s29  }
0x2a1: {  	[tilespmem:s28+$0x17BF0] =	vst v0  }
0x2a2: {  	[tilespmem:s28+$0x17800] =	vst v0  }
0x2a3: {  	[tilespmem:s28+$0x17810] =	vst v0  }
0x2a4: {  	[tilespmem:s28+$0x17820] =	vst v0  }
0x2a5: {  	[tilespmem:s28+$0x17830] =	vst v0  }
0x2a6: {  	[tilespmem:s28+$0x17840] =	vst v0  }
0x2a7: {  	[tilespmem:s28+$0x17850] =	vst v0  }
0x2a8: {  	[tilespmem:s28+$0x17860] =	vst v0  }
0x2a9: {  	[tilespmem:s28+$0x17870] =	vst v0  }
0x2aa: {  	[tilespmem:s28+$0x17880] =	vst v0  }
0x2ab: {  	[tilespmem:s28+$0x17890] =	vst v0  }
0x2ac: {  	[tilespmem:s28+$0x178A0] =	vst v0  }
0x2ad: {  	[tilespmem:s28+$0x178B0] =	vst v0  }
0x2ae: {  	[tilespmem:s28+$0x178C0] =	vst v0  }
0x2af: {  	[tilespmem:s28+$0x178D0] =	vst v0  }
0x2b0: {  	[tilespmem:s28+$0x178E0] =	vst v0  }
0x2b1: {  	[tilespmem:s28+$0x178F0] =	vst v0  }
0x2b2: {  	[tilespmem:s28+$0x17900] =	vst v0  }
0x2b3: {  	[tilespmem:s28+$0x17910] =	vst v0  }
0x2b4: {  	[tilespmem:s28+$0x17920] =	vst v0  }
0x2b5: {  	[tilespmem:s28+$0x17930] =	vst v0  }
0x2b6: {  	[tilespmem:s28+$0x17940] =	vst v0  }
0x2b7: {  	[tilespmem:s28+$0x17950] =	vst v0  }
0x2b8: {  	[tilespmem:s28+$0x17960] =	vst v0  }
0x2b9: {  	[tilespmem:s28+$0x17970] =	vst v0  }
0x2ba: {  	[tilespmem:s28+$0x17980] =	vst v0  }
0x2bb: {  	[tilespmem:s28+$0x17990] =	vst v0  }
0x2bc: {  	[tilespmem:s28+$0x179A0] =	vst v0  }
0x2bd: {  	[tilespmem:s28+$0x179B0] =	vst v0  }
0x2be: {  	[tilespmem:s28+$0x179C0] =	vst v0  }
0x2bf: {  	[tilespmem:s28+$0x179D0] =	vst v0  }
0x2c0: {  	[tilespmem:s28+$0x179E0] =	vst v0  }
0x2c1: {  	[tilespmem:s28+$0x179F0] =	vst v0  }
0x2c2: {  	[tilespmem:s28+$0x17A00] =	vst v0  }
0x2c3: {  	[tilespmem:s28+$0x17A10] =	vst v0  }
0x2c4: {  	[tilespmem:s28+$0x17A20] =	vst v0  }
0x2c5: {  	[tilespmem:s28+$0x17A30] =	vst v0  }
0x2c6: {  	[tilespmem:s28+$0x17A40] =	vst v0  }
0x2c7: {  	[tilespmem:s28+$0x17A50] =	vst v0  }
0x2c8: {  	[tilespmem:s28+$0x17A60] =	vst v0  }
0x2c9: {  	[tilespmem:s28+$0x17A70] =	vst v0  }
0x2ca: {  	[tilespmem:s28+$0x17A80] =	vst v0  }
0x2cb: {  	[tilespmem:s28+$0x17A90] =	vst v0  }
0x2cc: {  	[tilespmem:s28+$0x17AA0] =	vst v0  }
0x2cd: {  	[tilespmem:s28+$0x17AB0] =	vst v0  }
0x2ce: {  	[tilespmem:s28+$0x17AC0] =	vst v0  }
0x2cf: {  	[tilespmem:s28+$0x17AD0] =	vst v0  }
0x2d0: {  	[tilespmem:s28+$0x17AE0] =	vst v0  }
0x2d1: {  	[tilespmem:s28+$0x17AF0] =	vst v0  }
0x2d2: {  	[tilespmem:s28+$0x17B00] =	vst v0  }
0x2d3: {  	[tilespmem:s28+$0x17B10] =	vst v0  }
0x2d4: {  	[tilespmem:s28+$0x17B20] =	vst v0  }
0x2d5: {  	[tilespmem:s28+$0x17B30] =	vst v0  }
0x2d6: {  	[tilespmem:s28+$0x17B40] =	vst v0  }
0x2d7: {  	[tilespmem:s28+$0x17B50] =	vst v0  }
0x2d8: {  	[tilespmem:s28+$0x17B60] =	vst v0  }
0x2d9: {  	[tilespmem:s28+$0x17B70] =	vst v0  }
0x2da: {  	[tilespmem:s28+$0x17B80] =	vst v0  }
0x2db: {  	[tilespmem:s28+$0x17B90] =	vst v0  }
0x2dc: {  	[tilespmem:s28+$0x17BA0] =	vst v0  }
0x2dd: {  	[tilespmem:s28+$0x17BB0] =	vst v0  }
0x2de: {  	[tilespmem:s28+$0x17BC0] =	vst v0  }
0x2df: {  	[tilespmem:s28+$0x17BD0] =	vst v0  }
0x2e0: {  	[tilespmem:s28+$0x17BE0] =	vst v0;
	s28 =	simm.s32 $0x2400  }
.LBB2_16:
0x2e1: {  	v3 =	vld [tilespmem:s28+$0xFFFFF280];
	_ =	sdelay $0x4  }
0x2e2: {  	v3 =	vadd.s32 $0xFFFFFF30, v3  }
0x2e3: {  	v4 =	vor.u32 s26, v1;
	vm0 =	vlt.u32 v3, $0x10;
	v3 =	vshll.u32 v3, $0x7  }
0x2e4: {  	v3 =	vadd.s32 v4, v3;
	_ =	sdelay $0x4  }
0x2e5: {  	[tilespmem:v3+s20+$0x0] =	vst.idx.msk vm0, v2  }
0x2e6: {  	v3 =	vld [tilespmem:s28+$0xFFFFF300];
	_ =	sdelay $0x4  }
0x2e7: {  	v5 =	vand.u32 $0xFFFFFFF0, v3;
	v3 =	vshll.u32 v3, $0x7  }
0x2e8: {  	vm4 =	veq.s32 v5, $0xE0;
	v3 =	vadd.s32 v4, v3  }
0x2e9: {  	v3 =	vadd.s32 $0xFFFF9800, v3;
	_ =	sdelay $0x4  }
0x2ea: {  	[tilespmem:v3+s20+$0x0] =	vst.idx.msk vm4, v2  }
0x2eb: {  	v3 =	vld [tilespmem:s28+$0xFFFFF380];
	_ =	sdelay $0x4  }
0x2ec: {  	v53 =	vand.u32 $0xFFFFFFF0, v3;
	v3 =	vshll.u32 v3, $0x7  }
0x2ed: {  	vm5 =	veq.s32 v53, $0xF0;
	v3 =	vadd.s32 v4, v3  }
0x2ee: {  	v3 =	vadd.s32 $0xFFFF9800, v3;
	_ =	sdelay $0x4  }
0x2ef: {  	[tilespmem:v3+s20+$0x0] =	vst.idx.msk vm5, v2  }
0x2f0: {  	v3 =	vld [tilespmem:s28+$0x0];
	_ =	sdelay $0x4  }
0x2f1: {  	v54 =	vand.u32 $0xFFFFFFF0, v3;
	v3 =	vshll.u32 v3, $0x7  }
0x2f2: {  	vm6 =	veq.s32 v54, $0x100;
	v3 =	vadd.s32 v4, v3  }
0x2f3: {  	v3 =	vadd.s32 $0xFFFF9800, v3;
	_ =	sdelay $0x4  }
0x2f4: {  	[tilespmem:v3+s20+$0x0] =	vst.idx.msk vm6, v2  }
0x2f5: {  	v3 =	vld [tilespmem:s28+$0x80];
	_ =	sdelay $0x4  }
0x2f6: {  	v55 =	vand.u32 $0xFFFFFFF0, v3;
	v3 =	vshll.u32 v3, $0x7  }
0x2f7: {  	vm7 =	veq.s32 v55, $0x110;
	v3 =	vadd.s32 v4, v3  }
0x2f8: {  	v3 =	vadd.s32 $0xFFFF9800, v3;
	_ =	sdelay $0x4  }
0x2f9: {  	[tilespmem:v3+s20+$0x0] =	vst.idx.msk vm7, v2  }
0x2fa: {  	v3 =	vld [tilespmem:s28+$0x100];
	_ =	sdelay $0x4  }
0x2fb: {  	v56 =	vand.u32 $0xFFFFFFF0, v3;
	v3 =	vshll.u32 v3, $0x7  }
0x2fc: {  	vm8 =	veq.s32 v56, $0x120;
	v3 =	vadd.s32 v4, v3  }
0x2fd: {  	v3 =	vadd.s32 $0xFFFF9800, v3;
	_ =	sdelay $0x4  }
0x2fe: {  	[tilespmem:v3+s20+$0x0] =	vst.idx.msk vm8, v2  }
0x2ff: {  	v3 =	vld [tilespmem:s28+$0x180];
	_ =	sdelay $0x4  }
0x300: {  	v57 =	vand.u32 $0xFFFFFFF0, v3;
	v3 =	vshll.u32 v3, $0x7  }
0x301: {  	vm9 =	veq.s32 v57, $0x130;
	v3 =	vadd.s32 v4, v3  }
0x302: {  	v3 =	vadd.s32 $0xFFFF9800, v3;
	_ =	sdelay $0x4  }
0x303: {  	[tilespmem:v3+s20+$0x0] =	vst.idx.msk vm9, v2  }
0x304: {  	v3 =	vld [tilespmem:s28+$0x200];
	_ =	sdelay $0x4  }
0x305: {  	v58 =	vand.u32 $0xFFFFFFF0, v3;
	v3 =	vshll.u32 v3, $0x7  }
0x306: {  	vm10 =	veq.s32 v58, $0x140;
	v3 =	vadd.s32 v4, v3  }
0x307: {  	v3 =	vadd.s32 $0xFFFF9800, v3;
	_ =	sdelay $0x4  }
0x308: {  	[tilespmem:v3+s20+$0x0] =	vst.idx.msk vm10, v2  }
0x309: {  	v3 =	vld [tilespmem:s28+$0x280];
	_ =	sdelay $0x4  }
0x30a: {  	v59 =	vand.u32 $0xFFFFFFF0, v3;
	v3 =	vshll.u32 v3, $0x7  }
0x30b: {  	vm11 =	veq.s32 v59, $0x150;
	v3 =	vadd.s32 v4, v3  }
0x30c: {  	v3 =	vadd.s32 $0xFFFF9800, v3;
	_ =	sdelay $0x4  }
0x30d: {  	[tilespmem:v3+s20+$0x0] =	vst.idx.msk vm11, v2  }
0x30e: {  	v3 =	vld [tilespmem:s28+$0x300];
	_ =	sdelay $0x4  }
0x30f: {  	v60 =	vand.u32 $0xFFFFFFF0, v3;
	v3 =	vshll.u32 v3, $0x7  }
0x310: {  	vm12 =	veq.s32 v60, $0x160;
	v3 =	vadd.s32 v4, v3  }
0x311: {  	v3 =	vadd.s32 $0xFFFF9800, v3;
	_ =	sdelay $0x4  }
0x312: {  	[tilespmem:v3+s20+$0x0] =	vst.idx.msk vm12, v2  }
0x313: {  	v3 =	vld [tilespmem:s28+$0x380];
	_ =	sdelay $0x4  }
0x314: {  	v61 =	vand.u32 $0xFFFFFFF0, v3;
	v3 =	vshll.u32 v3, $0x7  }
0x315: {  	vm13 =	veq.s32 v61, $0x170;
	v3 =	vadd.s32 v4, v3  }
0x316: {  	v3 =	vadd.s32 $0xFFFF9800, v3;
	_ =	sdelay $0x4  }
0x317: {  	[tilespmem:v3+s20+$0x0] =	vst.idx.msk vm13, v2  }
0x318: {  	v3 =	vld [tilespmem:s28+$0x1000];
	_ =	sdelay $0x4  }
0x319: {  	v62 =	vand.u32 $0xFFFFFFF0, v3;
	v3 =	vshll.u32 v3, $0x7  }
0x31a: {  	vm14 =	veq.s32 v62, $0x180;
	v3 =	vadd.s32 v4, v3  }
0x31b: {  	v3 =	vadd.s32 $0xFFFF9800, v3;
	_ =	sdelay $0x4  }
0x31c: {  	[tilespmem:v3+s20+$0x0] =	vst.idx.msk vm14, v2  }
0x31d: {  	v3 =	vld [tilespmem:s28+$0x1080];
	_ =	sdelay $0x4  }
0x31e: {  	v63 =	vand.u32 $0xFFFFFFF0, v3;
	v3 =	vshll.u32 v3, $0x7  }
0x31f: {  	vm15 =	veq.s32 v63, $0x190;
	v3 =	vadd.s32 v4, v3  }
0x320: {  	p0 =	sne.s32 s26, $0x70;
	v3 =	vadd.s32 $0xFFFF9800, v3  }
.Ltmp7:
0x321: {  	_ = 	snop;
	(pc) =	sbr.rel @p0 .LBB2_16-.Ltmp7, $2  }
0x322: {  	_ =	sdelay $0x2  }
0x323: {  	s26 =	sadd.s32 $0x10, s26;
	s28 =	sadd.s32 $0x10, s28;
	[tilespmem:v3+s20+$0x0] =	vst.idx.msk vm15, v2  }
0x324: {  	[hbm4b:s7+s17] =	stream.strided.scatter [tilespmem:s20], [sflag:$0x4], $0x6800, s14, s17, $0x38;
	[tilespmem:$0x1E000] =	vst v63  }
0x325: {  	_ =	swait.ge [sflag:s21], $0x6800  }
0x326: {  	s26 =	simm.s32 $0x0;
	[sflag:s21] =	ssyncset.done $0x0  }
0x327: {  	s28 =	simm.s32 $0x0;
	s29 =	simm.s32 $0x0;
	[sflag:s21] =	ssyncadd.s32 $0xFFFF9800  }
.LBB2_18:
0x328: {  	v3 =	vld [tilespmem:s28+$0x0];
	_ =	sdelay $0x4  }
0x329: {  	v4 =	vor.u32 s29, v1;
	vm0 =	vlt.u32 v3, $0x10;
	v3 =	vshll.u32 v3, $0x7  }
0x32a: {  	v3 =	vadd.s32 v4, v3;
	_ =	sdelay $0x4  }
0x32b: {  	[tilespmem:v3+s16+$0x0] =	vst.idx.msk vm0, v0  }
0x32c: {  	v3 =	vld [tilespmem:s28+$0x80];
	_ =	sdelay $0x4  }
0x32d: {  	v5 =	vand.u32 $0xFFFFFFF0, v3  }
0x32e: {  	v3 =	vshll.u32 v3, $0x7;
	vm4 =	veq.s32 v5, $0x10  }
0x32f: {  	v3 =	vadd.s32 v4, v3;
	_ =	sdelay $0x4  }
0x330: {  	[tilespmem:v3+s16+$0x0] =	vst.idx.msk vm4, v0  }
0x331: {  	v3 =	vld [tilespmem:s28+$0x100];
	_ =	sdelay $0x4  }
0x332: {  	v53 =	vand.u32 $0xFFFFFFF0, v3  }
0x333: {  	v3 =	vshll.u32 v3, $0x7;
	vm5 =	veq.s32 v53, $0x20  }
0x334: {  	v3 =	vadd.s32 v4, v3;
	_ =	sdelay $0x4  }
0x335: {  	[tilespmem:v3+s16+$0x0] =	vst.idx.msk vm5, v0  }
0x336: {  	v3 =	vld [tilespmem:s28+$0x180];
	_ =	sdelay $0x4  }
0x337: {  	v54 =	vand.u32 $0xFFFFFFF0, v3  }
0x338: {  	v3 =	vshll.u32 v3, $0x7;
	vm6 =	veq.s32 v54, $0x30  }
0x339: {  	v3 =	vadd.s32 v4, v3;
	_ =	sdelay $0x4  }
0x33a: {  	[tilespmem:v3+s16+$0x0] =	vst.idx.msk vm6, v0  }
0x33b: {  	v3 =	vld [tilespmem:s28+$0x200];
	_ =	sdelay $0x4  }
0x33c: {  	v55 =	vand.u32 $0xFFFFFFF0, v3  }
0x33d: {  	v3 =	vshll.u32 v3, $0x7;
	vm7 =	veq.s32 v55, $0x40  }
0x33e: {  	v3 =	vadd.s32 v4, v3;
	_ =	sdelay $0x4  }
0x33f: {  	[tilespmem:v3+s16+$0x0] =	vst.idx.msk vm7, v0  }
0x340: {  	v3 =	vld [tilespmem:s28+$0x280];
	_ =	sdelay $0x4  }
0x341: {  	v56 =	vand.u32 $0xFFFFFFF0, v3  }
0x342: {  	v3 =	vshll.u32 v3, $0x7;
	vm8 =	veq.s32 v56, $0x50  }
0x343: {  	v3 =	vadd.s32 v4, v3;
	_ =	sdelay $0x4  }
0x344: {  	[tilespmem:v3+s16+$0x0] =	vst.idx.msk vm8, v0  }
0x345: {  	v3 =	vld [tilespmem:s28+$0x300];
	_ =	sdelay $0x4  }
0x346: {  	v57 =	vand.u32 $0xFFFFFFF0, v3  }
0x347: {  	v3 =	vshll.u32 v3, $0x7;
	vm9 =	veq.s32 v57, $0x60  }
0x348: {  	v3 =	vadd.s32 v4, v3;
	_ =	sdelay $0x4  }
0x349: {  	[tilespmem:v3+s16+$0x0] =	vst.idx.msk vm9, v0  }
0x34a: {  	v3 =	vld [tilespmem:s28+$0x380];
	_ =	sdelay $0x4  }
0x34b: {  	v58 =	vand.u32 $0xFFFFFFF0, v3  }
0x34c: {  	v3 =	vshll.u32 v3, $0x7;
	vm10 =	veq.s32 v58, $0x70  }
0x34d: {  	v3 =	vadd.s32 v4, v3;
	_ =	sdelay $0x4  }
0x34e: {  	[tilespmem:v3+s16+$0x0] =	vst.idx.msk vm10, v0  }
0x34f: {  	v3 =	vld [tilespmem:s28+$0x1000];
	_ =	sdelay $0x4  }
0x350: {  	v59 =	vand.u32 $0xFFFFFFF0, v3  }
0x351: {  	v3 =	vshll.u32 v3, $0x7;
	vm11 =	veq.s32 v59, $0x80  }
0x352: {  	v3 =	vadd.s32 v4, v3;
	_ =	sdelay $0x4  }
0x353: {  	[tilespmem:v3+s16+$0x0] =	vst.idx.msk vm11, v0  }
0x354: {  	v3 =	vld [tilespmem:s28+$0x1080];
	_ =	sdelay $0x4  }
0x355: {  	v60 =	vand.u32 $0xFFFFFFF0, v3  }
0x356: {  	v3 =	vshll.u32 v3, $0x7;
	vm12 =	veq.s32 v60, $0x90  }
0x357: {  	v3 =	vadd.s32 v4, v3;
	_ =	sdelay $0x4  }
0x358: {  	[tilespmem:v3+s16+$0x0] =	vst.idx.msk vm12, v0  }
0x359: {  	v3 =	vld [tilespmem:s28+$0x1100];
	_ =	sdelay $0x4  }
0x35a: {  	v61 =	vand.u32 $0xFFFFFFF0, v3  }
0x35b: {  	v3 =	vshll.u32 v3, $0x7;
	vm13 =	veq.s32 v61, $0xA0  }
0x35c: {  	v3 =	vadd.s32 v4, v3;
	_ =	sdelay $0x4  }
0x35d: {  	[tilespmem:v3+s16+$0x0] =	vst.idx.msk vm13, v0  }
0x35e: {  	v3 =	vld [tilespmem:s28+$0x1180];
	_ =	sdelay $0x4  }
0x35f: {  	v62 =	vand.u32 $0xFFFFFFF0, v3  }
0x360: {  	v3 =	vshll.u32 v3, $0x7;
	vm14 =	veq.s32 v62, $0xB0  }
0x361: {  	v3 =	vadd.s32 v4, v3;
	_ =	sdelay $0x4  }
0x362: {  	[tilespmem:v3+s16+$0x0] =	vst.idx.msk vm14, v0  }
0x363: {  	v3 =	vld [tilespmem:s28+$0x1200];
	_ =	sdelay $0x4  }
0x364: {  	v63 =	vand.u32 $0xFFFFFFF0, v3  }
0x365: {  	v3 =	vshll.u32 v3, $0x7;
	vm15 =	veq.s32 v63, $0xC0  }
0x366: {  	p0 =	sne.s32 s29, $0x70;
	v3 =	vadd.s32 v4, v3  }
.Ltmp8:
0x367: {  	_ = 	snop;
	(pc) =	sbr.rel @p0 .LBB2_18-.Ltmp8, $2  }
0x368: {  	_ =	sdelay $0x2  }
0x369: {  	s29 =	sadd.s32 $0x10, s29;
	s28 =	sadd.s32 $0x10, s28;
	[tilespmem:v3+s16+$0x0] =	vst.idx.msk vm15, v0  }
0x36a: {  	s28 =	simm.s32 $0x1800  }
.LBB2_20:
0x36b: {  	v3 =	vld [tilespmem:s28+$0xFFFFF000];
	_ =	sdelay $0x4  }
0x36c: {  	v4 =	vor.u32 s26, v1;
	vm0 =	vlt.u32 v3, $0x10;
	v3 =	vshll.u32 v3, $0x7  }
0x36d: {  	v3 =	vadd.s32 v4, v3;
	_ =	sdelay $0x4  }
0x36e: {  	[tilespmem:v3+s16+$0x0] =	vst.idx.msk vm0, v2  }
0x36f: {  	v3 =	vld [tilespmem:s28+$0xFFFFF080];
	_ =	sdelay $0x4  }
0x370: {  	v5 =	vand.u32 $0xFFFFFFF0, v3  }
0x371: {  	v3 =	vshll.u32 v3, $0x7;
	vm4 =	veq.s32 v5, $0x10  }
0x372: {  	v3 =	vadd.s32 v4, v3;
	_ =	sdelay $0x4  }
0x373: {  	[tilespmem:v3+s16+$0x0] =	vst.idx.msk vm4, v2  }
0x374: {  	v3 =	vld [tilespmem:s28+$0xFFFFF100];
	_ =	sdelay $0x4  }
0x375: {  	v53 =	vand.u32 $0xFFFFFFF0, v3  }
0x376: {  	v3 =	vshll.u32 v3, $0x7;
	vm5 =	veq.s32 v53, $0x20  }
0x377: {  	v3 =	vadd.s32 v4, v3;
	_ =	sdelay $0x4  }
0x378: {  	[tilespmem:v3+s16+$0x0] =	vst.idx.msk vm5, v2  }
0x379: {  	v3 =	vld [tilespmem:s28+$0xFFFFF180];
	_ =	sdelay $0x4  }
0x37a: {  	v54 =	vand.u32 $0xFFFFFFF0, v3  }
0x37b: {  	v3 =	vshll.u32 v3, $0x7;
	vm6 =	veq.s32 v54, $0x30  }
0x37c: {  	v3 =	vadd.s32 v4, v3;
	_ =	sdelay $0x4  }
0x37d: {  	[tilespmem:v3+s16+$0x0] =	vst.idx.msk vm6, v2  }
0x37e: {  	v3 =	vld [tilespmem:s28+$0xFFFFF200];
	_ =	sdelay $0x4  }
0x37f: {  	v55 =	vand.u32 $0xFFFFFFF0, v3  }
0x380: {  	v3 =	vshll.u32 v3, $0x7;
	vm7 =	veq.s32 v55, $0x40  }
0x381: {  	v3 =	vadd.s32 v4, v3;
	_ =	sdelay $0x4  }
0x382: {  	[tilespmem:v3+s16+$0x0] =	vst.idx.msk vm7, v2  }
0x383: {  	v3 =	vld [tilespmem:s28+$0xFFFFF280];
	_ =	sdelay $0x4  }
0x384: {  	v56 =	vand.u32 $0xFFFFFFF0, v3  }
0x385: {  	v3 =	vshll.u32 v3, $0x7;
	vm8 =	veq.s32 v56, $0x50  }
0x386: {  	v3 =	vadd.s32 v4, v3;
	_ =	sdelay $0x4  }
0x387: {  	[tilespmem:v3+s16+$0x0] =	vst.idx.msk vm8, v2  }
0x388: {  	v3 =	vld [tilespmem:s28+$0xFFFFF300];
	_ =	sdelay $0x4  }
0x389: {  	v57 =	vand.u32 $0xFFFFFFF0, v3  }
0x38a: {  	v3 =	vshll.u32 v3, $0x7;
	vm9 =	veq.s32 v57, $0x60  }
0x38b: {  	v3 =	vadd.s32 v4, v3;
	_ =	sdelay $0x4  }
0x38c: {  	[tilespmem:v3+s16+$0x0] =	vst.idx.msk vm9, v2  }
0x38d: {  	v3 =	vld [tilespmem:s28+$0xFFFFF380];
	_ =	sdelay $0x4  }
0x38e: {  	v58 =	vand.u32 $0xFFFFFFF0, v3  }
0x38f: {  	v3 =	vshll.u32 v3, $0x7;
	vm10 =	veq.s32 v58, $0x70  }
0x390: {  	v3 =	vadd.s32 v4, v3;
	_ =	sdelay $0x4  }
0x391: {  	[tilespmem:v3+s16+$0x0] =	vst.idx.msk vm10, v2  }
0x392: {  	v3 =	vld [tilespmem:s28+$0x0];
	_ =	sdelay $0x4  }
0x393: {  	v59 =	vand.u32 $0xFFFFFFF0, v3  }
0x394: {  	v3 =	vshll.u32 v3, $0x7;
	vm11 =	veq.s32 v59, $0x80  }
0x395: {  	v3 =	vadd.s32 v4, v3;
	_ =	sdelay $0x4  }
0x396: {  	[tilespmem:v3+s16+$0x0] =	vst.idx.msk vm11, v2  }
0x397: {  	v3 =	vld [tilespmem:s28+$0x80];
	_ =	sdelay $0x4  }
0x398: {  	v60 =	vand.u32 $0xFFFFFFF0, v3  }
0x399: {  	v3 =	vshll.u32 v3, $0x7;
	vm12 =	veq.s32 v60, $0x90  }
0x39a: {  	v3 =	vadd.s32 v4, v3;
	_ =	sdelay $0x4  }
0x39b: {  	[tilespmem:v3+s16+$0x0] =	vst.idx.msk vm12, v2  }
0x39c: {  	v3 =	vld [tilespmem:s28+$0x100];
	_ =	sdelay $0x4  }
0x39d: {  	v61 =	vand.u32 $0xFFFFFFF0, v3  }
0x39e: {  	v3 =	vshll.u32 v3, $0x7;
	vm13 =	veq.s32 v61, $0xA0  }
0x39f: {  	v3 =	vadd.s32 v4, v3;
	_ =	sdelay $0x4  }
0x3a0: {  	[tilespmem:v3+s16+$0x0] =	vst.idx.msk vm13, v2  }
0x3a1: {  	v3 =	vld [tilespmem:s28+$0x180];
	_ =	sdelay $0x4  }
0x3a2: {  	v62 =	vand.u32 $0xFFFFFFF0, v3  }
0x3a3: {  	v3 =	vshll.u32 v3, $0x7;
	vm14 =	veq.s32 v62, $0xB0  }
0x3a4: {  	v3 =	vadd.s32 v4, v3;
	_ =	sdelay $0x4  }
0x3a5: {  	[tilespmem:v3+s16+$0x0] =	vst.idx.msk vm14, v2  }
0x3a6: {  	v3 =	vld [tilespmem:s28+$0x200];
	_ =	sdelay $0x4  }
0x3a7: {  	v63 =	vand.u32 $0xFFFFFFF0, v3  }
0x3a8: {  	v3 =	vshll.u32 v3, $0x7;
	vm15 =	veq.s32 v63, $0xC0  }
0x3a9: {  	p0 =	sne.s32 s26, $0x70;
	v3 =	vadd.s32 v4, v3  }
.Ltmp9:
0x3aa: {  	_ = 	snop;
	(pc) =	sbr.rel @p0 .LBB2_20-.Ltmp9, $2  }
0x3ab: {  	_ =	sdelay $0x2  }
0x3ac: {  	s26 =	sadd.s32 $0x10, s26;
	s28 =	sadd.s32 $0x10, s28;
	[tilespmem:v3+s16+$0x0] =	vst.idx.msk vm15, v2  }
0x3ad: {  	[hbm4b:s8+s17] =	stream.strided.scatter [tilespmem:s16], [sflag:$0x1], $0x6800, s14, s17, $0x38;
	[tilespmem:$0x1E000] =	vst v63  }
0x3ae: {  	_ =	swait.ge [sflag:s22], $0x6800  }
0x3af: {  	s26 =	simm.s32 $0x0;
	[sflag:s22] =	ssyncset.done $0x0  }
0x3b0: {  	s28 =	simm.s32 $0x2000;
	s29 =	simm.s32 $0x0;
	[sflag:s22] =	ssyncadd.s32 $0xFFFF9800  }
.LBB2_22:
0x3b1: {  	v3 =	vld [tilespmem:s28+$0xFFFFF280];
	_ =	sdelay $0x4  }
0x3b2: {  	v3 =	vadd.s32 $0xFFFFFF30, v3  }
0x3b3: {  	v4 =	vor.u32 s29, v1;
	vm0 =	vlt.u32 v3, $0x10;
	v3 =	vshll.u32 v3, $0x7  }
0x3b4: {  	v3 =	vadd.s32 v4, v3;
	_ =	sdelay $0x4  }
0x3b5: {  	[tilespmem:v3+s18+$0x0] =	vst.idx.msk vm0, v0  }
0x3b6: {  	v3 =	vld [tilespmem:s28+$0xFFFFF300];
	_ =	sdelay $0x4  }
0x3b7: {  	v5 =	vand.u32 $0xFFFFFFF0, v3;
	v3 =	vshll.u32 v3, $0x7  }
0x3b8: {  	vm4 =	veq.s32 v5, $0xE0;
	v3 =	vadd.s32 v4, v3  }
0x3b9: {  	v3 =	vadd.s32 $0xFFFF9800, v3;
	_ =	sdelay $0x4  }
0x3ba: {  	[tilespmem:v3+s18+$0x0] =	vst.idx.msk vm4, v0  }
0x3bb: {  	v3 =	vld [tilespmem:s28+$0xFFFFF380];
	_ =	sdelay $0x4  }
0x3bc: {  	v53 =	vand.u32 $0xFFFFFFF0, v3;
	v3 =	vshll.u32 v3, $0x7  }
0x3bd: {  	vm5 =	veq.s32 v53, $0xF0;
	v3 =	vadd.s32 v4, v3  }
0x3be: {  	v3 =	vadd.s32 $0xFFFF9800, v3;
	_ =	sdelay $0x4  }
0x3bf: {  	[tilespmem:v3+s18+$0x0] =	vst.idx.msk vm5, v0  }
0x3c0: {  	v3 =	vld [tilespmem:s28+$0x0];
	_ =	sdelay $0x4  }
0x3c1: {  	v54 =	vand.u32 $0xFFFFFFF0, v3;
	v3 =	vshll.u32 v3, $0x7  }
0x3c2: {  	vm6 =	veq.s32 v54, $0x100;
	v3 =	vadd.s32 v4, v3  }
0x3c3: {  	v3 =	vadd.s32 $0xFFFF9800, v3;
	_ =	sdelay $0x4  }
0x3c4: {  	[tilespmem:v3+s18+$0x0] =	vst.idx.msk vm6, v0  }
0x3c5: {  	v3 =	vld [tilespmem:s28+$0x80];
	_ =	sdelay $0x4  }
0x3c6: {  	v55 =	vand.u32 $0xFFFFFFF0, v3;
	v3 =	vshll.u32 v3, $0x7  }
0x3c7: {  	vm7 =	veq.s32 v55, $0x110;
	v3 =	vadd.s32 v4, v3  }
0x3c8: {  	v3 =	vadd.s32 $0xFFFF9800, v3;
	_ =	sdelay $0x4  }
0x3c9: {  	[tilespmem:v3+s18+$0x0] =	vst.idx.msk vm7, v0  }
0x3ca: {  	v3 =	vld [tilespmem:s28+$0x100];
	_ =	sdelay $0x4  }
0x3cb: {  	v56 =	vand.u32 $0xFFFFFFF0, v3;
	v3 =	vshll.u32 v3, $0x7  }
0x3cc: {  	vm8 =	veq.s32 v56, $0x120;
	v3 =	vadd.s32 v4, v3  }
0x3cd: {  	v3 =	vadd.s32 $0xFFFF9800, v3;
	_ =	sdelay $0x4  }
0x3ce: {  	[tilespmem:v3+s18+$0x0] =	vst.idx.msk vm8, v0  }
0x3cf: {  	v3 =	vld [tilespmem:s28+$0x180];
	_ =	sdelay $0x4  }
0x3d0: {  	v57 =	vand.u32 $0xFFFFFFF0, v3;
	v3 =	vshll.u32 v3, $0x7  }
0x3d1: {  	vm9 =	veq.s32 v57, $0x130;
	v3 =	vadd.s32 v4, v3  }
0x3d2: {  	v3 =	vadd.s32 $0xFFFF9800, v3;
	_ =	sdelay $0x4  }
0x3d3: {  	[tilespmem:v3+s18+$0x0] =	vst.idx.msk vm9, v0  }
0x3d4: {  	v3 =	vld [tilespmem:s28+$0x200];
	_ =	sdelay $0x4  }
0x3d5: {  	v58 =	vand.u32 $0xFFFFFFF0, v3;
	v3 =	vshll.u32 v3, $0x7  }
0x3d6: {  	vm10 =	veq.s32 v58, $0x140;
	v3 =	vadd.s32 v4, v3  }
0x3d7: {  	v3 =	vadd.s32 $0xFFFF9800, v3;
	_ =	sdelay $0x4  }
0x3d8: {  	[tilespmem:v3+s18+$0x0] =	vst.idx.msk vm10, v0  }
0x3d9: {  	v3 =	vld [tilespmem:s28+$0x280];
	_ =	sdelay $0x4  }
0x3da: {  	v59 =	vand.u32 $0xFFFFFFF0, v3;
	v3 =	vshll.u32 v3, $0x7  }
0x3db: {  	vm11 =	veq.s32 v59, $0x150;
	v3 =	vadd.s32 v4, v3  }
0x3dc: {  	v3 =	vadd.s32 $0xFFFF9800, v3;
	_ =	sdelay $0x4  }
0x3dd: {  	[tilespmem:v3+s18+$0x0] =	vst.idx.msk vm11, v0  }
0x3de: {  	v3 =	vld [tilespmem:s28+$0x300];
	_ =	sdelay $0x4  }
0x3df: {  	v60 =	vand.u32 $0xFFFFFFF0, v3;
	v3 =	vshll.u32 v3, $0x7  }
0x3e0: {  	vm12 =	veq.s32 v60, $0x160;
	v3 =	vadd.s32 v4, v3  }
0x3e1: {  	v3 =	vadd.s32 $0xFFFF9800, v3;
	_ =	sdelay $0x4  }
0x3e2: {  	[tilespmem:v3+s18+$0x0] =	vst.idx.msk vm12, v0  }
0x3e3: {  	v3 =	vld [tilespmem:s28+$0x380];
	_ =	sdelay $0x4  }
0x3e4: {  	v61 =	vand.u32 $0xFFFFFFF0, v3;
	v3 =	vshll.u32 v3, $0x7  }
0x3e5: {  	vm13 =	veq.s32 v61, $0x170;
	v3 =	vadd.s32 v4, v3  }
0x3e6: {  	v3 =	vadd.s32 $0xFFFF9800, v3;
	_ =	sdelay $0x4  }
0x3e7: {  	[tilespmem:v3+s18+$0x0] =	vst.idx.msk vm13, v0  }
0x3e8: {  	v3 =	vld [tilespmem:s28+$0x1000];
	_ =	sdelay $0x4  }
0x3e9: {  	v62 =	vand.u32 $0xFFFFFFF0, v3;
	v3 =	vshll.u32 v3, $0x7  }
0x3ea: {  	vm14 =	veq.s32 v62, $0x180;
	v3 =	vadd.s32 v4, v3  }
0x3eb: {  	v3 =	vadd.s32 $0xFFFF9800, v3;
	_ =	sdelay $0x4  }
0x3ec: {  	[tilespmem:v3+s18+$0x0] =	vst.idx.msk vm14, v0  }
0x3ed: {  	v3 =	vld [tilespmem:s28+$0x1080];
	_ =	sdelay $0x4  }
0x3ee: {  	v63 =	vand.u32 $0xFFFFFFF0, v3;
	v3 =	vshll.u32 v3, $0x7  }
0x3ef: {  	vm15 =	veq.s32 v63, $0x190;
	v3 =	vadd.s32 v4, v3  }
0x3f0: {  	p0 =	sne.s32 s29, $0x70;
	v3 =	vadd.s32 $0xFFFF9800, v3  }
.Ltmp10:
0x3f1: {  	_ = 	snop;
	(pc) =	sbr.rel @p0 .LBB2_22-.Ltmp10, $2  }
0x3f2: {  	_ =	sdelay $0x2  }
0x3f3: {  	s29 =	sadd.s32 $0x10, s29;
	s28 =	sadd.s32 $0x10, s28;
	[tilespmem:v3+s18+$0x0] =	vst.idx.msk vm15, v0  }
0x3f4: {  	s28 =	simm.s32 $0x2800  }
.LBB2_24:
0x3f5: {  	v3 =	vld [tilespmem:s28+$0xFFFFF280];
	_ =	sdelay $0x4  }
0x3f6: {  	v3 =	vadd.s32 $0xFFFFFF30, v3  }
0x3f7: {  	v4 =	vor.u32 s26, v1;
	vm0 =	vlt.u32 v3, $0x10;
	v3 =	vshll.u32 v3, $0x7  }
0x3f8: {  	v3 =	vadd.s32 v4, v3;
	_ =	sdelay $0x4  }
0x3f9: {  	[tilespmem:v3+s18+$0x0] =	vst.idx.msk vm0, v2  }
0x3fa: {  	v3 =	vld [tilespmem:s28+$0xFFFFF300];
	_ =	sdelay $0x4  }
0x3fb: {  	v5 =	vand.u32 $0xFFFFFFF0, v3;
	v3 =	vshll.u32 v3, $0x7  }
0x3fc: {  	vm4 =	veq.s32 v5, $0xE0;
	v3 =	vadd.s32 v4, v3  }
0x3fd: {  	v3 =	vadd.s32 $0xFFFF9800, v3;
	_ =	sdelay $0x4  }
0x3fe: {  	[tilespmem:v3+s18+$0x0] =	vst.idx.msk vm4, v2  }
0x3ff: {  	v3 =	vld [tilespmem:s28+$0xFFFFF380];
	_ =	sdelay $0x4  }
0x400: {  	v53 =	vand.u32 $0xFFFFFFF0, v3;
	v3 =	vshll.u32 v3, $0x7  }
0x401: {  	vm5 =	veq.s32 v53, $0xF0;
	v3 =	vadd.s32 v4, v3  }
0x402: {  	v3 =	vadd.s32 $0xFFFF9800, v3;
	_ =	sdelay $0x4  }
0x403: {  	[tilespmem:v3+s18+$0x0] =	vst.idx.msk vm5, v2  }
0x404: {  	v3 =	vld [tilespmem:s28+$0x0];
	_ =	sdelay $0x4  }
0x405: {  	v54 =	vand.u32 $0xFFFFFFF0, v3;
	v3 =	vshll.u32 v3, $0x7  }
0x406: {  	vm6 =	veq.s32 v54, $0x100;
	v3 =	vadd.s32 v4, v3  }
0x407: {  	v3 =	vadd.s32 $0xFFFF9800, v3;
	_ =	sdelay $0x4  }
0x408: {  	[tilespmem:v3+s18+$0x0] =	vst.idx.msk vm6, v2  }
0x409: {  	v3 =	vld [tilespmem:s28+$0x80];
	_ =	sdelay $0x4  }
0x40a: {  	v55 =	vand.u32 $0xFFFFFFF0, v3;
	v3 =	vshll.u32 v3, $0x7  }
0x40b: {  	vm7 =	veq.s32 v55, $0x110;
	v3 =	vadd.s32 v4, v3  }
0x40c: {  	v3 =	vadd.s32 $0xFFFF9800, v3;
	_ =	sdelay $0x4  }
0x40d: {  	[tilespmem:v3+s18+$0x0] =	vst.idx.msk vm7, v2  }
0x40e: {  	v3 =	vld [tilespmem:s28+$0x100];
	_ =	sdelay $0x4  }
0x40f: {  	v56 =	vand.u32 $0xFFFFFFF0, v3;
	v3 =	vshll.u32 v3, $0x7  }
0x410: {  	vm8 =	veq.s32 v56, $0x120;
	v3 =	vadd.s32 v4, v3  }
0x411: {  	v3 =	vadd.s32 $0xFFFF9800, v3;
	_ =	sdelay $0x4  }
0x412: {  	[tilespmem:v3+s18+$0x0] =	vst.idx.msk vm8, v2  }
0x413: {  	v3 =	vld [tilespmem:s28+$0x180];
	_ =	sdelay $0x4  }
0x414: {  	v57 =	vand.u32 $0xFFFFFFF0, v3;
	v3 =	vshll.u32 v3, $0x7  }
0x415: {  	vm9 =	veq.s32 v57, $0x130;
	v3 =	vadd.s32 v4, v3  }
0x416: {  	v3 =	vadd.s32 $0xFFFF9800, v3;
	_ =	sdelay $0x4  }
0x417: {  	[tilespmem:v3+s18+$0x0] =	vst.idx.msk vm9, v2  }
0x418: {  	v3 =	vld [tilespmem:s28+$0x200];
	_ =	sdelay $0x4  }
0x419: {  	v58 =	vand.u32 $0xFFFFFFF0, v3;
	v3 =	vshll.u32 v3, $0x7  }
0x41a: {  	vm10 =	veq.s32 v58, $0x140;
	v3 =	vadd.s32 v4, v3  }
0x41b: {  	v3 =	vadd.s32 $0xFFFF9800, v3;
	_ =	sdelay $0x4  }
0x41c: {  	[tilespmem:v3+s18+$0x0] =	vst.idx.msk vm10, v2  }
0x41d: {  	v3 =	vld [tilespmem:s28+$0x280];
	_ =	sdelay $0x4  }
0x41e: {  	v59 =	vand.u32 $0xFFFFFFF0, v3;
	v3 =	vshll.u32 v3, $0x7  }
0x41f: {  	vm11 =	veq.s32 v59, $0x150;
	v3 =	vadd.s32 v4, v3  }
0x420: {  	v3 =	vadd.s32 $0xFFFF9800, v3;
	_ =	sdelay $0x4  }
0x421: {  	[tilespmem:v3+s18+$0x0] =	vst.idx.msk vm11, v2  }
0x422: {  	v3 =	vld [tilespmem:s28+$0x300];
	_ =	sdelay $0x4  }
0x423: {  	v60 =	vand.u32 $0xFFFFFFF0, v3;
	v3 =	vshll.u32 v3, $0x7  }
0x424: {  	vm12 =	veq.s32 v60, $0x160;
	v3 =	vadd.s32 v4, v3  }
0x425: {  	v3 =	vadd.s32 $0xFFFF9800, v3;
	_ =	sdelay $0x4  }
0x426: {  	[tilespmem:v3+s18+$0x0] =	vst.idx.msk vm12, v2  }
0x427: {  	v3 =	vld [tilespmem:s28+$0x380];
	_ =	sdelay $0x4  }
0x428: {  	v61 =	vand.u32 $0xFFFFFFF0, v3;
	v3 =	vshll.u32 v3, $0x7  }
0x429: {  	vm13 =	veq.s32 v61, $0x170;
	v3 =	vadd.s32 v4, v3  }
0x42a: {  	v3 =	vadd.s32 $0xFFFF9800, v3;
	_ =	sdelay $0x4  }
0x42b: {  	[tilespmem:v3+s18+$0x0] =	vst.idx.msk vm13, v2  }
0x42c: {  	v3 =	vld [tilespmem:s28+$0x1000];
	_ =	sdelay $0x4  }
0x42d: {  	v62 =	vand.u32 $0xFFFFFFF0, v3;
	v3 =	vshll.u32 v3, $0x7  }
0x42e: {  	vm14 =	veq.s32 v62, $0x180;
	v3 =	vadd.s32 v4, v3  }
0x42f: {  	v3 =	vadd.s32 $0xFFFF9800, v3;
	_ =	sdelay $0x4  }
0x430: {  	[tilespmem:v3+s18+$0x0] =	vst.idx.msk vm14, v2  }
0x431: {  	v3 =	vld [tilespmem:s28+$0x1080];
	_ =	sdelay $0x4  }
0x432: {  	v63 =	vand.u32 $0xFFFFFFF0, v3;
	v3 =	vshll.u32 v3, $0x7  }
0x433: {  	vm15 =	veq.s32 v63, $0x190;
	v3 =	vadd.s32 v4, v3  }
0x434: {  	p0 =	sne.s32 s26, $0x70;
	v3 =	vadd.s32 $0xFFFF9800, v3  }
.Ltmp11:
0x435: {  	_ = 	snop;
	(pc) =	sbr.rel @p0 .LBB2_24-.Ltmp11, $2  }
0x436: {  	_ =	sdelay $0x2  }
0x437: {  	s26 =	sadd.s32 $0x10, s26;
	s28 =	sadd.s32 $0x10, s28;
	[tilespmem:v3+s18+$0x0] =	vst.idx.msk vm15, v2  }
0x438: {  	[hbm4b:s9+s17] =	stream.strided.scatter [tilespmem:s18], [sflag:$0x2], $0x6800, s14, s17, $0x38;
	[tilespmem:$0x1E000] =	vst v63  }
0x439: {  	_ =	swait.ge [sflag:s23], $0x6800  }
0x43a: {  	s26 =	simm.s32 $0x0;
	[sflag:s23] =	ssyncset.done $0x0  }
0x43b: {  	s28 =	simm.s32 $0x1400;
	s29 =	simm.s32 $0x0;
	[sflag:s23] =	ssyncadd.s32 $0xFFFF9800  }
.LBB2_26:
0x43c: {  	v3 =	vld [tilespmem:s28+$0xFFFFF000];
	_ =	sdelay $0x4  }
0x43d: {  	v4 =	vor.u32 s29, v1;
	vm0 =	vlt.u32 v3, $0x10;
	v3 =	vshll.u32 v3, $0x7  }
0x43e: {  	v3 =	vadd.s32 v4, v3;
	_ =	sdelay $0x4  }
0x43f: {  	[tilespmem:v3+s19+$0x0] =	vst.idx.msk vm0, v0  }
0x440: {  	v3 =	vld [tilespmem:s28+$0xFFFFF080];
	_ =	sdelay $0x4  }
0x441: {  	v5 =	vand.u32 $0xFFFFFFF0, v3  }
0x442: {  	v3 =	vshll.u32 v3, $0x7;
	vm4 =	veq.s32 v5, $0x10  }
0x443: {  	v3 =	vadd.s32 v4, v3;
	_ =	sdelay $0x4  }
0x444: {  	[tilespmem:v3+s19+$0x0] =	vst.idx.msk vm4, v0  }
0x445: {  	v3 =	vld [tilespmem:s28+$0xFFFFF100];
	_ =	sdelay $0x4  }
0x446: {  	v53 =	vand.u32 $0xFFFFFFF0, v3  }
0x447: {  	v3 =	vshll.u32 v3, $0x7;
	vm5 =	veq.s32 v53, $0x20  }
0x448: {  	v3 =	vadd.s32 v4, v3;
	_ =	sdelay $0x4  }
0x449: {  	[tilespmem:v3+s19+$0x0] =	vst.idx.msk vm5, v0  }
0x44a: {  	v3 =	vld [tilespmem:s28+$0xFFFFF180];
	_ =	sdelay $0x4  }
0x44b: {  	v54 =	vand.u32 $0xFFFFFFF0, v3  }
0x44c: {  	v3 =	vshll.u32 v3, $0x7;
	vm6 =	veq.s32 v54, $0x30  }
0x44d: {  	v3 =	vadd.s32 v4, v3;
	_ =	sdelay $0x4  }
0x44e: {  	[tilespmem:v3+s19+$0x0] =	vst.idx.msk vm6, v0  }
0x44f: {  	v3 =	vld [tilespmem:s28+$0xFFFFF200];
	_ =	sdelay $0x4  }
0x450: {  	v55 =	vand.u32 $0xFFFFFFF0, v3  }
0x451: {  	v3 =	vshll.u32 v3, $0x7;
	vm7 =	veq.s32 v55, $0x40  }
0x452: {  	v3 =	vadd.s32 v4, v3;
	_ =	sdelay $0x4  }
0x453: {  	[tilespmem:v3+s19+$0x0] =	vst.idx.msk vm7, v0  }
0x454: {  	v3 =	vld [tilespmem:s28+$0xFFFFF280];
	_ =	sdelay $0x4  }
0x455: {  	v56 =	vand.u32 $0xFFFFFFF0, v3  }
0x456: {  	v3 =	vshll.u32 v3, $0x7;
	vm8 =	veq.s32 v56, $0x50  }
0x457: {  	v3 =	vadd.s32 v4, v3;
	_ =	sdelay $0x4  }
0x458: {  	[tilespmem:v3+s19+$0x0] =	vst.idx.msk vm8, v0  }
0x459: {  	v3 =	vld [tilespmem:s28+$0xFFFFF300];
	_ =	sdelay $0x4  }
0x45a: {  	v57 =	vand.u32 $0xFFFFFFF0, v3  }
0x45b: {  	v3 =	vshll.u32 v3, $0x7;
	vm9 =	veq.s32 v57, $0x60  }
0x45c: {  	v3 =	vadd.s32 v4, v3;
	_ =	sdelay $0x4  }
0x45d: {  	[tilespmem:v3+s19+$0x0] =	vst.idx.msk vm9, v0  }
0x45e: {  	v3 =	vld [tilespmem:s28+$0xFFFFF380];
	_ =	sdelay $0x4  }
0x45f: {  	v58 =	vand.u32 $0xFFFFFFF0, v3  }
0x460: {  	v3 =	vshll.u32 v3, $0x7;
	vm10 =	veq.s32 v58, $0x70  }
0x461: {  	v3 =	vadd.s32 v4, v3;
	_ =	sdelay $0x4  }
0x462: {  	[tilespmem:v3+s19+$0x0] =	vst.idx.msk vm10, v0  }
0x463: {  	v3 =	vld [tilespmem:s28+$0x0];
	_ =	sdelay $0x4  }
0x464: {  	v59 =	vand.u32 $0xFFFFFFF0, v3  }
0x465: {  	v3 =	vshll.u32 v3, $0x7;
	vm11 =	veq.s32 v59, $0x80  }
0x466: {  	v3 =	vadd.s32 v4, v3;
	_ =	sdelay $0x4  }
0x467: {  	[tilespmem:v3+s19+$0x0] =	vst.idx.msk vm11, v0  }
0x468: {  	v3 =	vld [tilespmem:s28+$0x80];
	_ =	sdelay $0x4  }
0x469: {  	v60 =	vand.u32 $0xFFFFFFF0, v3  }
0x46a: {  	v3 =	vshll.u32 v3, $0x7;
	vm12 =	veq.s32 v60, $0x90  }
0x46b: {  	v3 =	vadd.s32 v4, v3;
	_ =	sdelay $0x4  }
0x46c: {  	[tilespmem:v3+s19+$0x0] =	vst.idx.msk vm12, v0  }
0x46d: {  	v3 =	vld [tilespmem:s28+$0x100];
	_ =	sdelay $0x4  }
0x46e: {  	v61 =	vand.u32 $0xFFFFFFF0, v3  }
0x46f: {  	v3 =	vshll.u32 v3, $0x7;
	vm13 =	veq.s32 v61, $0xA0  }
0x470: {  	v3 =	vadd.s32 v4, v3;
	_ =	sdelay $0x4  }
0x471: {  	[tilespmem:v3+s19+$0x0] =	vst.idx.msk vm13, v0  }
0x472: {  	v3 =	vld [tilespmem:s28+$0x180];
	_ =	sdelay $0x4  }
0x473: {  	v62 =	vand.u32 $0xFFFFFFF0, v3  }
0x474: {  	v3 =	vshll.u32 v3, $0x7;
	vm14 =	veq.s32 v62, $0xB0  }
0x475: {  	v3 =	vadd.s32 v4, v3;
	_ =	sdelay $0x4  }
0x476: {  	[tilespmem:v3+s19+$0x0] =	vst.idx.msk vm14, v0  }
0x477: {  	v3 =	vld [tilespmem:s28+$0x200];
	_ =	sdelay $0x4  }
0x478: {  	v63 =	vand.u32 $0xFFFFFFF0, v3  }
0x479: {  	v3 =	vshll.u32 v3, $0x7;
	vm15 =	veq.s32 v63, $0xC0  }
0x47a: {  	p0 =	sne.s32 s29, $0x70;
	v3 =	vadd.s32 v4, v3  }
.Ltmp12:
0x47b: {  	_ = 	snop;
	(pc) =	sbr.rel @p0 .LBB2_26-.Ltmp12, $2  }
0x47c: {  	_ =	sdelay $0x2  }
0x47d: {  	s29 =	sadd.s32 $0x10, s29;
	s28 =	sadd.s32 $0x10, s28;
	[tilespmem:v3+s19+$0x0] =	vst.idx.msk vm15, v0  }
0x47e: {  	s28 =	simm.s32 $0xF00  }
.LBB2_28:
0x47f: {  	v3 =	vld [tilespmem:s28+$0xFFFFFD00];
	_ =	sdelay $0x4  }
0x480: {  	v4 =	vor.u32 s26, v1;
	vm0 =	vlt.u32 v3, $0x10;
	v3 =	vshll.u32 v3, $0x7  }
0x481: {  	v3 =	vadd.s32 v4, v3;
	_ =	sdelay $0x4  }
0x482: {  	[tilespmem:v3+s19+$0x0] =	vst.idx.msk vm0, v2  }
0x483: {  	v3 =	vld [tilespmem:s28+$0xFFFFFD80];
	_ =	sdelay $0x4  }
0x484: {  	v5 =	vand.u32 $0xFFFFFFF0, v3  }
0x485: {  	v3 =	vshll.u32 v3, $0x7;
	vm4 =	veq.s32 v5, $0x10  }
0x486: {  	v3 =	vadd.s32 v4, v3;
	_ =	sdelay $0x4  }
0x487: {  	[tilespmem:v3+s19+$0x0] =	vst.idx.msk vm4, v2  }
0x488: {  	v3 =	vld [tilespmem:s28+$0xFFFFFE00];
	_ =	sdelay $0x4  }
0x489: {  	v53 =	vand.u32 $0xFFFFFFF0, v3  }
0x48a: {  	v3 =	vshll.u32 v3, $0x7;
	vm5 =	veq.s32 v53, $0x20  }
0x48b: {  	v3 =	vadd.s32 v4, v3;
	_ =	sdelay $0x4  }
0x48c: {  	[tilespmem:v3+s19+$0x0] =	vst.idx.msk vm5, v2  }
0x48d: {  	v3 =	vld [tilespmem:s28+$0xFFFFFE80];
	_ =	sdelay $0x4  }
0x48e: {  	v54 =	vand.u32 $0xFFFFFFF0, v3  }
0x48f: {  	v3 =	vshll.u32 v3, $0x7;
	vm6 =	veq.s32 v54, $0x30  }
0x490: {  	v3 =	vadd.s32 v4, v3;
	_ =	sdelay $0x4  }
0x491: {  	[tilespmem:v3+s19+$0x0] =	vst.idx.msk vm6, v2  }
0x492: {  	v3 =	vld [tilespmem:s28+$0xFFFFFF00];
	_ =	sdelay $0x4  }
0x493: {  	v55 =	vand.u32 $0xFFFFFFF0, v3  }
0x494: {  	v3 =	vshll.u32 v3, $0x7;
	vm7 =	veq.s32 v55, $0x40  }
0x495: {  	v3 =	vadd.s32 v4, v3;
	_ =	sdelay $0x4  }
0x496: {  	[tilespmem:v3+s19+$0x0] =	vst.idx.msk vm7, v2  }
0x497: {  	v3 =	vld [tilespmem:s28+$0xFFFFFF80];
	_ =	sdelay $0x4  }
0x498: {  	v56 =	vand.u32 $0xFFFFFFF0, v3  }
0x499: {  	v3 =	vshll.u32 v3, $0x7;
	vm8 =	veq.s32 v56, $0x50  }
0x49a: {  	v3 =	vadd.s32 v4, v3;
	_ =	sdelay $0x4  }
0x49b: {  	[tilespmem:v3+s19+$0x0] =	vst.idx.msk vm8, v2  }
0x49c: {  	v3 =	vld [tilespmem:s28+$0x0];
	_ =	sdelay $0x4  }
0x49d: {  	v57 =	vand.u32 $0xFFFFFFF0, v3  }
0x49e: {  	v3 =	vshll.u32 v3, $0x7;
	vm9 =	veq.s32 v57, $0x60  }
0x49f: {  	v3 =	vadd.s32 v4, v3;
	_ =	sdelay $0x4  }
0x4a0: {  	[tilespmem:v3+s19+$0x0] =	vst.idx.msk vm9, v2  }
0x4a1: {  	v3 =	vld [tilespmem:s28+$0x80];
	_ =	sdelay $0x4  }
0x4a2: {  	v58 =	vand.u32 $0xFFFFFFF0, v3  }
0x4a3: {  	v3 =	vshll.u32 v3, $0x7;
	vm10 =	veq.s32 v58, $0x70  }
0x4a4: {  	v3 =	vadd.s32 v4, v3;
	_ =	sdelay $0x4  }
0x4a5: {  	[tilespmem:v3+s19+$0x0] =	vst.idx.msk vm10, v2  }
0x4a6: {  	v3 =	vld [tilespmem:s28+$0xD00];
	_ =	sdelay $0x4  }
0x4a7: {  	v59 =	vand.u32 $0xFFFFFFF0, v3  }
0x4a8: {  	v3 =	vshll.u32 v3, $0x7;
	vm11 =	veq.s32 v59, $0x80  }
0x4a9: {  	v3 =	vadd.s32 v4, v3;
	_ =	sdelay $0x4  }
0x4aa: {  	[tilespmem:v3+s19+$0x0] =	vst.idx.msk vm11, v2  }
0x4ab: {  	v3 =	vld [tilespmem:s28+$0xD80];
	_ =	sdelay $0x4  }
0x4ac: {  	v60 =	vand.u32 $0xFFFFFFF0, v3  }
0x4ad: {  	v3 =	vshll.u32 v3, $0x7;
	vm12 =	veq.s32 v60, $0x90  }
0x4ae: {  	v3 =	vadd.s32 v4, v3;
	_ =	sdelay $0x4  }
0x4af: {  	[tilespmem:v3+s19+$0x0] =	vst.idx.msk vm12, v2  }
0x4b0: {  	v3 =	vld [tilespmem:s28+$0xE00];
	_ =	sdelay $0x4  }
0x4b1: {  	v61 =	vand.u32 $0xFFFFFFF0, v3  }
0x4b2: {  	v3 =	vshll.u32 v3, $0x7;
	vm13 =	veq.s32 v61, $0xA0  }
0x4b3: {  	v3 =	vadd.s32 v4, v3;
	_ =	sdelay $0x4  }
0x4b4: {  	[tilespmem:v3+s19+$0x0] =	vst.idx.msk vm13, v2  }
0x4b5: {  	v3 =	vld [tilespmem:s28+$0xE80];
	_ =	sdelay $0x4  }
0x4b6: {  	v62 =	vand.u32 $0xFFFFFFF0, v3  }
0x4b7: {  	v3 =	vshll.u32 v3, $0x7;
	vm14 =	veq.s32 v62, $0xB0  }
0x4b8: {  	v3 =	vadd.s32 v4, v3;
	_ =	sdelay $0x4  }
0x4b9: {  	[tilespmem:v3+s19+$0x0] =	vst.idx.msk vm14, v2  }
0x4ba: {  	v3 =	vld [tilespmem:s28+$0xF00];
	_ =	sdelay $0x4  }
0x4bb: {  	v63 =	vand.u32 $0xFFFFFFF0, v3  }
0x4bc: {  	v3 =	vshll.u32 v3, $0x7;
	vm15 =	veq.s32 v63, $0xC0  }
0x4bd: {  	p0 =	sne.s32 s26, $0x70;
	v3 =	vadd.s32 v4, v3  }
.Ltmp13:
0x4be: {  	_ = 	snop;
	(pc) =	sbr.rel @p0 .LBB2_28-.Ltmp13, $2  }
0x4bf: {  	_ =	sdelay $0x2  }
0x4c0: {  	s26 =	sadd.s32 $0x10, s26;
	s28 =	sadd.s32 $0x10, s28;
	[tilespmem:v3+s19+$0x0] =	vst.idx.msk vm15, v2  }
0x4c1: {  	[hbm4b:s10+s17] =	stream.strided.scatter [tilespmem:s19], [sflag:$0x3], $0x6800, s14, s17, $0x38;
	[tilespmem:$0x1E000] =	vst v63  }
0x4c2: {  	_ =	swait.ge [sflag:s24], $0x6800  }
0x4c3: {  	s26 =	simm.s32 $0x0;
	[sflag:s24] =	ssyncset.done $0x0  }
0x4c4: {  	s28 =	simm.s32 $0x2400;
	s29 =	simm.s32 $0x0;
	[sflag:s24] =	ssyncadd.s32 $0xFFFF9800  }
.LBB2_30:
0x4c5: {  	v3 =	vld [tilespmem:s28+$0xFFFFF280];
	_ =	sdelay $0x4  }
0x4c6: {  	v3 =	vadd.s32 $0xFFFFFF30, v3  }
0x4c7: {  	v4 =	vor.u32 s29, v1;
	vm0 =	vlt.u32 v3, $0x10;
	v3 =	vshll.u32 v3, $0x7  }
0x4c8: {  	v3 =	vadd.s32 v4, v3;
	_ =	sdelay $0x4  }
0x4c9: {  	[tilespmem:v3+s20+$0x0] =	vst.idx.msk vm0, v0  }
0x4ca: {  	v3 =	vld [tilespmem:s28+$0xFFFFF300];
	_ =	sdelay $0x4  }
0x4cb: {  	v5 =	vand.u32 $0xFFFFFFF0, v3;
	v3 =	vshll.u32 v3, $0x7  }
0x4cc: {  	vm4 =	veq.s32 v5, $0xE0;
	v3 =	vadd.s32 v4, v3  }
0x4cd: {  	v3 =	vadd.s32 $0xFFFF9800, v3;
	_ =	sdelay $0x4  }
0x4ce: {  	[tilespmem:v3+s20+$0x0] =	vst.idx.msk vm4, v0  }
0x4cf: {  	v3 =	vld [tilespmem:s28+$0xFFFFF380];
	_ =	sdelay $0x4  }
0x4d0: {  	v53 =	vand.u32 $0xFFFFFFF0, v3;
	v3 =	vshll.u32 v3, $0x7  }
0x4d1: {  	vm5 =	veq.s32 v53, $0xF0;
	v3 =	vadd.s32 v4, v3  }
0x4d2: {  	v3 =	vadd.s32 $0xFFFF9800, v3;
	_ =	sdelay $0x4  }
0x4d3: {  	[tilespmem:v3+s20+$0x0] =	vst.idx.msk vm5, v0  }
0x4d4: {  	v3 =	vld [tilespmem:s28+$0x0];
	_ =	sdelay $0x4  }
0x4d5: {  	v54 =	vand.u32 $0xFFFFFFF0, v3;
	v3 =	vshll.u32 v3, $0x7  }
0x4d6: {  	vm6 =	veq.s32 v54, $0x100;
	v3 =	vadd.s32 v4, v3  }
0x4d7: {  	v3 =	vadd.s32 $0xFFFF9800, v3;
	_ =	sdelay $0x4  }
0x4d8: {  	[tilespmem:v3+s20+$0x0] =	vst.idx.msk vm6, v0  }
0x4d9: {  	v3 =	vld [tilespmem:s28+$0x80];
	_ =	sdelay $0x4  }
0x4da: {  	v55 =	vand.u32 $0xFFFFFFF0, v3;
	v3 =	vshll.u32 v3, $0x7  }
0x4db: {  	vm7 =	veq.s32 v55, $0x110;
	v3 =	vadd.s32 v4, v3  }
0x4dc: {  	v3 =	vadd.s32 $0xFFFF9800, v3;
	_ =	sdelay $0x4  }
0x4dd: {  	[tilespmem:v3+s20+$0x0] =	vst.idx.msk vm7, v0  }
0x4de: {  	v3 =	vld [tilespmem:s28+$0x100];
	_ =	sdelay $0x4  }
0x4df: {  	v56 =	vand.u32 $0xFFFFFFF0, v3;
	v3 =	vshll.u32 v3, $0x7  }
0x4e0: {  	vm8 =	veq.s32 v56, $0x120;
	v3 =	vadd.s32 v4, v3  }
0x4e1: {  	v3 =	vadd.s32 $0xFFFF9800, v3;
	_ =	sdelay $0x4  }
0x4e2: {  	[tilespmem:v3+s20+$0x0] =	vst.idx.msk vm8, v0  }
0x4e3: {  	v3 =	vld [tilespmem:s28+$0x180];
	_ =	sdelay $0x4  }
0x4e4: {  	v57 =	vand.u32 $0xFFFFFFF0, v3;
	v3 =	vshll.u32 v3, $0x7  }
0x4e5: {  	vm9 =	veq.s32 v57, $0x130;
	v3 =	vadd.s32 v4, v3  }
0x4e6: {  	v3 =	vadd.s32 $0xFFFF9800, v3;
	_ =	sdelay $0x4  }
0x4e7: {  	[tilespmem:v3+s20+$0x0] =	vst.idx.msk vm9, v0  }
0x4e8: {  	v3 =	vld [tilespmem:s28+$0x200];
	_ =	sdelay $0x4  }
0x4e9: {  	v58 =	vand.u32 $0xFFFFFFF0, v3;
	v3 =	vshll.u32 v3, $0x7  }
0x4ea: {  	vm10 =	veq.s32 v58, $0x140;
	v3 =	vadd.s32 v4, v3  }
0x4eb: {  	v3 =	vadd.s32 $0xFFFF9800, v3;
	_ =	sdelay $0x4  }
0x4ec: {  	[tilespmem:v3+s20+$0x0] =	vst.idx.msk vm10, v0  }
0x4ed: {  	v3 =	vld [tilespmem:s28+$0x280];
	_ =	sdelay $0x4  }
0x4ee: {  	v59 =	vand.u32 $0xFFFFFFF0, v3;
	v3 =	vshll.u32 v3, $0x7  }
0x4ef: {  	vm11 =	veq.s32 v59, $0x150;
	v3 =	vadd.s32 v4, v3  }
0x4f0: {  	v3 =	vadd.s32 $0xFFFF9800, v3;
	_ =	sdelay $0x4  }
0x4f1: {  	[tilespmem:v3+s20+$0x0] =	vst.idx.msk vm11, v0  }
0x4f2: {  	v3 =	vld [tilespmem:s28+$0x300];
	_ =	sdelay $0x4  }
0x4f3: {  	v60 =	vand.u32 $0xFFFFFFF0, v3;
	v3 =	vshll.u32 v3, $0x7  }
0x4f4: {  	vm12 =	veq.s32 v60, $0x160;
	v3 =	vadd.s32 v4, v3  }
0x4f5: {  	v3 =	vadd.s32 $0xFFFF9800, v3;
	_ =	sdelay $0x4  }
0x4f6: {  	[tilespmem:v3+s20+$0x0] =	vst.idx.msk vm12, v0  }
0x4f7: {  	v3 =	vld [tilespmem:s28+$0x380];
	_ =	sdelay $0x4  }
0x4f8: {  	v61 =	vand.u32 $0xFFFFFFF0, v3;
	v3 =	vshll.u32 v3, $0x7  }
0x4f9: {  	vm13 =	veq.s32 v61, $0x170;
	v3 =	vadd.s32 v4, v3  }
0x4fa: {  	v3 =	vadd.s32 $0xFFFF9800, v3;
	_ =	sdelay $0x4  }
0x4fb: {  	[tilespmem:v3+s20+$0x0] =	vst.idx.msk vm13, v0  }
0x4fc: {  	v3 =	vld [tilespmem:s28+$0x1000];
	_ =	sdelay $0x4  }
0x4fd: {  	v62 =	vand.u32 $0xFFFFFFF0, v3;
	v3 =	vshll.u32 v3, $0x7  }
0x4fe: {  	vm14 =	veq.s32 v62, $0x180;
	v3 =	vadd.s32 v4, v3  }
0x4ff: {  	v3 =	vadd.s32 $0xFFFF9800, v3;
	_ =	sdelay $0x4  }
0x500: {  	[tilespmem:v3+s20+$0x0] =	vst.idx.msk vm14, v0  }
0x501: {  	v3 =	vld [tilespmem:s28+$0x1080];
	_ =	sdelay $0x4  }
0x502: {  	v63 =	vand.u32 $0xFFFFFFF0, v3;
	v3 =	vshll.u32 v3, $0x7  }
0x503: {  	vm15 =	veq.s32 v63, $0x190;
	v3 =	vadd.s32 v4, v3  }
0x504: {  	p0 =	sne.s32 s29, $0x70;
	v3 =	vadd.s32 $0xFFFF9800, v3  }
.Ltmp14:
0x505: {  	_ = 	snop;
	(pc) =	sbr.rel @p0 .LBB2_30-.Ltmp14, $2  }
0x506: {  	_ =	sdelay $0x2  }
0x507: {  	s29 =	sadd.s32 $0x10, s29;
	s28 =	sadd.s32 $0x10, s28;
	[tilespmem:v3+s20+$0x0] =	vst.idx.msk vm15, v0  }
0x508: {  	s28 =	simm.s32 $0x1E80  }
.LBB2_32:
0x509: {  	v3 =	vld [tilespmem:s28+$0x0];
	_ =	sdelay $0x4  }
0x50a: {  	v3 =	vadd.s32 $0xFFFFFF30, v3  }
0x50b: {  	v4 =	vor.u32 s26, v1;
	vm0 =	vlt.u32 v3, $0x10;
	v3 =	vshll.u32 v3, $0x7  }
0x50c: {  	v3 =	vadd.s32 v4, v3;
	_ =	sdelay $0x4  }
0x50d: {  	[tilespmem:v3+s20+$0x0] =	vst.idx.msk vm0, v2  }
0x50e: {  	v3 =	vld [tilespmem:s28+$0x80];
	_ =	sdelay $0x4  }
0x50f: {  	v5 =	vand.u32 $0xFFFFFFF0, v3;
	v3 =	vshll.u32 v3, $0x7  }
0x510: {  	vm4 =	veq.s32 v5, $0xE0;
	v3 =	vadd.s32 v4, v3  }
0x511: {  	v3 =	vadd.s32 $0xFFFF9800, v3;
	_ =	sdelay $0x4  }
0x512: {  	[tilespmem:v3+s20+$0x0] =	vst.idx.msk vm4, v2  }
0x513: {  	v3 =	vld [tilespmem:s28+$0x100];
	_ =	sdelay $0x4  }
0x514: {  	v53 =	vand.u32 $0xFFFFFFF0, v3;
	v3 =	vshll.u32 v3, $0x7  }
0x515: {  	vm5 =	veq.s32 v53, $0xF0;
	v3 =	vadd.s32 v4, v3  }
0x516: {  	v3 =	vadd.s32 $0xFFFF9800, v3;
	_ =	sdelay $0x4  }
0x517: {  	[tilespmem:v3+s20+$0x0] =	vst.idx.msk vm5, v2  }
0x518: {  	v3 =	vld [tilespmem:s28+$0xD80];
	_ =	sdelay $0x4  }
0x519: {  	v54 =	vand.u32 $0xFFFFFFF0, v3;
	v3 =	vshll.u32 v3, $0x7  }
0x51a: {  	vm6 =	veq.s32 v54, $0x100;
	v3 =	vadd.s32 v4, v3  }
0x51b: {  	v3 =	vadd.s32 $0xFFFF9800, v3;
	_ =	sdelay $0x4  }
0x51c: {  	[tilespmem:v3+s20+$0x0] =	vst.idx.msk vm6, v2  }
0x51d: {  	v3 =	vld [tilespmem:s28+$0xE00];
	_ =	sdelay $0x4  }
0x51e: {  	v55 =	vand.u32 $0xFFFFFFF0, v3;
	v3 =	vshll.u32 v3, $0x7  }
0x51f: {  	vm7 =	veq.s32 v55, $0x110;
	v3 =	vadd.s32 v4, v3  }
0x520: {  	v3 =	vadd.s32 $0xFFFF9800, v3;
	_ =	sdelay $0x4  }
0x521: {  	[tilespmem:v3+s20+$0x0] =	vst.idx.msk vm7, v2  }
0x522: {  	v3 =	vld [tilespmem:s28+$0xE80];
	_ =	sdelay $0x4  }
0x523: {  	v56 =	vand.u32 $0xFFFFFFF0, v3;
	v3 =	vshll.u32 v3, $0x7  }
0x524: {  	vm8 =	veq.s32 v56, $0x120;
	v3 =	vadd.s32 v4, v3  }
0x525: {  	v3 =	vadd.s32 $0xFFFF9800, v3;
	_ =	sdelay $0x4  }
0x526: {  	[tilespmem:v3+s20+$0x0] =	vst.idx.msk vm8, v2  }
0x527: {  	v3 =	vld [tilespmem:s28+$0xF00];
	_ =	sdelay $0x4  }
0x528: {  	v57 =	vand.u32 $0xFFFFFFF0, v3;
	v3 =	vshll.u32 v3, $0x7  }
0x529: {  	vm9 =	veq.s32 v57, $0x130;
	v3 =	vadd.s32 v4, v3  }
0x52a: {  	v3 =	vadd.s32 $0xFFFF9800, v3;
	_ =	sdelay $0x4  }
0x52b: {  	[tilespmem:v3+s20+$0x0] =	vst.idx.msk vm9, v2  }
0x52c: {  	v3 =	vld [tilespmem:s28+$0xF80];
	_ =	sdelay $0x4  }
0x52d: {  	v58 =	vand.u32 $0xFFFFFFF0, v3;
	v3 =	vshll.u32 v3, $0x7  }
0x52e: {  	vm10 =	veq.s32 v58, $0x140;
	v3 =	vadd.s32 v4, v3  }
0x52f: {  	v3 =	vadd.s32 $0xFFFF9800, v3;
	_ =	sdelay $0x4  }
0x530: {  	[tilespmem:v3+s20+$0x0] =	vst.idx.msk vm10, v2  }
0x531: {  	v3 =	vld [tilespmem:s28+$0x1000];
	_ =	sdelay $0x4  }
0x532: {  	v59 =	vand.u32 $0xFFFFFFF0, v3;
	v3 =	vshll.u32 v3, $0x7  }
0x533: {  	vm11 =	veq.s32 v59, $0x150;
	v3 =	vadd.s32 v4, v3  }
0x534: {  	v3 =	vadd.s32 $0xFFFF9800, v3;
	_ =	sdelay $0x4  }
0x535: {  	[tilespmem:v3+s20+$0x0] =	vst.idx.msk vm11, v2  }
0x536: {  	v3 =	vld [tilespmem:s28+$0x1080];
	_ =	sdelay $0x4  }
0x537: {  	v60 =	vand.u32 $0xFFFFFFF0, v3;
	v3 =	vshll.u32 v3, $0x7  }
0x538: {  	vm12 =	veq.s32 v60, $0x160;
	v3 =	vadd.s32 v4, v3  }
0x539: {  	v3 =	vadd.s32 $0xFFFF9800, v3;
	_ =	sdelay $0x4  }
0x53a: {  	[tilespmem:v3+s20+$0x0] =	vst.idx.msk vm12, v2  }
0x53b: {  	v3 =	vld [tilespmem:s28+$0x1100];
	_ =	sdelay $0x4  }
0x53c: {  	v61 =	vand.u32 $0xFFFFFFF0, v3;
	v3 =	vshll.u32 v3, $0x7  }
0x53d: {  	vm13 =	veq.s32 v61, $0x170;
	v3 =	vadd.s32 v4, v3  }
0x53e: {  	v3 =	vadd.s32 $0xFFFF9800, v3;
	_ =	sdelay $0x4  }
0x53f: {  	[tilespmem:v3+s20+$0x0] =	vst.idx.msk vm13, v2  }
0x540: {  	v3 =	vld [tilespmem:s28+$0x1D80];
	_ =	sdelay $0x4  }
0x541: {  	v62 =	vand.u32 $0xFFFFFFF0, v3;
	v3 =	vshll.u32 v3, $0x7  }
0x542: {  	vm14 =	veq.s32 v62, $0x180;
	v3 =	vadd.s32 v4, v3  }
0x543: {  	v3 =	vadd.s32 $0xFFFF9800, v3;
	_ =	sdelay $0x4  }
0x544: {  	[tilespmem:v3+s20+$0x0] =	vst.idx.msk vm14, v2  }
0x545: {  	v3 =	vld [tilespmem:s28+$0x1E00];
	_ =	sdelay $0x4  }
0x546: {  	v63 =	vand.u32 $0xFFFFFFF0, v3;
	v3 =	vshll.u32 v3, $0x7  }
0x547: {  	vm15 =	veq.s32 v63, $0x190;
	v3 =	vadd.s32 v4, v3  }
0x548: {  	p0 =	sne.s32 s26, $0x70;
	v3 =	vadd.s32 $0xFFFF9800, v3  }
.Ltmp15:
0x549: {  	_ = 	snop;
	(pc) =	sbr.rel @p0 .LBB2_32-.Ltmp15, $2  }
0x54a: {  	_ =	sdelay $0x2  }
0x54b: {  	s26 =	sadd.s32 $0x10, s26;
	s28 =	sadd.s32 $0x10, s28;
	[tilespmem:v3+s20+$0x0] =	vst.idx.msk vm15, v2  }
0x54c: {  	[hbm4b:s11+s17] =	stream.strided.scatter [tilespmem:s20], [sflag:$0x4], $0x6800, s14, s17, $0x38;
	[tilespmem:$0x1E000] =	vst v63  }
0x54d: {  	_ =	swait.ge [sflag:s21], $0x6800  }
0x54e: {  	[sflag:s21] =	ssyncset.done $0x0  }
0x54f: {  	[sflag:s21] =	ssyncadd.s32 $0xFFFF9800  }
0x550: {  	_ =	swait.ge [sflag:s22], $0x6800  }
0x551: {  	[sflag:s22] =	ssyncset.done $0x0  }
0x552: {  	s25 =	sadd.s32 $0x1, s25;
	[sflag:s22] =	ssyncadd.s32 $0xFFFF9800  }
0x553: {  	p0 =	sne.s32 s25, s12;
	_ =	swait.ge [sflag:s23], $0x6800  }
.Ltmp16:
0x554: {  	[sflag:s23] =	ssyncset.done $0x0;
	(pc) =	sbr.rel @p0 .LBB2_1-.Ltmp16, $4  }
0x555: {  	[sflag:s23] =	ssyncadd.s32 $0xFFFF9800  }
0x556: {  	_ =	swait.ge [sflag:s24], $0x6800  }
0x557: {  	[sflag:s24] =	ssyncset.done $0x0  }
0x558: {  	[sflag:s24] =	ssyncadd.s32 $0xFFFF9800  }
0x559: {  	_ =	sfence.sel $0x180000  }
0x55a: {  	[bflag:$0x0] =	sbarrier.arrive $0xFFFF  }
0x55b: {  	p0 =	sne.s32 s1, $0x0;
	_ =	strace $0x90000047  }
0x55c: {  	s0 =	sadd.s32 @!p0 $0x100000, s0;
	[bflag:$0x2] =	sbarrier.arrive $0xFFFF  }
0x55d: {  	[sflag:s0] =	ssyncadd.tile.s32 @!p0 $0x1;
	_ =	shalt  }
.Lfunc_end2:
_tile_overlayer_lowered:
.L_overlay_start_2:
0x55e: {  	(tag) =	ssettag $0x2  }
0x55f: {  	s0 =	rddreg [dreg:$0x0];
	s2 =	stileid.u32  }
0x560: {  	s1 =	rddreg [dreg:$0x1];
	p0 =	sne.s32 s2, $0x0  }
0x561: {  	s3 =	rddreg [dreg:$0x2];
	[bflag:$0x3] =	sbarrier.arrive $0xFFFF;
	s2 =	simm.s32 @!p0 $0x1C06  }
0x562: {  	[timem:s3], [sflag:s2] =	dma.local @!p0 [hbm:s0], s1  }
0x563: {  	s0 =	simm.s32 @!p0 $0x6  }
0x564: {  	_ =	swait.ge @!p0 [sflag:s0], s1  }
0x565: {  	s1 =	ssub.s32 @!p0 $0x0, s1;
	[sflag:s0] =	ssyncset.done @!p0 $0x0  }
0x566: {  	[sflag:s0] =	ssyncadd.s32 @!p0 s1  }
0x567: {  	[bflag:$0x3] =	sbarrier.arrive $0xFFFF  }
0x568: {  	_ =	shalt  }

</sc_bundles>
